<compile_context>
chip_gen: v7x
topology: tpu7x:2x2x1
jax: 0.10.2.dev20260603
libtpu: 0.0.44.dev20260713+nightly
codegen_flags: <defaults>
</compile_context>

<pallas_src>
import functools

import jax
import jax.numpy as jnp
from jax import lax
from jax.experimental import pallas as pl
from jax.experimental.pallas import tpu as pltpu
from jax.experimental.pallas import tpu_sc as plsc

B = 128
N = 100000
BR = 8
GRID = B // BR
W = 512
NCHUNK = 195
TAIL = N - NCHUNK * W
CS = 128
CLO = CS * W
HIW = N - CLO
NHI = NCHUNK - CS

_KS0 = 0
_KS1 = 42
_KS2 = _KS0 ^ _KS1 ^ 0x1BD11BDA

_ROT_A = (13, 15, 26, 6)
_ROT_B = (17, 29, 16, 24)


def _threefry_bits(idx):
    ks = (jnp.uint32(_KS0), jnp.uint32(_KS1), jnp.uint32(_KS2))
    x0 = jnp.full_like(idx, ks[0])
    x1 = idx + ks[1]
    for g in range(5):
        rots = _ROT_A if g % 2 == 0 else _ROT_B
        for r in rots:
            x0 = x0 + x1
            x1 = (x1 << r) | (x1 >> (32 - r))
            x1 = x1 ^ x0
        x0 = x0 + ks[(g + 1) % 3]
        x1 = x1 + ks[(g + 2) % 3] + jnp.uint32(g + 1)
    return x0 ^ x1


def _t2_from_bits(bits):
    fb = (bits >> 9) | jnp.uint32(0x3F800000)
    u = lax.bitcast_convert_type(fb, jnp.float32) - jnp.float32(1.0)
    tiny = jnp.float32(jnp.finfo(jnp.float32).tiny)
    u = jnp.maximum(tiny, u * (jnp.float32(1.0) - tiny) + tiny)
    return -jnp.log2(u)


def _t2(idx):
    return _t2_from_bits(_threefry_bits(idx))



def _body_a(x_ref, probs_ref, ehi_ref, wmin_ref, widx_ref):
    pid = pl.program_id(0)
    row_u = lax.broadcasted_iota(jnp.uint32, (BR, W), 0)
    col_u = lax.broadcasted_iota(jnp.uint32, (BR, W), 1)
    base = (jnp.uint32(pid) * jnp.uint32(BR) + row_u) * jnp.uint32(N) + col_u
    lane_i = lax.broadcasted_iota(jnp.int32, (BR, W), 1)

    neg_inf = jnp.float32(-jnp.inf)
    MU = 5

    def maxstep(i, m):
        c0 = i * MU
        for k in range(MU):
            m = jnp.maximum(m, x_ref[:, pl.ds((c0 + k) * W, W)])
        return m

    m = lax.fori_loop(0, NCHUNK // MU, maxstep,
                      jnp.full((BR, W), neg_inf, jnp.float32))
    xt = x_ref[:, NCHUNK * W:N]
    t_m = jnp.max(xt, axis=1, keepdims=True)
    M = jnp.maximum(jnp.max(m, axis=1, keepdims=True), t_m)

    s0 = jnp.zeros((BR, W), jnp.float32)
    wmin0 = jnp.full((BR, W), jnp.float32(jnp.inf), jnp.float32)
    widx0 = jnp.full((BR, W), 0x7FFFFFFF, jnp.int32)
    UNROLL = 4

    def update(c, carry, xc, t2):
        s, wmin, widx = carry
        e = jnp.exp(xc - M)
        probs_ref[:, pl.ds(c * W, W)] = e
        s_new = s + e
        w = t2 / e
        upd = w < wmin
        wmin_new = jnp.where(upd, w, wmin)
        widx_new = jnp.where(upd, c * W + lane_i, widx)
        return s_new, wmin_new, widx_new

    def stepu(i, carry):
        c0 = i * UNROLL
        xs = [x_ref[:, pl.ds((c0 + k) * W, W)] for k in range(UNROLL)]
        ts = [_t2(base + jnp.uint32((c0 + k) * W)) for k in range(UNROLL)]
        for k in range(UNROLL):
            carry = update(c0 + k, carry, xs[k], ts[k])
        return carry

    s, wmin, widx = lax.fori_loop(0, CS // UNROLL, stepu,
                                  (s0, wmin0, widx0))
    wmin_ref[...] = wmin[None]
    widx_ref[...] = widx[None]

    def histep(c, s):
        xc = x_ref[:, pl.ds((CS + c) * W, W)]
        e = jnp.exp(xc - M)
        probs_ref[:, pl.ds((CS + c) * W, W)] = e
        ehi_ref[:, pl.ds(c * W, W)] = e
        return s + e

    s = lax.fori_loop(0, NHI, histep, s)
    e_t = jnp.exp(xt - M)
    t_s = jnp.sum(e_t, axis=1, keepdims=True)
    ehi_ref[:, NHI * W:HIW] = e_t
    S = jnp.sum(s, axis=1, keepdims=True) + t_s
    inv_s = jnp.float32(1.0) / S

    def storep(i, _):
        c0 = i * MU
        for k in range(MU):
            sl = pl.ds((c0 + k) * W, W)
            probs_ref[:, sl] = probs_ref[:, sl] * inv_s
        return 0

    lax.fori_loop(0, NCHUNK // MU, storep, 0)
    probs_ref[:, NCHUNK * W:N] = e_t * inv_s



def _body_b(bits_ref, ehi_ref, wmin_ref, widx_ref, y_ref):
    lane_i = lax.broadcasted_iota(jnp.int32, (BR, W), 1)
    wmin0 = jnp.full((BR, W), jnp.float32(jnp.inf), jnp.float32)
    widx0 = jnp.full((BR, W), 0x7FFFFFFF, jnp.int32)
    UNROLL = 4

    def update(c, carry, bc, ec):
        wmin, widx = carry
        w = _t2_from_bits(bc) / ec
        upd = w < wmin
        wmin_new = jnp.where(upd, w, wmin)
        widx_new = jnp.where(upd, CLO + c * W + lane_i, widx)
        return wmin_new, widx_new

    def stepu(i, carry):
        c0 = i * UNROLL
        for k in range(UNROLL):
            sl = pl.ds((c0 + k) * W, W)
            carry = update(c0 + k, carry, bits_ref[:, sl], ehi_ref[:, sl])
        return carry

    carry = lax.fori_loop(0, NHI // UNROLL, stepu, (wmin0, widx0))
    for cL in range((NHI // UNROLL) * UNROLL, NHI):
        sl = pl.ds(cL * W, W)
        carry = update(cL, carry, bits_ref[:, sl], ehi_ref[:, sl])
    wmin_h, widx_h = carry

    b_t = bits_ref[:, NHI * W:HIW]
    e_t = ehi_ref[:, NHI * W:HIW]
    w_t = _t2_from_bits(b_t) / e_t
    t_wmin = jnp.min(w_t, axis=1, keepdims=True)
    lane_t = lax.broadcasted_iota(jnp.int32, (BR, HIW - NHI * W), 1)
    big = jnp.int32(0x7FFFFFFF)
    t_widx = jnp.min(
        jnp.where(w_t == t_wmin, CLO + NHI * W + lane_t, big),
        axis=1, keepdims=True)

    wmin_l = wmin_ref[0]
    widx_l = widx_ref[0]
    gmin = jnp.minimum(
        jnp.minimum(jnp.min(wmin_h, axis=1, keepdims=True), t_wmin),
        jnp.min(wmin_l, axis=1, keepdims=True))
    cand_h = jnp.min(jnp.where(wmin_h == gmin, widx_h, big),
                     axis=1, keepdims=True)
    cand_l = jnp.min(jnp.where(wmin_l == gmin, widx_l, big),
                     axis=1, keepdims=True)
    cand_t = jnp.where(t_wmin == gmin, t_widx, big)
    y = jnp.minimum(jnp.minimum(cand_l, cand_h), cand_t)
    y_ref[0, 0, :] = y[:, 0]



_SC_INFO = plsc.get_sparse_core_info()
_NC = _SC_INFO.num_cores
_NS = _SC_INFO.num_subcores
_NW = _NC * _NS
_ROWS_PER_W = B // _NW
_NVH = HIW // 16
_SU = 6

_sc_mesh = plsc.VectorSubcoreMesh(core_axis_name="c", subcore_axis_name="s")


@functools.partial(
    pl.kernel,
    mesh=_sc_mesh,
    out_type=jax.ShapeDtypeStruct((B, HIW), jnp.uint32),
    scratch_types=[pltpu.VMEM((HIW,), jnp.uint32)],
)
def _sc_bits(out_hbm, row_v):
    wid = lax.axis_index("s") * _NC + lax.axis_index("c")
    iota16 = lax.iota(jnp.uint32, 16)

    def do_row(j, _):
        r = wid * _ROWS_PER_W + j
        rbase = jnp.uint32(r) * jnp.uint32(N) + jnp.uint32(CLO)

        def step(i, _):
            b = i * _SU * 16
            for k in range(_SU):
                off = b + k * 16
                idx = rbase + jnp.uint32(off) + iota16
                row_v[pl.ds(off, 16)] = _threefry_bits(idx)
            return 0

        lax.fori_loop(0, _NVH // _SU, step, 0)
        pltpu.sync_copy(row_v, out_hbm.at[r])
        return 0

    lax.fori_loop(0, _ROWS_PER_W, do_row, 0)


@jax.jit
def kernel(x):
    bits = _sc_bits()
    probs, ehi, wmin, widx = pl.pallas_call(
        _body_a,
        grid=(GRID,),
        in_specs=[pl.BlockSpec((BR, N), lambda i: (i, 0))],
        out_specs=[
            pl.BlockSpec((BR, N), lambda i: (i, 0)),
            pl.BlockSpec((BR, HIW), lambda i: (i, 0)),
            pl.BlockSpec((1, BR, W), lambda i: (i, 0, 0)),
            pl.BlockSpec((1, BR, W), lambda i: (i, 0, 0)),
        ],
        out_shape=[
            jax.ShapeDtypeStruct((B, N), jnp.float32),
            jax.ShapeDtypeStruct((B, HIW), jnp.float32),
            jax.ShapeDtypeStruct((GRID, BR, W), jnp.float32),
            jax.ShapeDtypeStruct((GRID, BR, W), jnp.int32),
        ],
    )(x)
    y3 = pl.pallas_call(
        _body_b,
        grid=(GRID,),
        in_specs=[
            pl.BlockSpec((BR, HIW), lambda i: (i, 0)),
            pl.BlockSpec((BR, HIW), lambda i: (i, 0)),
            pl.BlockSpec((1, BR, W), lambda i: (i, 0, 0)),
            pl.BlockSpec((1, BR, W), lambda i: (i, 0, 0)),
        ],
        out_specs=pl.BlockSpec((1, 1, BR), lambda i: (i, 0, 0)),
        out_shape=jax.ShapeDtypeStruct((GRID, 1, BR), jnp.int32),
    )(bits, ehi, wmin, widx)
    return (y3.reshape(B), probs)

# --- scband reference (transcript-rebuilt; emitter-appended) ---
"""Pipeline reference for scband-categorical-head-47244640256201 (READ-ONLY COPY).

The authoritative reference and input builder live on the scoring server;
editing this copy changes nothing except your own understanding.
"""

import jax, jax.numpy as jnp
import numpy as np


def setup_inputs(seed: int = 0) -> dict:
    key = jax.random.key(seed)
    x = jax.random.normal(key, (128, 100000), dtype=jnp.float32)
    return {"x": x}


def reference(x):
    # softmax over the class dimension (torch F.softmax on 2D defaults to dim=1)
    probs = jax.nn.softmax(x, axis=-1)
    # Categorical sample (torch's dist.rsample() here is just a categorical draw)
    key = jax.random.key(42)
    y = jax.random.categorical(key, jnp.log(probs), axis=-1)
    # return the sample and the distribution parameters (probs)
    return (y, probs)

if __name__ == "__main__":
    import jax
    _d = setup_inputs()
    print(jax.jit(kernel)(*tuple(_d.values())))

</pallas_src>

<mosaic_0001>
#map = affine_map<(d0, d1) -> (0, 0)>
module attributes {stable_mosaic.version = 14 : i64} {
  func.func @_sc_bits(%arg0: i32, %arg1: i32, %arg2: memref<128x34464xi32, #tpu.memory_space<hbm>>, %arg3: memref<34464xi32, #tpu.memory_space<vmem>>) attributes {dimension_semantics = [#tpu.dimension_semantics<core_parallel>, #tpu.dimension_semantics<subcore_parallel>], iteration_bounds = array<i64: 2, 16>, scalar_prefetch = 0 : i64, scratch_operands = 1 : i64, tpu.core_type = #tpu.core_type<sc_vector_subcore>, window_params = [{transform_indices = #map}]} {
    %mul3A = arith.constant 2 : i32
    %mul3A_0 = arith.muli %arg1, %mul3A : i32
    %add3A = arith.addi %mul3A_0, %arg0 : i32
    %iota3A = tpu.iota {dimensions = array<i32: 0>} : vector<16xi32>
    %scan3A = arith.constant 0 : i32
    %scan3A_1 = arith.constant 0 : i32
    %scan3A_2 = arith.constant 4 : i32
    %scan3A_3 = arith.addi %scan3A_1, %scan3A_2 : i32
    %scan3A_4 = arith.constant 1 : i32
    %scan3A_5 = scf.for %scan3A_7 = %scan3A_1 to %scan3A_3 step %scan3A_4 iter_args(%scan3A_8 = %scan3A) -> (i32)  : i32 {
      %mul3A_9 = arith.constant 4 : i32
      %mul3A_10 = arith.muli %add3A, %mul3A_9 : i32
      %add3A_11 = arith.addi %mul3A_10, %scan3A_7 : i32
      %mul3A_12 = arith.constant 100000 : i32
      %mul3A_13 = arith.muli %add3A_11, %mul3A_12 : i32
      %add3A_14 = arith.constant 65536 : i32
      %add3A_15 = arith.addi %mul3A_13, %add3A_14 : i32
      %scan3A_16 = arith.constant 0 : i32
      %scan3A_17 = arith.constant 0 : i32
      %scan3A_18 = arith.constant 359 : i32
      %scan3A_19 = arith.addi %scan3A_17, %scan3A_18 : i32
      %scan3A_20 = arith.constant 1 : i32
      %scan3A_21 = scf.for %scan3A_24 = %scan3A_17 to %scan3A_19 step %scan3A_20 iter_args(%scan3A_25 = %scan3A_16) -> (i32)  : i32 {
        %mul3A_26 = arith.constant 6 : i32
        %mul3A_27 = arith.muli %scan3A_24, %mul3A_26 : i32
        %mul3A_28 = arith.constant 16 : i32
        %mul3A_29 = arith.muli %mul3A_27, %mul3A_28 : i32
        %add3A_30 = arith.constant 0 : i32
        %add3A_31 = arith.addi %mul3A_29, %add3A_30 : i32
        %add3A_32 = arith.addi %add3A_15, %add3A_31 : i32
        %add3A_33 = vector.broadcast %add3A_32 : i32 to vector<16xi32>
        %add3A_34 = arith.addi %add3A_33, %iota3A : vector<16xi32>
        %broadcast_in_dim3A = arith.constant 0 : i32
        %broadcast_in_dim3A_35 = vector.broadcast %broadcast_in_dim3A : i32 to vector<16xi32>
        %add3A_36 = arith.constant 42 : i32
        %add3A_37 = vector.broadcast %add3A_36 : i32 to vector<16xi32>
        %add3A_38 = arith.addi %add3A_34, %add3A_37 : vector<16xi32>
        %add3A_39 = arith.addi %broadcast_in_dim3A_35, %add3A_38 : vector<16xi32>
        %shift_left3A = arith.constant 13 : i32
        %shift_left3A_40 = vector.broadcast %shift_left3A : i32 to vector<16xi32>
        %shift_left3A_41 = arith.shli %add3A_38, %shift_left3A_40 : vector<16xi32>
        %shift_right_logical3A = arith.constant 19 : i32
        %shift_right_logical3A_42 = vector.broadcast %shift_right_logical3A : i32 to vector<16xi32>
        %shift_right_logical3A_43 = arith.shrui %add3A_38, %shift_right_logical3A_42 : vector<16xi32>
        %or3A = arith.ori %shift_left3A_41, %shift_right_logical3A_43 : vector<16xi32>
        %xor3A = arith.xori %or3A, %add3A_39 : vector<16xi32>
        %add3A_44 = arith.addi %add3A_39, %xor3A : vector<16xi32>
        %shift_left3A_45 = arith.constant 15 : i32
        %shift_left3A_46 = vector.broadcast %shift_left3A_45 : i32 to vector<16xi32>
        %shift_left3A_47 = arith.shli %xor3A, %shift_left3A_46 : vector<16xi32>
        %shift_right_logical3A_48 = arith.constant 17 : i32
        %shift_right_logical3A_49 = vector.broadcast %shift_right_logical3A_48 : i32 to vector<16xi32>
        %shift_right_logical3A_50 = arith.shrui %xor3A, %shift_right_logical3A_49 : vector<16xi32>
        %or3A_51 = arith.ori %shift_left3A_47, %shift_right_logical3A_50 : vector<16xi32>
        %xor3A_52 = arith.xori %or3A_51, %add3A_44 : vector<16xi32>
        %add3A_53 = arith.addi %add3A_44, %xor3A_52 : vector<16xi32>
        %shift_left3A_54 = arith.constant 26 : i32
        %shift_left3A_55 = vector.broadcast %shift_left3A_54 : i32 to vector<16xi32>
        %shift_left3A_56 = arith.shli %xor3A_52, %shift_left3A_55 : vector<16xi32>
        %shift_right_logical3A_57 = arith.constant 6 : i32
        %shift_right_logical3A_58 = vector.broadcast %shift_right_logical3A_57 : i32 to vector<16xi32>
        %shift_right_logical3A_59 = arith.shrui %xor3A_52, %shift_right_logical3A_58 : vector<16xi32>
        %or3A_60 = arith.ori %shift_left3A_56, %shift_right_logical3A_59 : vector<16xi32>
        %xor3A_61 = arith.xori %or3A_60, %add3A_53 : vector<16xi32>
        %add3A_62 = arith.addi %add3A_53, %xor3A_61 : vector<16xi32>
        %shift_left3A_63 = arith.constant 6 : i32
        %shift_left3A_64 = vector.broadcast %shift_left3A_63 : i32 to vector<16xi32>
        %shift_left3A_65 = arith.shli %xor3A_61, %shift_left3A_64 : vector<16xi32>
        %shift_right_logical3A_66 = arith.constant 26 : i32
        %shift_right_logical3A_67 = vector.broadcast %shift_right_logical3A_66 : i32 to vector<16xi32>
        %shift_right_logical3A_68 = arith.shrui %xor3A_61, %shift_right_logical3A_67 : vector<16xi32>
        %or3A_69 = arith.ori %shift_left3A_65, %shift_right_logical3A_68 : vector<16xi32>
        %xor3A_70 = arith.xori %or3A_69, %add3A_62 : vector<16xi32>
        %add3A_71 = arith.constant 42 : i32
        %add3A_72 = vector.broadcast %add3A_71 : i32 to vector<16xi32>
        %add3A_73 = arith.addi %add3A_62, %add3A_72 : vector<16xi32>
        %add3A_74 = arith.constant 466689008 : i32
        %add3A_75 = vector.broadcast %add3A_74 : i32 to vector<16xi32>
        %add3A_76 = arith.addi %xor3A_70, %add3A_75 : vector<16xi32>
        %add3A_77 = arith.constant 1 : i32
        %add3A_78 = vector.broadcast %add3A_77 : i32 to vector<16xi32>
        %add3A_79 = arith.addi %add3A_76, %add3A_78 : vector<16xi32>
        %add3A_80 = arith.addi %add3A_73, %add3A_79 : vector<16xi32>
        %shift_left3A_81 = arith.constant 17 : i32
        %shift_left3A_82 = vector.broadcast %shift_left3A_81 : i32 to vector<16xi32>
        %shift_left3A_83 = arith.shli %add3A_79, %shift_left3A_82 : vector<16xi32>
        %shift_right_logical3A_84 = arith.constant 15 : i32
        %shift_right_logical3A_85 = vector.broadcast %shift_right_logical3A_84 : i32 to vector<16xi32>
        %shift_right_logical3A_86 = arith.shrui %add3A_79, %shift_right_logical3A_85 : vector<16xi32>
        %or3A_87 = arith.ori %shift_left3A_83, %shift_right_logical3A_86 : vector<16xi32>
        %xor3A_88 = arith.xori %or3A_87, %add3A_80 : vector<16xi32>
        %add3A_89 = arith.addi %add3A_80, %xor3A_88 : vector<16xi32>
        %shift_left3A_90 = arith.constant 29 : i32
        %shift_left3A_91 = vector.broadcast %shift_left3A_90 : i32 to vector<16xi32>
        %shift_left3A_92 = arith.shli %xor3A_88, %shift_left3A_91 : vector<16xi32>
        %shift_right_logical3A_93 = arith.constant 3 : i32
        %shift_right_logical3A_94 = vector.broadcast %shift_right_logical3A_93 : i32 to vector<16xi32>
        %shift_right_logical3A_95 = arith.shrui %xor3A_88, %shift_right_logical3A_94 : vector<16xi32>
        %or3A_96 = arith.ori %shift_left3A_92, %shift_right_logical3A_95 : vector<16xi32>
        %xor3A_97 = arith.xori %or3A_96, %add3A_89 : vector<16xi32>
        %add3A_98 = arith.addi %add3A_89, %xor3A_97 : vector<16xi32>
        %shift_left3A_99 = arith.constant 16 : i32
        %shift_left3A_100 = vector.broadcast %shift_left3A_99 : i32 to vector<16xi32>
        %shift_left3A_101 = arith.shli %xor3A_97, %shift_left3A_100 : vector<16xi32>
        %shift_right_logical3A_102 = arith.constant 16 : i32
        %shift_right_logical3A_103 = vector.broadcast %shift_right_logical3A_102 : i32 to vector<16xi32>
        %shift_right_logical3A_104 = arith.shrui %xor3A_97, %shift_right_logical3A_103 : vector<16xi32>
        %or3A_105 = arith.ori %shift_left3A_101, %shift_right_logical3A_104 : vector<16xi32>
        %xor3A_106 = arith.xori %or3A_105, %add3A_98 : vector<16xi32>
        %add3A_107 = arith.addi %add3A_98, %xor3A_106 : vector<16xi32>
        %shift_left3A_108 = arith.constant 24 : i32
        %shift_left3A_109 = vector.broadcast %shift_left3A_108 : i32 to vector<16xi32>
        %shift_left3A_110 = arith.shli %xor3A_106, %shift_left3A_109 : vector<16xi32>
        %shift_right_logical3A_111 = arith.constant 8 : i32
        %shift_right_logical3A_112 = vector.broadcast %shift_right_logical3A_111 : i32 to vector<16xi32>
        %shift_right_logical3A_113 = arith.shrui %xor3A_106, %shift_right_logical3A_112 : vector<16xi32>
        %or3A_114 = arith.ori %shift_left3A_110, %shift_right_logical3A_113 : vector<16xi32>
        %xor3A_115 = arith.xori %or3A_114, %add3A_107 : vector<16xi32>
        %add3A_116 = arith.constant 466689008 : i32
        %add3A_117 = vector.broadcast %add3A_116 : i32 to vector<16xi32>
        %add3A_118 = arith.addi %add3A_107, %add3A_117 : vector<16xi32>
        %add3A_119 = arith.constant 0 : i32
        %add3A_120 = vector.broadcast %add3A_119 : i32 to vector<16xi32>
        %add3A_121 = arith.addi %xor3A_115, %add3A_120 : vector<16xi32>
        %add3A_122 = arith.constant 2 : i32
        %add3A_123 = vector.broadcast %add3A_122 : i32 to vector<16xi32>
        %add3A_124 = arith.addi %add3A_121, %add3A_123 : vector<16xi32>
        %add3A_125 = arith.addi %add3A_118, %add3A_124 : vector<16xi32>
        %shift_left3A_126 = arith.constant 13 : i32
        %shift_left3A_127 = vector.broadcast %shift_left3A_126 : i32 to vector<16xi32>
        %shift_left3A_128 = arith.shli %add3A_124, %shift_left3A_127 : vector<16xi32>
        %shift_right_logical3A_129 = arith.constant 19 : i32
        %shift_right_logical3A_130 = vector.broadcast %shift_right_logical3A_129 : i32 to vector<16xi32>
        %shift_right_logical3A_131 = arith.shrui %add3A_124, %shift_right_logical3A_130 : vector<16xi32>
        %or3A_132 = arith.ori %shift_left3A_128, %shift_right_logical3A_131 : vector<16xi32>
        %xor3A_133 = arith.xori %or3A_132, %add3A_125 : vector<16xi32>
        %add3A_134 = arith.addi %add3A_125, %xor3A_133 : vector<16xi32>
        %shift_left3A_135 = arith.constant 15 : i32
        %shift_left3A_136 = vector.broadcast %shift_left3A_135 : i32 to vector<16xi32>
        %shift_left3A_137 = arith.shli %xor3A_133, %shift_left3A_136 : vector<16xi32>
        %shift_right_logical3A_138 = arith.constant 17 : i32
        %shift_right_logical3A_139 = vector.broadcast %shift_right_logical3A_138 : i32 to vector<16xi32>
        %shift_right_logical3A_140 = arith.shrui %xor3A_133, %shift_right_logical3A_139 : vector<16xi32>
        %or3A_141 = arith.ori %shift_left3A_137, %shift_right_logical3A_140 : vector<16xi32>
        %xor3A_142 = arith.xori %or3A_141, %add3A_134 : vector<16xi32>
        %add3A_143 = arith.addi %add3A_134, %xor3A_142 : vector<16xi32>
        %shift_left3A_144 = arith.constant 26 : i32
        %shift_left3A_145 = vector.broadcast %shift_left3A_144 : i32 to vector<16xi32>
        %shift_left3A_146 = arith.shli %xor3A_142, %shift_left3A_145 : vector<16xi32>
        %shift_right_logical3A_147 = arith.constant 6 : i32
        %shift_right_logical3A_148 = vector.broadcast %shift_right_logical3A_147 : i32 to vector<16xi32>
        %shift_right_logical3A_149 = arith.shrui %xor3A_142, %shift_right_logical3A_148 : vector<16xi32>
        %or3A_150 = arith.ori %shift_left3A_146, %shift_right_logical3A_149 : vector<16xi32>
        %xor3A_151 = arith.xori %or3A_150, %add3A_143 : vector<16xi32>
        %add3A_152 = arith.addi %add3A_143, %xor3A_151 : vector<16xi32>
        %shift_left3A_153 = arith.constant 6 : i32
        %shift_left3A_154 = vector.broadcast %shift_left3A_153 : i32 to vector<16xi32>
        %shift_left3A_155 = arith.shli %xor3A_151, %shift_left3A_154 : vector<16xi32>
        %shift_right_logical3A_156 = arith.constant 26 : i32
        %shift_right_logical3A_157 = vector.broadcast %shift_right_logical3A_156 : i32 to vector<16xi32>
        %shift_right_logical3A_158 = arith.shrui %xor3A_151, %shift_right_logical3A_157 : vector<16xi32>
        %or3A_159 = arith.ori %shift_left3A_155, %shift_right_logical3A_158 : vector<16xi32>
        %xor3A_160 = arith.xori %or3A_159, %add3A_152 : vector<16xi32>
        %add3A_161 = arith.constant 0 : i32
        %add3A_162 = vector.broadcast %add3A_161 : i32 to vector<16xi32>
        %add3A_163 = arith.addi %add3A_152, %add3A_162 : vector<16xi32>
        %add3A_164 = arith.constant 42 : i32
        %add3A_165 = vector.broadcast %add3A_164 : i32 to vector<16xi32>
        %add3A_166 = arith.addi %xor3A_160, %add3A_165 : vector<16xi32>
        %add3A_167 = arith.constant 3 : i32
        %add3A_168 = vector.broadcast %add3A_167 : i32 to vector<16xi32>
        %add3A_169 = arith.addi %add3A_166, %add3A_168 : vector<16xi32>
        %add3A_170 = arith.addi %add3A_163, %add3A_169 : vector<16xi32>
        %shift_left3A_171 = arith.constant 17 : i32
        %shift_left3A_172 = vector.broadcast %shift_left3A_171 : i32 to vector<16xi32>
        %shift_left3A_173 = arith.shli %add3A_169, %shift_left3A_172 : vector<16xi32>
        %shift_right_logical3A_174 = arith.constant 15 : i32
        %shift_right_logical3A_175 = vector.broadcast %shift_right_logical3A_174 : i32 to vector<16xi32>
        %shift_right_logical3A_176 = arith.shrui %add3A_169, %shift_right_logical3A_175 : vector<16xi32>
        %or3A_177 = arith.ori %shift_left3A_173, %shift_right_logical3A_176 : vector<16xi32>
        %xor3A_178 = arith.xori %or3A_177, %add3A_170 : vector<16xi32>
        %add3A_179 = arith.addi %add3A_170, %xor3A_178 : vector<16xi32>
        %shift_left3A_180 = arith.constant 29 : i32
        %shift_left3A_181 = vector.broadcast %shift_left3A_180 : i32 to vector<16xi32>
        %shift_left3A_182 = arith.shli %xor3A_178, %shift_left3A_181 : vector<16xi32>
        %shift_right_logical3A_183 = arith.constant 3 : i32
        %shift_right_logical3A_184 = vector.broadcast %shift_right_logical3A_183 : i32 to vector<16xi32>
        %shift_right_logical3A_185 = arith.shrui %xor3A_178, %shift_right_logical3A_184 : vector<16xi32>
        %or3A_186 = arith.ori %shift_left3A_182, %shift_right_logical3A_185 : vector<16xi32>
        %xor3A_187 = arith.xori %or3A_186, %add3A_179 : vector<16xi32>
        %add3A_188 = arith.addi %add3A_179, %xor3A_187 : vector<16xi32>
        %shift_left3A_189 = arith.constant 16 : i32
        %shift_left3A_190 = vector.broadcast %shift_left3A_189 : i32 to vector<16xi32>
        %shift_left3A_191 = arith.shli %xor3A_187, %shift_left3A_190 : vector<16xi32>
        %shift_right_logical3A_192 = arith.constant 16 : i32
        %shift_right_logical3A_193 = vector.broadcast %shift_right_logical3A_192 : i32 to vector<16xi32>
        %shift_right_logical3A_194 = arith.shrui %xor3A_187, %shift_right_logical3A_193 : vector<16xi32>
        %or3A_195 = arith.ori %shift_left3A_191, %shift_right_logical3A_194 : vector<16xi32>
        %xor3A_196 = arith.xori %or3A_195, %add3A_188 : vector<16xi32>
        %add3A_197 = arith.addi %add3A_188, %xor3A_196 : vector<16xi32>
        %shift_left3A_198 = arith.constant 24 : i32
        %shift_left3A_199 = vector.broadcast %shift_left3A_198 : i32 to vector<16xi32>
        %shift_left3A_200 = arith.shli %xor3A_196, %shift_left3A_199 : vector<16xi32>
        %shift_right_logical3A_201 = arith.constant 8 : i32
        %shift_right_logical3A_202 = vector.broadcast %shift_right_logical3A_201 : i32 to vector<16xi32>
        %shift_right_logical3A_203 = arith.shrui %xor3A_196, %shift_right_logical3A_202 : vector<16xi32>
        %or3A_204 = arith.ori %shift_left3A_200, %shift_right_logical3A_203 : vector<16xi32>
        %xor3A_205 = arith.xori %or3A_204, %add3A_197 : vector<16xi32>
        %add3A_206 = arith.constant 42 : i32
        %add3A_207 = vector.broadcast %add3A_206 : i32 to vector<16xi32>
        %add3A_208 = arith.addi %add3A_197, %add3A_207 : vector<16xi32>
        %add3A_209 = arith.constant 466689008 : i32
        %add3A_210 = vector.broadcast %add3A_209 : i32 to vector<16xi32>
        %add3A_211 = arith.addi %xor3A_205, %add3A_210 : vector<16xi32>
        %add3A_212 = arith.constant 4 : i32
        %add3A_213 = vector.broadcast %add3A_212 : i32 to vector<16xi32>
        %add3A_214 = arith.addi %add3A_211, %add3A_213 : vector<16xi32>
        %add3A_215 = arith.addi %add3A_208, %add3A_214 : vector<16xi32>
        %shift_left3A_216 = arith.constant 13 : i32
        %shift_left3A_217 = vector.broadcast %shift_left3A_216 : i32 to vector<16xi32>
        %shift_left3A_218 = arith.shli %add3A_214, %shift_left3A_217 : vector<16xi32>
        %shift_right_logical3A_219 = arith.constant 19 : i32
        %shift_right_logical3A_220 = vector.broadcast %shift_right_logical3A_219 : i32 to vector<16xi32>
        %shift_right_logical3A_221 = arith.shrui %add3A_214, %shift_right_logical3A_220 : vector<16xi32>
        %or3A_222 = arith.ori %shift_left3A_218, %shift_right_logical3A_221 : vector<16xi32>
        %xor3A_223 = arith.xori %or3A_222, %add3A_215 : vector<16xi32>
        %add3A_224 = arith.addi %add3A_215, %xor3A_223 : vector<16xi32>
        %shift_left3A_225 = arith.constant 15 : i32
        %shift_left3A_226 = vector.broadcast %shift_left3A_225 : i32 to vector<16xi32>
        %shift_left3A_227 = arith.shli %xor3A_223, %shift_left3A_226 : vector<16xi32>
        %shift_right_logical3A_228 = arith.constant 17 : i32
        %shift_right_logical3A_229 = vector.broadcast %shift_right_logical3A_228 : i32 to vector<16xi32>
        %shift_right_logical3A_230 = arith.shrui %xor3A_223, %shift_right_logical3A_229 : vector<16xi32>
        %or3A_231 = arith.ori %shift_left3A_227, %shift_right_logical3A_230 : vector<16xi32>
        %xor3A_232 = arith.xori %or3A_231, %add3A_224 : vector<16xi32>
        %add3A_233 = arith.addi %add3A_224, %xor3A_232 : vector<16xi32>
        %shift_left3A_234 = arith.constant 26 : i32
        %shift_left3A_235 = vector.broadcast %shift_left3A_234 : i32 to vector<16xi32>
        %shift_left3A_236 = arith.shli %xor3A_232, %shift_left3A_235 : vector<16xi32>
        %shift_right_logical3A_237 = arith.constant 6 : i32
        %shift_right_logical3A_238 = vector.broadcast %shift_right_logical3A_237 : i32 to vector<16xi32>
        %shift_right_logical3A_239 = arith.shrui %xor3A_232, %shift_right_logical3A_238 : vector<16xi32>
        %or3A_240 = arith.ori %shift_left3A_236, %shift_right_logical3A_239 : vector<16xi32>
        %xor3A_241 = arith.xori %or3A_240, %add3A_233 : vector<16xi32>
        %add3A_242 = arith.addi %add3A_233, %xor3A_241 : vector<16xi32>
        %shift_left3A_243 = arith.constant 6 : i32
        %shift_left3A_244 = vector.broadcast %shift_left3A_243 : i32 to vector<16xi32>
        %shift_left3A_245 = arith.shli %xor3A_241, %shift_left3A_244 : vector<16xi32>
        %shift_right_logical3A_246 = arith.constant 26 : i32
        %shift_right_logical3A_247 = vector.broadcast %shift_right_logical3A_246 : i32 to vector<16xi32>
        %shift_right_logical3A_248 = arith.shrui %xor3A_241, %shift_right_logical3A_247 : vector<16xi32>
        %or3A_249 = arith.ori %shift_left3A_245, %shift_right_logical3A_248 : vector<16xi32>
        %xor3A_250 = arith.xori %or3A_249, %add3A_242 : vector<16xi32>
        %add3A_251 = arith.constant 466689008 : i32
        %add3A_252 = vector.broadcast %add3A_251 : i32 to vector<16xi32>
        %add3A_253 = arith.addi %add3A_242, %add3A_252 : vector<16xi32>
        %add3A_254 = arith.constant 0 : i32
        %add3A_255 = vector.broadcast %add3A_254 : i32 to vector<16xi32>
        %add3A_256 = arith.addi %xor3A_250, %add3A_255 : vector<16xi32>
        %add3A_257 = arith.constant 5 : i32
        %add3A_258 = vector.broadcast %add3A_257 : i32 to vector<16xi32>
        %add3A_259 = arith.addi %add3A_256, %add3A_258 : vector<16xi32>
        %xor3A_260 = arith.xori %add3A_253, %add3A_259 : vector<16xi32>
        %swap3A = arith.index_cast %add3A_31 : i32 to index
        %swap3A_261 = tpu.vector_load %arg3[%swap3A] {strides = array<i32>} : memref<34464xi32, #tpu.memory_space<vmem>>, vector<16xi32>,
        %swap3A_262 = vector.shape_cast %swap3A_261 : vector<16xi32> to vector<16xi32>
        %swap3A_263 = vector.shape_cast %xor3A_260 : vector<16xi32> to vector<16xi32>
        tpu.vector_store %arg3[%swap3A], %swap3A_263 {strides = array<i32>} : memref<34464xi32, #tpu.memory_space<vmem>>, vector<16xi32>,
        %add3A_264 = arith.constant 16 : i32
        %add3A_265 = arith.addi %mul3A_29, %add3A_264 : i32
        %add3A_266 = arith.addi %add3A_15, %add3A_265 : i32
        %add3A_267 = vector.broadcast %add3A_266 : i32 to vector<16xi32>
        %add3A_268 = arith.addi %add3A_267, %iota3A : vector<16xi32>
        %broadcast_in_dim3A_269 = arith.constant 0 : i32
        %broadcast_in_dim3A_270 = vector.broadcast %broadcast_in_dim3A_269 : i32 to vector<16xi32>
        %add3A_271 = arith.constant 42 : i32
        %add3A_272 = vector.broadcast %add3A_271 : i32 to vector<16xi32>
        %add3A_273 = arith.addi %add3A_268, %add3A_272 : vector<16xi32>
        %add3A_274 = arith.addi %broadcast_in_dim3A_270, %add3A_273 : vector<16xi32>
        %shift_left3A_275 = arith.constant 13 : i32
        %shift_left3A_276 = vector.broadcast %shift_left3A_275 : i32 to vector<16xi32>
        %shift_left3A_277 = arith.shli %add3A_273, %shift_left3A_276 : vector<16xi32>
        %shift_right_logical3A_278 = arith.constant 19 : i32
        %shift_right_logical3A_279 = vector.broadcast %shift_right_logical3A_278 : i32 to vector<16xi32>
        %shift_right_logical3A_280 = arith.shrui %add3A_273, %shift_right_logical3A_279 : vector<16xi32>
        %or3A_281 = arith.ori %shift_left3A_277, %shift_right_logical3A_280 : vector<16xi32>
        %xor3A_282 = arith.xori %or3A_281, %add3A_274 : vector<16xi32>
        %add3A_283 = arith.addi %add3A_274, %xor3A_282 : vector<16xi32>
        %shift_left3A_284 = arith.constant 15 : i32
        %shift_left3A_285 = vector.broadcast %shift_left3A_284 : i32 to vector<16xi32>
        %shift_left3A_286 = arith.shli %xor3A_282, %shift_left3A_285 : vector<16xi32>
        %shift_right_logical3A_287 = arith.constant 17 : i32
        %shift_right_logical3A_288 = vector.broadcast %shift_right_logical3A_287 : i32 to vector<16xi32>
        %shift_right_logical3A_289 = arith.shrui %xor3A_282, %shift_right_logical3A_288 : vector<16xi32>
        %or3A_290 = arith.ori %shift_left3A_286, %shift_right_logical3A_289 : vector<16xi32>
        %xor3A_291 = arith.xori %or3A_290, %add3A_283 : vector<16xi32>
        %add3A_292 = arith.addi %add3A_283, %xor3A_291 : vector<16xi32>
        %shift_left3A_293 = arith.constant 26 : i32
        %shift_left3A_294 = vector.broadcast %shift_left3A_293 : i32 to vector<16xi32>
        %shift_left3A_295 = arith.shli %xor3A_291, %shift_left3A_294 : vector<16xi32>
        %shift_right_logical3A_296 = arith.constant 6 : i32
        %shift_right_logical3A_297 = vector.broadcast %shift_right_logical3A_296 : i32 to vector<16xi32>
        %shift_right_logical3A_298 = arith.shrui %xor3A_291, %shift_right_logical3A_297 : vector<16xi32>
        %or3A_299 = arith.ori %shift_left3A_295, %shift_right_logical3A_298 : vector<16xi32>
        %xor3A_300 = arith.xori %or3A_299, %add3A_292 : vector<16xi32>
        %add3A_301 = arith.addi %add3A_292, %xor3A_300 : vector<16xi32>
        %shift_left3A_302 = arith.constant 6 : i32
        %shift_left3A_303 = vector.broadcast %shift_left3A_302 : i32 to vector<16xi32>
        %shift_left3A_304 = arith.shli %xor3A_300, %shift_left3A_303 : vector<16xi32>
        %shift_right_logical3A_305 = arith.constant 26 : i32
        %shift_right_logical3A_306 = vector.broadcast %shift_right_logical3A_305 : i32 to vector<16xi32>
        %shift_right_logical3A_307 = arith.shrui %xor3A_300, %shift_right_logical3A_306 : vector<16xi32>
        %or3A_308 = arith.ori %shift_left3A_304, %shift_right_logical3A_307 : vector<16xi32>
        %xor3A_309 = arith.xori %or3A_308, %add3A_301 : vector<16xi32>
        %add3A_310 = arith.constant 42 : i32
        %add3A_311 = vector.broadcast %add3A_310 : i32 to vector<16xi32>
        %add3A_312 = arith.addi %add3A_301, %add3A_311 : vector<16xi32>
        %add3A_313 = arith.constant 466689008 : i32
        %add3A_314 = vector.broadcast %add3A_313 : i32 to vector<16xi32>
        %add3A_315 = arith.addi %xor3A_309, %add3A_314 : vector<16xi32>
        %add3A_316 = arith.constant 1 : i32
        %add3A_317 = vector.broadcast %add3A_316 : i32 to vector<16xi32>
        %add3A_318 = arith.addi %add3A_315, %add3A_317 : vector<16xi32>
        %add3A_319 = arith.addi %add3A_312, %add3A_318 : vector<16xi32>
        %shift_left3A_320 = arith.constant 17 : i32
        %shift_left3A_321 = vector.broadcast %shift_left3A_320 : i32 to vector<16xi32>
        %shift_left3A_322 = arith.shli %add3A_318, %shift_left3A_321 : vector<16xi32>
        %shift_right_logical3A_323 = arith.constant 15 : i32
        %shift_right_logical3A_324 = vector.broadcast %shift_right_logical3A_323 : i32 to vector<16xi32>
        %shift_right_logical3A_325 = arith.shrui %add3A_318, %shift_right_logical3A_324 : vector<16xi32>
        %or3A_326 = arith.ori %shift_left3A_322, %shift_right_logical3A_325 : vector<16xi32>
        %xor3A_327 = arith.xori %or3A_326, %add3A_319 : vector<16xi32>
        %add3A_328 = arith.addi %add3A_319, %xor3A_327 : vector<16xi32>
        %shift_left3A_329 = arith.constant 29 : i32
        %shift_left3A_330 = vector.broadcast %shift_left3A_329 : i32 to vector<16xi32>
        %shift_left3A_331 = arith.shli %xor3A_327, %shift_left3A_330 : vector<16xi32>
        %shift_right_logical3A_332 = arith.constant 3 : i32
        %shift_right_logical3A_333 = vector.broadcast %shift_right_logical3A_332 : i32 to vector<16xi32>
        %shift_right_logical3A_334 = arith.shrui %xor3A_327, %shift_right_logical3A_333 : vector<16xi32>
        %or3A_335 = arith.ori %shift_left3A_331, %shift_right_logical3A_334 : vector<16xi32>
        %xor3A_336 = arith.xori %or3A_335, %add3A_328 : vector<16xi32>
        %add3A_337 = arith.addi %add3A_328, %xor3A_336 : vector<16xi32>
        %shift_left3A_338 = arith.constant 16 : i32
        %shift_left3A_339 = vector.broadcast %shift_left3A_338 : i32 to vector<16xi32>
        %shift_left3A_340 = arith.shli %xor3A_336, %shift_left3A_339 : vector<16xi32>
        %shift_right_logical3A_341 = arith.constant 16 : i32
        %shift_right_logical3A_342 = vector.broadcast %shift_right_logical3A_341 : i32 to vector<16xi32>
        %shift_right_logical3A_343 = arith.shrui %xor3A_336, %shift_right_logical3A_342 : vector<16xi32>
        %or3A_344 = arith.ori %shift_left3A_340, %shift_right_logical3A_343 : vector<16xi32>
        %xor3A_345 = arith.xori %or3A_344, %add3A_337 : vector<16xi32>
        %add3A_346 = arith.addi %add3A_337, %xor3A_345 : vector<16xi32>
        %shift_left3A_347 = arith.constant 24 : i32
        %shift_left3A_348 = vector.broadcast %shift_left3A_347 : i32 to vector<16xi32>
        %shift_left3A_349 = arith.shli %xor3A_345, %shift_left3A_348 : vector<16xi32>
        %shift_right_logical3A_350 = arith.constant 8 : i32
        %shift_right_logical3A_351 = vector.broadcast %shift_right_logical3A_350 : i32 to vector<16xi32>
        %shift_right_logical3A_352 = arith.shrui %xor3A_345, %shift_right_logical3A_351 : vector<16xi32>
        %or3A_353 = arith.ori %shift_left3A_349, %shift_right_logical3A_352 : vector<16xi32>
        %xor3A_354 = arith.xori %or3A_353, %add3A_346 : vector<16xi32>
        %add3A_355 = arith.constant 466689008 : i32
        %add3A_356 = vector.broadcast %add3A_355 : i32 to vector<16xi32>
        %add3A_357 = arith.addi %add3A_346, %add3A_356 : vector<16xi32>
        %add3A_358 = arith.constant 0 : i32
        %add3A_359 = vector.broadcast %add3A_358 : i32 to vector<16xi32>
        %add3A_360 = arith.addi %xor3A_354, %add3A_359 : vector<16xi32>
        %add3A_361 = arith.constant 2 : i32
        %add3A_362 = vector.broadcast %add3A_361 : i32 to vector<16xi32>
        %add3A_363 = arith.addi %add3A_360, %add3A_362 : vector<16xi32>
        %add3A_364 = arith.addi %add3A_357, %add3A_363 : vector<16xi32>
        %shift_left3A_365 = arith.constant 13 : i32
        %shift_left3A_366 = vector.broadcast %shift_left3A_365 : i32 to vector<16xi32>
        %shift_left3A_367 = arith.shli %add3A_363, %shift_left3A_366 : vector<16xi32>
        %shift_right_logical3A_368 = arith.constant 19 : i32
        %shift_right_logical3A_369 = vector.broadcast %shift_right_logical3A_368 : i32 to vector<16xi32>
        %shift_right_logical3A_370 = arith.shrui %add3A_363, %shift_right_logical3A_369 : vector<16xi32>
        %or3A_371 = arith.ori %shift_left3A_367, %shift_right_logical3A_370 : vector<16xi32>
        %xor3A_372 = arith.xori %or3A_371, %add3A_364 : vector<16xi32>
        %add3A_373 = arith.addi %add3A_364, %xor3A_372 : vector<16xi32>
        %shift_left3A_374 = arith.constant 15 : i32
        %shift_left3A_375 = vector.broadcast %shift_left3A_374 : i32 to vector<16xi32>
        %shift_left3A_376 = arith.shli %xor3A_372, %shift_left3A_375 : vector<16xi32>
        %shift_right_logical3A_377 = arith.constant 17 : i32
        %shift_right_logical3A_378 = vector.broadcast %shift_right_logical3A_377 : i32 to vector<16xi32>
        %shift_right_logical3A_379 = arith.shrui %xor3A_372, %shift_right_logical3A_378 : vector<16xi32>
        %or3A_380 = arith.ori %shift_left3A_376, %shift_right_logical3A_379 : vector<16xi32>
        %xor3A_381 = arith.xori %or3A_380, %add3A_373 : vector<16xi32>
        %add3A_382 = arith.addi %add3A_373, %xor3A_381 : vector<16xi32>
        %shift_left3A_383 = arith.constant 26 : i32
        %shift_left3A_384 = vector.broadcast %shift_left3A_383 : i32 to vector<16xi32>
        %shift_left3A_385 = arith.shli %xor3A_381, %shift_left3A_384 : vector<16xi32>
        %shift_right_logical3A_386 = arith.constant 6 : i32
        %shift_right_logical3A_387 = vector.broadcast %shift_right_logical3A_386 : i32 to vector<16xi32>
        %shift_right_logical3A_388 = arith.shrui %xor3A_381, %shift_right_logical3A_387 : vector<16xi32>
        %or3A_389 = arith.ori %shift_left3A_385, %shift_right_logical3A_388 : vector<16xi32>
        %xor3A_390 = arith.xori %or3A_389, %add3A_382 : vector<16xi32>
        %add3A_391 = arith.addi %add3A_382, %xor3A_390 : vector<16xi32>
        %shift_left3A_392 = arith.constant 6 : i32
        %shift_left3A_393 = vector.broadcast %shift_left3A_392 : i32 to vector<16xi32>
        %shift_left3A_394 = arith.shli %xor3A_390, %shift_left3A_393 : vector<16xi32>
        %shift_right_logical3A_395 = arith.constant 26 : i32
        %shift_right_logical3A_396 = vector.broadcast %shift_right_logical3A_395 : i32 to vector<16xi32>
        %shift_right_logical3A_397 = arith.shrui %xor3A_390, %shift_right_logical3A_396 : vector<16xi32>
        %or3A_398 = arith.ori %shift_left3A_394, %shift_right_logical3A_397 : vector<16xi32>
        %xor3A_399 = arith.xori %or3A_398, %add3A_391 : vector<16xi32>
        %add3A_400 = arith.constant 0 : i32
        %add3A_401 = vector.broadcast %add3A_400 : i32 to vector<16xi32>
        %add3A_402 = arith.addi %add3A_391, %add3A_401 : vector<16xi32>
        %add3A_403 = arith.constant 42 : i32
        %add3A_404 = vector.broadcast %add3A_403 : i32 to vector<16xi32>
        %add3A_405 = arith.addi %xor3A_399, %add3A_404 : vector<16xi32>
        %add3A_406 = arith.constant 3 : i32
        %add3A_407 = vector.broadcast %add3A_406 : i32 to vector<16xi32>
        %add3A_408 = arith.addi %add3A_405, %add3A_407 : vector<16xi32>
        %add3A_409 = arith.addi %add3A_402, %add3A_408 : vector<16xi32>
        %shift_left3A_410 = arith.constant 17 : i32
        %shift_left3A_411 = vector.broadcast %shift_left3A_410 : i32 to vector<16xi32>
        %shift_left3A_412 = arith.shli %add3A_408, %shift_left3A_411 : vector<16xi32>
        %shift_right_logical3A_413 = arith.constant 15 : i32
        %shift_right_logical3A_414 = vector.broadcast %shift_right_logical3A_413 : i32 to vector<16xi32>
        %shift_right_logical3A_415 = arith.shrui %add3A_408, %shift_right_logical3A_414 : vector<16xi32>
        %or3A_416 = arith.ori %shift_left3A_412, %shift_right_logical3A_415 : vector<16xi32>
        %xor3A_417 = arith.xori %or3A_416, %add3A_409 : vector<16xi32>
        %add3A_418 = arith.addi %add3A_409, %xor3A_417 : vector<16xi32>
        %shift_left3A_419 = arith.constant 29 : i32
        %shift_left3A_420 = vector.broadcast %shift_left3A_419 : i32 to vector<16xi32>
        %shift_left3A_421 = arith.shli %xor3A_417, %shift_left3A_420 : vector<16xi32>
        %shift_right_logical3A_422 = arith.constant 3 : i32
        %shift_right_logical3A_423 = vector.broadcast %shift_right_logical3A_422 : i32 to vector<16xi32>
        %shift_right_logical3A_424 = arith.shrui %xor3A_417, %shift_right_logical3A_423 : vector<16xi32>
        %or3A_425 = arith.ori %shift_left3A_421, %shift_right_logical3A_424 : vector<16xi32>
        %xor3A_426 = arith.xori %or3A_425, %add3A_418 : vector<16xi32>
        %add3A_427 = arith.addi %add3A_418, %xor3A_426 : vector<16xi32>
        %shift_left3A_428 = arith.constant 16 : i32
        %shift_left3A_429 = vector.broadcast %shift_left3A_428 : i32 to vector<16xi32>
        %shift_left3A_430 = arith.shli %xor3A_426, %shift_left3A_429 : vector<16xi32>
        %shift_right_logical3A_431 = arith.constant 16 : i32
        %shift_right_logical3A_432 = vector.broadcast %shift_right_logical3A_431 : i32 to vector<16xi32>
        %shift_right_logical3A_433 = arith.shrui %xor3A_426, %shift_right_logical3A_432 : vector<16xi32>
        %or3A_434 = arith.ori %shift_left3A_430, %shift_right_logical3A_433 : vector<16xi32>
        %xor3A_435 = arith.xori %or3A_434, %add3A_427 : vector<16xi32>
        %add3A_436 = arith.addi %add3A_427, %xor3A_435 : vector<16xi32>
        %shift_left3A_437 = arith.constant 24 : i32
        %shift_left3A_438 = vector.broadcast %shift_left3A_437 : i32 to vector<16xi32>
        %shift_left3A_439 = arith.shli %xor3A_435, %shift_left3A_438 : vector<16xi32>
        %shift_right_logical3A_440 = arith.constant 8 : i32
        %shift_right_logical3A_441 = vector.broadcast %shift_right_logical3A_440 : i32 to vector<16xi32>
        %shift_right_logical3A_442 = arith.shrui %xor3A_435, %shift_right_logical3A_441 : vector<16xi32>
        %or3A_443 = arith.ori %shift_left3A_439, %shift_right_logical3A_442 : vector<16xi32>
        %xor3A_444 = arith.xori %or3A_443, %add3A_436 : vector<16xi32>
        %add3A_445 = arith.constant 42 : i32
        %add3A_446 = vector.broadcast %add3A_445 : i32 to vector<16xi32>
        %add3A_447 = arith.addi %add3A_436, %add3A_446 : vector<16xi32>
        %add3A_448 = arith.constant 466689008 : i32
        %add3A_449 = vector.broadcast %add3A_448 : i32 to vector<16xi32>
        %add3A_450 = arith.addi %xor3A_444, %add3A_449 : vector<16xi32>
        %add3A_451 = arith.constant 4 : i32
        %add3A_452 = vector.broadcast %add3A_451 : i32 to vector<16xi32>
        %add3A_453 = arith.addi %add3A_450, %add3A_452 : vector<16xi32>
        %add3A_454 = arith.addi %add3A_447, %add3A_453 : vector<16xi32>
        %shift_left3A_455 = arith.constant 13 : i32
        %shift_left3A_456 = vector.broadcast %shift_left3A_455 : i32 to vector<16xi32>
        %shift_left3A_457 = arith.shli %add3A_453, %shift_left3A_456 : vector<16xi32>
        %shift_right_logical3A_458 = arith.constant 19 : i32
        %shift_right_logical3A_459 = vector.broadcast %shift_right_logical3A_458 : i32 to vector<16xi32>
        %shift_right_logical3A_460 = arith.shrui %add3A_453, %shift_right_logical3A_459 : vector<16xi32>
        %or3A_461 = arith.ori %shift_left3A_457, %shift_right_logical3A_460 : vector<16xi32>
        %xor3A_462 = arith.xori %or3A_461, %add3A_454 : vector<16xi32>
        %add3A_463 = arith.addi %add3A_454, %xor3A_462 : vector<16xi32>
        %shift_left3A_464 = arith.constant 15 : i32
        %shift_left3A_465 = vector.broadcast %shift_left3A_464 : i32 to vector<16xi32>
        %shift_left3A_466 = arith.shli %xor3A_462, %shift_left3A_465 : vector<16xi32>
        %shift_right_logical3A_467 = arith.constant 17 : i32
        %shift_right_logical3A_468 = vector.broadcast %shift_right_logical3A_467 : i32 to vector<16xi32>
        %shift_right_logical3A_469 = arith.shrui %xor3A_462, %shift_right_logical3A_468 : vector<16xi32>
        %or3A_470 = arith.ori %shift_left3A_466, %shift_right_logical3A_469 : vector<16xi32>
        %xor3A_471 = arith.xori %or3A_470, %add3A_463 : vector<16xi32>
        %add3A_472 = arith.addi %add3A_463, %xor3A_471 : vector<16xi32>
        %shift_left3A_473 = arith.constant 26 : i32
        %shift_left3A_474 = vector.broadcast %shift_left3A_473 : i32 to vector<16xi32>
        %shift_left3A_475 = arith.shli %xor3A_471, %shift_left3A_474 : vector<16xi32>
        %shift_right_logical3A_476 = arith.constant 6 : i32
        %shift_right_logical3A_477 = vector.broadcast %shift_right_logical3A_476 : i32 to vector<16xi32>
        %shift_right_logical3A_478 = arith.shrui %xor3A_471, %shift_right_logical3A_477 : vector<16xi32>
        %or3A_479 = arith.ori %shift_left3A_475, %shift_right_logical3A_478 : vector<16xi32>
        %xor3A_480 = arith.xori %or3A_479, %add3A_472 : vector<16xi32>
        %add3A_481 = arith.addi %add3A_472, %xor3A_480 : vector<16xi32>
        %shift_left3A_482 = arith.constant 6 : i32
        %shift_left3A_483 = vector.broadcast %shift_left3A_482 : i32 to vector<16xi32>
        %shift_left3A_484 = arith.shli %xor3A_480, %shift_left3A_483 : vector<16xi32>
        %shift_right_logical3A_485 = arith.constant 26 : i32
        %shift_right_logical3A_486 = vector.broadcast %shift_right_logical3A_485 : i32 to vector<16xi32>
        %shift_right_logical3A_487 = arith.shrui %xor3A_480, %shift_right_logical3A_486 : vector<16xi32>
        %or3A_488 = arith.ori %shift_left3A_484, %shift_right_logical3A_487 : vector<16xi32>
        %xor3A_489 = arith.xori %or3A_488, %add3A_481 : vector<16xi32>
        %add3A_490 = arith.constant 466689008 : i32
        %add3A_491 = vector.broadcast %add3A_490 : i32 to vector<16xi32>
        %add3A_492 = arith.addi %add3A_481, %add3A_491 : vector<16xi32>
        %add3A_493 = arith.constant 0 : i32
        %add3A_494 = vector.broadcast %add3A_493 : i32 to vector<16xi32>
        %add3A_495 = arith.addi %xor3A_489, %add3A_494 : vector<16xi32>
        %add3A_496 = arith.constant 5 : i32
        %add3A_497 = vector.broadcast %add3A_496 : i32 to vector<16xi32>
        %add3A_498 = arith.addi %add3A_495, %add3A_497 : vector<16xi32>
        %xor3A_499 = arith.xori %add3A_492, %add3A_498 : vector<16xi32>
        %swap3A_500 = arith.index_cast %add3A_265 : i32 to index
        %swap3A_501 = tpu.vector_load %arg3[%swap3A_500] {strides = array<i32>} : memref<34464xi32, #tpu.memory_space<vmem>>, vector<16xi32>,
        %swap3A_502 = vector.shape_cast %swap3A_501 : vector<16xi32> to vector<16xi32>
        %swap3A_503 = vector.shape_cast %xor3A_499 : vector<16xi32> to vector<16xi32>
        tpu.vector_store %arg3[%swap3A_500], %swap3A_503 {strides = array<i32>} : memref<34464xi32, #tpu.memory_space<vmem>>, vector<16xi32>,
        %add3A_504 = arith.constant 32 : i32
        %add3A_505 = arith.addi %mul3A_29, %add3A_504 : i32
        %add3A_506 = arith.addi %add3A_15, %add3A_505 : i32
        %add3A_507 = vector.broadcast %add3A_506 : i32 to vector<16xi32>
        %add3A_508 = arith.addi %add3A_507, %iota3A : vector<16xi32>
        %broadcast_in_dim3A_509 = arith.constant 0 : i32
        %broadcast_in_dim3A_510 = vector.broadcast %broadcast_in_dim3A_509 : i32 to vector<16xi32>
        %add3A_511 = arith.constant 42 : i32
        %add3A_512 = vector.broadcast %add3A_511 : i32 to vector<16xi32>
        %add3A_513 = arith.addi %add3A_508, %add3A_512 : vector<16xi32>
        %add3A_514 = arith.addi %broadcast_in_dim3A_510, %add3A_513 : vector<16xi32>
        %shift_left3A_515 = arith.constant 13 : i32
        %shift_left3A_516 = vector.broadcast %shift_left3A_515 : i32 to vector<16xi32>
        %shift_left3A_517 = arith.shli %add3A_513, %shift_left3A_516 : vector<16xi32>
        %shift_right_logical3A_518 = arith.constant 19 : i32
        %shift_right_logical3A_519 = vector.broadcast %shift_right_logical3A_518 : i32 to vector<16xi32>
        %shift_right_logical3A_520 = arith.shrui %add3A_513, %shift_right_logical3A_519 : vector<16xi32>
        %or3A_521 = arith.ori %shift_left3A_517, %shift_right_logical3A_520 : vector<16xi32>
        %xor3A_522 = arith.xori %or3A_521, %add3A_514 : vector<16xi32>
        %add3A_523 = arith.addi %add3A_514, %xor3A_522 : vector<16xi32>
        %shift_left3A_524 = arith.constant 15 : i32
        %shift_left3A_525 = vector.broadcast %shift_left3A_524 : i32 to vector<16xi32>
        %shift_left3A_526 = arith.shli %xor3A_522, %shift_left3A_525 : vector<16xi32>
        %shift_right_logical3A_527 = arith.constant 17 : i32
        %shift_right_logical3A_528 = vector.broadcast %shift_right_logical3A_527 : i32 to vector<16xi32>
        %shift_right_logical3A_529 = arith.shrui %xor3A_522, %shift_right_logical3A_528 : vector<16xi32>
        %or3A_530 = arith.ori %shift_left3A_526, %shift_right_logical3A_529 : vector<16xi32>
        %xor3A_531 = arith.xori %or3A_530, %add3A_523 : vector<16xi32>
        %add3A_532 = arith.addi %add3A_523, %xor3A_531 : vector<16xi32>
        %shift_left3A_533 = arith.constant 26 : i32
        %shift_left3A_534 = vector.broadcast %shift_left3A_533 : i32 to vector<16xi32>
        %shift_left3A_535 = arith.shli %xor3A_531, %shift_left3A_534 : vector<16xi32>
        %shift_right_logical3A_536 = arith.constant 6 : i32
        %shift_right_logical3A_537 = vector.broadcast %shift_right_logical3A_536 : i32 to vector<16xi32>
        %shift_right_logical3A_538 = arith.shrui %xor3A_531, %shift_right_logical3A_537 : vector<16xi32>
        %or3A_539 = arith.ori %shift_left3A_535, %shift_right_logical3A_538 : vector<16xi32>
        %xor3A_540 = arith.xori %or3A_539, %add3A_532 : vector<16xi32>
        %add3A_541 = arith.addi %add3A_532, %xor3A_540 : vector<16xi32>
        %shift_left3A_542 = arith.constant 6 : i32
        %shift_left3A_543 = vector.broadcast %shift_left3A_542 : i32 to vector<16xi32>
        %shift_left3A_544 = arith.shli %xor3A_540, %shift_left3A_543 : vector<16xi32>
        %shift_right_logical3A_545 = arith.constant 26 : i32
        %shift_right_logical3A_546 = vector.broadcast %shift_right_logical3A_545 : i32 to vector<16xi32>
        %shift_right_logical3A_547 = arith.shrui %xor3A_540, %shift_right_logical3A_546 : vector<16xi32>
        %or3A_548 = arith.ori %shift_left3A_544, %shift_right_logical3A_547 : vector<16xi32>
        %xor3A_549 = arith.xori %or3A_548, %add3A_541 : vector<16xi32>
        %add3A_550 = arith.constant 42 : i32
        %add3A_551 = vector.broadcast %add3A_550 : i32 to vector<16xi32>
        %add3A_552 = arith.addi %add3A_541, %add3A_551 : vector<16xi32>
        %add3A_553 = arith.constant 466689008 : i32
        %add3A_554 = vector.broadcast %add3A_553 : i32 to vector<16xi32>
        %add3A_555 = arith.addi %xor3A_549, %add3A_554 : vector<16xi32>
        %add3A_556 = arith.constant 1 : i32
        %add3A_557 = vector.broadcast %add3A_556 : i32 to vector<16xi32>
        %add3A_558 = arith.addi %add3A_555, %add3A_557 : vector<16xi32>
        %add3A_559 = arith.addi %add3A_552, %add3A_558 : vector<16xi32>
        %shift_left3A_560 = arith.constant 17 : i32
        %shift_left3A_561 = vector.broadcast %shift_left3A_560 : i32 to vector<16xi32>
        %shift_left3A_562 = arith.shli %add3A_558, %shift_left3A_561 : vector<16xi32>
        %shift_right_logical3A_563 = arith.constant 15 : i32
        %shift_right_logical3A_564 = vector.broadcast %shift_right_logical3A_563 : i32 to vector<16xi32>
        %shift_right_logical3A_565 = arith.shrui %add3A_558, %shift_right_logical3A_564 : vector<16xi32>
        %or3A_566 = arith.ori %shift_left3A_562, %shift_right_logical3A_565 : vector<16xi32>
        %xor3A_567 = arith.xori %or3A_566, %add3A_559 : vector<16xi32>
        %add3A_568 = arith.addi %add3A_559, %xor3A_567 : vector<16xi32>
        %shift_left3A_569 = arith.constant 29 : i32
        %shift_left3A_570 = vector.broadcast %shift_left3A_569 : i32 to vector<16xi32>
        %shift_left3A_571 = arith.shli %xor3A_567, %shift_left3A_570 : vector<16xi32>
        %shift_right_logical3A_572 = arith.constant 3 : i32
        %shift_right_logical3A_573 = vector.broadcast %shift_right_logical3A_572 : i32 to vector<16xi32>
        %shift_right_logical3A_574 = arith.shrui %xor3A_567, %shift_right_logical3A_573 : vector<16xi32>
        %or3A_575 = arith.ori %shift_left3A_571, %shift_right_logical3A_574 : vector<16xi32>
        %xor3A_576 = arith.xori %or3A_575, %add3A_568 : vector<16xi32>
        %add3A_577 = arith.addi %add3A_568, %xor3A_576 : vector<16xi32>
        %shift_left3A_578 = arith.constant 16 : i32
        %shift_left3A_579 = vector.broadcast %shift_left3A_578 : i32 to vector<16xi32>
        %shift_left3A_580 = arith.shli %xor3A_576, %shift_left3A_579 : vector<16xi32>
        %shift_right_logical3A_581 = arith.constant 16 : i32
        %shift_right_logical3A_582 = vector.broadcast %shift_right_logical3A_581 : i32 to vector<16xi32>
        %shift_right_logical3A_583 = arith.shrui %xor3A_576, %shift_right_logical3A_582 : vector<16xi32>
        %or3A_584 = arith.ori %shift_left3A_580, %shift_right_logical3A_583 : vector<16xi32>
        %xor3A_585 = arith.xori %or3A_584, %add3A_577 : vector<16xi32>
        %add3A_586 = arith.addi %add3A_577, %xor3A_585 : vector<16xi32>
        %shift_left3A_587 = arith.constant 24 : i32
        %shift_left3A_588 = vector.broadcast %shift_left3A_587 : i32 to vector<16xi32>
        %shift_left3A_589 = arith.shli %xor3A_585, %shift_left3A_588 : vector<16xi32>
        %shift_right_logical3A_590 = arith.constant 8 : i32
        %shift_right_logical3A_591 = vector.broadcast %shift_right_logical3A_590 : i32 to vector<16xi32>
        %shift_right_logical3A_592 = arith.shrui %xor3A_585, %shift_right_logical3A_591 : vector<16xi32>
        %or3A_593 = arith.ori %shift_left3A_589, %shift_right_logical3A_592 : vector<16xi32>
        %xor3A_594 = arith.xori %or3A_593, %add3A_586 : vector<16xi32>
        %add3A_595 = arith.constant 466689008 : i32
        %add3A_596 = vector.broadcast %add3A_595 : i32 to vector<16xi32>
        %add3A_597 = arith.addi %add3A_586, %add3A_596 : vector<16xi32>
        %add3A_598 = arith.constant 0 : i32
        %add3A_599 = vector.broadcast %add3A_598 : i32 to vector<16xi32>
        %add3A_600 = arith.addi %xor3A_594, %add3A_599 : vector<16xi32>
        %add3A_601 = arith.constant 2 : i32
        %add3A_602 = vector.broadcast %add3A_601 : i32 to vector<16xi32>
        %add3A_603 = arith.addi %add3A_600, %add3A_602 : vector<16xi32>
        %add3A_604 = arith.addi %add3A_597, %add3A_603 : vector<16xi32>
        %shift_left3A_605 = arith.constant 13 : i32
        %shift_left3A_606 = vector.broadcast %shift_left3A_605 : i32 to vector<16xi32>
        %shift_left3A_607 = arith.shli %add3A_603, %shift_left3A_606 : vector<16xi32>
        %shift_right_logical3A_608 = arith.constant 19 : i32
        %shift_right_logical3A_609 = vector.broadcast %shift_right_logical3A_608 : i32 to vector<16xi32>
        %shift_right_logical3A_610 = arith.shrui %add3A_603, %shift_right_logical3A_609 : vector<16xi32>
        %or3A_611 = arith.ori %shift_left3A_607, %shift_right_logical3A_610 : vector<16xi32>
        %xor3A_612 = arith.xori %or3A_611, %add3A_604 : vector<16xi32>
        %add3A_613 = arith.addi %add3A_604, %xor3A_612 : vector<16xi32>
        %shift_left3A_614 = arith.constant 15 : i32
        %shift_left3A_615 = vector.broadcast %shift_left3A_614 : i32 to vector<16xi32>
        %shift_left3A_616 = arith.shli %xor3A_612, %shift_left3A_615 : vector<16xi32>
        %shift_right_logical3A_617 = arith.constant 17 : i32
        %shift_right_logical3A_618 = vector.broadcast %shift_right_logical3A_617 : i32 to vector<16xi32>
        %shift_right_logical3A_619 = arith.shrui %xor3A_612, %shift_right_logical3A_618 : vector<16xi32>
        %or3A_620 = arith.ori %shift_left3A_616, %shift_right_logical3A_619 : vector<16xi32>
        %xor3A_621 = arith.xori %or3A_620, %add3A_613 : vector<16xi32>
        %add3A_622 = arith.addi %add3A_613, %xor3A_621 : vector<16xi32>
        %shift_left3A_623 = arith.constant 26 : i32
        %shift_left3A_624 = vector.broadcast %shift_left3A_623 : i32 to vector<16xi32>
        %shift_left3A_625 = arith.shli %xor3A_621, %shift_left3A_624 : vector<16xi32>
        %shift_right_logical3A_626 = arith.constant 6 : i32
        %shift_right_logical3A_627 = vector.broadcast %shift_right_logical3A_626 : i32 to vector<16xi32>
        %shift_right_logical3A_628 = arith.shrui %xor3A_621, %shift_right_logical3A_627 : vector<16xi32>
        %or3A_629 = arith.ori %shift_left3A_625, %shift_right_logical3A_628 : vector<16xi32>
        %xor3A_630 = arith.xori %or3A_629, %add3A_622 : vector<16xi32>
        %add3A_631 = arith.addi %add3A_622, %xor3A_630 : vector<16xi32>
        %shift_left3A_632 = arith.constant 6 : i32
        %shift_left3A_633 = vector.broadcast %shift_left3A_632 : i32 to vector<16xi32>
        %shift_left3A_634 = arith.shli %xor3A_630, %shift_left3A_633 : vector<16xi32>
        %shift_right_logical3A_635 = arith.constant 26 : i32
        %shift_right_logical3A_636 = vector.broadcast %shift_right_logical3A_635 : i32 to vector<16xi32>
        %shift_right_logical3A_637 = arith.shrui %xor3A_630, %shift_right_logical3A_636 : vector<16xi32>
        %or3A_638 = arith.ori %shift_left3A_634, %shift_right_logical3A_637 : vector<16xi32>
        %xor3A_639 = arith.xori %or3A_638, %add3A_631 : vector<16xi32>
        %add3A_640 = arith.constant 0 : i32
        %add3A_641 = vector.broadcast %add3A_640 : i32 to vector<16xi32>
        %add3A_642 = arith.addi %add3A_631, %add3A_641 : vector<16xi32>
        %add3A_643 = arith.constant 42 : i32
        %add3A_644 = vector.broadcast %add3A_643 : i32 to vector<16xi32>
        %add3A_645 = arith.addi %xor3A_639, %add3A_644 : vector<16xi32>
        %add3A_646 = arith.constant 3 : i32
        %add3A_647 = vector.broadcast %add3A_646 : i32 to vector<16xi32>
        %add3A_648 = arith.addi %add3A_645, %add3A_647 : vector<16xi32>
        %add3A_649 = arith.addi %add3A_642, %add3A_648 : vector<16xi32>
        %shift_left3A_650 = arith.constant 17 : i32
        %shift_left3A_651 = vector.broadcast %shift_left3A_650 : i32 to vector<16xi32>
        %shift_left3A_652 = arith.shli %add3A_648, %shift_left3A_651 : vector<16xi32>
        %shift_right_logical3A_653 = arith.constant 15 : i32
        %shift_right_logical3A_654 = vector.broadcast %shift_right_logical3A_653 : i32 to vector<16xi32>
        %shift_right_logical3A_655 = arith.shrui %add3A_648, %shift_right_logical3A_654 : vector<16xi32>
        %or3A_656 = arith.ori %shift_left3A_652, %shift_right_logical3A_655 : vector<16xi32>
        %xor3A_657 = arith.xori %or3A_656, %add3A_649 : vector<16xi32>
        %add3A_658 = arith.addi %add3A_649, %xor3A_657 : vector<16xi32>
        %shift_left3A_659 = arith.constant 29 : i32
        %shift_left3A_660 = vector.broadcast %shift_left3A_659 : i32 to vector<16xi32>
        %shift_left3A_661 = arith.shli %xor3A_657, %shift_left3A_660 : vector<16xi32>
        %shift_right_logical3A_662 = arith.constant 3 : i32
        %shift_right_logical3A_663 = vector.broadcast %shift_right_logical3A_662 : i32 to vector<16xi32>
        %shift_right_logical3A_664 = arith.shrui %xor3A_657, %shift_right_logical3A_663 : vector<16xi32>
        %or3A_665 = arith.ori %shift_left3A_661, %shift_right_logical3A_664 : vector<16xi32>
        %xor3A_666 = arith.xori %or3A_665, %add3A_658 : vector<16xi32>
        %add3A_667 = arith.addi %add3A_658, %xor3A_666 : vector<16xi32>
        %shift_left3A_668 = arith.constant 16 : i32
        %shift_left3A_669 = vector.broadcast %shift_left3A_668 : i32 to vector<16xi32>
        %shift_left3A_670 = arith.shli %xor3A_666, %shift_left3A_669 : vector<16xi32>
        %shift_right_logical3A_671 = arith.constant 16 : i32
        %shift_right_logical3A_672 = vector.broadcast %shift_right_logical3A_671 : i32 to vector<16xi32>
        %shift_right_logical3A_673 = arith.shrui %xor3A_666, %shift_right_logical3A_672 : vector<16xi32>
        %or3A_674 = arith.ori %shift_left3A_670, %shift_right_logical3A_673 : vector<16xi32>
        %xor3A_675 = arith.xori %or3A_674, %add3A_667 : vector<16xi32>
        %add3A_676 = arith.addi %add3A_667, %xor3A_675 : vector<16xi32>
        %shift_left3A_677 = arith.constant 24 : i32
        %shift_left3A_678 = vector.broadcast %shift_left3A_677 : i32 to vector<16xi32>
        %shift_left3A_679 = arith.shli %xor3A_675, %shift_left3A_678 : vector<16xi32>
        %shift_right_logical3A_680 = arith.constant 8 : i32
        %shift_right_logical3A_681 = vector.broadcast %shift_right_logical3A_680 : i32 to vector<16xi32>
        %shift_right_logical3A_682 = arith.shrui %xor3A_675, %shift_right_logical3A_681 : vector<16xi32>
        %or3A_683 = arith.ori %shift_left3A_679, %shift_right_logical3A_682 : vector<16xi32>
        %xor3A_684 = arith.xori %or3A_683, %add3A_676 : vector<16xi32>
        %add3A_685 = arith.constant 42 : i32
        %add3A_686 = vector.broadcast %add3A_685 : i32 to vector<16xi32>
        %add3A_687 = arith.addi %add3A_676, %add3A_686 : vector<16xi32>
        %add3A_688 = arith.constant 466689008 : i32
        %add3A_689 = vector.broadcast %add3A_688 : i32 to vector<16xi32>
        %add3A_690 = arith.addi %xor3A_684, %add3A_689 : vector<16xi32>
        %add3A_691 = arith.constant 4 : i32
        %add3A_692 = vector.broadcast %add3A_691 : i32 to vector<16xi32>
        %add3A_693 = arith.addi %add3A_690, %add3A_692 : vector<16xi32>
        %add3A_694 = arith.addi %add3A_687, %add3A_693 : vector<16xi32>
        %shift_left3A_695 = arith.constant 13 : i32
        %shift_left3A_696 = vector.broadcast %shift_left3A_695 : i32 to vector<16xi32>
        %shift_left3A_697 = arith.shli %add3A_693, %shift_left3A_696 : vector<16xi32>
        %shift_right_logical3A_698 = arith.constant 19 : i32
        %shift_right_logical3A_699 = vector.broadcast %shift_right_logical3A_698 : i32 to vector<16xi32>
        %shift_right_logical3A_700 = arith.shrui %add3A_693, %shift_right_logical3A_699 : vector<16xi32>
        %or3A_701 = arith.ori %shift_left3A_697, %shift_right_logical3A_700 : vector<16xi32>
        %xor3A_702 = arith.xori %or3A_701, %add3A_694 : vector<16xi32>
        %add3A_703 = arith.addi %add3A_694, %xor3A_702 : vector<16xi32>
        %shift_left3A_704 = arith.constant 15 : i32
        %shift_left3A_705 = vector.broadcast %shift_left3A_704 : i32 to vector<16xi32>
        %shift_left3A_706 = arith.shli %xor3A_702, %shift_left3A_705 : vector<16xi32>
        %shift_right_logical3A_707 = arith.constant 17 : i32
        %shift_right_logical3A_708 = vector.broadcast %shift_right_logical3A_707 : i32 to vector<16xi32>
        %shift_right_logical3A_709 = arith.shrui %xor3A_702, %shift_right_logical3A_708 : vector<16xi32>
        %or3A_710 = arith.ori %shift_left3A_706, %shift_right_logical3A_709 : vector<16xi32>
        %xor3A_711 = arith.xori %or3A_710, %add3A_703 : vector<16xi32>
        %add3A_712 = arith.addi %add3A_703, %xor3A_711 : vector<16xi32>
        %shift_left3A_713 = arith.constant 26 : i32
        %shift_left3A_714 = vector.broadcast %shift_left3A_713 : i32 to vector<16xi32>
        %shift_left3A_715 = arith.shli %xor3A_711, %shift_left3A_714 : vector<16xi32>
        %shift_right_logical3A_716 = arith.constant 6 : i32
        %shift_right_logical3A_717 = vector.broadcast %shift_right_logical3A_716 : i32 to vector<16xi32>
        %shift_right_logical3A_718 = arith.shrui %xor3A_711, %shift_right_logical3A_717 : vector<16xi32>
        %or3A_719 = arith.ori %shift_left3A_715, %shift_right_logical3A_718 : vector<16xi32>
        %xor3A_720 = arith.xori %or3A_719, %add3A_712 : vector<16xi32>
        %add3A_721 = arith.addi %add3A_712, %xor3A_720 : vector<16xi32>
        %shift_left3A_722 = arith.constant 6 : i32
        %shift_left3A_723 = vector.broadcast %shift_left3A_722 : i32 to vector<16xi32>
        %shift_left3A_724 = arith.shli %xor3A_720, %shift_left3A_723 : vector<16xi32>
        %shift_right_logical3A_725 = arith.constant 26 : i32
        %shift_right_logical3A_726 = vector.broadcast %shift_right_logical3A_725 : i32 to vector<16xi32>
        %shift_right_logical3A_727 = arith.shrui %xor3A_720, %shift_right_logical3A_726 : vector<16xi32>
        %or3A_728 = arith.ori %shift_left3A_724, %shift_right_logical3A_727 : vector<16xi32>
        %xor3A_729 = arith.xori %or3A_728, %add3A_721 : vector<16xi32>
        %add3A_730 = arith.constant 466689008 : i32
        %add3A_731 = vector.broadcast %add3A_730 : i32 to vector<16xi32>
        %add3A_732 = arith.addi %add3A_721, %add3A_731 : vector<16xi32>
        %add3A_733 = arith.constant 0 : i32
        %add3A_734 = vector.broadcast %add3A_733 : i32 to vector<16xi32>
        %add3A_735 = arith.addi %xor3A_729, %add3A_734 : vector<16xi32>
        %add3A_736 = arith.constant 5 : i32
        %add3A_737 = vector.broadcast %add3A_736 : i32 to vector<16xi32>
        %add3A_738 = arith.addi %add3A_735, %add3A_737 : vector<16xi32>
        %xor3A_739 = arith.xori %add3A_732, %add3A_738 : vector<16xi32>
        %swap3A_740 = arith.index_cast %add3A_505 : i32 to index
        %swap3A_741 = tpu.vector_load %arg3[%swap3A_740] {strides = array<i32>} : memref<34464xi32, #tpu.memory_space<vmem>>, vector<16xi32>,
        %swap3A_742 = vector.shape_cast %swap3A_741 : vector<16xi32> to vector<16xi32>
        %swap3A_743 = vector.shape_cast %xor3A_739 : vector<16xi32> to vector<16xi32>
        tpu.vector_store %arg3[%swap3A_740], %swap3A_743 {strides = array<i32>} : memref<34464xi32, #tpu.memory_space<vmem>>, vector<16xi32>,
        %add3A_744 = arith.constant 48 : i32
        %add3A_745 = arith.addi %mul3A_29, %add3A_744 : i32
        %add3A_746 = arith.addi %add3A_15, %add3A_745 : i32
        %add3A_747 = vector.broadcast %add3A_746 : i32 to vector<16xi32>
        %add3A_748 = arith.addi %add3A_747, %iota3A : vector<16xi32>
        %broadcast_in_dim3A_749 = arith.constant 0 : i32
        %broadcast_in_dim3A_750 = vector.broadcast %broadcast_in_dim3A_749 : i32 to vector<16xi32>
        %add3A_751 = arith.constant 42 : i32
        %add3A_752 = vector.broadcast %add3A_751 : i32 to vector<16xi32>
        %add3A_753 = arith.addi %add3A_748, %add3A_752 : vector<16xi32>
        %add3A_754 = arith.addi %broadcast_in_dim3A_750, %add3A_753 : vector<16xi32>
        %shift_left3A_755 = arith.constant 13 : i32
        %shift_left3A_756 = vector.broadcast %shift_left3A_755 : i32 to vector<16xi32>
        %shift_left3A_757 = arith.shli %add3A_753, %shift_left3A_756 : vector<16xi32>
        %shift_right_logical3A_758 = arith.constant 19 : i32
        %shift_right_logical3A_759 = vector.broadcast %shift_right_logical3A_758 : i32 to vector<16xi32>
        %shift_right_logical3A_760 = arith.shrui %add3A_753, %shift_right_logical3A_759 : vector<16xi32>
        %or3A_761 = arith.ori %shift_left3A_757, %shift_right_logical3A_760 : vector<16xi32>
        %xor3A_762 = arith.xori %or3A_761, %add3A_754 : vector<16xi32>
        %add3A_763 = arith.addi %add3A_754, %xor3A_762 : vector<16xi32>
        %shift_left3A_764 = arith.constant 15 : i32
        %shift_left3A_765 = vector.broadcast %shift_left3A_764 : i32 to vector<16xi32>
        %shift_left3A_766 = arith.shli %xor3A_762, %shift_left3A_765 : vector<16xi32>
        %shift_right_logical3A_767 = arith.constant 17 : i32
        %shift_right_logical3A_768 = vector.broadcast %shift_right_logical3A_767 : i32 to vector<16xi32>
        %shift_right_logical3A_769 = arith.shrui %xor3A_762, %shift_right_logical3A_768 : vector<16xi32>
        %or3A_770 = arith.ori %shift_left3A_766, %shift_right_logical3A_769 : vector<16xi32>
        %xor3A_771 = arith.xori %or3A_770, %add3A_763 : vector<16xi32>
        %add3A_772 = arith.addi %add3A_763, %xor3A_771 : vector<16xi32>
        %shift_left3A_773 = arith.constant 26 : i32
        %shift_left3A_774 = vector.broadcast %shift_left3A_773 : i32 to vector<16xi32>
        %shift_left3A_775 = arith.shli %xor3A_771, %shift_left3A_774 : vector<16xi32>
        %shift_right_logical3A_776 = arith.constant 6 : i32
        %shift_right_logical3A_777 = vector.broadcast %shift_right_logical3A_776 : i32 to vector<16xi32>
        %shift_right_logical3A_778 = arith.shrui %xor3A_771, %shift_right_logical3A_777 : vector<16xi32>
        %or3A_779 = arith.ori %shift_left3A_775, %shift_right_logical3A_778 : vector<16xi32>
        %xor3A_780 = arith.xori %or3A_779, %add3A_772 : vector<16xi32>
        %add3A_781 = arith.addi %add3A_772, %xor3A_780 : vector<16xi32>
        %shift_left3A_782 = arith.constant 6 : i32
        %shift_left3A_783 = vector.broadcast %shift_left3A_782 : i32 to vector<16xi32>
        %shift_left3A_784 = arith.shli %xor3A_780, %shift_left3A_783 : vector<16xi32>
        %shift_right_logical3A_785 = arith.constant 26 : i32
        %shift_right_logical3A_786 = vector.broadcast %shift_right_logical3A_785 : i32 to vector<16xi32>
        %shift_right_logical3A_787 = arith.shrui %xor3A_780, %shift_right_logical3A_786 : vector<16xi32>
        %or3A_788 = arith.ori %shift_left3A_784, %shift_right_logical3A_787 : vector<16xi32>
        %xor3A_789 = arith.xori %or3A_788, %add3A_781 : vector<16xi32>
        %add3A_790 = arith.constant 42 : i32
        %add3A_791 = vector.broadcast %add3A_790 : i32 to vector<16xi32>
        %add3A_792 = arith.addi %add3A_781, %add3A_791 : vector<16xi32>
        %add3A_793 = arith.constant 466689008 : i32
        %add3A_794 = vector.broadcast %add3A_793 : i32 to vector<16xi32>
        %add3A_795 = arith.addi %xor3A_789, %add3A_794 : vector<16xi32>
        %add3A_796 = arith.constant 1 : i32
        %add3A_797 = vector.broadcast %add3A_796 : i32 to vector<16xi32>
        %add3A_798 = arith.addi %add3A_795, %add3A_797 : vector<16xi32>
        %add3A_799 = arith.addi %add3A_792, %add3A_798 : vector<16xi32>
        %shift_left3A_800 = arith.constant 17 : i32
        %shift_left3A_801 = vector.broadcast %shift_left3A_800 : i32 to vector<16xi32>
        %shift_left3A_802 = arith.shli %add3A_798, %shift_left3A_801 : vector<16xi32>
        %shift_right_logical3A_803 = arith.constant 15 : i32
        %shift_right_logical3A_804 = vector.broadcast %shift_right_logical3A_803 : i32 to vector<16xi32>
        %shift_right_logical3A_805 = arith.shrui %add3A_798, %shift_right_logical3A_804 : vector<16xi32>
        %or3A_806 = arith.ori %shift_left3A_802, %shift_right_logical3A_805 : vector<16xi32>
        %xor3A_807 = arith.xori %or3A_806, %add3A_799 : vector<16xi32>
        %add3A_808 = arith.addi %add3A_799, %xor3A_807 : vector<16xi32>
        %shift_left3A_809 = arith.constant 29 : i32
        %shift_left3A_810 = vector.broadcast %shift_left3A_809 : i32 to vector<16xi32>
        %shift_left3A_811 = arith.shli %xor3A_807, %shift_left3A_810 : vector<16xi32>
        %shift_right_logical3A_812 = arith.constant 3 : i32
        %shift_right_logical3A_813 = vector.broadcast %shift_right_logical3A_812 : i32 to vector<16xi32>
        %shift_right_logical3A_814 = arith.shrui %xor3A_807, %shift_right_logical3A_813 : vector<16xi32>
        %or3A_815 = arith.ori %shift_left3A_811, %shift_right_logical3A_814 : vector<16xi32>
        %xor3A_816 = arith.xori %or3A_815, %add3A_808 : vector<16xi32>
        %add3A_817 = arith.addi %add3A_808, %xor3A_816 : vector<16xi32>
        %shift_left3A_818 = arith.constant 16 : i32
        %shift_left3A_819 = vector.broadcast %shift_left3A_818 : i32 to vector<16xi32>
        %shift_left3A_820 = arith.shli %xor3A_816, %shift_left3A_819 : vector<16xi32>
        %shift_right_logical3A_821 = arith.constant 16 : i32
        %shift_right_logical3A_822 = vector.broadcast %shift_right_logical3A_821 : i32 to vector<16xi32>
        %shift_right_logical3A_823 = arith.shrui %xor3A_816, %shift_right_logical3A_822 : vector<16xi32>
        %or3A_824 = arith.ori %shift_left3A_820, %shift_right_logical3A_823 : vector<16xi32>
        %xor3A_825 = arith.xori %or3A_824, %add3A_817 : vector<16xi32>
        %add3A_826 = arith.addi %add3A_817, %xor3A_825 : vector<16xi32>
        %shift_left3A_827 = arith.constant 24 : i32
        %shift_left3A_828 = vector.broadcast %shift_left3A_827 : i32 to vector<16xi32>
        %shift_left3A_829 = arith.shli %xor3A_825, %shift_left3A_828 : vector<16xi32>
        %shift_right_logical3A_830 = arith.constant 8 : i32
        %shift_right_logical3A_831 = vector.broadcast %shift_right_logical3A_830 : i32 to vector<16xi32>
        %shift_right_logical3A_832 = arith.shrui %xor3A_825, %shift_right_logical3A_831 : vector<16xi32>
        %or3A_833 = arith.ori %shift_left3A_829, %shift_right_logical3A_832 : vector<16xi32>
        %xor3A_834 = arith.xori %or3A_833, %add3A_826 : vector<16xi32>
        %add3A_835 = arith.constant 466689008 : i32
        %add3A_836 = vector.broadcast %add3A_835 : i32 to vector<16xi32>
        %add3A_837 = arith.addi %add3A_826, %add3A_836 : vector<16xi32>
        %add3A_838 = arith.constant 0 : i32
        %add3A_839 = vector.broadcast %add3A_838 : i32 to vector<16xi32>
        %add3A_840 = arith.addi %xor3A_834, %add3A_839 : vector<16xi32>
        %add3A_841 = arith.constant 2 : i32
        %add3A_842 = vector.broadcast %add3A_841 : i32 to vector<16xi32>
        %add3A_843 = arith.addi %add3A_840, %add3A_842 : vector<16xi32>
        %add3A_844 = arith.addi %add3A_837, %add3A_843 : vector<16xi32>
        %shift_left3A_845 = arith.constant 13 : i32
        %shift_left3A_846 = vector.broadcast %shift_left3A_845 : i32 to vector<16xi32>
        %shift_left3A_847 = arith.shli %add3A_843, %shift_left3A_846 : vector<16xi32>
        %shift_right_logical3A_848 = arith.constant 19 : i32
        %shift_right_logical3A_849 = vector.broadcast %shift_right_logical3A_848 : i32 to vector<16xi32>
        %shift_right_logical3A_850 = arith.shrui %add3A_843, %shift_right_logical3A_849 : vector<16xi32>
        %or3A_851 = arith.ori %shift_left3A_847, %shift_right_logical3A_850 : vector<16xi32>
        %xor3A_852 = arith.xori %or3A_851, %add3A_844 : vector<16xi32>
        %add3A_853 = arith.addi %add3A_844, %xor3A_852 : vector<16xi32>
        %shift_left3A_854 = arith.constant 15 : i32
        %shift_left3A_855 = vector.broadcast %shift_left3A_854 : i32 to vector<16xi32>
        %shift_left3A_856 = arith.shli %xor3A_852, %shift_left3A_855 : vector<16xi32>
        %shift_right_logical3A_857 = arith.constant 17 : i32
        %shift_right_logical3A_858 = vector.broadcast %shift_right_logical3A_857 : i32 to vector<16xi32>
        %shift_right_logical3A_859 = arith.shrui %xor3A_852, %shift_right_logical3A_858 : vector<16xi32>
        %or3A_860 = arith.ori %shift_left3A_856, %shift_right_logical3A_859 : vector<16xi32>
        %xor3A_861 = arith.xori %or3A_860, %add3A_853 : vector<16xi32>
        %add3A_862 = arith.addi %add3A_853, %xor3A_861 : vector<16xi32>
        %shift_left3A_863 = arith.constant 26 : i32
        %shift_left3A_864 = vector.broadcast %shift_left3A_863 : i32 to vector<16xi32>
        %shift_left3A_865 = arith.shli %xor3A_861, %shift_left3A_864 : vector<16xi32>
        %shift_right_logical3A_866 = arith.constant 6 : i32
        %shift_right_logical3A_867 = vector.broadcast %shift_right_logical3A_866 : i32 to vector<16xi32>
        %shift_right_logical3A_868 = arith.shrui %xor3A_861, %shift_right_logical3A_867 : vector<16xi32>
        %or3A_869 = arith.ori %shift_left3A_865, %shift_right_logical3A_868 : vector<16xi32>
        %xor3A_870 = arith.xori %or3A_869, %add3A_862 : vector<16xi32>
        %add3A_871 = arith.addi %add3A_862, %xor3A_870 : vector<16xi32>
        %shift_left3A_872 = arith.constant 6 : i32
        %shift_left3A_873 = vector.broadcast %shift_left3A_872 : i32 to vector<16xi32>
        %shift_left3A_874 = arith.shli %xor3A_870, %shift_left3A_873 : vector<16xi32>
        %shift_right_logical3A_875 = arith.constant 26 : i32
        %shift_right_logical3A_876 = vector.broadcast %shift_right_logical3A_875 : i32 to vector<16xi32>
        %shift_right_logical3A_877 = arith.shrui %xor3A_870, %shift_right_logical3A_876 : vector<16xi32>
        %or3A_878 = arith.ori %shift_left3A_874, %shift_right_logical3A_877 : vector<16xi32>
        %xor3A_879 = arith.xori %or3A_878, %add3A_871 : vector<16xi32>
        %add3A_880 = arith.constant 0 : i32
        %add3A_881 = vector.broadcast %add3A_880 : i32 to vector<16xi32>
        %add3A_882 = arith.addi %add3A_871, %add3A_881 : vector<16xi32>
        %add3A_883 = arith.constant 42 : i32
        %add3A_884 = vector.broadcast %add3A_883 : i32 to vector<16xi32>
        %add3A_885 = arith.addi %xor3A_879, %add3A_884 : vector<16xi32>
        %add3A_886 = arith.constant 3 : i32
        %add3A_887 = vector.broadcast %add3A_886 : i32 to vector<16xi32>
        %add3A_888 = arith.addi %add3A_885, %add3A_887 : vector<16xi32>
        %add3A_889 = arith.addi %add3A_882, %add3A_888 : vector<16xi32>
        %shift_left3A_890 = arith.constant 17 : i32
        %shift_left3A_891 = vector.broadcast %shift_left3A_890 : i32 to vector<16xi32>
        %shift_left3A_892 = arith.shli %add3A_888, %shift_left3A_891 : vector<16xi32>
        %shift_right_logical3A_893 = arith.constant 15 : i32
        %shift_right_logical3A_894 = vector.broadcast %shift_right_logical3A_893 : i32 to vector<16xi32>
        %shift_right_logical3A_895 = arith.shrui %add3A_888, %shift_right_logical3A_894 : vector<16xi32>
        %or3A_896 = arith.ori %shift_left3A_892, %shift_right_logical3A_895 : vector<16xi32>
        %xor3A_897 = arith.xori %or3A_896, %add3A_889 : vector<16xi32>
        %add3A_898 = arith.addi %add3A_889, %xor3A_897 : vector<16xi32>
        %shift_left3A_899 = arith.constant 29 : i32
        %shift_left3A_900 = vector.broadcast %shift_left3A_899 : i32 to vector<16xi32>
        %shift_left3A_901 = arith.shli %xor3A_897, %shift_left3A_900 : vector<16xi32>
        %shift_right_logical3A_902 = arith.constant 3 : i32
        %shift_right_logical3A_903 = vector.broadcast %shift_right_logical3A_902 : i32 to vector<16xi32>
        %shift_right_logical3A_904 = arith.shrui %xor3A_897, %shift_right_logical3A_903 : vector<16xi32>
        %or3A_905 = arith.ori %shift_left3A_901, %shift_right_logical3A_904 : vector<16xi32>
        %xor3A_906 = arith.xori %or3A_905, %add3A_898 : vector<16xi32>
        %add3A_907 = arith.addi %add3A_898, %xor3A_906 : vector<16xi32>
        %shift_left3A_908 = arith.constant 16 : i32
        %shift_left3A_909 = vector.broadcast %shift_left3A_908 : i32 to vector<16xi32>
        %shift_left3A_910 = arith.shli %xor3A_906, %shift_left3A_909 : vector<16xi32>
        %shift_right_logical3A_911 = arith.constant 16 : i32
        %shift_right_logical3A_912 = vector.broadcast %shift_right_logical3A_911 : i32 to vector<16xi32>
        %shift_right_logical3A_913 = arith.shrui %xor3A_906, %shift_right_logical3A_912 : vector<16xi32>
        %or3A_914 = arith.ori %shift_left3A_910, %shift_right_logical3A_913 : vector<16xi32>
        %xor3A_915 = arith.xori %or3A_914, %add3A_907 : vector<16xi32>
        %add3A_916 = arith.addi %add3A_907, %xor3A_915 : vector<16xi32>
        %shift_left3A_917 = arith.constant 24 : i32
        %shift_left3A_918 = vector.broadcast %shift_left3A_917 : i32 to vector<16xi32>
        %shift_left3A_919 = arith.shli %xor3A_915, %shift_left3A_918 : vector<16xi32>
        %shift_right_logical3A_920 = arith.constant 8 : i32
        %shift_right_logical3A_921 = vector.broadcast %shift_right_logical3A_920 : i32 to vector<16xi32>
        %shift_right_logical3A_922 = arith.shrui %xor3A_915, %shift_right_logical3A_921 : vector<16xi32>
        %or3A_923 = arith.ori %shift_left3A_919, %shift_right_logical3A_922 : vector<16xi32>
        %xor3A_924 = arith.xori %or3A_923, %add3A_916 : vector<16xi32>
        %add3A_925 = arith.constant 42 : i32
        %add3A_926 = vector.broadcast %add3A_925 : i32 to vector<16xi32>
        %add3A_927 = arith.addi %add3A_916, %add3A_926 : vector<16xi32>
        %add3A_928 = arith.constant 466689008 : i32
        %add3A_929 = vector.broadcast %add3A_928 : i32 to vector<16xi32>
        %add3A_930 = arith.addi %xor3A_924, %add3A_929 : vector<16xi32>
        %add3A_931 = arith.constant 4 : i32
        %add3A_932 = vector.broadcast %add3A_931 : i32 to vector<16xi32>
        %add3A_933 = arith.addi %add3A_930, %add3A_932 : vector<16xi32>
        %add3A_934 = arith.addi %add3A_927, %add3A_933 : vector<16xi32>
        %shift_left3A_935 = arith.constant 13 : i32
        %shift_left3A_936 = vector.broadcast %shift_left3A_935 : i32 to vector<16xi32>
        %shift_left3A_937 = arith.shli %add3A_933, %shift_left3A_936 : vector<16xi32>
        %shift_right_logical3A_938 = arith.constant 19 : i32
        %shift_right_logical3A_939 = vector.broadcast %shift_right_logical3A_938 : i32 to vector<16xi32>
        %shift_right_logical3A_940 = arith.shrui %add3A_933, %shift_right_logical3A_939 : vector<16xi32>
        %or3A_941 = arith.ori %shift_left3A_937, %shift_right_logical3A_940 : vector<16xi32>
        %xor3A_942 = arith.xori %or3A_941, %add3A_934 : vector<16xi32>
        %add3A_943 = arith.addi %add3A_934, %xor3A_942 : vector<16xi32>
        %shift_left3A_944 = arith.constant 15 : i32
        %shift_left3A_945 = vector.broadcast %shift_left3A_944 : i32 to vector<16xi32>
        %shift_left3A_946 = arith.shli %xor3A_942, %shift_left3A_945 : vector<16xi32>
        %shift_right_logical3A_947 = arith.constant 17 : i32
        %shift_right_logical3A_948 = vector.broadcast %shift_right_logical3A_947 : i32 to vector<16xi32>
        %shift_right_logical3A_949 = arith.shrui %xor3A_942, %shift_right_logical3A_948 : vector<16xi32>
        %or3A_950 = arith.ori %shift_left3A_946, %shift_right_logical3A_949 : vector<16xi32>
        %xor3A_951 = arith.xori %or3A_950, %add3A_943 : vector<16xi32>
        %add3A_952 = arith.addi %add3A_943, %xor3A_951 : vector<16xi32>
        %shift_left3A_953 = arith.constant 26 : i32
        %shift_left3A_954 = vector.broadcast %shift_left3A_953 : i32 to vector<16xi32>
        %shift_left3A_955 = arith.shli %xor3A_951, %shift_left3A_954 : vector<16xi32>
        %shift_right_logical3A_956 = arith.constant 6 : i32
        %shift_right_logical3A_957 = vector.broadcast %shift_right_logical3A_956 : i32 to vector<16xi32>
        %shift_right_logical3A_958 = arith.shrui %xor3A_951, %shift_right_logical3A_957 : vector<16xi32>
        %or3A_959 = arith.ori %shift_left3A_955, %shift_right_logical3A_958 : vector<16xi32>
        %xor3A_960 = arith.xori %or3A_959, %add3A_952 : vector<16xi32>
        %add3A_961 = arith.addi %add3A_952, %xor3A_960 : vector<16xi32>
        %shift_left3A_962 = arith.constant 6 : i32
        %shift_left3A_963 = vector.broadcast %shift_left3A_962 : i32 to vector<16xi32>
        %shift_left3A_964 = arith.shli %xor3A_960, %shift_left3A_963 : vector<16xi32>
        %shift_right_logical3A_965 = arith.constant 26 : i32
        %shift_right_logical3A_966 = vector.broadcast %shift_right_logical3A_965 : i32 to vector<16xi32>
        %shift_right_logical3A_967 = arith.shrui %xor3A_960, %shift_right_logical3A_966 : vector<16xi32>
        %or3A_968 = arith.ori %shift_left3A_964, %shift_right_logical3A_967 : vector<16xi32>
        %xor3A_969 = arith.xori %or3A_968, %add3A_961 : vector<16xi32>
        %add3A_970 = arith.constant 466689008 : i32
        %add3A_971 = vector.broadcast %add3A_970 : i32 to vector<16xi32>
        %add3A_972 = arith.addi %add3A_961, %add3A_971 : vector<16xi32>
        %add3A_973 = arith.constant 0 : i32
        %add3A_974 = vector.broadcast %add3A_973 : i32 to vector<16xi32>
        %add3A_975 = arith.addi %xor3A_969, %add3A_974 : vector<16xi32>
        %add3A_976 = arith.constant 5 : i32
        %add3A_977 = vector.broadcast %add3A_976 : i32 to vector<16xi32>
        %add3A_978 = arith.addi %add3A_975, %add3A_977 : vector<16xi32>
        %xor3A_979 = arith.xori %add3A_972, %add3A_978 : vector<16xi32>
        %swap3A_980 = arith.index_cast %add3A_745 : i32 to index
        %swap3A_981 = tpu.vector_load %arg3[%swap3A_980] {strides = array<i32>} : memref<34464xi32, #tpu.memory_space<vmem>>, vector<16xi32>,
        %swap3A_982 = vector.shape_cast %swap3A_981 : vector<16xi32> to vector<16xi32>
        %swap3A_983 = vector.shape_cast %xor3A_979 : vector<16xi32> to vector<16xi32>
        tpu.vector_store %arg3[%swap3A_980], %swap3A_983 {strides = array<i32>} : memref<34464xi32, #tpu.memory_space<vmem>>, vector<16xi32>,
        %add3A_984 = arith.constant 64 : i32
        %add3A_985 = arith.addi %mul3A_29, %add3A_984 : i32
        %add3A_986 = arith.addi %add3A_15, %add3A_985 : i32
        %add3A_987 = vector.broadcast %add3A_986 : i32 to vector<16xi32>
        %add3A_988 = arith.addi %add3A_987, %iota3A : vector<16xi32>
        %broadcast_in_dim3A_989 = arith.constant 0 : i32
        %broadcast_in_dim3A_990 = vector.broadcast %broadcast_in_dim3A_989 : i32 to vector<16xi32>
        %add3A_991 = arith.constant 42 : i32
        %add3A_992 = vector.broadcast %add3A_991 : i32 to vector<16xi32>
        %add3A_993 = arith.addi %add3A_988, %add3A_992 : vector<16xi32>
        %add3A_994 = arith.addi %broadcast_in_dim3A_990, %add3A_993 : vector<16xi32>
        %shift_left3A_995 = arith.constant 13 : i32
        %shift_left3A_996 = vector.broadcast %shift_left3A_995 : i32 to vector<16xi32>
        %shift_left3A_997 = arith.shli %add3A_993, %shift_left3A_996 : vector<16xi32>
        %shift_right_logical3A_998 = arith.constant 19 : i32
        %shift_right_logical3A_999 = vector.broadcast %shift_right_logical3A_998 : i32 to vector<16xi32>
        %shift_right_logical3A_1000 = arith.shrui %add3A_993, %shift_right_logical3A_999 : vector<16xi32>
        %or3A_1001 = arith.ori %shift_left3A_997, %shift_right_logical3A_1000 : vector<16xi32>
        %xor3A_1002 = arith.xori %or3A_1001, %add3A_994 : vector<16xi32>
        %add3A_1003 = arith.addi %add3A_994, %xor3A_1002 : vector<16xi32>
        %shift_left3A_1004 = arith.constant 15 : i32
        %shift_left3A_1005 = vector.broadcast %shift_left3A_1004 : i32 to vector<16xi32>
        %shift_left3A_1006 = arith.shli %xor3A_1002, %shift_left3A_1005 : vector<16xi32>
        %shift_right_logical3A_1007 = arith.constant 17 : i32
        %shift_right_logical3A_1008 = vector.broadcast %shift_right_logical3A_1007 : i32 to vector<16xi32>
        %shift_right_logical3A_1009 = arith.shrui %xor3A_1002, %shift_right_logical3A_1008 : vector<16xi32>
        %or3A_1010 = arith.ori %shift_left3A_1006, %shift_right_logical3A_1009 : vector<16xi32>
        %xor3A_1011 = arith.xori %or3A_1010, %add3A_1003 : vector<16xi32>
        %add3A_1012 = arith.addi %add3A_1003, %xor3A_1011 : vector<16xi32>
        %shift_left3A_1013 = arith.constant 26 : i32
        %shift_left3A_1014 = vector.broadcast %shift_left3A_1013 : i32 to vector<16xi32>
        %shift_left3A_1015 = arith.shli %xor3A_1011, %shift_left3A_1014 : vector<16xi32>
        %shift_right_logical3A_1016 = arith.constant 6 : i32
        %shift_right_logical3A_1017 = vector.broadcast %shift_right_logical3A_1016 : i32 to vector<16xi32>
        %shift_right_logical3A_1018 = arith.shrui %xor3A_1011, %shift_right_logical3A_1017 : vector<16xi32>
        %or3A_1019 = arith.ori %shift_left3A_1015, %shift_right_logical3A_1018 : vector<16xi32>
        %xor3A_1020 = arith.xori %or3A_1019, %add3A_1012 : vector<16xi32>
        %add3A_1021 = arith.addi %add3A_1012, %xor3A_1020 : vector<16xi32>
        %shift_left3A_1022 = arith.constant 6 : i32
        %shift_left3A_1023 = vector.broadcast %shift_left3A_1022 : i32 to vector<16xi32>
        %shift_left3A_1024 = arith.shli %xor3A_1020, %shift_left3A_1023 : vector<16xi32>
        %shift_right_logical3A_1025 = arith.constant 26 : i32
        %shift_right_logical3A_1026 = vector.broadcast %shift_right_logical3A_1025 : i32 to vector<16xi32>
        %shift_right_logical3A_1027 = arith.shrui %xor3A_1020, %shift_right_logical3A_1026 : vector<16xi32>
        %or3A_1028 = arith.ori %shift_left3A_1024, %shift_right_logical3A_1027 : vector<16xi32>
        %xor3A_1029 = arith.xori %or3A_1028, %add3A_1021 : vector<16xi32>
        %add3A_1030 = arith.constant 42 : i32
        %add3A_1031 = vector.broadcast %add3A_1030 : i32 to vector<16xi32>
        %add3A_1032 = arith.addi %add3A_1021, %add3A_1031 : vector<16xi32>
        %add3A_1033 = arith.constant 466689008 : i32
        %add3A_1034 = vector.broadcast %add3A_1033 : i32 to vector<16xi32>
        %add3A_1035 = arith.addi %xor3A_1029, %add3A_1034 : vector<16xi32>
        %add3A_1036 = arith.constant 1 : i32
        %add3A_1037 = vector.broadcast %add3A_1036 : i32 to vector<16xi32>
        %add3A_1038 = arith.addi %add3A_1035, %add3A_1037 : vector<16xi32>
        %add3A_1039 = arith.addi %add3A_1032, %add3A_1038 : vector<16xi32>
        %shift_left3A_1040 = arith.constant 17 : i32
        %shift_left3A_1041 = vector.broadcast %shift_left3A_1040 : i32 to vector<16xi32>
        %shift_left3A_1042 = arith.shli %add3A_1038, %shift_left3A_1041 : vector<16xi32>
        %shift_right_logical3A_1043 = arith.constant 15 : i32
        %shift_right_logical3A_1044 = vector.broadcast %shift_right_logical3A_1043 : i32 to vector<16xi32>
        %shift_right_logical3A_1045 = arith.shrui %add3A_1038, %shift_right_logical3A_1044 : vector<16xi32>
        %or3A_1046 = arith.ori %shift_left3A_1042, %shift_right_logical3A_1045 : vector<16xi32>
        %xor3A_1047 = arith.xori %or3A_1046, %add3A_1039 : vector<16xi32>
        %add3A_1048 = arith.addi %add3A_1039, %xor3A_1047 : vector<16xi32>
        %shift_left3A_1049 = arith.constant 29 : i32
        %shift_left3A_1050 = vector.broadcast %shift_left3A_1049 : i32 to vector<16xi32>
        %shift_left3A_1051 = arith.shli %xor3A_1047, %shift_left3A_1050 : vector<16xi32>
        %shift_right_logical3A_1052 = arith.constant 3 : i32
        %shift_right_logical3A_1053 = vector.broadcast %shift_right_logical3A_1052 : i32 to vector<16xi32>
        %shift_right_logical3A_1054 = arith.shrui %xor3A_1047, %shift_right_logical3A_1053 : vector<16xi32>
        %or3A_1055 = arith.ori %shift_left3A_1051, %shift_right_logical3A_1054 : vector<16xi32>
        %xor3A_1056 = arith.xori %or3A_1055, %add3A_1048 : vector<16xi32>
        %add3A_1057 = arith.addi %add3A_1048, %xor3A_1056 : vector<16xi32>
        %shift_left3A_1058 = arith.constant 16 : i32
        %shift_left3A_1059 = vector.broadcast %shift_left3A_1058 : i32 to vector<16xi32>
        %shift_left3A_1060 = arith.shli %xor3A_1056, %shift_left3A_1059 : vector<16xi32>
        %shift_right_logical3A_1061 = arith.constant 16 : i32
        %shift_right_logical3A_1062 = vector.broadcast %shift_right_logical3A_1061 : i32 to vector<16xi32>
        %shift_right_logical3A_1063 = arith.shrui %xor3A_1056, %shift_right_logical3A_1062 : vector<16xi32>
        %or3A_1064 = arith.ori %shift_left3A_1060, %shift_right_logical3A_1063 : vector<16xi32>
        %xor3A_1065 = arith.xori %or3A_1064, %add3A_1057 : vector<16xi32>
        %add3A_1066 = arith.addi %add3A_1057, %xor3A_1065 : vector<16xi32>
        %shift_left3A_1067 = arith.constant 24 : i32
        %shift_left3A_1068 = vector.broadcast %shift_left3A_1067 : i32 to vector<16xi32>
        %shift_left3A_1069 = arith.shli %xor3A_1065, %shift_left3A_1068 : vector<16xi32>
        %shift_right_logical3A_1070 = arith.constant 8 : i32
        %shift_right_logical3A_1071 = vector.broadcast %shift_right_logical3A_1070 : i32 to vector<16xi32>
        %shift_right_logical3A_1072 = arith.shrui %xor3A_1065, %shift_right_logical3A_1071 : vector<16xi32>
        %or3A_1073 = arith.ori %shift_left3A_1069, %shift_right_logical3A_1072 : vector<16xi32>
        %xor3A_1074 = arith.xori %or3A_1073, %add3A_1066 : vector<16xi32>
        %add3A_1075 = arith.constant 466689008 : i32
        %add3A_1076 = vector.broadcast %add3A_1075 : i32 to vector<16xi32>
        %add3A_1077 = arith.addi %add3A_1066, %add3A_1076 : vector<16xi32>
        %add3A_1078 = arith.constant 0 : i32
        %add3A_1079 = vector.broadcast %add3A_1078 : i32 to vector<16xi32>
        %add3A_1080 = arith.addi %xor3A_1074, %add3A_1079 : vector<16xi32>
        %add3A_1081 = arith.constant 2 : i32
        %add3A_1082 = vector.broadcast %add3A_1081 : i32 to vector<16xi32>
        %add3A_1083 = arith.addi %add3A_1080, %add3A_1082 : vector<16xi32>
        %add3A_1084 = arith.addi %add3A_1077, %add3A_1083 : vector<16xi32>
        %shift_left3A_1085 = arith.constant 13 : i32
        %shift_left3A_1086 = vector.broadcast %shift_left3A_1085 : i32 to vector<16xi32>
        %shift_left3A_1087 = arith.shli %add3A_1083, %shift_left3A_1086 : vector<16xi32>
        %shift_right_logical3A_1088 = arith.constant 19 : i32
        %shift_right_logical3A_1089 = vector.broadcast %shift_right_logical3A_1088 : i32 to vector<16xi32>
        %shift_right_logical3A_1090 = arith.shrui %add3A_1083, %shift_right_logical3A_1089 : vector<16xi32>
        %or3A_1091 = arith.ori %shift_left3A_1087, %shift_right_logical3A_1090 : vector<16xi32>
        %xor3A_1092 = arith.xori %or3A_1091, %add3A_1084 : vector<16xi32>
        %add3A_1093 = arith.addi %add3A_1084, %xor3A_1092 : vector<16xi32>
        %shift_left3A_1094 = arith.constant 15 : i32
        %shift_left3A_1095 = vector.broadcast %shift_left3A_1094 : i32 to vector<16xi32>
        %shift_left3A_1096 = arith.shli %xor3A_1092, %shift_left3A_1095 : vector<16xi32>
        %shift_right_logical3A_1097 = arith.constant 17 : i32
        %shift_right_logical3A_1098 = vector.broadcast %shift_right_logical3A_1097 : i32 to vector<16xi32>
        %shift_right_logical3A_1099 = arith.shrui %xor3A_1092, %shift_right_logical3A_1098 : vector<16xi32>
        %or3A_1100 = arith.ori %shift_left3A_1096, %shift_right_logical3A_1099 : vector<16xi32>
        %xor3A_1101 = arith.xori %or3A_1100, %add3A_1093 : vector<16xi32>
        %add3A_1102 = arith.addi %add3A_1093, %xor3A_1101 : vector<16xi32>
        %shift_left3A_1103 = arith.constant 26 : i32
        %shift_left3A_1104 = vector.broadcast %shift_left3A_1103 : i32 to vector<16xi32>
        %shift_left3A_1105 = arith.shli %xor3A_1101, %shift_left3A_1104 : vector<16xi32>
        %shift_right_logical3A_1106 = arith.constant 6 : i32
        %shift_right_logical3A_1107 = vector.broadcast %shift_right_logical3A_1106 : i32 to vector<16xi32>
        %shift_right_logical3A_1108 = arith.shrui %xor3A_1101, %shift_right_logical3A_1107 : vector<16xi32>
        %or3A_1109 = arith.ori %shift_left3A_1105, %shift_right_logical3A_1108 : vector<16xi32>
        %xor3A_1110 = arith.xori %or3A_1109, %add3A_1102 : vector<16xi32>
        %add3A_1111 = arith.addi %add3A_1102, %xor3A_1110 : vector<16xi32>
        %shift_left3A_1112 = arith.constant 6 : i32
        %shift_left3A_1113 = vector.broadcast %shift_left3A_1112 : i32 to vector<16xi32>
        %shift_left3A_1114 = arith.shli %xor3A_1110, %shift_left3A_1113 : vector<16xi32>
        %shift_right_logical3A_1115 = arith.constant 26 : i32
        %shift_right_logical3A_1116 = vector.broadcast %shift_right_logical3A_1115 : i32 to vector<16xi32>
        %shift_right_logical3A_1117 = arith.shrui %xor3A_1110, %shift_right_logical3A_1116 : vector<16xi32>
        %or3A_1118 = arith.ori %shift_left3A_1114, %shift_right_logical3A_1117 : vector<16xi32>
        %xor3A_1119 = arith.xori %or3A_1118, %add3A_1111 : vector<16xi32>
        %add3A_1120 = arith.constant 0 : i32
        %add3A_1121 = vector.broadcast %add3A_1120 : i32 to vector<16xi32>
        %add3A_1122 = arith.addi %add3A_1111, %add3A_1121 : vector<16xi32>
        %add3A_1123 = arith.constant 42 : i32
        %add3A_1124 = vector.broadcast %add3A_1123 : i32 to vector<16xi32>
        %add3A_1125 = arith.addi %xor3A_1119, %add3A_1124 : vector<16xi32>
        %add3A_1126 = arith.constant 3 : i32
        %add3A_1127 = vector.broadcast %add3A_1126 : i32 to vector<16xi32>
        %add3A_1128 = arith.addi %add3A_1125, %add3A_1127 : vector<16xi32>
        %add3A_1129 = arith.addi %add3A_1122, %add3A_1128 : vector<16xi32>
        %shift_left3A_1130 = arith.constant 17 : i32
        %shift_left3A_1131 = vector.broadcast %shift_left3A_1130 : i32 to vector<16xi32>
        %shift_left3A_1132 = arith.shli %add3A_1128, %shift_left3A_1131 : vector<16xi32>
        %shift_right_logical3A_1133 = arith.constant 15 : i32
        %shift_right_logical3A_1134 = vector.broadcast %shift_right_logical3A_1133 : i32 to vector<16xi32>
        %shift_right_logical3A_1135 = arith.shrui %add3A_1128, %shift_right_logical3A_1134 : vector<16xi32>
        %or3A_1136 = arith.ori %shift_left3A_1132, %shift_right_logical3A_1135 : vector<16xi32>
        %xor3A_1137 = arith.xori %or3A_1136, %add3A_1129 : vector<16xi32>
        %add3A_1138 = arith.addi %add3A_1129, %xor3A_1137 : vector<16xi32>
        %shift_left3A_1139 = arith.constant 29 : i32
        %shift_left3A_1140 = vector.broadcast %shift_left3A_1139 : i32 to vector<16xi32>
        %shift_left3A_1141 = arith.shli %xor3A_1137, %shift_left3A_1140 : vector<16xi32>
        %shift_right_logical3A_1142 = arith.constant 3 : i32
        %shift_right_logical3A_1143 = vector.broadcast %shift_right_logical3A_1142 : i32 to vector<16xi32>
        %shift_right_logical3A_1144 = arith.shrui %xor3A_1137, %shift_right_logical3A_1143 : vector<16xi32>
        %or3A_1145 = arith.ori %shift_left3A_1141, %shift_right_logical3A_1144 : vector<16xi32>
        %xor3A_1146 = arith.xori %or3A_1145, %add3A_1138 : vector<16xi32>
        %add3A_1147 = arith.addi %add3A_1138, %xor3A_1146 : vector<16xi32>
        %shift_left3A_1148 = arith.constant 16 : i32
        %shift_left3A_1149 = vector.broadcast %shift_left3A_1148 : i32 to vector<16xi32>
        %shift_left3A_1150 = arith.shli %xor3A_1146, %shift_left3A_1149 : vector<16xi32>
        %shift_right_logical3A_1151 = arith.constant 16 : i32
        %shift_right_logical3A_1152 = vector.broadcast %shift_right_logical3A_1151 : i32 to vector<16xi32>
        %shift_right_logical3A_1153 = arith.shrui %xor3A_1146, %shift_right_logical3A_1152 : vector<16xi32>
        %or3A_1154 = arith.ori %shift_left3A_1150, %shift_right_logical3A_1153 : vector<16xi32>
        %xor3A_1155 = arith.xori %or3A_1154, %add3A_1147 : vector<16xi32>
        %add3A_1156 = arith.addi %add3A_1147, %xor3A_1155 : vector<16xi32>
        %shift_left3A_1157 = arith.constant 24 : i32
        %shift_left3A_1158 = vector.broadcast %shift_left3A_1157 : i32 to vector<16xi32>
        %shift_left3A_1159 = arith.shli %xor3A_1155, %shift_left3A_1158 : vector<16xi32>
        %shift_right_logical3A_1160 = arith.constant 8 : i32
        %shift_right_logical3A_1161 = vector.broadcast %shift_right_logical3A_1160 : i32 to vector<16xi32>
        %shift_right_logical3A_1162 = arith.shrui %xor3A_1155, %shift_right_logical3A_1161 : vector<16xi32>
        %or3A_1163 = arith.ori %shift_left3A_1159, %shift_right_logical3A_1162 : vector<16xi32>
        %xor3A_1164 = arith.xori %or3A_1163, %add3A_1156 : vector<16xi32>
        %add3A_1165 = arith.constant 42 : i32
        %add3A_1166 = vector.broadcast %add3A_1165 : i32 to vector<16xi32>
        %add3A_1167 = arith.addi %add3A_1156, %add3A_1166 : vector<16xi32>
        %add3A_1168 = arith.constant 466689008 : i32
        %add3A_1169 = vector.broadcast %add3A_1168 : i32 to vector<16xi32>
        %add3A_1170 = arith.addi %xor3A_1164, %add3A_1169 : vector<16xi32>
        %add3A_1171 = arith.constant 4 : i32
        %add3A_1172 = vector.broadcast %add3A_1171 : i32 to vector<16xi32>
        %add3A_1173 = arith.addi %add3A_1170, %add3A_1172 : vector<16xi32>
        %add3A_1174 = arith.addi %add3A_1167, %add3A_1173 : vector<16xi32>
        %shift_left3A_1175 = arith.constant 13 : i32
        %shift_left3A_1176 = vector.broadcast %shift_left3A_1175 : i32 to vector<16xi32>
        %shift_left3A_1177 = arith.shli %add3A_1173, %shift_left3A_1176 : vector<16xi32>
        %shift_right_logical3A_1178 = arith.constant 19 : i32
        %shift_right_logical3A_1179 = vector.broadcast %shift_right_logical3A_1178 : i32 to vector<16xi32>
        %shift_right_logical3A_1180 = arith.shrui %add3A_1173, %shift_right_logical3A_1179 : vector<16xi32>
        %or3A_1181 = arith.ori %shift_left3A_1177, %shift_right_logical3A_1180 : vector<16xi32>
        %xor3A_1182 = arith.xori %or3A_1181, %add3A_1174 : vector<16xi32>
        %add3A_1183 = arith.addi %add3A_1174, %xor3A_1182 : vector<16xi32>
        %shift_left3A_1184 = arith.constant 15 : i32
        %shift_left3A_1185 = vector.broadcast %shift_left3A_1184 : i32 to vector<16xi32>
        %shift_left3A_1186 = arith.shli %xor3A_1182, %shift_left3A_1185 : vector<16xi32>
        %shift_right_logical3A_1187 = arith.constant 17 : i32
        %shift_right_logical3A_1188 = vector.broadcast %shift_right_logical3A_1187 : i32 to vector<16xi32>
        %shift_right_logical3A_1189 = arith.shrui %xor3A_1182, %shift_right_logical3A_1188 : vector<16xi32>
        %or3A_1190 = arith.ori %shift_left3A_1186, %shift_right_logical3A_1189 : vector<16xi32>
        %xor3A_1191 = arith.xori %or3A_1190, %add3A_1183 : vector<16xi32>
        %add3A_1192 = arith.addi %add3A_1183, %xor3A_1191 : vector<16xi32>
        %shift_left3A_1193 = arith.constant 26 : i32
        %shift_left3A_1194 = vector.broadcast %shift_left3A_1193 : i32 to vector<16xi32>
        %shift_left3A_1195 = arith.shli %xor3A_1191, %shift_left3A_1194 : vector<16xi32>
        %shift_right_logical3A_1196 = arith.constant 6 : i32
        %shift_right_logical3A_1197 = vector.broadcast %shift_right_logical3A_1196 : i32 to vector<16xi32>
        %shift_right_logical3A_1198 = arith.shrui %xor3A_1191, %shift_right_logical3A_1197 : vector<16xi32>
        %or3A_1199 = arith.ori %shift_left3A_1195, %shift_right_logical3A_1198 : vector<16xi32>
        %xor3A_1200 = arith.xori %or3A_1199, %add3A_1192 : vector<16xi32>
        %add3A_1201 = arith.addi %add3A_1192, %xor3A_1200 : vector<16xi32>
        %shift_left3A_1202 = arith.constant 6 : i32
        %shift_left3A_1203 = vector.broadcast %shift_left3A_1202 : i32 to vector<16xi32>
        %shift_left3A_1204 = arith.shli %xor3A_1200, %shift_left3A_1203 : vector<16xi32>
        %shift_right_logical3A_1205 = arith.constant 26 : i32
        %shift_right_logical3A_1206 = vector.broadcast %shift_right_logical3A_1205 : i32 to vector<16xi32>
        %shift_right_logical3A_1207 = arith.shrui %xor3A_1200, %shift_right_logical3A_1206 : vector<16xi32>
        %or3A_1208 = arith.ori %shift_left3A_1204, %shift_right_logical3A_1207 : vector<16xi32>
        %xor3A_1209 = arith.xori %or3A_1208, %add3A_1201 : vector<16xi32>
        %add3A_1210 = arith.constant 466689008 : i32
        %add3A_1211 = vector.broadcast %add3A_1210 : i32 to vector<16xi32>
        %add3A_1212 = arith.addi %add3A_1201, %add3A_1211 : vector<16xi32>
        %add3A_1213 = arith.constant 0 : i32
        %add3A_1214 = vector.broadcast %add3A_1213 : i32 to vector<16xi32>
        %add3A_1215 = arith.addi %xor3A_1209, %add3A_1214 : vector<16xi32>
        %add3A_1216 = arith.constant 5 : i32
        %add3A_1217 = vector.broadcast %add3A_1216 : i32 to vector<16xi32>
        %add3A_1218 = arith.addi %add3A_1215, %add3A_1217 : vector<16xi32>
        %xor3A_1219 = arith.xori %add3A_1212, %add3A_1218 : vector<16xi32>
        %swap3A_1220 = arith.index_cast %add3A_985 : i32 to index
        %swap3A_1221 = tpu.vector_load %arg3[%swap3A_1220] {strides = array<i32>} : memref<34464xi32, #tpu.memory_space<vmem>>, vector<16xi32>,
        %swap3A_1222 = vector.shape_cast %swap3A_1221 : vector<16xi32> to vector<16xi32>
        %swap3A_1223 = vector.shape_cast %xor3A_1219 : vector<16xi32> to vector<16xi32>
        tpu.vector_store %arg3[%swap3A_1220], %swap3A_1223 {strides = array<i32>} : memref<34464xi32, #tpu.memory_space<vmem>>, vector<16xi32>,
        %add3A_1224 = arith.constant 80 : i32
        %add3A_1225 = arith.addi %mul3A_29, %add3A_1224 : i32
        %add3A_1226 = arith.addi %add3A_15, %add3A_1225 : i32
        %add3A_1227 = vector.broadcast %add3A_1226 : i32 to vector<16xi32>
        %add3A_1228 = arith.addi %add3A_1227, %iota3A : vector<16xi32>
        %broadcast_in_dim3A_1229 = arith.constant 0 : i32
        %broadcast_in_dim3A_1230 = vector.broadcast %broadcast_in_dim3A_1229 : i32 to vector<16xi32>
        %add3A_1231 = arith.constant 42 : i32
        %add3A_1232 = vector.broadcast %add3A_1231 : i32 to vector<16xi32>
        %add3A_1233 = arith.addi %add3A_1228, %add3A_1232 : vector<16xi32>
        %add3A_1234 = arith.addi %broadcast_in_dim3A_1230, %add3A_1233 : vector<16xi32>
        %shift_left3A_1235 = arith.constant 13 : i32
        %shift_left3A_1236 = vector.broadcast %shift_left3A_1235 : i32 to vector<16xi32>
        %shift_left3A_1237 = arith.shli %add3A_1233, %shift_left3A_1236 : vector<16xi32>
        %shift_right_logical3A_1238 = arith.constant 19 : i32
        %shift_right_logical3A_1239 = vector.broadcast %shift_right_logical3A_1238 : i32 to vector<16xi32>
        %shift_right_logical3A_1240 = arith.shrui %add3A_1233, %shift_right_logical3A_1239 : vector<16xi32>
        %or3A_1241 = arith.ori %shift_left3A_1237, %shift_right_logical3A_1240 : vector<16xi32>
        %xor3A_1242 = arith.xori %or3A_1241, %add3A_1234 : vector<16xi32>
        %add3A_1243 = arith.addi %add3A_1234, %xor3A_1242 : vector<16xi32>
        %shift_left3A_1244 = arith.constant 15 : i32
        %shift_left3A_1245 = vector.broadcast %shift_left3A_1244 : i32 to vector<16xi32>
        %shift_left3A_1246 = arith.shli %xor3A_1242, %shift_left3A_1245 : vector<16xi32>
        %shift_right_logical3A_1247 = arith.constant 17 : i32
        %shift_right_logical3A_1248 = vector.broadcast %shift_right_logical3A_1247 : i32 to vector<16xi32>
        %shift_right_logical3A_1249 = arith.shrui %xor3A_1242, %shift_right_logical3A_1248 : vector<16xi32>
        %or3A_1250 = arith.ori %shift_left3A_1246, %shift_right_logical3A_1249 : vector<16xi32>
        %xor3A_1251 = arith.xori %or3A_1250, %add3A_1243 : vector<16xi32>
        %add3A_1252 = arith.addi %add3A_1243, %xor3A_1251 : vector<16xi32>
        %shift_left3A_1253 = arith.constant 26 : i32
        %shift_left3A_1254 = vector.broadcast %shift_left3A_1253 : i32 to vector<16xi32>
        %shift_left3A_1255 = arith.shli %xor3A_1251, %shift_left3A_1254 : vector<16xi32>
        %shift_right_logical3A_1256 = arith.constant 6 : i32
        %shift_right_logical3A_1257 = vector.broadcast %shift_right_logical3A_1256 : i32 to vector<16xi32>
        %shift_right_logical3A_1258 = arith.shrui %xor3A_1251, %shift_right_logical3A_1257 : vector<16xi32>
        %or3A_1259 = arith.ori %shift_left3A_1255, %shift_right_logical3A_1258 : vector<16xi32>
        %xor3A_1260 = arith.xori %or3A_1259, %add3A_1252 : vector<16xi32>
        %add3A_1261 = arith.addi %add3A_1252, %xor3A_1260 : vector<16xi32>
        %shift_left3A_1262 = arith.constant 6 : i32
        %shift_left3A_1263 = vector.broadcast %shift_left3A_1262 : i32 to vector<16xi32>
        %shift_left3A_1264 = arith.shli %xor3A_1260, %shift_left3A_1263 : vector<16xi32>
        %shift_right_logical3A_1265 = arith.constant 26 : i32
        %shift_right_logical3A_1266 = vector.broadcast %shift_right_logical3A_1265 : i32 to vector<16xi32>
        %shift_right_logical3A_1267 = arith.shrui %xor3A_1260, %shift_right_logical3A_1266 : vector<16xi32>
        %or3A_1268 = arith.ori %shift_left3A_1264, %shift_right_logical3A_1267 : vector<16xi32>
        %xor3A_1269 = arith.xori %or3A_1268, %add3A_1261 : vector<16xi32>
        %add3A_1270 = arith.constant 42 : i32
        %add3A_1271 = vector.broadcast %add3A_1270 : i32 to vector<16xi32>
        %add3A_1272 = arith.addi %add3A_1261, %add3A_1271 : vector<16xi32>
        %add3A_1273 = arith.constant 466689008 : i32
        %add3A_1274 = vector.broadcast %add3A_1273 : i32 to vector<16xi32>
        %add3A_1275 = arith.addi %xor3A_1269, %add3A_1274 : vector<16xi32>
        %add3A_1276 = arith.constant 1 : i32
        %add3A_1277 = vector.broadcast %add3A_1276 : i32 to vector<16xi32>
        %add3A_1278 = arith.addi %add3A_1275, %add3A_1277 : vector<16xi32>
        %add3A_1279 = arith.addi %add3A_1272, %add3A_1278 : vector<16xi32>
        %shift_left3A_1280 = arith.constant 17 : i32
        %shift_left3A_1281 = vector.broadcast %shift_left3A_1280 : i32 to vector<16xi32>
        %shift_left3A_1282 = arith.shli %add3A_1278, %shift_left3A_1281 : vector<16xi32>
        %shift_right_logical3A_1283 = arith.constant 15 : i32
        %shift_right_logical3A_1284 = vector.broadcast %shift_right_logical3A_1283 : i32 to vector<16xi32>
        %shift_right_logical3A_1285 = arith.shrui %add3A_1278, %shift_right_logical3A_1284 : vector<16xi32>
        %or3A_1286 = arith.ori %shift_left3A_1282, %shift_right_logical3A_1285 : vector<16xi32>
        %xor3A_1287 = arith.xori %or3A_1286, %add3A_1279 : vector<16xi32>
        %add3A_1288 = arith.addi %add3A_1279, %xor3A_1287 : vector<16xi32>
        %shift_left3A_1289 = arith.constant 29 : i32
        %shift_left3A_1290 = vector.broadcast %shift_left3A_1289 : i32 to vector<16xi32>
        %shift_left3A_1291 = arith.shli %xor3A_1287, %shift_left3A_1290 : vector<16xi32>
        %shift_right_logical3A_1292 = arith.constant 3 : i32
        %shift_right_logical3A_1293 = vector.broadcast %shift_right_logical3A_1292 : i32 to vector<16xi32>
        %shift_right_logical3A_1294 = arith.shrui %xor3A_1287, %shift_right_logical3A_1293 : vector<16xi32>
        %or3A_1295 = arith.ori %shift_left3A_1291, %shift_right_logical3A_1294 : vector<16xi32>
        %xor3A_1296 = arith.xori %or3A_1295, %add3A_1288 : vector<16xi32>
        %add3A_1297 = arith.addi %add3A_1288, %xor3A_1296 : vector<16xi32>
        %shift_left3A_1298 = arith.constant 16 : i32
        %shift_left3A_1299 = vector.broadcast %shift_left3A_1298 : i32 to vector<16xi32>
        %shift_left3A_1300 = arith.shli %xor3A_1296, %shift_left3A_1299 : vector<16xi32>
        %shift_right_logical3A_1301 = arith.constant 16 : i32
        %shift_right_logical3A_1302 = vector.broadcast %shift_right_logical3A_1301 : i32 to vector<16xi32>
        %shift_right_logical3A_1303 = arith.shrui %xor3A_1296, %shift_right_logical3A_1302 : vector<16xi32>
        %or3A_1304 = arith.ori %shift_left3A_1300, %shift_right_logical3A_1303 : vector<16xi32>
        %xor3A_1305 = arith.xori %or3A_1304, %add3A_1297 : vector<16xi32>
        %add3A_1306 = arith.addi %add3A_1297, %xor3A_1305 : vector<16xi32>
        %shift_left3A_1307 = arith.constant 24 : i32
        %shift_left3A_1308 = vector.broadcast %shift_left3A_1307 : i32 to vector<16xi32>
        %shift_left3A_1309 = arith.shli %xor3A_1305, %shift_left3A_1308 : vector<16xi32>
        %shift_right_logical3A_1310 = arith.constant 8 : i32
        %shift_right_logical3A_1311 = vector.broadcast %shift_right_logical3A_1310 : i32 to vector<16xi32>
        %shift_right_logical3A_1312 = arith.shrui %xor3A_1305, %shift_right_logical3A_1311 : vector<16xi32>
        %or3A_1313 = arith.ori %shift_left3A_1309, %shift_right_logical3A_1312 : vector<16xi32>
        %xor3A_1314 = arith.xori %or3A_1313, %add3A_1306 : vector<16xi32>
        %add3A_1315 = arith.constant 466689008 : i32
        %add3A_1316 = vector.broadcast %add3A_1315 : i32 to vector<16xi32>
        %add3A_1317 = arith.addi %add3A_1306, %add3A_1316 : vector<16xi32>
        %add3A_1318 = arith.constant 0 : i32
        %add3A_1319 = vector.broadcast %add3A_1318 : i32 to vector<16xi32>
        %add3A_1320 = arith.addi %xor3A_1314, %add3A_1319 : vector<16xi32>
        %add3A_1321 = arith.constant 2 : i32
        %add3A_1322 = vector.broadcast %add3A_1321 : i32 to vector<16xi32>
        %add3A_1323 = arith.addi %add3A_1320, %add3A_1322 : vector<16xi32>
        %add3A_1324 = arith.addi %add3A_1317, %add3A_1323 : vector<16xi32>
        %shift_left3A_1325 = arith.constant 13 : i32
        %shift_left3A_1326 = vector.broadcast %shift_left3A_1325 : i32 to vector<16xi32>
        %shift_left3A_1327 = arith.shli %add3A_1323, %shift_left3A_1326 : vector<16xi32>
        %shift_right_logical3A_1328 = arith.constant 19 : i32
        %shift_right_logical3A_1329 = vector.broadcast %shift_right_logical3A_1328 : i32 to vector<16xi32>
        %shift_right_logical3A_1330 = arith.shrui %add3A_1323, %shift_right_logical3A_1329 : vector<16xi32>
        %or3A_1331 = arith.ori %shift_left3A_1327, %shift_right_logical3A_1330 : vector<16xi32>
        %xor3A_1332 = arith.xori %or3A_1331, %add3A_1324 : vector<16xi32>
        %add3A_1333 = arith.addi %add3A_1324, %xor3A_1332 : vector<16xi32>
        %shift_left3A_1334 = arith.constant 15 : i32
        %shift_left3A_1335 = vector.broadcast %shift_left3A_1334 : i32 to vector<16xi32>
        %shift_left3A_1336 = arith.shli %xor3A_1332, %shift_left3A_1335 : vector<16xi32>
        %shift_right_logical3A_1337 = arith.constant 17 : i32
        %shift_right_logical3A_1338 = vector.broadcast %shift_right_logical3A_1337 : i32 to vector<16xi32>
        %shift_right_logical3A_1339 = arith.shrui %xor3A_1332, %shift_right_logical3A_1338 : vector<16xi32>
        %or3A_1340 = arith.ori %shift_left3A_1336, %shift_right_logical3A_1339 : vector<16xi32>
        %xor3A_1341 = arith.xori %or3A_1340, %add3A_1333 : vector<16xi32>
        %add3A_1342 = arith.addi %add3A_1333, %xor3A_1341 : vector<16xi32>
        %shift_left3A_1343 = arith.constant 26 : i32
        %shift_left3A_1344 = vector.broadcast %shift_left3A_1343 : i32 to vector<16xi32>
        %shift_left3A_1345 = arith.shli %xor3A_1341, %shift_left3A_1344 : vector<16xi32>
        %shift_right_logical3A_1346 = arith.constant 6 : i32
        %shift_right_logical3A_1347 = vector.broadcast %shift_right_logical3A_1346 : i32 to vector<16xi32>
        %shift_right_logical3A_1348 = arith.shrui %xor3A_1341, %shift_right_logical3A_1347 : vector<16xi32>
        %or3A_1349 = arith.ori %shift_left3A_1345, %shift_right_logical3A_1348 : vector<16xi32>
        %xor3A_1350 = arith.xori %or3A_1349, %add3A_1342 : vector<16xi32>
        %add3A_1351 = arith.addi %add3A_1342, %xor3A_1350 : vector<16xi32>
        %shift_left3A_1352 = arith.constant 6 : i32
        %shift_left3A_1353 = vector.broadcast %shift_left3A_1352 : i32 to vector<16xi32>
        %shift_left3A_1354 = arith.shli %xor3A_1350, %shift_left3A_1353 : vector<16xi32>
        %shift_right_logical3A_1355 = arith.constant 26 : i32
        %shift_right_logical3A_1356 = vector.broadcast %shift_right_logical3A_1355 : i32 to vector<16xi32>
        %shift_right_logical3A_1357 = arith.shrui %xor3A_1350, %shift_right_logical3A_1356 : vector<16xi32>
        %or3A_1358 = arith.ori %shift_left3A_1354, %shift_right_logical3A_1357 : vector<16xi32>
        %xor3A_1359 = arith.xori %or3A_1358, %add3A_1351 : vector<16xi32>
        %add3A_1360 = arith.constant 0 : i32
        %add3A_1361 = vector.broadcast %add3A_1360 : i32 to vector<16xi32>
        %add3A_1362 = arith.addi %add3A_1351, %add3A_1361 : vector<16xi32>
        %add3A_1363 = arith.constant 42 : i32
        %add3A_1364 = vector.broadcast %add3A_1363 : i32 to vector<16xi32>
        %add3A_1365 = arith.addi %xor3A_1359, %add3A_1364 : vector<16xi32>
        %add3A_1366 = arith.constant 3 : i32
        %add3A_1367 = vector.broadcast %add3A_1366 : i32 to vector<16xi32>
        %add3A_1368 = arith.addi %add3A_1365, %add3A_1367 : vector<16xi32>
        %add3A_1369 = arith.addi %add3A_1362, %add3A_1368 : vector<16xi32>
        %shift_left3A_1370 = arith.constant 17 : i32
        %shift_left3A_1371 = vector.broadcast %shift_left3A_1370 : i32 to vector<16xi32>
        %shift_left3A_1372 = arith.shli %add3A_1368, %shift_left3A_1371 : vector<16xi32>
        %shift_right_logical3A_1373 = arith.constant 15 : i32
        %shift_right_logical3A_1374 = vector.broadcast %shift_right_logical3A_1373 : i32 to vector<16xi32>
        %shift_right_logical3A_1375 = arith.shrui %add3A_1368, %shift_right_logical3A_1374 : vector<16xi32>
        %or3A_1376 = arith.ori %shift_left3A_1372, %shift_right_logical3A_1375 : vector<16xi32>
        %xor3A_1377 = arith.xori %or3A_1376, %add3A_1369 : vector<16xi32>
        %add3A_1378 = arith.addi %add3A_1369, %xor3A_1377 : vector<16xi32>
        %shift_left3A_1379 = arith.constant 29 : i32
        %shift_left3A_1380 = vector.broadcast %shift_left3A_1379 : i32 to vector<16xi32>
        %shift_left3A_1381 = arith.shli %xor3A_1377, %shift_left3A_1380 : vector<16xi32>
        %shift_right_logical3A_1382 = arith.constant 3 : i32
        %shift_right_logical3A_1383 = vector.broadcast %shift_right_logical3A_1382 : i32 to vector<16xi32>
        %shift_right_logical3A_1384 = arith.shrui %xor3A_1377, %shift_right_logical3A_1383 : vector<16xi32>
        %or3A_1385 = arith.ori %shift_left3A_1381, %shift_right_logical3A_1384 : vector<16xi32>
        %xor3A_1386 = arith.xori %or3A_1385, %add3A_1378 : vector<16xi32>
        %add3A_1387 = arith.addi %add3A_1378, %xor3A_1386 : vector<16xi32>
        %shift_left3A_1388 = arith.constant 16 : i32
        %shift_left3A_1389 = vector.broadcast %shift_left3A_1388 : i32 to vector<16xi32>
        %shift_left3A_1390 = arith.shli %xor3A_1386, %shift_left3A_1389 : vector<16xi32>
        %shift_right_logical3A_1391 = arith.constant 16 : i32
        %shift_right_logical3A_1392 = vector.broadcast %shift_right_logical3A_1391 : i32 to vector<16xi32>
        %shift_right_logical3A_1393 = arith.shrui %xor3A_1386, %shift_right_logical3A_1392 : vector<16xi32>
        %or3A_1394 = arith.ori %shift_left3A_1390, %shift_right_logical3A_1393 : vector<16xi32>
        %xor3A_1395 = arith.xori %or3A_1394, %add3A_1387 : vector<16xi32>
        %add3A_1396 = arith.addi %add3A_1387, %xor3A_1395 : vector<16xi32>
        %shift_left3A_1397 = arith.constant 24 : i32
        %shift_left3A_1398 = vector.broadcast %shift_left3A_1397 : i32 to vector<16xi32>
        %shift_left3A_1399 = arith.shli %xor3A_1395, %shift_left3A_1398 : vector<16xi32>
        %shift_right_logical3A_1400 = arith.constant 8 : i32
        %shift_right_logical3A_1401 = vector.broadcast %shift_right_logical3A_1400 : i32 to vector<16xi32>
        %shift_right_logical3A_1402 = arith.shrui %xor3A_1395, %shift_right_logical3A_1401 : vector<16xi32>
        %or3A_1403 = arith.ori %shift_left3A_1399, %shift_right_logical3A_1402 : vector<16xi32>
        %xor3A_1404 = arith.xori %or3A_1403, %add3A_1396 : vector<16xi32>
        %add3A_1405 = arith.constant 42 : i32
        %add3A_1406 = vector.broadcast %add3A_1405 : i32 to vector<16xi32>
        %add3A_1407 = arith.addi %add3A_1396, %add3A_1406 : vector<16xi32>
        %add3A_1408 = arith.constant 466689008 : i32
        %add3A_1409 = vector.broadcast %add3A_1408 : i32 to vector<16xi32>
        %add3A_1410 = arith.addi %xor3A_1404, %add3A_1409 : vector<16xi32>
        %add3A_1411 = arith.constant 4 : i32
        %add3A_1412 = vector.broadcast %add3A_1411 : i32 to vector<16xi32>
        %add3A_1413 = arith.addi %add3A_1410, %add3A_1412 : vector<16xi32>
        %add3A_1414 = arith.addi %add3A_1407, %add3A_1413 : vector<16xi32>
        %shift_left3A_1415 = arith.constant 13 : i32
        %shift_left3A_1416 = vector.broadcast %shift_left3A_1415 : i32 to vector<16xi32>
        %shift_left3A_1417 = arith.shli %add3A_1413, %shift_left3A_1416 : vector<16xi32>
        %shift_right_logical3A_1418 = arith.constant 19 : i32
        %shift_right_logical3A_1419 = vector.broadcast %shift_right_logical3A_1418 : i32 to vector<16xi32>
        %shift_right_logical3A_1420 = arith.shrui %add3A_1413, %shift_right_logical3A_1419 : vector<16xi32>
        %or3A_1421 = arith.ori %shift_left3A_1417, %shift_right_logical3A_1420 : vector<16xi32>
        %xor3A_1422 = arith.xori %or3A_1421, %add3A_1414 : vector<16xi32>
        %add3A_1423 = arith.addi %add3A_1414, %xor3A_1422 : vector<16xi32>
        %shift_left3A_1424 = arith.constant 15 : i32
        %shift_left3A_1425 = vector.broadcast %shift_left3A_1424 : i32 to vector<16xi32>
        %shift_left3A_1426 = arith.shli %xor3A_1422, %shift_left3A_1425 : vector<16xi32>
        %shift_right_logical3A_1427 = arith.constant 17 : i32
        %shift_right_logical3A_1428 = vector.broadcast %shift_right_logical3A_1427 : i32 to vector<16xi32>
        %shift_right_logical3A_1429 = arith.shrui %xor3A_1422, %shift_right_logical3A_1428 : vector<16xi32>
        %or3A_1430 = arith.ori %shift_left3A_1426, %shift_right_logical3A_1429 : vector<16xi32>
        %xor3A_1431 = arith.xori %or3A_1430, %add3A_1423 : vector<16xi32>
        %add3A_1432 = arith.addi %add3A_1423, %xor3A_1431 : vector<16xi32>
        %shift_left3A_1433 = arith.constant 26 : i32
        %shift_left3A_1434 = vector.broadcast %shift_left3A_1433 : i32 to vector<16xi32>
        %shift_left3A_1435 = arith.shli %xor3A_1431, %shift_left3A_1434 : vector<16xi32>
        %shift_right_logical3A_1436 = arith.constant 6 : i32
        %shift_right_logical3A_1437 = vector.broadcast %shift_right_logical3A_1436 : i32 to vector<16xi32>
        %shift_right_logical3A_1438 = arith.shrui %xor3A_1431, %shift_right_logical3A_1437 : vector<16xi32>
        %or3A_1439 = arith.ori %shift_left3A_1435, %shift_right_logical3A_1438 : vector<16xi32>
        %xor3A_1440 = arith.xori %or3A_1439, %add3A_1432 : vector<16xi32>
        %add3A_1441 = arith.addi %add3A_1432, %xor3A_1440 : vector<16xi32>
        %shift_left3A_1442 = arith.constant 6 : i32
        %shift_left3A_1443 = vector.broadcast %shift_left3A_1442 : i32 to vector<16xi32>
        %shift_left3A_1444 = arith.shli %xor3A_1440, %shift_left3A_1443 : vector<16xi32>
        %shift_right_logical3A_1445 = arith.constant 26 : i32
        %shift_right_logical3A_1446 = vector.broadcast %shift_right_logical3A_1445 : i32 to vector<16xi32>
        %shift_right_logical3A_1447 = arith.shrui %xor3A_1440, %shift_right_logical3A_1446 : vector<16xi32>
        %or3A_1448 = arith.ori %shift_left3A_1444, %shift_right_logical3A_1447 : vector<16xi32>
        %xor3A_1449 = arith.xori %or3A_1448, %add3A_1441 : vector<16xi32>
        %add3A_1450 = arith.constant 466689008 : i32
        %add3A_1451 = vector.broadcast %add3A_1450 : i32 to vector<16xi32>
        %add3A_1452 = arith.addi %add3A_1441, %add3A_1451 : vector<16xi32>
        %add3A_1453 = arith.constant 0 : i32
        %add3A_1454 = vector.broadcast %add3A_1453 : i32 to vector<16xi32>
        %add3A_1455 = arith.addi %xor3A_1449, %add3A_1454 : vector<16xi32>
        %add3A_1456 = arith.constant 5 : i32
        %add3A_1457 = vector.broadcast %add3A_1456 : i32 to vector<16xi32>
        %add3A_1458 = arith.addi %add3A_1455, %add3A_1457 : vector<16xi32>
        %xor3A_1459 = arith.xori %add3A_1452, %add3A_1458 : vector<16xi32>
        %swap3A_1460 = arith.index_cast %add3A_1225 : i32 to index
        %swap3A_1461 = tpu.vector_load %arg3[%swap3A_1460] {strides = array<i32>} : memref<34464xi32, #tpu.memory_space<vmem>>, vector<16xi32>,
        %swap3A_1462 = vector.shape_cast %swap3A_1461 : vector<16xi32> to vector<16xi32>
        %swap3A_1463 = vector.shape_cast %xor3A_1459 : vector<16xi32> to vector<16xi32>
        tpu.vector_store %arg3[%swap3A_1460], %swap3A_1463 {strides = array<i32>} : memref<34464xi32, #tpu.memory_space<vmem>>, vector<16xi32>,
        %scan3A_1464 = arith.constant 0 : i32
        scf.yield %scan3A_1464 : i32
      }
      %scan3A_22 = arith.constant 359 : i32
      "tpu.region"() ({
        %run_scoped3A = tpu.sem_alloc : memref<!tpu.dma_semaphore, #tpu.memory_space<semaphore_mem>>
        %dma_start3A = arith.constant 0 : i32
        %dma_start3A_24 = tpu.memref_slice %arg2[%add3A_11, %dma_start3A] : memref<128x34464xi32, #tpu.memory_space<hbm>> -> memref<1x34464xi32, #tpu.memory_space<hbm>>
        %dma_start3A_25 = tpu.memref_squeeze %dma_start3A_24 : memref<1x34464xi32, #tpu.memory_space<hbm>> -> memref<34464xi32, #tpu.memory_space<hbm>>
        %dma_start3A_26 = arith.constant 0 : i32
        %dma_start3A_27 = tpu.memref_slice %arg2[%add3A_11, %dma_start3A_26] : memref<128x34464xi32, #tpu.memory_space<hbm>> -> memref<1x34464xi32, #tpu.memory_space<hbm>>
        %dma_start3A_28 = tpu.memref_squeeze %dma_start3A_27 : memref<1x34464xi32, #tpu.memory_space<hbm>> -> memref<34464xi32, #tpu.memory_space<hbm>>
        tpu.enqueue_dma source(%arg3 : memref<34464xi32, #tpu.memory_space<vmem>>) target(%dma_start3A_28 : memref<34464xi32, #tpu.memory_space<hbm>>) target_semaphore(%run_scoped3A : memref<!tpu.dma_semaphore, #tpu.memory_space<semaphore_mem>>)
        %dma_wait3A = arith.constant 0 : i32
        %dma_wait3A_29 = tpu.memref_slice %arg2[%add3A_11, %dma_wait3A] : memref<128x34464xi32, #tpu.memory_space<hbm>> -> memref<1x34464xi32, #tpu.memory_space<hbm>>
        %dma_wait3A_30 = tpu.memref_squeeze %dma_wait3A_29 : memref<1x34464xi32, #tpu.memory_space<hbm>> -> memref<34464xi32, #tpu.memory_space<hbm>>
        %dma_wait3A_31 = arith.constant 0 : i32
        %dma_wait3A_32 = tpu.memref_slice %arg2[%add3A_11, %dma_wait3A_31] : memref<128x34464xi32, #tpu.memory_space<hbm>> -> memref<1x34464xi32, #tpu.memory_space<hbm>>
        %dma_wait3A_33 = tpu.memref_squeeze %dma_wait3A_32 : memref<1x34464xi32, #tpu.memory_space<hbm>> -> memref<34464xi32, #tpu.memory_space<hbm>>
        tpu.wait_dma2 semaphore(%run_scoped3A : memref<!tpu.dma_semaphore, #tpu.memory_space<semaphore_mem>>) src(%arg3 : memref<34464xi32, #tpu.memory_space<vmem>>) dst(%dma_wait3A_33 : memref<34464xi32, #tpu.memory_space<hbm>>)
        tpu.yield
      }) : () -> ()
      %scan3A_23 = arith.constant 0 : i32
      scf.yield %scan3A_23 : i32
    }
    %scan3A_6 = arith.constant 4 : i32
    return
  }
}

module attributes {stable_mosaic.version = 14 : i64} {
  func.func @_body_b(%arg0: i32, %arg1: memref<8x34464xi32, #tpu.memory_space<vmem>>, %arg2: memref<8x34464xf32, #tpu.memory_space<vmem>>, %arg3: memref<1x8x512xf32, #tpu.memory_space<vmem>>, %arg4: memref<1x8x512xi32, #tpu.memory_space<vmem>>, %arg5: memref<1x1x8xi32, #tpu.memory_space<vmem>>) attributes {dimension_semantics = [#tpu.dimension_semantics<arbitrary>], iteration_bounds = array<i64: 16>, scalar_prefetch = 0 : i64, scratch_operands = 0 : i64, tpu.core_type = #tpu.core_type<tc>, window_params = [{transform_indices = @transform_0, window_bounds = array<i64: 8, 34464>}, {transform_indices = @transform_1, window_bounds = array<i64: 8, 34464>}, {transform_indices = @transform_2, window_bounds = array<i64: 1, 8, 512>}, {transform_indices = @transform_3, window_bounds = array<i64: 1, 8, 512>}, {transform_indices = @transform_4, window_bounds = array<i64: 1, 1, 8>}]} {
    %iota3A = tpu.iota {dimensions = array<i32: 1>} : vector<8x512xi32>
    %broadcast_in_dim3A = arith.constant 0x7F800000 : f32
    %broadcast_in_dim3A_0 = vector.broadcast %broadcast_in_dim3A : f32 to vector<8x512xf32>
    %broadcast_in_dim3A_1 = arith.constant 2147483647 : i32
    %broadcast_in_dim3A_2 = vector.broadcast %broadcast_in_dim3A_1 : i32 to vector<8x512xi32>
    %scan3A = arith.constant 0 : i32
    %scan3A_3 = arith.constant 16 : i32
    %scan3A_4 = arith.addi %scan3A, %scan3A_3 : i32
    %scan3A_5 = arith.constant 1 : i32
    %scan3A_6:2 = scf.for %scan3A_213 = %scan3A to %scan3A_4 step %scan3A_5 iter_args(%scan3A_214 = %broadcast_in_dim3A_0, %scan3A_215 = %broadcast_in_dim3A_2) -> (vector<8x512xf32>, vector<8x512xi32>)  : i32 {
      %mul3A_216 = arith.constant 4 : i32
      %mul3A_217 = arith.muli %scan3A_213, %mul3A_216 : i32
      %add3A_218 = arith.constant 0 : i32
      %add3A_219 = arith.addi %mul3A_217, %add3A_218 : i32
      %mul3A_220 = arith.constant 512 : i32
      %mul3A_221 = arith.muli %add3A_219, %mul3A_220 : i32
      %add3A_222 = arith.constant 0 : i32
      %add3A_223 = arith.addi %mul3A_217, %add3A_222 : i32
      %get3A_224 = arith.constant 0 : index
      %get3A_225 = arith.index_cast %mul3A_221 : i32 to index
      %get3A_226 = vector.load %arg1[%get3A_224, %get3A_225] : memref<8x34464xi32, #tpu.memory_space<vmem>>, vector<8x512xi32>
      %get3A_227 = arith.constant 0 : index
      %get3A_228 = arith.index_cast %mul3A_221 : i32 to index
      %get3A_229 = vector.load %arg2[%get3A_227, %get3A_228] : memref<8x34464xf32, #tpu.memory_space<vmem>>, vector<8x512xf32>
      %shift_right_logical3A_230 = arith.constant 9 : i32
      %shift_right_logical3A_231 = vector.broadcast %shift_right_logical3A_230 : i32 to vector<8x512xi32>
      %shift_right_logical3A_232 = arith.shrui %get3A_226, %shift_right_logical3A_231 : vector<8x512xi32>
      %or3A_233 = arith.constant 1065353216 : i32
      %or3A_234 = vector.broadcast %or3A_233 : i32 to vector<8x512xi32>
      %or3A_235 = arith.ori %shift_right_logical3A_232, %or3A_234 : vector<8x512xi32>
      %bitcast_convert_type3A_236 = tpu.bitcast %or3A_235 : vector<8x512xi32> -> vector<8x512xf32>
      %sub3A_237 = arith.constant 1.000000e+00 : f32
      %sub3A_238 = vector.broadcast %sub3A_237 : f32 to vector<8x512xf32>
      %sub3A_239 = arith.subf %bitcast_convert_type3A_236, %sub3A_238 : vector<8x512xf32>
      %sub3A_240 = arith.constant 1.000000e+00 : f32
      %sub3A_241 = arith.constant 1.17549435E-38 : f32
      %sub3A_242 = arith.subf %sub3A_240, %sub3A_241 : f32
      %mul3A_243 = vector.broadcast %sub3A_242 : f32 to vector<8x512xf32>
      %mul3A_244 = arith.mulf %sub3A_239, %mul3A_243 : vector<8x512xf32>
      %add3A_245 = arith.constant 1.17549435E-38 : f32
      %add3A_246 = vector.broadcast %add3A_245 : f32 to vector<8x512xf32>
      %add3A_247 = arith.addf %mul3A_244, %add3A_246 : vector<8x512xf32>
      %max3A_248 = arith.constant 1.17549435E-38 : f32
      %max3A_249 = vector.broadcast %max3A_248 : f32 to vector<8x512xf32>
      %max3A_250 = arith.maximumf %max3A_249, %add3A_247 : vector<8x512xf32>
      %log3A_251 = math.log %max3A_250 : vector<8x512xf32>
      %log3A_252 = arith.constant 2.000000e+00 : f32
      %log3A_253 = math.log %log3A_252 : f32
      %div3A_254 = vector.broadcast %log3A_253 : f32 to vector<8x512xf32>
      %div3A_255 = arith.divf %log3A_251, %div3A_254 : vector<8x512xf32>
      %neg3A_256 = arith.constant 0.000000e+00 : f32
      %neg3A_257 = vector.broadcast %neg3A_256 : f32 to vector<8x512xf32>
      %neg3A_258 = arith.subf %neg3A_257, %div3A_255 : vector<8x512xf32>
      %div3A_259 = arith.divf %neg3A_258, %get3A_229 : vector<8x512xf32>
      %lt3A_260 = arith.cmpf olt, %div3A_259, %scan3A_214 : vector<8x512xf32>
      %select_n3A_261 = arith.select %lt3A_260, %div3A_259, %scan3A_214 : vector<8x512xi1>, vector<8x512xf32>
      %mul3A_262 = arith.constant 512 : i32
      %mul3A_263 = arith.muli %add3A_223, %mul3A_262 : i32
      %add3A_264 = arith.constant 65536 : i32
      %add3A_265 = arith.addi %add3A_264, %mul3A_263 : i32
      %add3A_266 = vector.broadcast %add3A_265 : i32 to vector<8x512xi32>
      %add3A_267 = arith.addi %add3A_266, %iota3A : vector<8x512xi32>
      %select_n3A_268 = arith.select %lt3A_260, %add3A_267, %scan3A_215 : vector<8x512xi1>, vector<8x512xi32>
      %add3A_269 = arith.constant 1 : i32
      %add3A_270 = arith.addi %mul3A_217, %add3A_269 : i32
      %mul3A_271 = arith.constant 512 : i32
      %mul3A_272 = arith.muli %add3A_270, %mul3A_271 : i32
      %add3A_273 = arith.constant 1 : i32
      %add3A_274 = arith.addi %mul3A_217, %add3A_273 : i32
      %get3A_275 = arith.constant 0 : index
      %get3A_276 = arith.index_cast %mul3A_272 : i32 to index
      %get3A_277 = vector.load %arg1[%get3A_275, %get3A_276] : memref<8x34464xi32, #tpu.memory_space<vmem>>, vector<8x512xi32>
      %get3A_278 = arith.constant 0 : index
      %get3A_279 = arith.index_cast %mul3A_272 : i32 to index
      %get3A_280 = vector.load %arg2[%get3A_278, %get3A_279] : memref<8x34464xf32, #tpu.memory_space<vmem>>, vector<8x512xf32>
      %shift_right_logical3A_281 = arith.constant 9 : i32
      %shift_right_logical3A_282 = vector.broadcast %shift_right_logical3A_281 : i32 to vector<8x512xi32>
      %shift_right_logical3A_283 = arith.shrui %get3A_277, %shift_right_logical3A_282 : vector<8x512xi32>
      %or3A_284 = arith.constant 1065353216 : i32
      %or3A_285 = vector.broadcast %or3A_284 : i32 to vector<8x512xi32>
      %or3A_286 = arith.ori %shift_right_logical3A_283, %or3A_285 : vector<8x512xi32>
      %bitcast_convert_type3A_287 = tpu.bitcast %or3A_286 : vector<8x512xi32> -> vector<8x512xf32>
      %sub3A_288 = arith.constant 1.000000e+00 : f32
      %sub3A_289 = vector.broadcast %sub3A_288 : f32 to vector<8x512xf32>
      %sub3A_290 = arith.subf %bitcast_convert_type3A_287, %sub3A_289 : vector<8x512xf32>
      %sub3A_291 = arith.constant 1.000000e+00 : f32
      %sub3A_292 = arith.constant 1.17549435E-38 : f32
      %sub3A_293 = arith.subf %sub3A_291, %sub3A_292 : f32
      %mul3A_294 = vector.broadcast %sub3A_293 : f32 to vector<8x512xf32>
      %mul3A_295 = arith.mulf %sub3A_290, %mul3A_294 : vector<8x512xf32>
      %add3A_296 = arith.constant 1.17549435E-38 : f32
      %add3A_297 = vector.broadcast %add3A_296 : f32 to vector<8x512xf32>
      %add3A_298 = arith.addf %mul3A_295, %add3A_297 : vector<8x512xf32>
      %max3A_299 = arith.constant 1.17549435E-38 : f32
      %max3A_300 = vector.broadcast %max3A_299 : f32 to vector<8x512xf32>
      %max3A_301 = arith.maximumf %max3A_300, %add3A_298 : vector<8x512xf32>
      %log3A_302 = math.log %max3A_301 : vector<8x512xf32>
      %log3A_303 = arith.constant 2.000000e+00 : f32
      %log3A_304 = math.log %log3A_303 : f32
      %div3A_305 = vector.broadcast %log3A_304 : f32 to vector<8x512xf32>
      %div3A_306 = arith.divf %log3A_302, %div3A_305 : vector<8x512xf32>
      %neg3A_307 = arith.constant 0.000000e+00 : f32
      %neg3A_308 = vector.broadcast %neg3A_307 : f32 to vector<8x512xf32>
      %neg3A_309 = arith.subf %neg3A_308, %div3A_306 : vector<8x512xf32>
      %div3A_310 = arith.divf %neg3A_309, %get3A_280 : vector<8x512xf32>
      %lt3A_311 = arith.cmpf olt, %div3A_310, %select_n3A_261 : vector<8x512xf32>
      %select_n3A_312 = arith.select %lt3A_311, %div3A_310, %select_n3A_261 : vector<8x512xi1>, vector<8x512xf32>
      %mul3A_313 = arith.constant 512 : i32
      %mul3A_314 = arith.muli %add3A_274, %mul3A_313 : i32
      %add3A_315 = arith.constant 65536 : i32
      %add3A_316 = arith.addi %add3A_315, %mul3A_314 : i32
      %add3A_317 = vector.broadcast %add3A_316 : i32 to vector<8x512xi32>
      %add3A_318 = arith.addi %add3A_317, %iota3A : vector<8x512xi32>
      %select_n3A_319 = arith.select %lt3A_311, %add3A_318, %select_n3A_268 : vector<8x512xi1>, vector<8x512xi32>
      %add3A_320 = arith.constant 2 : i32
      %add3A_321 = arith.addi %mul3A_217, %add3A_320 : i32
      %mul3A_322 = arith.constant 512 : i32
      %mul3A_323 = arith.muli %add3A_321, %mul3A_322 : i32
      %add3A_324 = arith.constant 2 : i32
      %add3A_325 = arith.addi %mul3A_217, %add3A_324 : i32
      %get3A_326 = arith.constant 0 : index
      %get3A_327 = arith.index_cast %mul3A_323 : i32 to index
      %get3A_328 = vector.load %arg1[%get3A_326, %get3A_327] : memref<8x34464xi32, #tpu.memory_space<vmem>>, vector<8x512xi32>
      %get3A_329 = arith.constant 0 : index
      %get3A_330 = arith.index_cast %mul3A_323 : i32 to index
      %get3A_331 = vector.load %arg2[%get3A_329, %get3A_330] : memref<8x34464xf32, #tpu.memory_space<vmem>>, vector<8x512xf32>
      %shift_right_logical3A_332 = arith.constant 9 : i32
      %shift_right_logical3A_333 = vector.broadcast %shift_right_logical3A_332 : i32 to vector<8x512xi32>
      %shift_right_logical3A_334 = arith.shrui %get3A_328, %shift_right_logical3A_333 : vector<8x512xi32>
      %or3A_335 = arith.constant 1065353216 : i32
      %or3A_336 = vector.broadcast %or3A_335 : i32 to vector<8x512xi32>
      %or3A_337 = arith.ori %shift_right_logical3A_334, %or3A_336 : vector<8x512xi32>
      %bitcast_convert_type3A_338 = tpu.bitcast %or3A_337 : vector<8x512xi32> -> vector<8x512xf32>
      %sub3A_339 = arith.constant 1.000000e+00 : f32
      %sub3A_340 = vector.broadcast %sub3A_339 : f32 to vector<8x512xf32>
      %sub3A_341 = arith.subf %bitcast_convert_type3A_338, %sub3A_340 : vector<8x512xf32>
      %sub3A_342 = arith.constant 1.000000e+00 : f32
      %sub3A_343 = arith.constant 1.17549435E-38 : f32
      %sub3A_344 = arith.subf %sub3A_342, %sub3A_343 : f32
      %mul3A_345 = vector.broadcast %sub3A_344 : f32 to vector<8x512xf32>
      %mul3A_346 = arith.mulf %sub3A_341, %mul3A_345 : vector<8x512xf32>
      %add3A_347 = arith.constant 1.17549435E-38 : f32
      %add3A_348 = vector.broadcast %add3A_347 : f32 to vector<8x512xf32>
      %add3A_349 = arith.addf %mul3A_346, %add3A_348 : vector<8x512xf32>
      %max3A_350 = arith.constant 1.17549435E-38 : f32
      %max3A_351 = vector.broadcast %max3A_350 : f32 to vector<8x512xf32>
      %max3A_352 = arith.maximumf %max3A_351, %add3A_349 : vector<8x512xf32>
      %log3A_353 = math.log %max3A_352 : vector<8x512xf32>
      %log3A_354 = arith.constant 2.000000e+00 : f32
      %log3A_355 = math.log %log3A_354 : f32
      %div3A_356 = vector.broadcast %log3A_355 : f32 to vector<8x512xf32>
      %div3A_357 = arith.divf %log3A_353, %div3A_356 : vector<8x512xf32>
      %neg3A_358 = arith.constant 0.000000e+00 : f32
      %neg3A_359 = vector.broadcast %neg3A_358 : f32 to vector<8x512xf32>
      %neg3A_360 = arith.subf %neg3A_359, %div3A_357 : vector<8x512xf32>
      %div3A_361 = arith.divf %neg3A_360, %get3A_331 : vector<8x512xf32>
      %lt3A_362 = arith.cmpf olt, %div3A_361, %select_n3A_312 : vector<8x512xf32>
      %select_n3A_363 = arith.select %lt3A_362, %div3A_361, %select_n3A_312 : vector<8x512xi1>, vector<8x512xf32>
      %mul3A_364 = arith.constant 512 : i32
      %mul3A_365 = arith.muli %add3A_325, %mul3A_364 : i32
      %add3A_366 = arith.constant 65536 : i32
      %add3A_367 = arith.addi %add3A_366, %mul3A_365 : i32
      %add3A_368 = vector.broadcast %add3A_367 : i32 to vector<8x512xi32>
      %add3A_369 = arith.addi %add3A_368, %iota3A : vector<8x512xi32>
      %select_n3A_370 = arith.select %lt3A_362, %add3A_369, %select_n3A_319 : vector<8x512xi1>, vector<8x512xi32>
      %add3A_371 = arith.constant 3 : i32
      %add3A_372 = arith.addi %mul3A_217, %add3A_371 : i32
      %mul3A_373 = arith.constant 512 : i32
      %mul3A_374 = arith.muli %add3A_372, %mul3A_373 : i32
      %add3A_375 = arith.constant 3 : i32
      %add3A_376 = arith.addi %mul3A_217, %add3A_375 : i32
      %get3A_377 = arith.constant 0 : index
      %get3A_378 = arith.index_cast %mul3A_374 : i32 to index
      %get3A_379 = vector.load %arg1[%get3A_377, %get3A_378] : memref<8x34464xi32, #tpu.memory_space<vmem>>, vector<8x512xi32>
      %get3A_380 = arith.constant 0 : index
      %get3A_381 = arith.index_cast %mul3A_374 : i32 to index
      %get3A_382 = vector.load %arg2[%get3A_380, %get3A_381] : memref<8x34464xf32, #tpu.memory_space<vmem>>, vector<8x512xf32>
      %shift_right_logical3A_383 = arith.constant 9 : i32
      %shift_right_logical3A_384 = vector.broadcast %shift_right_logical3A_383 : i32 to vector<8x512xi32>
      %shift_right_logical3A_385 = arith.shrui %get3A_379, %shift_right_logical3A_384 : vector<8x512xi32>
      %or3A_386 = arith.constant 1065353216 : i32
      %or3A_387 = vector.broadcast %or3A_386 : i32 to vector<8x512xi32>
      %or3A_388 = arith.ori %shift_right_logical3A_385, %or3A_387 : vector<8x512xi32>
      %bitcast_convert_type3A_389 = tpu.bitcast %or3A_388 : vector<8x512xi32> -> vector<8x512xf32>
      %sub3A_390 = arith.constant 1.000000e+00 : f32
      %sub3A_391 = vector.broadcast %sub3A_390 : f32 to vector<8x512xf32>
      %sub3A_392 = arith.subf %bitcast_convert_type3A_389, %sub3A_391 : vector<8x512xf32>
      %sub3A_393 = arith.constant 1.000000e+00 : f32
      %sub3A_394 = arith.constant 1.17549435E-38 : f32
      %sub3A_395 = arith.subf %sub3A_393, %sub3A_394 : f32
      %mul3A_396 = vector.broadcast %sub3A_395 : f32 to vector<8x512xf32>
      %mul3A_397 = arith.mulf %sub3A_392, %mul3A_396 : vector<8x512xf32>
      %add3A_398 = arith.constant 1.17549435E-38 : f32
      %add3A_399 = vector.broadcast %add3A_398 : f32 to vector<8x512xf32>
      %add3A_400 = arith.addf %mul3A_397, %add3A_399 : vector<8x512xf32>
      %max3A_401 = arith.constant 1.17549435E-38 : f32
      %max3A_402 = vector.broadcast %max3A_401 : f32 to vector<8x512xf32>
      %max3A_403 = arith.maximumf %max3A_402, %add3A_400 : vector<8x512xf32>
      %log3A_404 = math.log %max3A_403 : vector<8x512xf32>
      %log3A_405 = arith.constant 2.000000e+00 : f32
      %log3A_406 = math.log %log3A_405 : f32
      %div3A_407 = vector.broadcast %log3A_406 : f32 to vector<8x512xf32>
      %div3A_408 = arith.divf %log3A_404, %div3A_407 : vector<8x512xf32>
      %neg3A_409 = arith.constant 0.000000e+00 : f32
      %neg3A_410 = vector.broadcast %neg3A_409 : f32 to vector<8x512xf32>
      %neg3A_411 = arith.subf %neg3A_410, %div3A_408 : vector<8x512xf32>
      %div3A_412 = arith.divf %neg3A_411, %get3A_382 : vector<8x512xf32>
      %lt3A_413 = arith.cmpf olt, %div3A_412, %select_n3A_363 : vector<8x512xf32>
      %select_n3A_414 = arith.select %lt3A_413, %div3A_412, %select_n3A_363 : vector<8x512xi1>, vector<8x512xf32>
      %mul3A_415 = arith.constant 512 : i32
      %mul3A_416 = arith.muli %add3A_376, %mul3A_415 : i32
      %add3A_417 = arith.constant 65536 : i32
      %add3A_418 = arith.addi %add3A_417, %mul3A_416 : i32
      %add3A_419 = vector.broadcast %add3A_418 : i32 to vector<8x512xi32>
      %add3A_420 = arith.addi %add3A_419, %iota3A : vector<8x512xi32>
      %select_n3A_421 = arith.select %lt3A_413, %add3A_420, %select_n3A_370 : vector<8x512xi1>, vector<8x512xi32>
      scf.yield %select_n3A_414, %select_n3A_421 : vector<8x512xf32>, vector<8x512xi32>
    }
    %scan3A_7 = arith.constant 16 : i32
    %get3A = arith.constant 0 : index
    %get3A_8 = arith.constant 32768 : index
    %get3A_9 = vector.load %arg1[%get3A, %get3A_8] : memref<8x34464xi32, #tpu.memory_space<vmem>>, vector<8x512xi32>
    %get3A_10 = arith.constant 0 : index
    %get3A_11 = arith.constant 32768 : index
    %get3A_12 = vector.load %arg2[%get3A_10, %get3A_11] : memref<8x34464xf32, #tpu.memory_space<vmem>>, vector<8x512xf32>
    %shift_right_logical3A = arith.constant 9 : i32
    %shift_right_logical3A_13 = vector.broadcast %shift_right_logical3A : i32 to vector<8x512xi32>
    %shift_right_logical3A_14 = arith.shrui %get3A_9, %shift_right_logical3A_13 : vector<8x512xi32>
    %or3A = arith.constant 1065353216 : i32
    %or3A_15 = vector.broadcast %or3A : i32 to vector<8x512xi32>
    %or3A_16 = arith.ori %shift_right_logical3A_14, %or3A_15 : vector<8x512xi32>
    %bitcast_convert_type3A = tpu.bitcast %or3A_16 : vector<8x512xi32> -> vector<8x512xf32>
    %sub3A = arith.constant 1.000000e+00 : f32
    %sub3A_17 = vector.broadcast %sub3A : f32 to vector<8x512xf32>
    %sub3A_18 = arith.subf %bitcast_convert_type3A, %sub3A_17 : vector<8x512xf32>
    %sub3A_19 = arith.constant 1.000000e+00 : f32
    %sub3A_20 = arith.constant 1.17549435E-38 : f32
    %sub3A_21 = arith.subf %sub3A_19, %sub3A_20 : f32
    %mul3A = vector.broadcast %sub3A_21 : f32 to vector<8x512xf32>
    %mul3A_22 = arith.mulf %sub3A_18, %mul3A : vector<8x512xf32>
    %add3A = arith.constant 1.17549435E-38 : f32
    %add3A_23 = vector.broadcast %add3A : f32 to vector<8x512xf32>
    %add3A_24 = arith.addf %mul3A_22, %add3A_23 : vector<8x512xf32>
    %max3A = arith.constant 1.17549435E-38 : f32
    %max3A_25 = vector.broadcast %max3A : f32 to vector<8x512xf32>
    %max3A_26 = arith.maximumf %max3A_25, %add3A_24 : vector<8x512xf32>
    %log3A = math.log %max3A_26 : vector<8x512xf32>
    %log3A_27 = arith.constant 2.000000e+00 : f32
    %log3A_28 = math.log %log3A_27 : f32
    %div3A = vector.broadcast %log3A_28 : f32 to vector<8x512xf32>
    %div3A_29 = arith.divf %log3A, %div3A : vector<8x512xf32>
    %neg3A = arith.constant 0.000000e+00 : f32
    %neg3A_30 = vector.broadcast %neg3A : f32 to vector<8x512xf32>
    %neg3A_31 = arith.subf %neg3A_30, %div3A_29 : vector<8x512xf32>
    %div3A_32 = arith.divf %neg3A_31, %get3A_12 : vector<8x512xf32>
    %lt3A = arith.cmpf olt, %div3A_32, %scan3A_6#0 : vector<8x512xf32>
    %select_n3A = arith.select %lt3A, %div3A_32, %scan3A_6#0 : vector<8x512xi1>, vector<8x512xf32>
    %add3A_33 = arith.constant 98304 : i32
    %add3A_34 = vector.broadcast %add3A_33 : i32 to vector<8x512xi32>
    %add3A_35 = arith.addi %add3A_34, %iota3A : vector<8x512xi32>
    %select_n3A_36 = arith.select %lt3A, %add3A_35, %scan3A_6#1 : vector<8x512xi1>, vector<8x512xi32>
    %get3A_37 = arith.constant 0 : index
    %get3A_38 = arith.constant 33280 : index
    %get3A_39 = vector.load %arg1[%get3A_37, %get3A_38] : memref<8x34464xi32, #tpu.memory_space<vmem>>, vector<8x512xi32>
    %get3A_40 = arith.constant 0 : index
    %get3A_41 = arith.constant 33280 : index
    %get3A_42 = vector.load %arg2[%get3A_40, %get3A_41] : memref<8x34464xf32, #tpu.memory_space<vmem>>, vector<8x512xf32>
    %shift_right_logical3A_43 = arith.constant 9 : i32
    %shift_right_logical3A_44 = vector.broadcast %shift_right_logical3A_43 : i32 to vector<8x512xi32>
    %shift_right_logical3A_45 = arith.shrui %get3A_39, %shift_right_logical3A_44 : vector<8x512xi32>
    %or3A_46 = arith.constant 1065353216 : i32
    %or3A_47 = vector.broadcast %or3A_46 : i32 to vector<8x512xi32>
    %or3A_48 = arith.ori %shift_right_logical3A_45, %or3A_47 : vector<8x512xi32>
    %bitcast_convert_type3A_49 = tpu.bitcast %or3A_48 : vector<8x512xi32> -> vector<8x512xf32>
    %sub3A_50 = arith.constant 1.000000e+00 : f32
    %sub3A_51 = vector.broadcast %sub3A_50 : f32 to vector<8x512xf32>
    %sub3A_52 = arith.subf %bitcast_convert_type3A_49, %sub3A_51 : vector<8x512xf32>
    %sub3A_53 = arith.constant 1.000000e+00 : f32
    %sub3A_54 = arith.constant 1.17549435E-38 : f32
    %sub3A_55 = arith.subf %sub3A_53, %sub3A_54 : f32
    %mul3A_56 = vector.broadcast %sub3A_55 : f32 to vector<8x512xf32>
    %mul3A_57 = arith.mulf %sub3A_52, %mul3A_56 : vector<8x512xf32>
    %add3A_58 = arith.constant 1.17549435E-38 : f32
    %add3A_59 = vector.broadcast %add3A_58 : f32 to vector<8x512xf32>
    %add3A_60 = arith.addf %mul3A_57, %add3A_59 : vector<8x512xf32>
    %max3A_61 = arith.constant 1.17549435E-38 : f32
    %max3A_62 = vector.broadcast %max3A_61 : f32 to vector<8x512xf32>
    %max3A_63 = arith.maximumf %max3A_62, %add3A_60 : vector<8x512xf32>
    %log3A_64 = math.log %max3A_63 : vector<8x512xf32>
    %log3A_65 = arith.constant 2.000000e+00 : f32
    %log3A_66 = math.log %log3A_65 : f32
    %div3A_67 = vector.broadcast %log3A_66 : f32 to vector<8x512xf32>
    %div3A_68 = arith.divf %log3A_64, %div3A_67 : vector<8x512xf32>
    %neg3A_69 = arith.constant 0.000000e+00 : f32
    %neg3A_70 = vector.broadcast %neg3A_69 : f32 to vector<8x512xf32>
    %neg3A_71 = arith.subf %neg3A_70, %div3A_68 : vector<8x512xf32>
    %div3A_72 = arith.divf %neg3A_71, %get3A_42 : vector<8x512xf32>
    %lt3A_73 = arith.cmpf olt, %div3A_72, %select_n3A : vector<8x512xf32>
    %select_n3A_74 = arith.select %lt3A_73, %div3A_72, %select_n3A : vector<8x512xi1>, vector<8x512xf32>
    %add3A_75 = arith.constant 98816 : i32
    %add3A_76 = vector.broadcast %add3A_75 : i32 to vector<8x512xi32>
    %add3A_77 = arith.addi %add3A_76, %iota3A : vector<8x512xi32>
    %select_n3A_78 = arith.select %lt3A_73, %add3A_77, %select_n3A_36 : vector<8x512xi1>, vector<8x512xi32>
    %get3A_79 = arith.constant 0 : index
    %get3A_80 = arith.constant 33792 : index
    %get3A_81 = vector.load %arg1[%get3A_79, %get3A_80] : memref<8x34464xi32, #tpu.memory_space<vmem>>, vector<8x512xi32>
    %get3A_82 = arith.constant 0 : index
    %get3A_83 = arith.constant 33792 : index
    %get3A_84 = vector.load %arg2[%get3A_82, %get3A_83] : memref<8x34464xf32, #tpu.memory_space<vmem>>, vector<8x512xf32>
    %shift_right_logical3A_85 = arith.constant 9 : i32
    %shift_right_logical3A_86 = vector.broadcast %shift_right_logical3A_85 : i32 to vector<8x512xi32>
    %shift_right_logical3A_87 = arith.shrui %get3A_81, %shift_right_logical3A_86 : vector<8x512xi32>
    %or3A_88 = arith.constant 1065353216 : i32
    %or3A_89 = vector.broadcast %or3A_88 : i32 to vector<8x512xi32>
    %or3A_90 = arith.ori %shift_right_logical3A_87, %or3A_89 : vector<8x512xi32>
    %bitcast_convert_type3A_91 = tpu.bitcast %or3A_90 : vector<8x512xi32> -> vector<8x512xf32>
    %sub3A_92 = arith.constant 1.000000e+00 : f32
    %sub3A_93 = vector.broadcast %sub3A_92 : f32 to vector<8x512xf32>
    %sub3A_94 = arith.subf %bitcast_convert_type3A_91, %sub3A_93 : vector<8x512xf32>
    %sub3A_95 = arith.constant 1.000000e+00 : f32
    %sub3A_96 = arith.constant 1.17549435E-38 : f32
    %sub3A_97 = arith.subf %sub3A_95, %sub3A_96 : f32
    %mul3A_98 = vector.broadcast %sub3A_97 : f32 to vector<8x512xf32>
    %mul3A_99 = arith.mulf %sub3A_94, %mul3A_98 : vector<8x512xf32>
    %add3A_100 = arith.constant 1.17549435E-38 : f32
    %add3A_101 = vector.broadcast %add3A_100 : f32 to vector<8x512xf32>
    %add3A_102 = arith.addf %mul3A_99, %add3A_101 : vector<8x512xf32>
    %max3A_103 = arith.constant 1.17549435E-38 : f32
    %max3A_104 = vector.broadcast %max3A_103 : f32 to vector<8x512xf32>
    %max3A_105 = arith.maximumf %max3A_104, %add3A_102 : vector<8x512xf32>
    %log3A_106 = math.log %max3A_105 : vector<8x512xf32>
    %log3A_107 = arith.constant 2.000000e+00 : f32
    %log3A_108 = math.log %log3A_107 : f32
    %div3A_109 = vector.broadcast %log3A_108 : f32 to vector<8x512xf32>
    %div3A_110 = arith.divf %log3A_106, %div3A_109 : vector<8x512xf32>
    %neg3A_111 = arith.constant 0.000000e+00 : f32
    %neg3A_112 = vector.broadcast %neg3A_111 : f32 to vector<8x512xf32>
    %neg3A_113 = arith.subf %neg3A_112, %div3A_110 : vector<8x512xf32>
    %div3A_114 = arith.divf %neg3A_113, %get3A_84 : vector<8x512xf32>
    %lt3A_115 = arith.cmpf olt, %div3A_114, %select_n3A_74 : vector<8x512xf32>
    %select_n3A_116 = arith.select %lt3A_115, %div3A_114, %select_n3A_74 : vector<8x512xi1>, vector<8x512xf32>
    %add3A_117 = arith.constant 99328 : i32
    %add3A_118 = vector.broadcast %add3A_117 : i32 to vector<8x512xi32>
    %add3A_119 = arith.addi %add3A_118, %iota3A : vector<8x512xi32>
    %select_n3A_120 = arith.select %lt3A_115, %add3A_119, %select_n3A_78 : vector<8x512xi1>, vector<8x512xi32>
    %get3A_121 = arith.constant 0 : index
    %get3A_122 = arith.constant 34304 : index
    %get3A_123 = vector.load %arg1[%get3A_121, %get3A_122] : memref<8x34464xi32, #tpu.memory_space<vmem>>, vector<8x160xi32>
    %get3A_124 = arith.constant 0 : index
    %get3A_125 = arith.constant 34304 : index
    %get3A_126 = vector.load %arg2[%get3A_124, %get3A_125] : memref<8x34464xf32, #tpu.memory_space<vmem>>, vector<8x160xf32>
    %shift_right_logical3A_127 = arith.constant 9 : i32
    %shift_right_logical3A_128 = vector.broadcast %shift_right_logical3A_127 : i32 to vector<8x160xi32>
    %shift_right_logical3A_129 = arith.shrui %get3A_123, %shift_right_logical3A_128 : vector<8x160xi32>
    %or3A_130 = arith.constant 1065353216 : i32
    %or3A_131 = vector.broadcast %or3A_130 : i32 to vector<8x160xi32>
    %or3A_132 = arith.ori %shift_right_logical3A_129, %or3A_131 : vector<8x160xi32>
    %bitcast_convert_type3A_133 = tpu.bitcast %or3A_132 : vector<8x160xi32> -> vector<8x160xf32>
    %sub3A_134 = arith.constant 1.000000e+00 : f32
    %sub3A_135 = vector.broadcast %sub3A_134 : f32 to vector<8x160xf32>
    %sub3A_136 = arith.subf %bitcast_convert_type3A_133, %sub3A_135 : vector<8x160xf32>
    %sub3A_137 = arith.constant 1.000000e+00 : f32
    %sub3A_138 = arith.constant 1.17549435E-38 : f32
    %sub3A_139 = arith.subf %sub3A_137, %sub3A_138 : f32
    %mul3A_140 = vector.broadcast %sub3A_139 : f32 to vector<8x160xf32>
    %mul3A_141 = arith.mulf %sub3A_136, %mul3A_140 : vector<8x160xf32>
    %add3A_142 = arith.constant 1.17549435E-38 : f32
    %add3A_143 = vector.broadcast %add3A_142 : f32 to vector<8x160xf32>
    %add3A_144 = arith.addf %mul3A_141, %add3A_143 : vector<8x160xf32>
    %max3A_145 = arith.constant 1.17549435E-38 : f32
    %max3A_146 = vector.broadcast %max3A_145 : f32 to vector<8x160xf32>
    %max3A_147 = arith.maximumf %max3A_146, %add3A_144 : vector<8x160xf32>
    %log3A_148 = math.log %max3A_147 : vector<8x160xf32>
    %log3A_149 = arith.constant 2.000000e+00 : f32
    %log3A_150 = math.log %log3A_149 : f32
    %div3A_151 = vector.broadcast %log3A_150 : f32 to vector<8x160xf32>
    %div3A_152 = arith.divf %log3A_148, %div3A_151 : vector<8x160xf32>
    %neg3A_153 = arith.constant 0.000000e+00 : f32
    %neg3A_154 = vector.broadcast %neg3A_153 : f32 to vector<8x160xf32>
    %neg3A_155 = arith.subf %neg3A_154, %div3A_152 : vector<8x160xf32>
    %div3A_156 = arith.divf %neg3A_155, %get3A_126 : vector<8x160xf32>
    %reduce_min3A = arith.constant dense<0x7F800000> : vector<8xf32>
    %reduce_min3A_157 = vector.multi_reduction <minimumf>, %div3A_156, %reduce_min3A [1] : vector<8x160xf32> to vector<8xf32>
    %broadcast_in_dim3A_158 = vector.shape_cast %reduce_min3A_157 : vector<8xf32> to vector<8x1xf32>
    %iota3A_159 = tpu.iota {dimensions = array<i32: 1>} : vector<8x160xi32>
    %eq3A = vector.broadcast %broadcast_in_dim3A_158 : vector<8x1xf32> to vector<8x160xf32>
    %eq3A_160 = arith.cmpf oeq, %div3A_156, %eq3A : vector<8x160xf32>
    %add3A_161 = arith.constant 99840 : i32
    %add3A_162 = vector.broadcast %add3A_161 : i32 to vector<8x160xi32>
    %add3A_163 = arith.addi %add3A_162, %iota3A_159 : vector<8x160xi32>
    %jit3A = arith.constant 2147483647 : i32
    %broadcast_in_dim3A_164 = vector.broadcast %jit3A : i32 to vector<8x160xi32>
    %select_n3A_165 = arith.select %eq3A_160, %add3A_163, %broadcast_in_dim3A_164 : vector<8x160xi1>, vector<8x160xi32>
    %reduce_min3A_166 = arith.constant dense<2147483647> : vector<8xi32>
    %reduce_min3A_167 = vector.multi_reduction <minsi>, %select_n3A_165, %reduce_min3A_166 [1] : vector<8x160xi32> to vector<8xi32>
    %broadcast_in_dim3A_168 = vector.shape_cast %reduce_min3A_167 : vector<8xi32> to vector<8x1xi32>
    %get3A_169 = arith.constant 0 : index
    %get3A_170 = arith.constant 0 : index
    %get3A_171 = arith.constant 0 : index
    %get3A_172 = vector.load %arg3[%get3A_169, %get3A_170, %get3A_171] : memref<1x8x512xf32, #tpu.memory_space<vmem>>, vector<1x8x512xf32>
    %get3A_173 = vector.shape_cast %get3A_172 : vector<1x8x512xf32> to vector<8x512xf32>
    %get3A_174 = arith.constant 0 : index
    %get3A_175 = arith.constant 0 : index
    %get3A_176 = arith.constant 0 : index
    %get3A_177 = vector.load %arg4[%get3A_174, %get3A_175, %get3A_176] : memref<1x8x512xi32, #tpu.memory_space<vmem>>, vector<1x8x512xi32>
    %get3A_178 = vector.shape_cast %get3A_177 : vector<1x8x512xi32> to vector<8x512xi32>
    %reduce_min3A_179 = arith.constant dense<0x7F800000> : vector<8xf32>
    %reduce_min3A_180 = vector.multi_reduction <minimumf>, %select_n3A_116, %reduce_min3A_179 [1] : vector<8x512xf32> to vector<8xf32>
    %broadcast_in_dim3A_181 = vector.shape_cast %reduce_min3A_180 : vector<8xf32> to vector<8x1xf32>
    %min3A = arith.minimumf %broadcast_in_dim3A_181, %broadcast_in_dim3A_158 : vector<8x1xf32>
    %reduce_min3A_182 = arith.constant dense<0x7F800000> : vector<8xf32>
    %reduce_min3A_183 = vector.multi_reduction <minimumf>, %get3A_173, %reduce_min3A_182 [1] : vector<8x512xf32> to vector<8xf32>
    %broadcast_in_dim3A_184 = vector.shape_cast %reduce_min3A_183 : vector<8xf32> to vector<8x1xf32>
    %min3A_185 = arith.minimumf %min3A, %broadcast_in_dim3A_184 : vector<8x1xf32>
    %eq3A_186 = vector.broadcast %min3A_185 : vector<8x1xf32> to vector<8x512xf32>
    %eq3A_187 = arith.cmpf oeq, %select_n3A_116, %eq3A_186 : vector<8x512xf32>
    %jit3A_188 = arith.constant 2147483647 : i32
    %broadcast_in_dim3A_189 = vector.broadcast %jit3A_188 : i32 to vector<8x512xi32>
    %select_n3A_190 = arith.select %eq3A_187, %select_n3A_120, %broadcast_in_dim3A_189 : vector<8x512xi1>, vector<8x512xi32>
    %reduce_min3A_191 = arith.constant dense<2147483647> : vector<8xi32>
    %reduce_min3A_192 = vector.multi_reduction <minsi>, %select_n3A_190, %reduce_min3A_191 [1] : vector<8x512xi32> to vector<8xi32>
    %broadcast_in_dim3A_193 = vector.shape_cast %reduce_min3A_192 : vector<8xi32> to vector<8x1xi32>
    %eq3A_194 = vector.broadcast %min3A_185 : vector<8x1xf32> to vector<8x512xf32>
    %eq3A_195 = arith.cmpf oeq, %get3A_173, %eq3A_194 : vector<8x512xf32>
    %jit3A_196 = arith.constant 2147483647 : i32
    %broadcast_in_dim3A_197 = vector.broadcast %jit3A_196 : i32 to vector<8x512xi32>
    %select_n3A_198 = arith.select %eq3A_195, %get3A_178, %broadcast_in_dim3A_197 : vector<8x512xi1>, vector<8x512xi32>
    %reduce_min3A_199 = arith.constant dense<2147483647> : vector<8xi32>
    %reduce_min3A_200 = vector.multi_reduction <minsi>, %select_n3A_198, %reduce_min3A_199 [1] : vector<8x512xi32> to vector<8xi32>
    %broadcast_in_dim3A_201 = vector.shape_cast %reduce_min3A_200 : vector<8xi32> to vector<8x1xi32>
    %eq3A_202 = arith.cmpf oeq, %broadcast_in_dim3A_158, %min3A_185 : vector<8x1xf32>
    %jit3A_203 = arith.constant 2147483647 : i32
    %broadcast_in_dim3A_204 = vector.broadcast %jit3A_203 : i32 to vector<8x1xi32>
    %select_n3A_205 = arith.select %eq3A_202, %broadcast_in_dim3A_168, %broadcast_in_dim3A_204 : vector<8x1xi1>, vector<8x1xi32>
    %min3A_206 = arith.minsi %broadcast_in_dim3A_201, %broadcast_in_dim3A_193 : vector<8x1xi32>
    %min3A_207 = arith.minsi %min3A_206, %select_n3A_205 : vector<8x1xi32>
    %squeeze3A = vector.shape_cast %min3A_207 : vector<8x1xi32> to vector<8xi32>
    %swap3A = arith.constant 0 : index
    %swap3A_208 = arith.constant 0 : index
    %swap3A_209 = arith.constant 0 : index
    %swap3A_210 = vector.load %arg5[%swap3A, %swap3A_208, %swap3A_209] : memref<1x1x8xi32, #tpu.memory_space<vmem>>, vector<1x1x8xi32>
    %swap3A_211 = vector.shape_cast %swap3A_210 : vector<1x1x8xi32> to vector<8xi32>
    %swap3A_212 = vector.shape_cast %squeeze3A : vector<8xi32> to vector<1x1x8xi32>
    tpu.vector_store %arg5[%swap3A, %swap3A_208, %swap3A_209], %swap3A_212 {strides = array<i32>} : memref<1x1x8xi32, #tpu.memory_space<vmem>>, vector<1x1x8xi32>,
    return
  }
  func.func @transform_0(%arg0: i32) -> (i32, i32) {
    %c0_i32 = arith.constant 0 : i32
    %c0_i32_0 = arith.constant 0 : i32
    return %arg0, %c0_i32 : i32, i32
  }
  func.func @transform_1(%arg0: i32) -> (i32, i32) {
    %c0_i32 = arith.constant 0 : i32
    %c0_i32_0 = arith.constant 0 : i32
    return %arg0, %c0_i32 : i32, i32
  }
  func.func @transform_2(%arg0: i32) -> (i32, i32, i32) {
    %c0_i32 = arith.constant 0 : i32
    %c0_i32_0 = arith.constant 0 : i32
    %c0_i32_1 = arith.constant 0 : i32
    return %arg0, %c0_i32, %c0_i32_0 : i32, i32, i32
  }
  func.func @transform_3(%arg0: i32) -> (i32, i32, i32) {
    %c0_i32 = arith.constant 0 : i32
    %c0_i32_0 = arith.constant 0 : i32
    %c0_i32_1 = arith.constant 0 : i32
    return %arg0, %c0_i32, %c0_i32_0 : i32, i32, i32
  }
  func.func @transform_4(%arg0: i32) -> (i32, i32, i32) {
    %c0_i32 = arith.constant 0 : i32
    %c0_i32_0 = arith.constant 0 : i32
    %c0_i32_1 = arith.constant 0 : i32
    return %arg0, %c0_i32, %c0_i32_0 : i32, i32, i32
  }
}

module attributes {stable_mosaic.version = 14 : i64} {
  func.func @_body_a(%arg0: i32, %arg1: memref<8x100000xf32, #tpu.memory_space<vmem>>, %arg2: memref<8x100000xf32, #tpu.memory_space<vmem>>, %arg3: memref<8x34464xf32, #tpu.memory_space<vmem>>, %arg4: memref<1x8x512xf32, #tpu.memory_space<vmem>>, %arg5: memref<1x8x512xi32, #tpu.memory_space<vmem>>) attributes {dimension_semantics = [#tpu.dimension_semantics<arbitrary>], iteration_bounds = array<i64: 16>, scalar_prefetch = 0 : i64, scratch_operands = 0 : i64, tpu.core_type = #tpu.core_type<tc>, window_params = [{transform_indices = @transform_0, window_bounds = array<i64: 8, 100000>}, {transform_indices = @transform_1, window_bounds = array<i64: 8, 100000>}, {transform_indices = @transform_2, window_bounds = array<i64: 8, 34464>}, {transform_indices = @transform_3, window_bounds = array<i64: 1, 8, 512>}, {transform_indices = @transform_4, window_bounds = array<i64: 1, 8, 512>}]} {
    %iota3A = tpu.iota {dimensions = array<i32: 0>} : vector<8x512xi32>
    %iota3A_0 = tpu.iota {dimensions = array<i32: 1>} : vector<8x512xi32>
    %mul3A = arith.constant 8 : i32
    %mul3A_1 = arith.muli %arg0, %mul3A : i32
    %add3A = vector.broadcast %mul3A_1 : i32 to vector<8x512xi32>
    %add3A_2 = arith.addi %add3A, %iota3A : vector<8x512xi32>
    %mul3A_3 = arith.constant 100000 : i32
    %mul3A_4 = vector.broadcast %mul3A_3 : i32 to vector<8x512xi32>
    %mul3A_5 = arith.muli %add3A_2, %mul3A_4 : vector<8x512xi32>
    %add3A_6 = arith.addi %mul3A_5, %iota3A_0 : vector<8x512xi32>
    %iota3A_7 = tpu.iota {dimensions = array<i32: 1>} : vector<8x512xi32>
    %broadcast_in_dim3A = arith.constant 0xFF800000 : f32
    %broadcast_in_dim3A_8 = vector.broadcast %broadcast_in_dim3A : f32 to vector<8x512xf32>
    %scan3A = arith.constant 0 : i32
    %scan3A_9 = arith.constant 39 : i32
    %scan3A_10 = arith.addi %scan3A, %scan3A_9 : i32
    %scan3A_11 = arith.constant 1 : i32
    %scan3A_12 = scf.for %scan3A_70 = %scan3A to %scan3A_10 step %scan3A_11 iter_args(%scan3A_71 = %broadcast_in_dim3A_8) -> (vector<8x512xf32>)  : i32 {
      %mul3A_72 = arith.constant 5 : i32
      %mul3A_73 = arith.muli %scan3A_70, %mul3A_72 : i32
      %add3A_74 = arith.constant 0 : i32
      %add3A_75 = arith.addi %mul3A_73, %add3A_74 : i32
      %mul3A_76 = arith.constant 512 : i32
      %mul3A_77 = arith.muli %add3A_75, %mul3A_76 : i32
      %get3A_78 = arith.constant 0 : index
      %get3A_79 = arith.index_cast %mul3A_77 : i32 to index
      %get3A_80 = vector.load %arg1[%get3A_78, %get3A_79] : memref<8x100000xf32, #tpu.memory_space<vmem>>, vector<8x512xf32>
      %max3A_81 = arith.maximumf %scan3A_71, %get3A_80 : vector<8x512xf32>
      %add3A_82 = arith.constant 1 : i32
      %add3A_83 = arith.addi %mul3A_73, %add3A_82 : i32
      %mul3A_84 = arith.constant 512 : i32
      %mul3A_85 = arith.muli %add3A_83, %mul3A_84 : i32
      %get3A_86 = arith.constant 0 : index
      %get3A_87 = arith.index_cast %mul3A_85 : i32 to index
      %get3A_88 = vector.load %arg1[%get3A_86, %get3A_87] : memref<8x100000xf32, #tpu.memory_space<vmem>>, vector<8x512xf32>
      %max3A_89 = arith.maximumf %max3A_81, %get3A_88 : vector<8x512xf32>
      %add3A_90 = arith.constant 2 : i32
      %add3A_91 = arith.addi %mul3A_73, %add3A_90 : i32
      %mul3A_92 = arith.constant 512 : i32
      %mul3A_93 = arith.muli %add3A_91, %mul3A_92 : i32
      %get3A_94 = arith.constant 0 : index
      %get3A_95 = arith.index_cast %mul3A_93 : i32 to index
      %get3A_96 = vector.load %arg1[%get3A_94, %get3A_95] : memref<8x100000xf32, #tpu.memory_space<vmem>>, vector<8x512xf32>
      %max3A_97 = arith.maximumf %max3A_89, %get3A_96 : vector<8x512xf32>
      %add3A_98 = arith.constant 3 : i32
      %add3A_99 = arith.addi %mul3A_73, %add3A_98 : i32
      %mul3A_100 = arith.constant 512 : i32
      %mul3A_101 = arith.muli %add3A_99, %mul3A_100 : i32
      %get3A_102 = arith.constant 0 : index
      %get3A_103 = arith.index_cast %mul3A_101 : i32 to index
      %get3A_104 = vector.load %arg1[%get3A_102, %get3A_103] : memref<8x100000xf32, #tpu.memory_space<vmem>>, vector<8x512xf32>
      %max3A_105 = arith.maximumf %max3A_97, %get3A_104 : vector<8x512xf32>
      %add3A_106 = arith.constant 4 : i32
      %add3A_107 = arith.addi %mul3A_73, %add3A_106 : i32
      %mul3A_108 = arith.constant 512 : i32
      %mul3A_109 = arith.muli %add3A_107, %mul3A_108 : i32
      %get3A_110 = arith.constant 0 : index
      %get3A_111 = arith.index_cast %mul3A_109 : i32 to index
      %get3A_112 = vector.load %arg1[%get3A_110, %get3A_111] : memref<8x100000xf32, #tpu.memory_space<vmem>>, vector<8x512xf32>
      %max3A_113 = arith.maximumf %max3A_105, %get3A_112 : vector<8x512xf32>
      scf.yield %max3A_113 : vector<8x512xf32>
    }
    %scan3A_13 = arith.constant 39 : i32
    %get3A = arith.constant 0 : index
    %get3A_14 = arith.constant 99840 : index
    %get3A_15 = vector.load %arg1[%get3A, %get3A_14] : memref<8x100000xf32, #tpu.memory_space<vmem>>, vector<8x160xf32>
    %reduce_max3A = arith.constant dense<0xFF800000> : vector<8xf32>
    %reduce_max3A_16 = vector.multi_reduction <maximumf>, %get3A_15, %reduce_max3A [1] : vector<8x160xf32> to vector<8xf32>
    %broadcast_in_dim3A_17 = vector.shape_cast %reduce_max3A_16 : vector<8xf32> to vector<8x1xf32>
    %reduce_max3A_18 = arith.constant dense<0xFF800000> : vector<8xf32>
    %reduce_max3A_19 = vector.multi_reduction <maximumf>, %scan3A_12, %reduce_max3A_18 [1] : vector<8x512xf32> to vector<8xf32>
    %broadcast_in_dim3A_20 = vector.shape_cast %reduce_max3A_19 : vector<8xf32> to vector<8x1xf32>
    %max3A = arith.maximumf %broadcast_in_dim3A_20, %broadcast_in_dim3A_17 : vector<8x1xf32>
    %broadcast_in_dim3A_21 = arith.constant 0.000000e+00 : f32
    %broadcast_in_dim3A_22 = vector.broadcast %broadcast_in_dim3A_21 : f32 to vector<8x512xf32>
    %broadcast_in_dim3A_23 = arith.constant 0x7F800000 : f32
    %broadcast_in_dim3A_24 = vector.broadcast %broadcast_in_dim3A_23 : f32 to vector<8x512xf32>
    %broadcast_in_dim3A_25 = arith.constant 2147483647 : i32
    %broadcast_in_dim3A_26 = vector.broadcast %broadcast_in_dim3A_25 : i32 to vector<8x512xi32>
    %scan3A_27 = arith.constant 0 : i32
    %scan3A_28 = arith.constant 32 : i32
    %scan3A_29 = arith.addi %scan3A_27, %scan3A_28 : i32
    %scan3A_30 = arith.constant 1 : i32
    %scan3A_31:3 = scf.for %scan3A_70 = %scan3A_27 to %scan3A_29 step %scan3A_30 iter_args(%scan3A_71 = %broadcast_in_dim3A_22, %scan3A_72 = %broadcast_in_dim3A_24, %scan3A_73 = %broadcast_in_dim3A_26) -> (vector<8x512xf32>, vector<8x512xf32>, vector<8x512xi32>)  : i32 {
      %mul3A_74 = arith.constant 4 : i32
      %mul3A_75 = arith.muli %scan3A_70, %mul3A_74 : i32
      %add3A_76 = arith.constant 0 : i32
      %add3A_77 = arith.addi %mul3A_75, %add3A_76 : i32
      %mul3A_78 = arith.constant 512 : i32
      %mul3A_79 = arith.muli %add3A_77, %mul3A_78 : i32
      %get3A_80 = arith.constant 0 : index
      %get3A_81 = arith.index_cast %mul3A_79 : i32 to index
      %get3A_82 = vector.load %arg1[%get3A_80, %get3A_81] : memref<8x100000xf32, #tpu.memory_space<vmem>>, vector<8x512xf32>
      %add3A_83 = arith.constant 1 : i32
      %add3A_84 = arith.addi %mul3A_75, %add3A_83 : i32
      %mul3A_85 = arith.constant 512 : i32
      %mul3A_86 = arith.muli %add3A_84, %mul3A_85 : i32
      %get3A_87 = arith.constant 0 : index
      %get3A_88 = arith.index_cast %mul3A_86 : i32 to index
      %get3A_89 = vector.load %arg1[%get3A_87, %get3A_88] : memref<8x100000xf32, #tpu.memory_space<vmem>>, vector<8x512xf32>
      %add3A_90 = arith.constant 2 : i32
      %add3A_91 = arith.addi %mul3A_75, %add3A_90 : i32
      %mul3A_92 = arith.constant 512 : i32
      %mul3A_93 = arith.muli %add3A_91, %mul3A_92 : i32
      %get3A_94 = arith.constant 0 : index
      %get3A_95 = arith.index_cast %mul3A_93 : i32 to index
      %get3A_96 = vector.load %arg1[%get3A_94, %get3A_95] : memref<8x100000xf32, #tpu.memory_space<vmem>>, vector<8x512xf32>
      %add3A_97 = arith.constant 3 : i32
      %add3A_98 = arith.addi %mul3A_75, %add3A_97 : i32
      %mul3A_99 = arith.constant 512 : i32
      %mul3A_100 = arith.muli %add3A_98, %mul3A_99 : i32
      %get3A_101 = arith.constant 0 : index
      %get3A_102 = arith.index_cast %mul3A_100 : i32 to index
      %get3A_103 = vector.load %arg1[%get3A_101, %get3A_102] : memref<8x100000xf32, #tpu.memory_space<vmem>>, vector<8x512xf32>
      %add3A_104 = arith.constant 0 : i32
      %add3A_105 = arith.addi %mul3A_75, %add3A_104 : i32
      %mul3A_106 = arith.constant 512 : i32
      %mul3A_107 = arith.muli %add3A_105, %mul3A_106 : i32
      %add3A_108 = vector.broadcast %mul3A_107 : i32 to vector<8x512xi32>
      %add3A_109 = arith.addi %add3A_6, %add3A_108 : vector<8x512xi32>
      %broadcast_in_dim3A_110 = arith.constant 0 : i32
      %broadcast_in_dim3A_111 = vector.broadcast %broadcast_in_dim3A_110 : i32 to vector<8x512xi32>
      %add3A_112 = arith.constant 42 : i32
      %add3A_113 = vector.broadcast %add3A_112 : i32 to vector<8x512xi32>
      %add3A_114 = arith.addi %add3A_109, %add3A_113 : vector<8x512xi32>
      %add3A_115 = arith.addi %broadcast_in_dim3A_111, %add3A_114 : vector<8x512xi32>
      %shift_left3A = arith.constant 13 : i32
      %shift_left3A_116 = vector.broadcast %shift_left3A : i32 to vector<8x512xi32>
      %shift_left3A_117 = arith.shli %add3A_114, %shift_left3A_116 : vector<8x512xi32>
      %shift_right_logical3A = arith.constant 19 : i32
      %shift_right_logical3A_118 = vector.broadcast %shift_right_logical3A : i32 to vector<8x512xi32>
      %shift_right_logical3A_119 = arith.shrui %add3A_114, %shift_right_logical3A_118 : vector<8x512xi32>
      %or3A = arith.ori %shift_left3A_117, %shift_right_logical3A_119 : vector<8x512xi32>
      %xor3A = arith.xori %or3A, %add3A_115 : vector<8x512xi32>
      %add3A_120 = arith.addi %add3A_115, %xor3A : vector<8x512xi32>
      %shift_left3A_121 = arith.constant 15 : i32
      %shift_left3A_122 = vector.broadcast %shift_left3A_121 : i32 to vector<8x512xi32>
      %shift_left3A_123 = arith.shli %xor3A, %shift_left3A_122 : vector<8x512xi32>
      %shift_right_logical3A_124 = arith.constant 17 : i32
      %shift_right_logical3A_125 = vector.broadcast %shift_right_logical3A_124 : i32 to vector<8x512xi32>
      %shift_right_logical3A_126 = arith.shrui %xor3A, %shift_right_logical3A_125 : vector<8x512xi32>
      %or3A_127 = arith.ori %shift_left3A_123, %shift_right_logical3A_126 : vector<8x512xi32>
      %xor3A_128 = arith.xori %or3A_127, %add3A_120 : vector<8x512xi32>
      %add3A_129 = arith.addi %add3A_120, %xor3A_128 : vector<8x512xi32>
      %shift_left3A_130 = arith.constant 26 : i32
      %shift_left3A_131 = vector.broadcast %shift_left3A_130 : i32 to vector<8x512xi32>
      %shift_left3A_132 = arith.shli %xor3A_128, %shift_left3A_131 : vector<8x512xi32>
      %shift_right_logical3A_133 = arith.constant 6 : i32
      %shift_right_logical3A_134 = vector.broadcast %shift_right_logical3A_133 : i32 to vector<8x512xi32>
      %shift_right_logical3A_135 = arith.shrui %xor3A_128, %shift_right_logical3A_134 : vector<8x512xi32>
      %or3A_136 = arith.ori %shift_left3A_132, %shift_right_logical3A_135 : vector<8x512xi32>
      %xor3A_137 = arith.xori %or3A_136, %add3A_129 : vector<8x512xi32>
      %add3A_138 = arith.addi %add3A_129, %xor3A_137 : vector<8x512xi32>
      %shift_left3A_139 = arith.constant 6 : i32
      %shift_left3A_140 = vector.broadcast %shift_left3A_139 : i32 to vector<8x512xi32>
      %shift_left3A_141 = arith.shli %xor3A_137, %shift_left3A_140 : vector<8x512xi32>
      %shift_right_logical3A_142 = arith.constant 26 : i32
      %shift_right_logical3A_143 = vector.broadcast %shift_right_logical3A_142 : i32 to vector<8x512xi32>
      %shift_right_logical3A_144 = arith.shrui %xor3A_137, %shift_right_logical3A_143 : vector<8x512xi32>
      %or3A_145 = arith.ori %shift_left3A_141, %shift_right_logical3A_144 : vector<8x512xi32>
      %xor3A_146 = arith.xori %or3A_145, %add3A_138 : vector<8x512xi32>
      %add3A_147 = arith.constant 42 : i32
      %add3A_148 = vector.broadcast %add3A_147 : i32 to vector<8x512xi32>
      %add3A_149 = arith.addi %add3A_138, %add3A_148 : vector<8x512xi32>
      %add3A_150 = arith.constant 466689008 : i32
      %add3A_151 = vector.broadcast %add3A_150 : i32 to vector<8x512xi32>
      %add3A_152 = arith.addi %xor3A_146, %add3A_151 : vector<8x512xi32>
      %add3A_153 = arith.constant 1 : i32
      %add3A_154 = vector.broadcast %add3A_153 : i32 to vector<8x512xi32>
      %add3A_155 = arith.addi %add3A_152, %add3A_154 : vector<8x512xi32>
      %add3A_156 = arith.addi %add3A_149, %add3A_155 : vector<8x512xi32>
      %shift_left3A_157 = arith.constant 17 : i32
      %shift_left3A_158 = vector.broadcast %shift_left3A_157 : i32 to vector<8x512xi32>
      %shift_left3A_159 = arith.shli %add3A_155, %shift_left3A_158 : vector<8x512xi32>
      %shift_right_logical3A_160 = arith.constant 15 : i32
      %shift_right_logical3A_161 = vector.broadcast %shift_right_logical3A_160 : i32 to vector<8x512xi32>
      %shift_right_logical3A_162 = arith.shrui %add3A_155, %shift_right_logical3A_161 : vector<8x512xi32>
      %or3A_163 = arith.ori %shift_left3A_159, %shift_right_logical3A_162 : vector<8x512xi32>
      %xor3A_164 = arith.xori %or3A_163, %add3A_156 : vector<8x512xi32>
      %add3A_165 = arith.addi %add3A_156, %xor3A_164 : vector<8x512xi32>
      %shift_left3A_166 = arith.constant 29 : i32
      %shift_left3A_167 = vector.broadcast %shift_left3A_166 : i32 to vector<8x512xi32>
      %shift_left3A_168 = arith.shli %xor3A_164, %shift_left3A_167 : vector<8x512xi32>
      %shift_right_logical3A_169 = arith.constant 3 : i32
      %shift_right_logical3A_170 = vector.broadcast %shift_right_logical3A_169 : i32 to vector<8x512xi32>
      %shift_right_logical3A_171 = arith.shrui %xor3A_164, %shift_right_logical3A_170 : vector<8x512xi32>
      %or3A_172 = arith.ori %shift_left3A_168, %shift_right_logical3A_171 : vector<8x512xi32>
      %xor3A_173 = arith.xori %or3A_172, %add3A_165 : vector<8x512xi32>
      %add3A_174 = arith.addi %add3A_165, %xor3A_173 : vector<8x512xi32>
      %shift_left3A_175 = arith.constant 16 : i32
      %shift_left3A_176 = vector.broadcast %shift_left3A_175 : i32 to vector<8x512xi32>
      %shift_left3A_177 = arith.shli %xor3A_173, %shift_left3A_176 : vector<8x512xi32>
      %shift_right_logical3A_178 = arith.constant 16 : i32
      %shift_right_logical3A_179 = vector.broadcast %shift_right_logical3A_178 : i32 to vector<8x512xi32>
      %shift_right_logical3A_180 = arith.shrui %xor3A_173, %shift_right_logical3A_179 : vector<8x512xi32>
      %or3A_181 = arith.ori %shift_left3A_177, %shift_right_logical3A_180 : vector<8x512xi32>
      %xor3A_182 = arith.xori %or3A_181, %add3A_174 : vector<8x512xi32>
      %add3A_183 = arith.addi %add3A_174, %xor3A_182 : vector<8x512xi32>
      %shift_left3A_184 = arith.constant 24 : i32
      %shift_left3A_185 = vector.broadcast %shift_left3A_184 : i32 to vector<8x512xi32>
      %shift_left3A_186 = arith.shli %xor3A_182, %shift_left3A_185 : vector<8x512xi32>
      %shift_right_logical3A_187 = arith.constant 8 : i32
      %shift_right_logical3A_188 = vector.broadcast %shift_right_logical3A_187 : i32 to vector<8x512xi32>
      %shift_right_logical3A_189 = arith.shrui %xor3A_182, %shift_right_logical3A_188 : vector<8x512xi32>
      %or3A_190 = arith.ori %shift_left3A_186, %shift_right_logical3A_189 : vector<8x512xi32>
      %xor3A_191 = arith.xori %or3A_190, %add3A_183 : vector<8x512xi32>
      %add3A_192 = arith.constant 466689008 : i32
      %add3A_193 = vector.broadcast %add3A_192 : i32 to vector<8x512xi32>
      %add3A_194 = arith.addi %add3A_183, %add3A_193 : vector<8x512xi32>
      %add3A_195 = arith.constant 0 : i32
      %add3A_196 = vector.broadcast %add3A_195 : i32 to vector<8x512xi32>
      %add3A_197 = arith.addi %xor3A_191, %add3A_196 : vector<8x512xi32>
      %add3A_198 = arith.constant 2 : i32
      %add3A_199 = vector.broadcast %add3A_198 : i32 to vector<8x512xi32>
      %add3A_200 = arith.addi %add3A_197, %add3A_199 : vector<8x512xi32>
      %add3A_201 = arith.addi %add3A_194, %add3A_200 : vector<8x512xi32>
      %shift_left3A_202 = arith.constant 13 : i32
      %shift_left3A_203 = vector.broadcast %shift_left3A_202 : i32 to vector<8x512xi32>
      %shift_left3A_204 = arith.shli %add3A_200, %shift_left3A_203 : vector<8x512xi32>
      %shift_right_logical3A_205 = arith.constant 19 : i32
      %shift_right_logical3A_206 = vector.broadcast %shift_right_logical3A_205 : i32 to vector<8x512xi32>
      %shift_right_logical3A_207 = arith.shrui %add3A_200, %shift_right_logical3A_206 : vector<8x512xi32>
      %or3A_208 = arith.ori %shift_left3A_204, %shift_right_logical3A_207 : vector<8x512xi32>
      %xor3A_209 = arith.xori %or3A_208, %add3A_201 : vector<8x512xi32>
      %add3A_210 = arith.addi %add3A_201, %xor3A_209 : vector<8x512xi32>
      %shift_left3A_211 = arith.constant 15 : i32
      %shift_left3A_212 = vector.broadcast %shift_left3A_211 : i32 to vector<8x512xi32>
      %shift_left3A_213 = arith.shli %xor3A_209, %shift_left3A_212 : vector<8x512xi32>
      %shift_right_logical3A_214 = arith.constant 17 : i32
      %shift_right_logical3A_215 = vector.broadcast %shift_right_logical3A_214 : i32 to vector<8x512xi32>
      %shift_right_logical3A_216 = arith.shrui %xor3A_209, %shift_right_logical3A_215 : vector<8x512xi32>
      %or3A_217 = arith.ori %shift_left3A_213, %shift_right_logical3A_216 : vector<8x512xi32>
      %xor3A_218 = arith.xori %or3A_217, %add3A_210 : vector<8x512xi32>
      %add3A_219 = arith.addi %add3A_210, %xor3A_218 : vector<8x512xi32>
      %shift_left3A_220 = arith.constant 26 : i32
      %shift_left3A_221 = vector.broadcast %shift_left3A_220 : i32 to vector<8x512xi32>
      %shift_left3A_222 = arith.shli %xor3A_218, %shift_left3A_221 : vector<8x512xi32>
      %shift_right_logical3A_223 = arith.constant 6 : i32
      %shift_right_logical3A_224 = vector.broadcast %shift_right_logical3A_223 : i32 to vector<8x512xi32>
      %shift_right_logical3A_225 = arith.shrui %xor3A_218, %shift_right_logical3A_224 : vector<8x512xi32>
      %or3A_226 = arith.ori %shift_left3A_222, %shift_right_logical3A_225 : vector<8x512xi32>
      %xor3A_227 = arith.xori %or3A_226, %add3A_219 : vector<8x512xi32>
      %add3A_228 = arith.addi %add3A_219, %xor3A_227 : vector<8x512xi32>
      %shift_left3A_229 = arith.constant 6 : i32
      %shift_left3A_230 = vector.broadcast %shift_left3A_229 : i32 to vector<8x512xi32>
      %shift_left3A_231 = arith.shli %xor3A_227, %shift_left3A_230 : vector<8x512xi32>
      %shift_right_logical3A_232 = arith.constant 26 : i32
      %shift_right_logical3A_233 = vector.broadcast %shift_right_logical3A_232 : i32 to vector<8x512xi32>
      %shift_right_logical3A_234 = arith.shrui %xor3A_227, %shift_right_logical3A_233 : vector<8x512xi32>
      %or3A_235 = arith.ori %shift_left3A_231, %shift_right_logical3A_234 : vector<8x512xi32>
      %xor3A_236 = arith.xori %or3A_235, %add3A_228 : vector<8x512xi32>
      %add3A_237 = arith.constant 0 : i32
      %add3A_238 = vector.broadcast %add3A_237 : i32 to vector<8x512xi32>
      %add3A_239 = arith.addi %add3A_228, %add3A_238 : vector<8x512xi32>
      %add3A_240 = arith.constant 42 : i32
      %add3A_241 = vector.broadcast %add3A_240 : i32 to vector<8x512xi32>
      %add3A_242 = arith.addi %xor3A_236, %add3A_241 : vector<8x512xi32>
      %add3A_243 = arith.constant 3 : i32
      %add3A_244 = vector.broadcast %add3A_243 : i32 to vector<8x512xi32>
      %add3A_245 = arith.addi %add3A_242, %add3A_244 : vector<8x512xi32>
      %add3A_246 = arith.addi %add3A_239, %add3A_245 : vector<8x512xi32>
      %shift_left3A_247 = arith.constant 17 : i32
      %shift_left3A_248 = vector.broadcast %shift_left3A_247 : i32 to vector<8x512xi32>
      %shift_left3A_249 = arith.shli %add3A_245, %shift_left3A_248 : vector<8x512xi32>
      %shift_right_logical3A_250 = arith.constant 15 : i32
      %shift_right_logical3A_251 = vector.broadcast %shift_right_logical3A_250 : i32 to vector<8x512xi32>
      %shift_right_logical3A_252 = arith.shrui %add3A_245, %shift_right_logical3A_251 : vector<8x512xi32>
      %or3A_253 = arith.ori %shift_left3A_249, %shift_right_logical3A_252 : vector<8x512xi32>
      %xor3A_254 = arith.xori %or3A_253, %add3A_246 : vector<8x512xi32>
      %add3A_255 = arith.addi %add3A_246, %xor3A_254 : vector<8x512xi32>
      %shift_left3A_256 = arith.constant 29 : i32
      %shift_left3A_257 = vector.broadcast %shift_left3A_256 : i32 to vector<8x512xi32>
      %shift_left3A_258 = arith.shli %xor3A_254, %shift_left3A_257 : vector<8x512xi32>
      %shift_right_logical3A_259 = arith.constant 3 : i32
      %shift_right_logical3A_260 = vector.broadcast %shift_right_logical3A_259 : i32 to vector<8x512xi32>
      %shift_right_logical3A_261 = arith.shrui %xor3A_254, %shift_right_logical3A_260 : vector<8x512xi32>
      %or3A_262 = arith.ori %shift_left3A_258, %shift_right_logical3A_261 : vector<8x512xi32>
      %xor3A_263 = arith.xori %or3A_262, %add3A_255 : vector<8x512xi32>
      %add3A_264 = arith.addi %add3A_255, %xor3A_263 : vector<8x512xi32>
      %shift_left3A_265 = arith.constant 16 : i32
      %shift_left3A_266 = vector.broadcast %shift_left3A_265 : i32 to vector<8x512xi32>
      %shift_left3A_267 = arith.shli %xor3A_263, %shift_left3A_266 : vector<8x512xi32>
      %shift_right_logical3A_268 = arith.constant 16 : i32
      %shift_right_logical3A_269 = vector.broadcast %shift_right_logical3A_268 : i32 to vector<8x512xi32>
      %shift_right_logical3A_270 = arith.shrui %xor3A_263, %shift_right_logical3A_269 : vector<8x512xi32>
      %or3A_271 = arith.ori %shift_left3A_267, %shift_right_logical3A_270 : vector<8x512xi32>
      %xor3A_272 = arith.xori %or3A_271, %add3A_264 : vector<8x512xi32>
      %add3A_273 = arith.addi %add3A_264, %xor3A_272 : vector<8x512xi32>
      %shift_left3A_274 = arith.constant 24 : i32
      %shift_left3A_275 = vector.broadcast %shift_left3A_274 : i32 to vector<8x512xi32>
      %shift_left3A_276 = arith.shli %xor3A_272, %shift_left3A_275 : vector<8x512xi32>
      %shift_right_logical3A_277 = arith.constant 8 : i32
      %shift_right_logical3A_278 = vector.broadcast %shift_right_logical3A_277 : i32 to vector<8x512xi32>
      %shift_right_logical3A_279 = arith.shrui %xor3A_272, %shift_right_logical3A_278 : vector<8x512xi32>
      %or3A_280 = arith.ori %shift_left3A_276, %shift_right_logical3A_279 : vector<8x512xi32>
      %xor3A_281 = arith.xori %or3A_280, %add3A_273 : vector<8x512xi32>
      %add3A_282 = arith.constant 42 : i32
      %add3A_283 = vector.broadcast %add3A_282 : i32 to vector<8x512xi32>
      %add3A_284 = arith.addi %add3A_273, %add3A_283 : vector<8x512xi32>
      %add3A_285 = arith.constant 466689008 : i32
      %add3A_286 = vector.broadcast %add3A_285 : i32 to vector<8x512xi32>
      %add3A_287 = arith.addi %xor3A_281, %add3A_286 : vector<8x512xi32>
      %add3A_288 = arith.constant 4 : i32
      %add3A_289 = vector.broadcast %add3A_288 : i32 to vector<8x512xi32>
      %add3A_290 = arith.addi %add3A_287, %add3A_289 : vector<8x512xi32>
      %add3A_291 = arith.addi %add3A_284, %add3A_290 : vector<8x512xi32>
      %shift_left3A_292 = arith.constant 13 : i32
      %shift_left3A_293 = vector.broadcast %shift_left3A_292 : i32 to vector<8x512xi32>
      %shift_left3A_294 = arith.shli %add3A_290, %shift_left3A_293 : vector<8x512xi32>
      %shift_right_logical3A_295 = arith.constant 19 : i32
      %shift_right_logical3A_296 = vector.broadcast %shift_right_logical3A_295 : i32 to vector<8x512xi32>
      %shift_right_logical3A_297 = arith.shrui %add3A_290, %shift_right_logical3A_296 : vector<8x512xi32>
      %or3A_298 = arith.ori %shift_left3A_294, %shift_right_logical3A_297 : vector<8x512xi32>
      %xor3A_299 = arith.xori %or3A_298, %add3A_291 : vector<8x512xi32>
      %add3A_300 = arith.addi %add3A_291, %xor3A_299 : vector<8x512xi32>
      %shift_left3A_301 = arith.constant 15 : i32
      %shift_left3A_302 = vector.broadcast %shift_left3A_301 : i32 to vector<8x512xi32>
      %shift_left3A_303 = arith.shli %xor3A_299, %shift_left3A_302 : vector<8x512xi32>
      %shift_right_logical3A_304 = arith.constant 17 : i32
      %shift_right_logical3A_305 = vector.broadcast %shift_right_logical3A_304 : i32 to vector<8x512xi32>
      %shift_right_logical3A_306 = arith.shrui %xor3A_299, %shift_right_logical3A_305 : vector<8x512xi32>
      %or3A_307 = arith.ori %shift_left3A_303, %shift_right_logical3A_306 : vector<8x512xi32>
      %xor3A_308 = arith.xori %or3A_307, %add3A_300 : vector<8x512xi32>
      %add3A_309 = arith.addi %add3A_300, %xor3A_308 : vector<8x512xi32>
      %shift_left3A_310 = arith.constant 26 : i32
      %shift_left3A_311 = vector.broadcast %shift_left3A_310 : i32 to vector<8x512xi32>
      %shift_left3A_312 = arith.shli %xor3A_308, %shift_left3A_311 : vector<8x512xi32>
      %shift_right_logical3A_313 = arith.constant 6 : i32
      %shift_right_logical3A_314 = vector.broadcast %shift_right_logical3A_313 : i32 to vector<8x512xi32>
      %shift_right_logical3A_315 = arith.shrui %xor3A_308, %shift_right_logical3A_314 : vector<8x512xi32>
      %or3A_316 = arith.ori %shift_left3A_312, %shift_right_logical3A_315 : vector<8x512xi32>
      %xor3A_317 = arith.xori %or3A_316, %add3A_309 : vector<8x512xi32>
      %add3A_318 = arith.addi %add3A_309, %xor3A_317 : vector<8x512xi32>
      %shift_left3A_319 = arith.constant 6 : i32
      %shift_left3A_320 = vector.broadcast %shift_left3A_319 : i32 to vector<8x512xi32>
      %shift_left3A_321 = arith.shli %xor3A_317, %shift_left3A_320 : vector<8x512xi32>
      %shift_right_logical3A_322 = arith.constant 26 : i32
      %shift_right_logical3A_323 = vector.broadcast %shift_right_logical3A_322 : i32 to vector<8x512xi32>
      %shift_right_logical3A_324 = arith.shrui %xor3A_317, %shift_right_logical3A_323 : vector<8x512xi32>
      %or3A_325 = arith.ori %shift_left3A_321, %shift_right_logical3A_324 : vector<8x512xi32>
      %xor3A_326 = arith.xori %or3A_325, %add3A_318 : vector<8x512xi32>
      %add3A_327 = arith.constant 466689008 : i32
      %add3A_328 = vector.broadcast %add3A_327 : i32 to vector<8x512xi32>
      %add3A_329 = arith.addi %add3A_318, %add3A_328 : vector<8x512xi32>
      %add3A_330 = arith.constant 0 : i32
      %add3A_331 = vector.broadcast %add3A_330 : i32 to vector<8x512xi32>
      %add3A_332 = arith.addi %xor3A_326, %add3A_331 : vector<8x512xi32>
      %add3A_333 = arith.constant 5 : i32
      %add3A_334 = vector.broadcast %add3A_333 : i32 to vector<8x512xi32>
      %add3A_335 = arith.addi %add3A_332, %add3A_334 : vector<8x512xi32>
      %xor3A_336 = arith.xori %add3A_329, %add3A_335 : vector<8x512xi32>
      %shift_right_logical3A_337 = arith.constant 9 : i32
      %shift_right_logical3A_338 = vector.broadcast %shift_right_logical3A_337 : i32 to vector<8x512xi32>
      %shift_right_logical3A_339 = arith.shrui %xor3A_336, %shift_right_logical3A_338 : vector<8x512xi32>
      %or3A_340 = arith.constant 1065353216 : i32
      %or3A_341 = vector.broadcast %or3A_340 : i32 to vector<8x512xi32>
      %or3A_342 = arith.ori %shift_right_logical3A_339, %or3A_341 : vector<8x512xi32>
      %bitcast_convert_type3A = tpu.bitcast %or3A_342 : vector<8x512xi32> -> vector<8x512xf32>
      %sub3A_343 = arith.constant 1.000000e+00 : f32
      %sub3A_344 = vector.broadcast %sub3A_343 : f32 to vector<8x512xf32>
      %sub3A_345 = arith.subf %bitcast_convert_type3A, %sub3A_344 : vector<8x512xf32>
      %sub3A_346 = arith.constant 1.000000e+00 : f32
      %sub3A_347 = arith.constant 1.17549435E-38 : f32
      %sub3A_348 = arith.subf %sub3A_346, %sub3A_347 : f32
      %mul3A_349 = vector.broadcast %sub3A_348 : f32 to vector<8x512xf32>
      %mul3A_350 = arith.mulf %sub3A_345, %mul3A_349 : vector<8x512xf32>
      %add3A_351 = arith.constant 1.17549435E-38 : f32
      %add3A_352 = vector.broadcast %add3A_351 : f32 to vector<8x512xf32>
      %add3A_353 = arith.addf %mul3A_350, %add3A_352 : vector<8x512xf32>
      %max3A_354 = arith.constant 1.17549435E-38 : f32
      %max3A_355 = vector.broadcast %max3A_354 : f32 to vector<8x512xf32>
      %max3A_356 = arith.maximumf %max3A_355, %add3A_353 : vector<8x512xf32>
      %log3A = math.log %max3A_356 : vector<8x512xf32>
      %log3A_357 = arith.constant 2.000000e+00 : f32
      %log3A_358 = math.log %log3A_357 : f32
      %div3A_359 = vector.broadcast %log3A_358 : f32 to vector<8x512xf32>
      %div3A_360 = arith.divf %log3A, %div3A_359 : vector<8x512xf32>
      %neg3A = arith.constant 0.000000e+00 : f32
      %neg3A_361 = vector.broadcast %neg3A : f32 to vector<8x512xf32>
      %neg3A_362 = arith.subf %neg3A_361, %div3A_360 : vector<8x512xf32>
      %add3A_363 = arith.constant 1 : i32
      %add3A_364 = arith.addi %mul3A_75, %add3A_363 : i32
      %mul3A_365 = arith.constant 512 : i32
      %mul3A_366 = arith.muli %add3A_364, %mul3A_365 : i32
      %add3A_367 = vector.broadcast %mul3A_366 : i32 to vector<8x512xi32>
      %add3A_368 = arith.addi %add3A_6, %add3A_367 : vector<8x512xi32>
      %broadcast_in_dim3A_369 = arith.constant 0 : i32
      %broadcast_in_dim3A_370 = vector.broadcast %broadcast_in_dim3A_369 : i32 to vector<8x512xi32>
      %add3A_371 = arith.constant 42 : i32
      %add3A_372 = vector.broadcast %add3A_371 : i32 to vector<8x512xi32>
      %add3A_373 = arith.addi %add3A_368, %add3A_372 : vector<8x512xi32>
      %add3A_374 = arith.addi %broadcast_in_dim3A_370, %add3A_373 : vector<8x512xi32>
      %shift_left3A_375 = arith.constant 13 : i32
      %shift_left3A_376 = vector.broadcast %shift_left3A_375 : i32 to vector<8x512xi32>
      %shift_left3A_377 = arith.shli %add3A_373, %shift_left3A_376 : vector<8x512xi32>
      %shift_right_logical3A_378 = arith.constant 19 : i32
      %shift_right_logical3A_379 = vector.broadcast %shift_right_logical3A_378 : i32 to vector<8x512xi32>
      %shift_right_logical3A_380 = arith.shrui %add3A_373, %shift_right_logical3A_379 : vector<8x512xi32>
      %or3A_381 = arith.ori %shift_left3A_377, %shift_right_logical3A_380 : vector<8x512xi32>
      %xor3A_382 = arith.xori %or3A_381, %add3A_374 : vector<8x512xi32>
      %add3A_383 = arith.addi %add3A_374, %xor3A_382 : vector<8x512xi32>
      %shift_left3A_384 = arith.constant 15 : i32
      %shift_left3A_385 = vector.broadcast %shift_left3A_384 : i32 to vector<8x512xi32>
      %shift_left3A_386 = arith.shli %xor3A_382, %shift_left3A_385 : vector<8x512xi32>
      %shift_right_logical3A_387 = arith.constant 17 : i32
      %shift_right_logical3A_388 = vector.broadcast %shift_right_logical3A_387 : i32 to vector<8x512xi32>
      %shift_right_logical3A_389 = arith.shrui %xor3A_382, %shift_right_logical3A_388 : vector<8x512xi32>
      %or3A_390 = arith.ori %shift_left3A_386, %shift_right_logical3A_389 : vector<8x512xi32>
      %xor3A_391 = arith.xori %or3A_390, %add3A_383 : vector<8x512xi32>
      %add3A_392 = arith.addi %add3A_383, %xor3A_391 : vector<8x512xi32>
      %shift_left3A_393 = arith.constant 26 : i32
      %shift_left3A_394 = vector.broadcast %shift_left3A_393 : i32 to vector<8x512xi32>
      %shift_left3A_395 = arith.shli %xor3A_391, %shift_left3A_394 : vector<8x512xi32>
      %shift_right_logical3A_396 = arith.constant 6 : i32
      %shift_right_logical3A_397 = vector.broadcast %shift_right_logical3A_396 : i32 to vector<8x512xi32>
      %shift_right_logical3A_398 = arith.shrui %xor3A_391, %shift_right_logical3A_397 : vector<8x512xi32>
      %or3A_399 = arith.ori %shift_left3A_395, %shift_right_logical3A_398 : vector<8x512xi32>
      %xor3A_400 = arith.xori %or3A_399, %add3A_392 : vector<8x512xi32>
      %add3A_401 = arith.addi %add3A_392, %xor3A_400 : vector<8x512xi32>
      %shift_left3A_402 = arith.constant 6 : i32
      %shift_left3A_403 = vector.broadcast %shift_left3A_402 : i32 to vector<8x512xi32>
      %shift_left3A_404 = arith.shli %xor3A_400, %shift_left3A_403 : vector<8x512xi32>
      %shift_right_logical3A_405 = arith.constant 26 : i32
      %shift_right_logical3A_406 = vector.broadcast %shift_right_logical3A_405 : i32 to vector<8x512xi32>
      %shift_right_logical3A_407 = arith.shrui %xor3A_400, %shift_right_logical3A_406 : vector<8x512xi32>
      %or3A_408 = arith.ori %shift_left3A_404, %shift_right_logical3A_407 : vector<8x512xi32>
      %xor3A_409 = arith.xori %or3A_408, %add3A_401 : vector<8x512xi32>
      %add3A_410 = arith.constant 42 : i32
      %add3A_411 = vector.broadcast %add3A_410 : i32 to vector<8x512xi32>
      %add3A_412 = arith.addi %add3A_401, %add3A_411 : vector<8x512xi32>
      %add3A_413 = arith.constant 466689008 : i32
      %add3A_414 = vector.broadcast %add3A_413 : i32 to vector<8x512xi32>
      %add3A_415 = arith.addi %xor3A_409, %add3A_414 : vector<8x512xi32>
      %add3A_416 = arith.constant 1 : i32
      %add3A_417 = vector.broadcast %add3A_416 : i32 to vector<8x512xi32>
      %add3A_418 = arith.addi %add3A_415, %add3A_417 : vector<8x512xi32>
      %add3A_419 = arith.addi %add3A_412, %add3A_418 : vector<8x512xi32>
      %shift_left3A_420 = arith.constant 17 : i32
      %shift_left3A_421 = vector.broadcast %shift_left3A_420 : i32 to vector<8x512xi32>
      %shift_left3A_422 = arith.shli %add3A_418, %shift_left3A_421 : vector<8x512xi32>
      %shift_right_logical3A_423 = arith.constant 15 : i32
      %shift_right_logical3A_424 = vector.broadcast %shift_right_logical3A_423 : i32 to vector<8x512xi32>
      %shift_right_logical3A_425 = arith.shrui %add3A_418, %shift_right_logical3A_424 : vector<8x512xi32>
      %or3A_426 = arith.ori %shift_left3A_422, %shift_right_logical3A_425 : vector<8x512xi32>
      %xor3A_427 = arith.xori %or3A_426, %add3A_419 : vector<8x512xi32>
      %add3A_428 = arith.addi %add3A_419, %xor3A_427 : vector<8x512xi32>
      %shift_left3A_429 = arith.constant 29 : i32
      %shift_left3A_430 = vector.broadcast %shift_left3A_429 : i32 to vector<8x512xi32>
      %shift_left3A_431 = arith.shli %xor3A_427, %shift_left3A_430 : vector<8x512xi32>
      %shift_right_logical3A_432 = arith.constant 3 : i32
      %shift_right_logical3A_433 = vector.broadcast %shift_right_logical3A_432 : i32 to vector<8x512xi32>
      %shift_right_logical3A_434 = arith.shrui %xor3A_427, %shift_right_logical3A_433 : vector<8x512xi32>
      %or3A_435 = arith.ori %shift_left3A_431, %shift_right_logical3A_434 : vector<8x512xi32>
      %xor3A_436 = arith.xori %or3A_435, %add3A_428 : vector<8x512xi32>
      %add3A_437 = arith.addi %add3A_428, %xor3A_436 : vector<8x512xi32>
      %shift_left3A_438 = arith.constant 16 : i32
      %shift_left3A_439 = vector.broadcast %shift_left3A_438 : i32 to vector<8x512xi32>
      %shift_left3A_440 = arith.shli %xor3A_436, %shift_left3A_439 : vector<8x512xi32>
      %shift_right_logical3A_441 = arith.constant 16 : i32
      %shift_right_logical3A_442 = vector.broadcast %shift_right_logical3A_441 : i32 to vector<8x512xi32>
      %shift_right_logical3A_443 = arith.shrui %xor3A_436, %shift_right_logical3A_442 : vector<8x512xi32>
      %or3A_444 = arith.ori %shift_left3A_440, %shift_right_logical3A_443 : vector<8x512xi32>
      %xor3A_445 = arith.xori %or3A_444, %add3A_437 : vector<8x512xi32>
      %add3A_446 = arith.addi %add3A_437, %xor3A_445 : vector<8x512xi32>
      %shift_left3A_447 = arith.constant 24 : i32
      %shift_left3A_448 = vector.broadcast %shift_left3A_447 : i32 to vector<8x512xi32>
      %shift_left3A_449 = arith.shli %xor3A_445, %shift_left3A_448 : vector<8x512xi32>
      %shift_right_logical3A_450 = arith.constant 8 : i32
      %shift_right_logical3A_451 = vector.broadcast %shift_right_logical3A_450 : i32 to vector<8x512xi32>
      %shift_right_logical3A_452 = arith.shrui %xor3A_445, %shift_right_logical3A_451 : vector<8x512xi32>
      %or3A_453 = arith.ori %shift_left3A_449, %shift_right_logical3A_452 : vector<8x512xi32>
      %xor3A_454 = arith.xori %or3A_453, %add3A_446 : vector<8x512xi32>
      %add3A_455 = arith.constant 466689008 : i32
      %add3A_456 = vector.broadcast %add3A_455 : i32 to vector<8x512xi32>
      %add3A_457 = arith.addi %add3A_446, %add3A_456 : vector<8x512xi32>
      %add3A_458 = arith.constant 0 : i32
      %add3A_459 = vector.broadcast %add3A_458 : i32 to vector<8x512xi32>
      %add3A_460 = arith.addi %xor3A_454, %add3A_459 : vector<8x512xi32>
      %add3A_461 = arith.constant 2 : i32
      %add3A_462 = vector.broadcast %add3A_461 : i32 to vector<8x512xi32>
      %add3A_463 = arith.addi %add3A_460, %add3A_462 : vector<8x512xi32>
      %add3A_464 = arith.addi %add3A_457, %add3A_463 : vector<8x512xi32>
      %shift_left3A_465 = arith.constant 13 : i32
      %shift_left3A_466 = vector.broadcast %shift_left3A_465 : i32 to vector<8x512xi32>
      %shift_left3A_467 = arith.shli %add3A_463, %shift_left3A_466 : vector<8x512xi32>
      %shift_right_logical3A_468 = arith.constant 19 : i32
      %shift_right_logical3A_469 = vector.broadcast %shift_right_logical3A_468 : i32 to vector<8x512xi32>
      %shift_right_logical3A_470 = arith.shrui %add3A_463, %shift_right_logical3A_469 : vector<8x512xi32>
      %or3A_471 = arith.ori %shift_left3A_467, %shift_right_logical3A_470 : vector<8x512xi32>
      %xor3A_472 = arith.xori %or3A_471, %add3A_464 : vector<8x512xi32>
      %add3A_473 = arith.addi %add3A_464, %xor3A_472 : vector<8x512xi32>
      %shift_left3A_474 = arith.constant 15 : i32
      %shift_left3A_475 = vector.broadcast %shift_left3A_474 : i32 to vector<8x512xi32>
      %shift_left3A_476 = arith.shli %xor3A_472, %shift_left3A_475 : vector<8x512xi32>
      %shift_right_logical3A_477 = arith.constant 17 : i32
      %shift_right_logical3A_478 = vector.broadcast %shift_right_logical3A_477 : i32 to vector<8x512xi32>
      %shift_right_logical3A_479 = arith.shrui %xor3A_472, %shift_right_logical3A_478 : vector<8x512xi32>
      %or3A_480 = arith.ori %shift_left3A_476, %shift_right_logical3A_479 : vector<8x512xi32>
      %xor3A_481 = arith.xori %or3A_480, %add3A_473 : vector<8x512xi32>
      %add3A_482 = arith.addi %add3A_473, %xor3A_481 : vector<8x512xi32>
      %shift_left3A_483 = arith.constant 26 : i32
      %shift_left3A_484 = vector.broadcast %shift_left3A_483 : i32 to vector<8x512xi32>
      %shift_left3A_485 = arith.shli %xor3A_481, %shift_left3A_484 : vector<8x512xi32>
      %shift_right_logical3A_486 = arith.constant 6 : i32
      %shift_right_logical3A_487 = vector.broadcast %shift_right_logical3A_486 : i32 to vector<8x512xi32>
      %shift_right_logical3A_488 = arith.shrui %xor3A_481, %shift_right_logical3A_487 : vector<8x512xi32>
      %or3A_489 = arith.ori %shift_left3A_485, %shift_right_logical3A_488 : vector<8x512xi32>
      %xor3A_490 = arith.xori %or3A_489, %add3A_482 : vector<8x512xi32>
      %add3A_491 = arith.addi %add3A_482, %xor3A_490 : vector<8x512xi32>
      %shift_left3A_492 = arith.constant 6 : i32
      %shift_left3A_493 = vector.broadcast %shift_left3A_492 : i32 to vector<8x512xi32>
      %shift_left3A_494 = arith.shli %xor3A_490, %shift_left3A_493 : vector<8x512xi32>
      %shift_right_logical3A_495 = arith.constant 26 : i32
      %shift_right_logical3A_496 = vector.broadcast %shift_right_logical3A_495 : i32 to vector<8x512xi32>
      %shift_right_logical3A_497 = arith.shrui %xor3A_490, %shift_right_logical3A_496 : vector<8x512xi32>
      %or3A_498 = arith.ori %shift_left3A_494, %shift_right_logical3A_497 : vector<8x512xi32>
      %xor3A_499 = arith.xori %or3A_498, %add3A_491 : vector<8x512xi32>
      %add3A_500 = arith.constant 0 : i32
      %add3A_501 = vector.broadcast %add3A_500 : i32 to vector<8x512xi32>
      %add3A_502 = arith.addi %add3A_491, %add3A_501 : vector<8x512xi32>
      %add3A_503 = arith.constant 42 : i32
      %add3A_504 = vector.broadcast %add3A_503 : i32 to vector<8x512xi32>
      %add3A_505 = arith.addi %xor3A_499, %add3A_504 : vector<8x512xi32>
      %add3A_506 = arith.constant 3 : i32
      %add3A_507 = vector.broadcast %add3A_506 : i32 to vector<8x512xi32>
      %add3A_508 = arith.addi %add3A_505, %add3A_507 : vector<8x512xi32>
      %add3A_509 = arith.addi %add3A_502, %add3A_508 : vector<8x512xi32>
      %shift_left3A_510 = arith.constant 17 : i32
      %shift_left3A_511 = vector.broadcast %shift_left3A_510 : i32 to vector<8x512xi32>
      %shift_left3A_512 = arith.shli %add3A_508, %shift_left3A_511 : vector<8x512xi32>
      %shift_right_logical3A_513 = arith.constant 15 : i32
      %shift_right_logical3A_514 = vector.broadcast %shift_right_logical3A_513 : i32 to vector<8x512xi32>
      %shift_right_logical3A_515 = arith.shrui %add3A_508, %shift_right_logical3A_514 : vector<8x512xi32>
      %or3A_516 = arith.ori %shift_left3A_512, %shift_right_logical3A_515 : vector<8x512xi32>
      %xor3A_517 = arith.xori %or3A_516, %add3A_509 : vector<8x512xi32>
      %add3A_518 = arith.addi %add3A_509, %xor3A_517 : vector<8x512xi32>
      %shift_left3A_519 = arith.constant 29 : i32
      %shift_left3A_520 = vector.broadcast %shift_left3A_519 : i32 to vector<8x512xi32>
      %shift_left3A_521 = arith.shli %xor3A_517, %shift_left3A_520 : vector<8x512xi32>
      %shift_right_logical3A_522 = arith.constant 3 : i32
      %shift_right_logical3A_523 = vector.broadcast %shift_right_logical3A_522 : i32 to vector<8x512xi32>
      %shift_right_logical3A_524 = arith.shrui %xor3A_517, %shift_right_logical3A_523 : vector<8x512xi32>
      %or3A_525 = arith.ori %shift_left3A_521, %shift_right_logical3A_524 : vector<8x512xi32>
      %xor3A_526 = arith.xori %or3A_525, %add3A_518 : vector<8x512xi32>
      %add3A_527 = arith.addi %add3A_518, %xor3A_526 : vector<8x512xi32>
      %shift_left3A_528 = arith.constant 16 : i32
      %shift_left3A_529 = vector.broadcast %shift_left3A_528 : i32 to vector<8x512xi32>
      %shift_left3A_530 = arith.shli %xor3A_526, %shift_left3A_529 : vector<8x512xi32>
      %shift_right_logical3A_531 = arith.constant 16 : i32
      %shift_right_logical3A_532 = vector.broadcast %shift_right_logical3A_531 : i32 to vector<8x512xi32>
      %shift_right_logical3A_533 = arith.shrui %xor3A_526, %shift_right_logical3A_532 : vector<8x512xi32>
      %or3A_534 = arith.ori %shift_left3A_530, %shift_right_logical3A_533 : vector<8x512xi32>
      %xor3A_535 = arith.xori %or3A_534, %add3A_527 : vector<8x512xi32>
      %add3A_536 = arith.addi %add3A_527, %xor3A_535 : vector<8x512xi32>
      %shift_left3A_537 = arith.constant 24 : i32
      %shift_left3A_538 = vector.broadcast %shift_left3A_537 : i32 to vector<8x512xi32>
      %shift_left3A_539 = arith.shli %xor3A_535, %shift_left3A_538 : vector<8x512xi32>
      %shift_right_logical3A_540 = arith.constant 8 : i32
      %shift_right_logical3A_541 = vector.broadcast %shift_right_logical3A_540 : i32 to vector<8x512xi32>
      %shift_right_logical3A_542 = arith.shrui %xor3A_535, %shift_right_logical3A_541 : vector<8x512xi32>
      %or3A_543 = arith.ori %shift_left3A_539, %shift_right_logical3A_542 : vector<8x512xi32>
      %xor3A_544 = arith.xori %or3A_543, %add3A_536 : vector<8x512xi32>
      %add3A_545 = arith.constant 42 : i32
      %add3A_546 = vector.broadcast %add3A_545 : i32 to vector<8x512xi32>
      %add3A_547 = arith.addi %add3A_536, %add3A_546 : vector<8x512xi32>
      %add3A_548 = arith.constant 466689008 : i32
      %add3A_549 = vector.broadcast %add3A_548 : i32 to vector<8x512xi32>
      %add3A_550 = arith.addi %xor3A_544, %add3A_549 : vector<8x512xi32>
      %add3A_551 = arith.constant 4 : i32
      %add3A_552 = vector.broadcast %add3A_551 : i32 to vector<8x512xi32>
      %add3A_553 = arith.addi %add3A_550, %add3A_552 : vector<8x512xi32>
      %add3A_554 = arith.addi %add3A_547, %add3A_553 : vector<8x512xi32>
      %shift_left3A_555 = arith.constant 13 : i32
      %shift_left3A_556 = vector.broadcast %shift_left3A_555 : i32 to vector<8x512xi32>
      %shift_left3A_557 = arith.shli %add3A_553, %shift_left3A_556 : vector<8x512xi32>
      %shift_right_logical3A_558 = arith.constant 19 : i32
      %shift_right_logical3A_559 = vector.broadcast %shift_right_logical3A_558 : i32 to vector<8x512xi32>
      %shift_right_logical3A_560 = arith.shrui %add3A_553, %shift_right_logical3A_559 : vector<8x512xi32>
      %or3A_561 = arith.ori %shift_left3A_557, %shift_right_logical3A_560 : vector<8x512xi32>
      %xor3A_562 = arith.xori %or3A_561, %add3A_554 : vector<8x512xi32>
      %add3A_563 = arith.addi %add3A_554, %xor3A_562 : vector<8x512xi32>
      %shift_left3A_564 = arith.constant 15 : i32
      %shift_left3A_565 = vector.broadcast %shift_left3A_564 : i32 to vector<8x512xi32>
      %shift_left3A_566 = arith.shli %xor3A_562, %shift_left3A_565 : vector<8x512xi32>
      %shift_right_logical3A_567 = arith.constant 17 : i32
      %shift_right_logical3A_568 = vector.broadcast %shift_right_logical3A_567 : i32 to vector<8x512xi32>
      %shift_right_logical3A_569 = arith.shrui %xor3A_562, %shift_right_logical3A_568 : vector<8x512xi32>
      %or3A_570 = arith.ori %shift_left3A_566, %shift_right_logical3A_569 : vector<8x512xi32>
      %xor3A_571 = arith.xori %or3A_570, %add3A_563 : vector<8x512xi32>
      %add3A_572 = arith.addi %add3A_563, %xor3A_571 : vector<8x512xi32>
      %shift_left3A_573 = arith.constant 26 : i32
      %shift_left3A_574 = vector.broadcast %shift_left3A_573 : i32 to vector<8x512xi32>
      %shift_left3A_575 = arith.shli %xor3A_571, %shift_left3A_574 : vector<8x512xi32>
      %shift_right_logical3A_576 = arith.constant 6 : i32
      %shift_right_logical3A_577 = vector.broadcast %shift_right_logical3A_576 : i32 to vector<8x512xi32>
      %shift_right_logical3A_578 = arith.shrui %xor3A_571, %shift_right_logical3A_577 : vector<8x512xi32>
      %or3A_579 = arith.ori %shift_left3A_575, %shift_right_logical3A_578 : vector<8x512xi32>
      %xor3A_580 = arith.xori %or3A_579, %add3A_572 : vector<8x512xi32>
      %add3A_581 = arith.addi %add3A_572, %xor3A_580 : vector<8x512xi32>
      %shift_left3A_582 = arith.constant 6 : i32
      %shift_left3A_583 = vector.broadcast %shift_left3A_582 : i32 to vector<8x512xi32>
      %shift_left3A_584 = arith.shli %xor3A_580, %shift_left3A_583 : vector<8x512xi32>
      %shift_right_logical3A_585 = arith.constant 26 : i32
      %shift_right_logical3A_586 = vector.broadcast %shift_right_logical3A_585 : i32 to vector<8x512xi32>
      %shift_right_logical3A_587 = arith.shrui %xor3A_580, %shift_right_logical3A_586 : vector<8x512xi32>
      %or3A_588 = arith.ori %shift_left3A_584, %shift_right_logical3A_587 : vector<8x512xi32>
      %xor3A_589 = arith.xori %or3A_588, %add3A_581 : vector<8x512xi32>
      %add3A_590 = arith.constant 466689008 : i32
      %add3A_591 = vector.broadcast %add3A_590 : i32 to vector<8x512xi32>
      %add3A_592 = arith.addi %add3A_581, %add3A_591 : vector<8x512xi32>
      %add3A_593 = arith.constant 0 : i32
      %add3A_594 = vector.broadcast %add3A_593 : i32 to vector<8x512xi32>
      %add3A_595 = arith.addi %xor3A_589, %add3A_594 : vector<8x512xi32>
      %add3A_596 = arith.constant 5 : i32
      %add3A_597 = vector.broadcast %add3A_596 : i32 to vector<8x512xi32>
      %add3A_598 = arith.addi %add3A_595, %add3A_597 : vector<8x512xi32>
      %xor3A_599 = arith.xori %add3A_592, %add3A_598 : vector<8x512xi32>
      %shift_right_logical3A_600 = arith.constant 9 : i32
      %shift_right_logical3A_601 = vector.broadcast %shift_right_logical3A_600 : i32 to vector<8x512xi32>
      %shift_right_logical3A_602 = arith.shrui %xor3A_599, %shift_right_logical3A_601 : vector<8x512xi32>
      %or3A_603 = arith.constant 1065353216 : i32
      %or3A_604 = vector.broadcast %or3A_603 : i32 to vector<8x512xi32>
      %or3A_605 = arith.ori %shift_right_logical3A_602, %or3A_604 : vector<8x512xi32>
      %bitcast_convert_type3A_606 = tpu.bitcast %or3A_605 : vector<8x512xi32> -> vector<8x512xf32>
      %sub3A_607 = arith.constant 1.000000e+00 : f32
      %sub3A_608 = vector.broadcast %sub3A_607 : f32 to vector<8x512xf32>
      %sub3A_609 = arith.subf %bitcast_convert_type3A_606, %sub3A_608 : vector<8x512xf32>
      %sub3A_610 = arith.constant 1.000000e+00 : f32
      %sub3A_611 = arith.constant 1.17549435E-38 : f32
      %sub3A_612 = arith.subf %sub3A_610, %sub3A_611 : f32
      %mul3A_613 = vector.broadcast %sub3A_612 : f32 to vector<8x512xf32>
      %mul3A_614 = arith.mulf %sub3A_609, %mul3A_613 : vector<8x512xf32>
      %add3A_615 = arith.constant 1.17549435E-38 : f32
      %add3A_616 = vector.broadcast %add3A_615 : f32 to vector<8x512xf32>
      %add3A_617 = arith.addf %mul3A_614, %add3A_616 : vector<8x512xf32>
      %max3A_618 = arith.constant 1.17549435E-38 : f32
      %max3A_619 = vector.broadcast %max3A_618 : f32 to vector<8x512xf32>
      %max3A_620 = arith.maximumf %max3A_619, %add3A_617 : vector<8x512xf32>
      %log3A_621 = math.log %max3A_620 : vector<8x512xf32>
      %log3A_622 = arith.constant 2.000000e+00 : f32
      %log3A_623 = math.log %log3A_622 : f32
      %div3A_624 = vector.broadcast %log3A_623 : f32 to vector<8x512xf32>
      %div3A_625 = arith.divf %log3A_621, %div3A_624 : vector<8x512xf32>
      %neg3A_626 = arith.constant 0.000000e+00 : f32
      %neg3A_627 = vector.broadcast %neg3A_626 : f32 to vector<8x512xf32>
      %neg3A_628 = arith.subf %neg3A_627, %div3A_625 : vector<8x512xf32>
      %add3A_629 = arith.constant 2 : i32
      %add3A_630 = arith.addi %mul3A_75, %add3A_629 : i32
      %mul3A_631 = arith.constant 512 : i32
      %mul3A_632 = arith.muli %add3A_630, %mul3A_631 : i32
      %add3A_633 = vector.broadcast %mul3A_632 : i32 to vector<8x512xi32>
      %add3A_634 = arith.addi %add3A_6, %add3A_633 : vector<8x512xi32>
      %broadcast_in_dim3A_635 = arith.constant 0 : i32
      %broadcast_in_dim3A_636 = vector.broadcast %broadcast_in_dim3A_635 : i32 to vector<8x512xi32>
      %add3A_637 = arith.constant 42 : i32
      %add3A_638 = vector.broadcast %add3A_637 : i32 to vector<8x512xi32>
      %add3A_639 = arith.addi %add3A_634, %add3A_638 : vector<8x512xi32>
      %add3A_640 = arith.addi %broadcast_in_dim3A_636, %add3A_639 : vector<8x512xi32>
      %shift_left3A_641 = arith.constant 13 : i32
      %shift_left3A_642 = vector.broadcast %shift_left3A_641 : i32 to vector<8x512xi32>
      %shift_left3A_643 = arith.shli %add3A_639, %shift_left3A_642 : vector<8x512xi32>
      %shift_right_logical3A_644 = arith.constant 19 : i32
      %shift_right_logical3A_645 = vector.broadcast %shift_right_logical3A_644 : i32 to vector<8x512xi32>
      %shift_right_logical3A_646 = arith.shrui %add3A_639, %shift_right_logical3A_645 : vector<8x512xi32>
      %or3A_647 = arith.ori %shift_left3A_643, %shift_right_logical3A_646 : vector<8x512xi32>
      %xor3A_648 = arith.xori %or3A_647, %add3A_640 : vector<8x512xi32>
      %add3A_649 = arith.addi %add3A_640, %xor3A_648 : vector<8x512xi32>
      %shift_left3A_650 = arith.constant 15 : i32
      %shift_left3A_651 = vector.broadcast %shift_left3A_650 : i32 to vector<8x512xi32>
      %shift_left3A_652 = arith.shli %xor3A_648, %shift_left3A_651 : vector<8x512xi32>
      %shift_right_logical3A_653 = arith.constant 17 : i32
      %shift_right_logical3A_654 = vector.broadcast %shift_right_logical3A_653 : i32 to vector<8x512xi32>
      %shift_right_logical3A_655 = arith.shrui %xor3A_648, %shift_right_logical3A_654 : vector<8x512xi32>
      %or3A_656 = arith.ori %shift_left3A_652, %shift_right_logical3A_655 : vector<8x512xi32>
      %xor3A_657 = arith.xori %or3A_656, %add3A_649 : vector<8x512xi32>
      %add3A_658 = arith.addi %add3A_649, %xor3A_657 : vector<8x512xi32>
      %shift_left3A_659 = arith.constant 26 : i32
      %shift_left3A_660 = vector.broadcast %shift_left3A_659 : i32 to vector<8x512xi32>
      %shift_left3A_661 = arith.shli %xor3A_657, %shift_left3A_660 : vector<8x512xi32>
      %shift_right_logical3A_662 = arith.constant 6 : i32
      %shift_right_logical3A_663 = vector.broadcast %shift_right_logical3A_662 : i32 to vector<8x512xi32>
      %shift_right_logical3A_664 = arith.shrui %xor3A_657, %shift_right_logical3A_663 : vector<8x512xi32>
      %or3A_665 = arith.ori %shift_left3A_661, %shift_right_logical3A_664 : vector<8x512xi32>
      %xor3A_666 = arith.xori %or3A_665, %add3A_658 : vector<8x512xi32>
      %add3A_667 = arith.addi %add3A_658, %xor3A_666 : vector<8x512xi32>
      %shift_left3A_668 = arith.constant 6 : i32
      %shift_left3A_669 = vector.broadcast %shift_left3A_668 : i32 to vector<8x512xi32>
      %shift_left3A_670 = arith.shli %xor3A_666, %shift_left3A_669 : vector<8x512xi32>
      %shift_right_logical3A_671 = arith.constant 26 : i32
      %shift_right_logical3A_672 = vector.broadcast %shift_right_logical3A_671 : i32 to vector<8x512xi32>
      %shift_right_logical3A_673 = arith.shrui %xor3A_666, %shift_right_logical3A_672 : vector<8x512xi32>
      %or3A_674 = arith.ori %shift_left3A_670, %shift_right_logical3A_673 : vector<8x512xi32>
      %xor3A_675 = arith.xori %or3A_674, %add3A_667 : vector<8x512xi32>
      %add3A_676 = arith.constant 42 : i32
      %add3A_677 = vector.broadcast %add3A_676 : i32 to vector<8x512xi32>
      %add3A_678 = arith.addi %add3A_667, %add3A_677 : vector<8x512xi32>
      %add3A_679 = arith.constant 466689008 : i32
      %add3A_680 = vector.broadcast %add3A_679 : i32 to vector<8x512xi32>
      %add3A_681 = arith.addi %xor3A_675, %add3A_680 : vector<8x512xi32>
      %add3A_682 = arith.constant 1 : i32
      %add3A_683 = vector.broadcast %add3A_682 : i32 to vector<8x512xi32>
      %add3A_684 = arith.addi %add3A_681, %add3A_683 : vector<8x512xi32>
      %add3A_685 = arith.addi %add3A_678, %add3A_684 : vector<8x512xi32>
      %shift_left3A_686 = arith.constant 17 : i32
      %shift_left3A_687 = vector.broadcast %shift_left3A_686 : i32 to vector<8x512xi32>
      %shift_left3A_688 = arith.shli %add3A_684, %shift_left3A_687 : vector<8x512xi32>
      %shift_right_logical3A_689 = arith.constant 15 : i32
      %shift_right_logical3A_690 = vector.broadcast %shift_right_logical3A_689 : i32 to vector<8x512xi32>
      %shift_right_logical3A_691 = arith.shrui %add3A_684, %shift_right_logical3A_690 : vector<8x512xi32>
      %or3A_692 = arith.ori %shift_left3A_688, %shift_right_logical3A_691 : vector<8x512xi32>
      %xor3A_693 = arith.xori %or3A_692, %add3A_685 : vector<8x512xi32>
      %add3A_694 = arith.addi %add3A_685, %xor3A_693 : vector<8x512xi32>
      %shift_left3A_695 = arith.constant 29 : i32
      %shift_left3A_696 = vector.broadcast %shift_left3A_695 : i32 to vector<8x512xi32>
      %shift_left3A_697 = arith.shli %xor3A_693, %shift_left3A_696 : vector<8x512xi32>
      %shift_right_logical3A_698 = arith.constant 3 : i32
      %shift_right_logical3A_699 = vector.broadcast %shift_right_logical3A_698 : i32 to vector<8x512xi32>
      %shift_right_logical3A_700 = arith.shrui %xor3A_693, %shift_right_logical3A_699 : vector<8x512xi32>
      %or3A_701 = arith.ori %shift_left3A_697, %shift_right_logical3A_700 : vector<8x512xi32>
      %xor3A_702 = arith.xori %or3A_701, %add3A_694 : vector<8x512xi32>
      %add3A_703 = arith.addi %add3A_694, %xor3A_702 : vector<8x512xi32>
      %shift_left3A_704 = arith.constant 16 : i32
      %shift_left3A_705 = vector.broadcast %shift_left3A_704 : i32 to vector<8x512xi32>
      %shift_left3A_706 = arith.shli %xor3A_702, %shift_left3A_705 : vector<8x512xi32>
      %shift_right_logical3A_707 = arith.constant 16 : i32
      %shift_right_logical3A_708 = vector.broadcast %shift_right_logical3A_707 : i32 to vector<8x512xi32>
      %shift_right_logical3A_709 = arith.shrui %xor3A_702, %shift_right_logical3A_708 : vector<8x512xi32>
      %or3A_710 = arith.ori %shift_left3A_706, %shift_right_logical3A_709 : vector<8x512xi32>
      %xor3A_711 = arith.xori %or3A_710, %add3A_703 : vector<8x512xi32>
      %add3A_712 = arith.addi %add3A_703, %xor3A_711 : vector<8x512xi32>
      %shift_left3A_713 = arith.constant 24 : i32
      %shift_left3A_714 = vector.broadcast %shift_left3A_713 : i32 to vector<8x512xi32>
      %shift_left3A_715 = arith.shli %xor3A_711, %shift_left3A_714 : vector<8x512xi32>
      %shift_right_logical3A_716 = arith.constant 8 : i32
      %shift_right_logical3A_717 = vector.broadcast %shift_right_logical3A_716 : i32 to vector<8x512xi32>
      %shift_right_logical3A_718 = arith.shrui %xor3A_711, %shift_right_logical3A_717 : vector<8x512xi32>
      %or3A_719 = arith.ori %shift_left3A_715, %shift_right_logical3A_718 : vector<8x512xi32>
      %xor3A_720 = arith.xori %or3A_719, %add3A_712 : vector<8x512xi32>
      %add3A_721 = arith.constant 466689008 : i32
      %add3A_722 = vector.broadcast %add3A_721 : i32 to vector<8x512xi32>
      %add3A_723 = arith.addi %add3A_712, %add3A_722 : vector<8x512xi32>
      %add3A_724 = arith.constant 0 : i32
      %add3A_725 = vector.broadcast %add3A_724 : i32 to vector<8x512xi32>
      %add3A_726 = arith.addi %xor3A_720, %add3A_725 : vector<8x512xi32>
      %add3A_727 = arith.constant 2 : i32
      %add3A_728 = vector.broadcast %add3A_727 : i32 to vector<8x512xi32>
      %add3A_729 = arith.addi %add3A_726, %add3A_728 : vector<8x512xi32>
      %add3A_730 = arith.addi %add3A_723, %add3A_729 : vector<8x512xi32>
      %shift_left3A_731 = arith.constant 13 : i32
      %shift_left3A_732 = vector.broadcast %shift_left3A_731 : i32 to vector<8x512xi32>
      %shift_left3A_733 = arith.shli %add3A_729, %shift_left3A_732 : vector<8x512xi32>
      %shift_right_logical3A_734 = arith.constant 19 : i32
      %shift_right_logical3A_735 = vector.broadcast %shift_right_logical3A_734 : i32 to vector<8x512xi32>
      %shift_right_logical3A_736 = arith.shrui %add3A_729, %shift_right_logical3A_735 : vector<8x512xi32>
      %or3A_737 = arith.ori %shift_left3A_733, %shift_right_logical3A_736 : vector<8x512xi32>
      %xor3A_738 = arith.xori %or3A_737, %add3A_730 : vector<8x512xi32>
      %add3A_739 = arith.addi %add3A_730, %xor3A_738 : vector<8x512xi32>
      %shift_left3A_740 = arith.constant 15 : i32
      %shift_left3A_741 = vector.broadcast %shift_left3A_740 : i32 to vector<8x512xi32>
      %shift_left3A_742 = arith.shli %xor3A_738, %shift_left3A_741 : vector<8x512xi32>
      %shift_right_logical3A_743 = arith.constant 17 : i32
      %shift_right_logical3A_744 = vector.broadcast %shift_right_logical3A_743 : i32 to vector<8x512xi32>
      %shift_right_logical3A_745 = arith.shrui %xor3A_738, %shift_right_logical3A_744 : vector<8x512xi32>
      %or3A_746 = arith.ori %shift_left3A_742, %shift_right_logical3A_745 : vector<8x512xi32>
      %xor3A_747 = arith.xori %or3A_746, %add3A_739 : vector<8x512xi32>
      %add3A_748 = arith.addi %add3A_739, %xor3A_747 : vector<8x512xi32>
      %shift_left3A_749 = arith.constant 26 : i32
      %shift_left3A_750 = vector.broadcast %shift_left3A_749 : i32 to vector<8x512xi32>
      %shift_left3A_751 = arith.shli %xor3A_747, %shift_left3A_750 : vector<8x512xi32>
      %shift_right_logical3A_752 = arith.constant 6 : i32
      %shift_right_logical3A_753 = vector.broadcast %shift_right_logical3A_752 : i32 to vector<8x512xi32>
      %shift_right_logical3A_754 = arith.shrui %xor3A_747, %shift_right_logical3A_753 : vector<8x512xi32>
      %or3A_755 = arith.ori %shift_left3A_751, %shift_right_logical3A_754 : vector<8x512xi32>
      %xor3A_756 = arith.xori %or3A_755, %add3A_748 : vector<8x512xi32>
      %add3A_757 = arith.addi %add3A_748, %xor3A_756 : vector<8x512xi32>
      %shift_left3A_758 = arith.constant 6 : i32
      %shift_left3A_759 = vector.broadcast %shift_left3A_758 : i32 to vector<8x512xi32>
      %shift_left3A_760 = arith.shli %xor3A_756, %shift_left3A_759 : vector<8x512xi32>
      %shift_right_logical3A_761 = arith.constant 26 : i32
      %shift_right_logical3A_762 = vector.broadcast %shift_right_logical3A_761 : i32 to vector<8x512xi32>
      %shift_right_logical3A_763 = arith.shrui %xor3A_756, %shift_right_logical3A_762 : vector<8x512xi32>
      %or3A_764 = arith.ori %shift_left3A_760, %shift_right_logical3A_763 : vector<8x512xi32>
      %xor3A_765 = arith.xori %or3A_764, %add3A_757 : vector<8x512xi32>
      %add3A_766 = arith.constant 0 : i32
      %add3A_767 = vector.broadcast %add3A_766 : i32 to vector<8x512xi32>
      %add3A_768 = arith.addi %add3A_757, %add3A_767 : vector<8x512xi32>
      %add3A_769 = arith.constant 42 : i32
      %add3A_770 = vector.broadcast %add3A_769 : i32 to vector<8x512xi32>
      %add3A_771 = arith.addi %xor3A_765, %add3A_770 : vector<8x512xi32>
      %add3A_772 = arith.constant 3 : i32
      %add3A_773 = vector.broadcast %add3A_772 : i32 to vector<8x512xi32>
      %add3A_774 = arith.addi %add3A_771, %add3A_773 : vector<8x512xi32>
      %add3A_775 = arith.addi %add3A_768, %add3A_774 : vector<8x512xi32>
      %shift_left3A_776 = arith.constant 17 : i32
      %shift_left3A_777 = vector.broadcast %shift_left3A_776 : i32 to vector<8x512xi32>
      %shift_left3A_778 = arith.shli %add3A_774, %shift_left3A_777 : vector<8x512xi32>
      %shift_right_logical3A_779 = arith.constant 15 : i32
      %shift_right_logical3A_780 = vector.broadcast %shift_right_logical3A_779 : i32 to vector<8x512xi32>
      %shift_right_logical3A_781 = arith.shrui %add3A_774, %shift_right_logical3A_780 : vector<8x512xi32>
      %or3A_782 = arith.ori %shift_left3A_778, %shift_right_logical3A_781 : vector<8x512xi32>
      %xor3A_783 = arith.xori %or3A_782, %add3A_775 : vector<8x512xi32>
      %add3A_784 = arith.addi %add3A_775, %xor3A_783 : vector<8x512xi32>
      %shift_left3A_785 = arith.constant 29 : i32
      %shift_left3A_786 = vector.broadcast %shift_left3A_785 : i32 to vector<8x512xi32>
      %shift_left3A_787 = arith.shli %xor3A_783, %shift_left3A_786 : vector<8x512xi32>
      %shift_right_logical3A_788 = arith.constant 3 : i32
      %shift_right_logical3A_789 = vector.broadcast %shift_right_logical3A_788 : i32 to vector<8x512xi32>
      %shift_right_logical3A_790 = arith.shrui %xor3A_783, %shift_right_logical3A_789 : vector<8x512xi32>
      %or3A_791 = arith.ori %shift_left3A_787, %shift_right_logical3A_790 : vector<8x512xi32>
      %xor3A_792 = arith.xori %or3A_791, %add3A_784 : vector<8x512xi32>
      %add3A_793 = arith.addi %add3A_784, %xor3A_792 : vector<8x512xi32>
      %shift_left3A_794 = arith.constant 16 : i32
      %shift_left3A_795 = vector.broadcast %shift_left3A_794 : i32 to vector<8x512xi32>
      %shift_left3A_796 = arith.shli %xor3A_792, %shift_left3A_795 : vector<8x512xi32>
      %shift_right_logical3A_797 = arith.constant 16 : i32
      %shift_right_logical3A_798 = vector.broadcast %shift_right_logical3A_797 : i32 to vector<8x512xi32>
      %shift_right_logical3A_799 = arith.shrui %xor3A_792, %shift_right_logical3A_798 : vector<8x512xi32>
      %or3A_800 = arith.ori %shift_left3A_796, %shift_right_logical3A_799 : vector<8x512xi32>
      %xor3A_801 = arith.xori %or3A_800, %add3A_793 : vector<8x512xi32>
      %add3A_802 = arith.addi %add3A_793, %xor3A_801 : vector<8x512xi32>
      %shift_left3A_803 = arith.constant 24 : i32
      %shift_left3A_804 = vector.broadcast %shift_left3A_803 : i32 to vector<8x512xi32>
      %shift_left3A_805 = arith.shli %xor3A_801, %shift_left3A_804 : vector<8x512xi32>
      %shift_right_logical3A_806 = arith.constant 8 : i32
      %shift_right_logical3A_807 = vector.broadcast %shift_right_logical3A_806 : i32 to vector<8x512xi32>
      %shift_right_logical3A_808 = arith.shrui %xor3A_801, %shift_right_logical3A_807 : vector<8x512xi32>
      %or3A_809 = arith.ori %shift_left3A_805, %shift_right_logical3A_808 : vector<8x512xi32>
      %xor3A_810 = arith.xori %or3A_809, %add3A_802 : vector<8x512xi32>
      %add3A_811 = arith.constant 42 : i32
      %add3A_812 = vector.broadcast %add3A_811 : i32 to vector<8x512xi32>
      %add3A_813 = arith.addi %add3A_802, %add3A_812 : vector<8x512xi32>
      %add3A_814 = arith.constant 466689008 : i32
      %add3A_815 = vector.broadcast %add3A_814 : i32 to vector<8x512xi32>
      %add3A_816 = arith.addi %xor3A_810, %add3A_815 : vector<8x512xi32>
      %add3A_817 = arith.constant 4 : i32
      %add3A_818 = vector.broadcast %add3A_817 : i32 to vector<8x512xi32>
      %add3A_819 = arith.addi %add3A_816, %add3A_818 : vector<8x512xi32>
      %add3A_820 = arith.addi %add3A_813, %add3A_819 : vector<8x512xi32>
      %shift_left3A_821 = arith.constant 13 : i32
      %shift_left3A_822 = vector.broadcast %shift_left3A_821 : i32 to vector<8x512xi32>
      %shift_left3A_823 = arith.shli %add3A_819, %shift_left3A_822 : vector<8x512xi32>
      %shift_right_logical3A_824 = arith.constant 19 : i32
      %shift_right_logical3A_825 = vector.broadcast %shift_right_logical3A_824 : i32 to vector<8x512xi32>
      %shift_right_logical3A_826 = arith.shrui %add3A_819, %shift_right_logical3A_825 : vector<8x512xi32>
      %or3A_827 = arith.ori %shift_left3A_823, %shift_right_logical3A_826 : vector<8x512xi32>
      %xor3A_828 = arith.xori %or3A_827, %add3A_820 : vector<8x512xi32>
      %add3A_829 = arith.addi %add3A_820, %xor3A_828 : vector<8x512xi32>
      %shift_left3A_830 = arith.constant 15 : i32
      %shift_left3A_831 = vector.broadcast %shift_left3A_830 : i32 to vector<8x512xi32>
      %shift_left3A_832 = arith.shli %xor3A_828, %shift_left3A_831 : vector<8x512xi32>
      %shift_right_logical3A_833 = arith.constant 17 : i32
      %shift_right_logical3A_834 = vector.broadcast %shift_right_logical3A_833 : i32 to vector<8x512xi32>
      %shift_right_logical3A_835 = arith.shrui %xor3A_828, %shift_right_logical3A_834 : vector<8x512xi32>
      %or3A_836 = arith.ori %shift_left3A_832, %shift_right_logical3A_835 : vector<8x512xi32>
      %xor3A_837 = arith.xori %or3A_836, %add3A_829 : vector<8x512xi32>
      %add3A_838 = arith.addi %add3A_829, %xor3A_837 : vector<8x512xi32>
      %shift_left3A_839 = arith.constant 26 : i32
      %shift_left3A_840 = vector.broadcast %shift_left3A_839 : i32 to vector<8x512xi32>
      %shift_left3A_841 = arith.shli %xor3A_837, %shift_left3A_840 : vector<8x512xi32>
      %shift_right_logical3A_842 = arith.constant 6 : i32
      %shift_right_logical3A_843 = vector.broadcast %shift_right_logical3A_842 : i32 to vector<8x512xi32>
      %shift_right_logical3A_844 = arith.shrui %xor3A_837, %shift_right_logical3A_843 : vector<8x512xi32>
      %or3A_845 = arith.ori %shift_left3A_841, %shift_right_logical3A_844 : vector<8x512xi32>
      %xor3A_846 = arith.xori %or3A_845, %add3A_838 : vector<8x512xi32>
      %add3A_847 = arith.addi %add3A_838, %xor3A_846 : vector<8x512xi32>
      %shift_left3A_848 = arith.constant 6 : i32
      %shift_left3A_849 = vector.broadcast %shift_left3A_848 : i32 to vector<8x512xi32>
      %shift_left3A_850 = arith.shli %xor3A_846, %shift_left3A_849 : vector<8x512xi32>
      %shift_right_logical3A_851 = arith.constant 26 : i32
      %shift_right_logical3A_852 = vector.broadcast %shift_right_logical3A_851 : i32 to vector<8x512xi32>
      %shift_right_logical3A_853 = arith.shrui %xor3A_846, %shift_right_logical3A_852 : vector<8x512xi32>
      %or3A_854 = arith.ori %shift_left3A_850, %shift_right_logical3A_853 : vector<8x512xi32>
      %xor3A_855 = arith.xori %or3A_854, %add3A_847 : vector<8x512xi32>
      %add3A_856 = arith.constant 466689008 : i32
      %add3A_857 = vector.broadcast %add3A_856 : i32 to vector<8x512xi32>
      %add3A_858 = arith.addi %add3A_847, %add3A_857 : vector<8x512xi32>
      %add3A_859 = arith.constant 0 : i32
      %add3A_860 = vector.broadcast %add3A_859 : i32 to vector<8x512xi32>
      %add3A_861 = arith.addi %xor3A_855, %add3A_860 : vector<8x512xi32>
      %add3A_862 = arith.constant 5 : i32
      %add3A_863 = vector.broadcast %add3A_862 : i32 to vector<8x512xi32>
      %add3A_864 = arith.addi %add3A_861, %add3A_863 : vector<8x512xi32>
      %xor3A_865 = arith.xori %add3A_858, %add3A_864 : vector<8x512xi32>
      %shift_right_logical3A_866 = arith.constant 9 : i32
      %shift_right_logical3A_867 = vector.broadcast %shift_right_logical3A_866 : i32 to vector<8x512xi32>
      %shift_right_logical3A_868 = arith.shrui %xor3A_865, %shift_right_logical3A_867 : vector<8x512xi32>
      %or3A_869 = arith.constant 1065353216 : i32
      %or3A_870 = vector.broadcast %or3A_869 : i32 to vector<8x512xi32>
      %or3A_871 = arith.ori %shift_right_logical3A_868, %or3A_870 : vector<8x512xi32>
      %bitcast_convert_type3A_872 = tpu.bitcast %or3A_871 : vector<8x512xi32> -> vector<8x512xf32>
      %sub3A_873 = arith.constant 1.000000e+00 : f32
      %sub3A_874 = vector.broadcast %sub3A_873 : f32 to vector<8x512xf32>
      %sub3A_875 = arith.subf %bitcast_convert_type3A_872, %sub3A_874 : vector<8x512xf32>
      %sub3A_876 = arith.constant 1.000000e+00 : f32
      %sub3A_877 = arith.constant 1.17549435E-38 : f32
      %sub3A_878 = arith.subf %sub3A_876, %sub3A_877 : f32
      %mul3A_879 = vector.broadcast %sub3A_878 : f32 to vector<8x512xf32>
      %mul3A_880 = arith.mulf %sub3A_875, %mul3A_879 : vector<8x512xf32>
      %add3A_881 = arith.constant 1.17549435E-38 : f32
      %add3A_882 = vector.broadcast %add3A_881 : f32 to vector<8x512xf32>
      %add3A_883 = arith.addf %mul3A_880, %add3A_882 : vector<8x512xf32>
      %max3A_884 = arith.constant 1.17549435E-38 : f32
      %max3A_885 = vector.broadcast %max3A_884 : f32 to vector<8x512xf32>
      %max3A_886 = arith.maximumf %max3A_885, %add3A_883 : vector<8x512xf32>
      %log3A_887 = math.log %max3A_886 : vector<8x512xf32>
      %log3A_888 = arith.constant 2.000000e+00 : f32
      %log3A_889 = math.log %log3A_888 : f32
      %div3A_890 = vector.broadcast %log3A_889 : f32 to vector<8x512xf32>
      %div3A_891 = arith.divf %log3A_887, %div3A_890 : vector<8x512xf32>
      %neg3A_892 = arith.constant 0.000000e+00 : f32
      %neg3A_893 = vector.broadcast %neg3A_892 : f32 to vector<8x512xf32>
      %neg3A_894 = arith.subf %neg3A_893, %div3A_891 : vector<8x512xf32>
      %add3A_895 = arith.constant 3 : i32
      %add3A_896 = arith.addi %mul3A_75, %add3A_895 : i32
      %mul3A_897 = arith.constant 512 : i32
      %mul3A_898 = arith.muli %add3A_896, %mul3A_897 : i32
      %add3A_899 = vector.broadcast %mul3A_898 : i32 to vector<8x512xi32>
      %add3A_900 = arith.addi %add3A_6, %add3A_899 : vector<8x512xi32>
      %broadcast_in_dim3A_901 = arith.constant 0 : i32
      %broadcast_in_dim3A_902 = vector.broadcast %broadcast_in_dim3A_901 : i32 to vector<8x512xi32>
      %add3A_903 = arith.constant 42 : i32
      %add3A_904 = vector.broadcast %add3A_903 : i32 to vector<8x512xi32>
      %add3A_905 = arith.addi %add3A_900, %add3A_904 : vector<8x512xi32>
      %add3A_906 = arith.addi %broadcast_in_dim3A_902, %add3A_905 : vector<8x512xi32>
      %shift_left3A_907 = arith.constant 13 : i32
      %shift_left3A_908 = vector.broadcast %shift_left3A_907 : i32 to vector<8x512xi32>
      %shift_left3A_909 = arith.shli %add3A_905, %shift_left3A_908 : vector<8x512xi32>
      %shift_right_logical3A_910 = arith.constant 19 : i32
      %shift_right_logical3A_911 = vector.broadcast %shift_right_logical3A_910 : i32 to vector<8x512xi32>
      %shift_right_logical3A_912 = arith.shrui %add3A_905, %shift_right_logical3A_911 : vector<8x512xi32>
      %or3A_913 = arith.ori %shift_left3A_909, %shift_right_logical3A_912 : vector<8x512xi32>
      %xor3A_914 = arith.xori %or3A_913, %add3A_906 : vector<8x512xi32>
      %add3A_915 = arith.addi %add3A_906, %xor3A_914 : vector<8x512xi32>
      %shift_left3A_916 = arith.constant 15 : i32
      %shift_left3A_917 = vector.broadcast %shift_left3A_916 : i32 to vector<8x512xi32>
      %shift_left3A_918 = arith.shli %xor3A_914, %shift_left3A_917 : vector<8x512xi32>
      %shift_right_logical3A_919 = arith.constant 17 : i32
      %shift_right_logical3A_920 = vector.broadcast %shift_right_logical3A_919 : i32 to vector<8x512xi32>
      %shift_right_logical3A_921 = arith.shrui %xor3A_914, %shift_right_logical3A_920 : vector<8x512xi32>
      %or3A_922 = arith.ori %shift_left3A_918, %shift_right_logical3A_921 : vector<8x512xi32>
      %xor3A_923 = arith.xori %or3A_922, %add3A_915 : vector<8x512xi32>
      %add3A_924 = arith.addi %add3A_915, %xor3A_923 : vector<8x512xi32>
      %shift_left3A_925 = arith.constant 26 : i32
      %shift_left3A_926 = vector.broadcast %shift_left3A_925 : i32 to vector<8x512xi32>
      %shift_left3A_927 = arith.shli %xor3A_923, %shift_left3A_926 : vector<8x512xi32>
      %shift_right_logical3A_928 = arith.constant 6 : i32
      %shift_right_logical3A_929 = vector.broadcast %shift_right_logical3A_928 : i32 to vector<8x512xi32>
      %shift_right_logical3A_930 = arith.shrui %xor3A_923, %shift_right_logical3A_929 : vector<8x512xi32>
      %or3A_931 = arith.ori %shift_left3A_927, %shift_right_logical3A_930 : vector<8x512xi32>
      %xor3A_932 = arith.xori %or3A_931, %add3A_924 : vector<8x512xi32>
      %add3A_933 = arith.addi %add3A_924, %xor3A_932 : vector<8x512xi32>
      %shift_left3A_934 = arith.constant 6 : i32
      %shift_left3A_935 = vector.broadcast %shift_left3A_934 : i32 to vector<8x512xi32>
      %shift_left3A_936 = arith.shli %xor3A_932, %shift_left3A_935 : vector<8x512xi32>
      %shift_right_logical3A_937 = arith.constant 26 : i32
      %shift_right_logical3A_938 = vector.broadcast %shift_right_logical3A_937 : i32 to vector<8x512xi32>
      %shift_right_logical3A_939 = arith.shrui %xor3A_932, %shift_right_logical3A_938 : vector<8x512xi32>
      %or3A_940 = arith.ori %shift_left3A_936, %shift_right_logical3A_939 : vector<8x512xi32>
      %xor3A_941 = arith.xori %or3A_940, %add3A_933 : vector<8x512xi32>
      %add3A_942 = arith.constant 42 : i32
      %add3A_943 = vector.broadcast %add3A_942 : i32 to vector<8x512xi32>
      %add3A_944 = arith.addi %add3A_933, %add3A_943 : vector<8x512xi32>
      %add3A_945 = arith.constant 466689008 : i32
      %add3A_946 = vector.broadcast %add3A_945 : i32 to vector<8x512xi32>
      %add3A_947 = arith.addi %xor3A_941, %add3A_946 : vector<8x512xi32>
      %add3A_948 = arith.constant 1 : i32
      %add3A_949 = vector.broadcast %add3A_948 : i32 to vector<8x512xi32>
      %add3A_950 = arith.addi %add3A_947, %add3A_949 : vector<8x512xi32>
      %add3A_951 = arith.addi %add3A_944, %add3A_950 : vector<8x512xi32>
      %shift_left3A_952 = arith.constant 17 : i32
      %shift_left3A_953 = vector.broadcast %shift_left3A_952 : i32 to vector<8x512xi32>
      %shift_left3A_954 = arith.shli %add3A_950, %shift_left3A_953 : vector<8x512xi32>
      %shift_right_logical3A_955 = arith.constant 15 : i32
      %shift_right_logical3A_956 = vector.broadcast %shift_right_logical3A_955 : i32 to vector<8x512xi32>
      %shift_right_logical3A_957 = arith.shrui %add3A_950, %shift_right_logical3A_956 : vector<8x512xi32>
      %or3A_958 = arith.ori %shift_left3A_954, %shift_right_logical3A_957 : vector<8x512xi32>
      %xor3A_959 = arith.xori %or3A_958, %add3A_951 : vector<8x512xi32>
      %add3A_960 = arith.addi %add3A_951, %xor3A_959 : vector<8x512xi32>
      %shift_left3A_961 = arith.constant 29 : i32
      %shift_left3A_962 = vector.broadcast %shift_left3A_961 : i32 to vector<8x512xi32>
      %shift_left3A_963 = arith.shli %xor3A_959, %shift_left3A_962 : vector<8x512xi32>
      %shift_right_logical3A_964 = arith.constant 3 : i32
      %shift_right_logical3A_965 = vector.broadcast %shift_right_logical3A_964 : i32 to vector<8x512xi32>
      %shift_right_logical3A_966 = arith.shrui %xor3A_959, %shift_right_logical3A_965 : vector<8x512xi32>
      %or3A_967 = arith.ori %shift_left3A_963, %shift_right_logical3A_966 : vector<8x512xi32>
      %xor3A_968 = arith.xori %or3A_967, %add3A_960 : vector<8x512xi32>
      %add3A_969 = arith.addi %add3A_960, %xor3A_968 : vector<8x512xi32>
      %shift_left3A_970 = arith.constant 16 : i32
      %shift_left3A_971 = vector.broadcast %shift_left3A_970 : i32 to vector<8x512xi32>
      %shift_left3A_972 = arith.shli %xor3A_968, %shift_left3A_971 : vector<8x512xi32>
      %shift_right_logical3A_973 = arith.constant 16 : i32
      %shift_right_logical3A_974 = vector.broadcast %shift_right_logical3A_973 : i32 to vector<8x512xi32>
      %shift_right_logical3A_975 = arith.shrui %xor3A_968, %shift_right_logical3A_974 : vector<8x512xi32>
      %or3A_976 = arith.ori %shift_left3A_972, %shift_right_logical3A_975 : vector<8x512xi32>
      %xor3A_977 = arith.xori %or3A_976, %add3A_969 : vector<8x512xi32>
      %add3A_978 = arith.addi %add3A_969, %xor3A_977 : vector<8x512xi32>
      %shift_left3A_979 = arith.constant 24 : i32
      %shift_left3A_980 = vector.broadcast %shift_left3A_979 : i32 to vector<8x512xi32>
      %shift_left3A_981 = arith.shli %xor3A_977, %shift_left3A_980 : vector<8x512xi32>
      %shift_right_logical3A_982 = arith.constant 8 : i32
      %shift_right_logical3A_983 = vector.broadcast %shift_right_logical3A_982 : i32 to vector<8x512xi32>
      %shift_right_logical3A_984 = arith.shrui %xor3A_977, %shift_right_logical3A_983 : vector<8x512xi32>
      %or3A_985 = arith.ori %shift_left3A_981, %shift_right_logical3A_984 : vector<8x512xi32>
      %xor3A_986 = arith.xori %or3A_985, %add3A_978 : vector<8x512xi32>
      %add3A_987 = arith.constant 466689008 : i32
      %add3A_988 = vector.broadcast %add3A_987 : i32 to vector<8x512xi32>
      %add3A_989 = arith.addi %add3A_978, %add3A_988 : vector<8x512xi32>
      %add3A_990 = arith.constant 0 : i32
      %add3A_991 = vector.broadcast %add3A_990 : i32 to vector<8x512xi32>
      %add3A_992 = arith.addi %xor3A_986, %add3A_991 : vector<8x512xi32>
      %add3A_993 = arith.constant 2 : i32
      %add3A_994 = vector.broadcast %add3A_993 : i32 to vector<8x512xi32>
      %add3A_995 = arith.addi %add3A_992, %add3A_994 : vector<8x512xi32>
      %add3A_996 = arith.addi %add3A_989, %add3A_995 : vector<8x512xi32>
      %shift_left3A_997 = arith.constant 13 : i32
      %shift_left3A_998 = vector.broadcast %shift_left3A_997 : i32 to vector<8x512xi32>
      %shift_left3A_999 = arith.shli %add3A_995, %shift_left3A_998 : vector<8x512xi32>
      %shift_right_logical3A_1000 = arith.constant 19 : i32
      %shift_right_logical3A_1001 = vector.broadcast %shift_right_logical3A_1000 : i32 to vector<8x512xi32>
      %shift_right_logical3A_1002 = arith.shrui %add3A_995, %shift_right_logical3A_1001 : vector<8x512xi32>
      %or3A_1003 = arith.ori %shift_left3A_999, %shift_right_logical3A_1002 : vector<8x512xi32>
      %xor3A_1004 = arith.xori %or3A_1003, %add3A_996 : vector<8x512xi32>
      %add3A_1005 = arith.addi %add3A_996, %xor3A_1004 : vector<8x512xi32>
      %shift_left3A_1006 = arith.constant 15 : i32
      %shift_left3A_1007 = vector.broadcast %shift_left3A_1006 : i32 to vector<8x512xi32>
      %shift_left3A_1008 = arith.shli %xor3A_1004, %shift_left3A_1007 : vector<8x512xi32>
      %shift_right_logical3A_1009 = arith.constant 17 : i32
      %shift_right_logical3A_1010 = vector.broadcast %shift_right_logical3A_1009 : i32 to vector<8x512xi32>
      %shift_right_logical3A_1011 = arith.shrui %xor3A_1004, %shift_right_logical3A_1010 : vector<8x512xi32>
      %or3A_1012 = arith.ori %shift_left3A_1008, %shift_right_logical3A_1011 : vector<8x512xi32>
      %xor3A_1013 = arith.xori %or3A_1012, %add3A_1005 : vector<8x512xi32>
      %add3A_1014 = arith.addi %add3A_1005, %xor3A_1013 : vector<8x512xi32>
      %shift_left3A_1015 = arith.constant 26 : i32
      %shift_left3A_1016 = vector.broadcast %shift_left3A_1015 : i32 to vector<8x512xi32>
      %shift_left3A_1017 = arith.shli %xor3A_1013, %shift_left3A_1016 : vector<8x512xi32>
      %shift_right_logical3A_1018 = arith.constant 6 : i32
      %shift_right_logical3A_1019 = vector.broadcast %shift_right_logical3A_1018 : i32 to vector<8x512xi32>
      %shift_right_logical3A_1020 = arith.shrui %xor3A_1013, %shift_right_logical3A_1019 : vector<8x512xi32>
      %or3A_1021 = arith.ori %shift_left3A_1017, %shift_right_logical3A_1020 : vector<8x512xi32>
      %xor3A_1022 = arith.xori %or3A_1021, %add3A_1014 : vector<8x512xi32>
      %add3A_1023 = arith.addi %add3A_1014, %xor3A_1022 : vector<8x512xi32>
      %shift_left3A_1024 = arith.constant 6 : i32
      %shift_left3A_1025 = vector.broadcast %shift_left3A_1024 : i32 to vector<8x512xi32>
      %shift_left3A_1026 = arith.shli %xor3A_1022, %shift_left3A_1025 : vector<8x512xi32>
      %shift_right_logical3A_1027 = arith.constant 26 : i32
      %shift_right_logical3A_1028 = vector.broadcast %shift_right_logical3A_1027 : i32 to vector<8x512xi32>
      %shift_right_logical3A_1029 = arith.shrui %xor3A_1022, %shift_right_logical3A_1028 : vector<8x512xi32>
      %or3A_1030 = arith.ori %shift_left3A_1026, %shift_right_logical3A_1029 : vector<8x512xi32>
      %xor3A_1031 = arith.xori %or3A_1030, %add3A_1023 : vector<8x512xi32>
      %add3A_1032 = arith.constant 0 : i32
      %add3A_1033 = vector.broadcast %add3A_1032 : i32 to vector<8x512xi32>
      %add3A_1034 = arith.addi %add3A_1023, %add3A_1033 : vector<8x512xi32>
      %add3A_1035 = arith.constant 42 : i32
      %add3A_1036 = vector.broadcast %add3A_1035 : i32 to vector<8x512xi32>
      %add3A_1037 = arith.addi %xor3A_1031, %add3A_1036 : vector<8x512xi32>
      %add3A_1038 = arith.constant 3 : i32
      %add3A_1039 = vector.broadcast %add3A_1038 : i32 to vector<8x512xi32>
      %add3A_1040 = arith.addi %add3A_1037, %add3A_1039 : vector<8x512xi32>
      %add3A_1041 = arith.addi %add3A_1034, %add3A_1040 : vector<8x512xi32>
      %shift_left3A_1042 = arith.constant 17 : i32
      %shift_left3A_1043 = vector.broadcast %shift_left3A_1042 : i32 to vector<8x512xi32>
      %shift_left3A_1044 = arith.shli %add3A_1040, %shift_left3A_1043 : vector<8x512xi32>
      %shift_right_logical3A_1045 = arith.constant 15 : i32
      %shift_right_logical3A_1046 = vector.broadcast %shift_right_logical3A_1045 : i32 to vector<8x512xi32>
      %shift_right_logical3A_1047 = arith.shrui %add3A_1040, %shift_right_logical3A_1046 : vector<8x512xi32>
      %or3A_1048 = arith.ori %shift_left3A_1044, %shift_right_logical3A_1047 : vector<8x512xi32>
      %xor3A_1049 = arith.xori %or3A_1048, %add3A_1041 : vector<8x512xi32>
      %add3A_1050 = arith.addi %add3A_1041, %xor3A_1049 : vector<8x512xi32>
      %shift_left3A_1051 = arith.constant 29 : i32
      %shift_left3A_1052 = vector.broadcast %shift_left3A_1051 : i32 to vector<8x512xi32>
      %shift_left3A_1053 = arith.shli %xor3A_1049, %shift_left3A_1052 : vector<8x512xi32>
      %shift_right_logical3A_1054 = arith.constant 3 : i32
      %shift_right_logical3A_1055 = vector.broadcast %shift_right_logical3A_1054 : i32 to vector<8x512xi32>
      %shift_right_logical3A_1056 = arith.shrui %xor3A_1049, %shift_right_logical3A_1055 : vector<8x512xi32>
      %or3A_1057 = arith.ori %shift_left3A_1053, %shift_right_logical3A_1056 : vector<8x512xi32>
      %xor3A_1058 = arith.xori %or3A_1057, %add3A_1050 : vector<8x512xi32>
      %add3A_1059 = arith.addi %add3A_1050, %xor3A_1058 : vector<8x512xi32>
      %shift_left3A_1060 = arith.constant 16 : i32
      %shift_left3A_1061 = vector.broadcast %shift_left3A_1060 : i32 to vector<8x512xi32>
      %shift_left3A_1062 = arith.shli %xor3A_1058, %shift_left3A_1061 : vector<8x512xi32>
      %shift_right_logical3A_1063 = arith.constant 16 : i32
      %shift_right_logical3A_1064 = vector.broadcast %shift_right_logical3A_1063 : i32 to vector<8x512xi32>
      %shift_right_logical3A_1065 = arith.shrui %xor3A_1058, %shift_right_logical3A_1064 : vector<8x512xi32>
      %or3A_1066 = arith.ori %shift_left3A_1062, %shift_right_logical3A_1065 : vector<8x512xi32>
      %xor3A_1067 = arith.xori %or3A_1066, %add3A_1059 : vector<8x512xi32>
      %add3A_1068 = arith.addi %add3A_1059, %xor3A_1067 : vector<8x512xi32>
      %shift_left3A_1069 = arith.constant 24 : i32
      %shift_left3A_1070 = vector.broadcast %shift_left3A_1069 : i32 to vector<8x512xi32>
      %shift_left3A_1071 = arith.shli %xor3A_1067, %shift_left3A_1070 : vector<8x512xi32>
      %shift_right_logical3A_1072 = arith.constant 8 : i32
      %shift_right_logical3A_1073 = vector.broadcast %shift_right_logical3A_1072 : i32 to vector<8x512xi32>
      %shift_right_logical3A_1074 = arith.shrui %xor3A_1067, %shift_right_logical3A_1073 : vector<8x512xi32>
      %or3A_1075 = arith.ori %shift_left3A_1071, %shift_right_logical3A_1074 : vector<8x512xi32>
      %xor3A_1076 = arith.xori %or3A_1075, %add3A_1068 : vector<8x512xi32>
      %add3A_1077 = arith.constant 42 : i32
      %add3A_1078 = vector.broadcast %add3A_1077 : i32 to vector<8x512xi32>
      %add3A_1079 = arith.addi %add3A_1068, %add3A_1078 : vector<8x512xi32>
      %add3A_1080 = arith.constant 466689008 : i32
      %add3A_1081 = vector.broadcast %add3A_1080 : i32 to vector<8x512xi32>
      %add3A_1082 = arith.addi %xor3A_1076, %add3A_1081 : vector<8x512xi32>
      %add3A_1083 = arith.constant 4 : i32
      %add3A_1084 = vector.broadcast %add3A_1083 : i32 to vector<8x512xi32>
      %add3A_1085 = arith.addi %add3A_1082, %add3A_1084 : vector<8x512xi32>
      %add3A_1086 = arith.addi %add3A_1079, %add3A_1085 : vector<8x512xi32>
      %shift_left3A_1087 = arith.constant 13 : i32
      %shift_left3A_1088 = vector.broadcast %shift_left3A_1087 : i32 to vector<8x512xi32>
      %shift_left3A_1089 = arith.shli %add3A_1085, %shift_left3A_1088 : vector<8x512xi32>
      %shift_right_logical3A_1090 = arith.constant 19 : i32
      %shift_right_logical3A_1091 = vector.broadcast %shift_right_logical3A_1090 : i32 to vector<8x512xi32>
      %shift_right_logical3A_1092 = arith.shrui %add3A_1085, %shift_right_logical3A_1091 : vector<8x512xi32>
      %or3A_1093 = arith.ori %shift_left3A_1089, %shift_right_logical3A_1092 : vector<8x512xi32>
      %xor3A_1094 = arith.xori %or3A_1093, %add3A_1086 : vector<8x512xi32>
      %add3A_1095 = arith.addi %add3A_1086, %xor3A_1094 : vector<8x512xi32>
      %shift_left3A_1096 = arith.constant 15 : i32
      %shift_left3A_1097 = vector.broadcast %shift_left3A_1096 : i32 to vector<8x512xi32>
      %shift_left3A_1098 = arith.shli %xor3A_1094, %shift_left3A_1097 : vector<8x512xi32>
      %shift_right_logical3A_1099 = arith.constant 17 : i32
      %shift_right_logical3A_1100 = vector.broadcast %shift_right_logical3A_1099 : i32 to vector<8x512xi32>
      %shift_right_logical3A_1101 = arith.shrui %xor3A_1094, %shift_right_logical3A_1100 : vector<8x512xi32>
      %or3A_1102 = arith.ori %shift_left3A_1098, %shift_right_logical3A_1101 : vector<8x512xi32>
      %xor3A_1103 = arith.xori %or3A_1102, %add3A_1095 : vector<8x512xi32>
      %add3A_1104 = arith.addi %add3A_1095, %xor3A_1103 : vector<8x512xi32>
      %shift_left3A_1105 = arith.constant 26 : i32
      %shift_left3A_1106 = vector.broadcast %shift_left3A_1105 : i32 to vector<8x512xi32>
      %shift_left3A_1107 = arith.shli %xor3A_1103, %shift_left3A_1106 : vector<8x512xi32>
      %shift_right_logical3A_1108 = arith.constant 6 : i32
      %shift_right_logical3A_1109 = vector.broadcast %shift_right_logical3A_1108 : i32 to vector<8x512xi32>
      %shift_right_logical3A_1110 = arith.shrui %xor3A_1103, %shift_right_logical3A_1109 : vector<8x512xi32>
      %or3A_1111 = arith.ori %shift_left3A_1107, %shift_right_logical3A_1110 : vector<8x512xi32>
      %xor3A_1112 = arith.xori %or3A_1111, %add3A_1104 : vector<8x512xi32>
      %add3A_1113 = arith.addi %add3A_1104, %xor3A_1112 : vector<8x512xi32>
      %shift_left3A_1114 = arith.constant 6 : i32
      %shift_left3A_1115 = vector.broadcast %shift_left3A_1114 : i32 to vector<8x512xi32>
      %shift_left3A_1116 = arith.shli %xor3A_1112, %shift_left3A_1115 : vector<8x512xi32>
      %shift_right_logical3A_1117 = arith.constant 26 : i32
      %shift_right_logical3A_1118 = vector.broadcast %shift_right_logical3A_1117 : i32 to vector<8x512xi32>
      %shift_right_logical3A_1119 = arith.shrui %xor3A_1112, %shift_right_logical3A_1118 : vector<8x512xi32>
      %or3A_1120 = arith.ori %shift_left3A_1116, %shift_right_logical3A_1119 : vector<8x512xi32>
      %xor3A_1121 = arith.xori %or3A_1120, %add3A_1113 : vector<8x512xi32>
      %add3A_1122 = arith.constant 466689008 : i32
      %add3A_1123 = vector.broadcast %add3A_1122 : i32 to vector<8x512xi32>
      %add3A_1124 = arith.addi %add3A_1113, %add3A_1123 : vector<8x512xi32>
      %add3A_1125 = arith.constant 0 : i32
      %add3A_1126 = vector.broadcast %add3A_1125 : i32 to vector<8x512xi32>
      %add3A_1127 = arith.addi %xor3A_1121, %add3A_1126 : vector<8x512xi32>
      %add3A_1128 = arith.constant 5 : i32
      %add3A_1129 = vector.broadcast %add3A_1128 : i32 to vector<8x512xi32>
      %add3A_1130 = arith.addi %add3A_1127, %add3A_1129 : vector<8x512xi32>
      %xor3A_1131 = arith.xori %add3A_1124, %add3A_1130 : vector<8x512xi32>
      %shift_right_logical3A_1132 = arith.constant 9 : i32
      %shift_right_logical3A_1133 = vector.broadcast %shift_right_logical3A_1132 : i32 to vector<8x512xi32>
      %shift_right_logical3A_1134 = arith.shrui %xor3A_1131, %shift_right_logical3A_1133 : vector<8x512xi32>
      %or3A_1135 = arith.constant 1065353216 : i32
      %or3A_1136 = vector.broadcast %or3A_1135 : i32 to vector<8x512xi32>
      %or3A_1137 = arith.ori %shift_right_logical3A_1134, %or3A_1136 : vector<8x512xi32>
      %bitcast_convert_type3A_1138 = tpu.bitcast %or3A_1137 : vector<8x512xi32> -> vector<8x512xf32>
      %sub3A_1139 = arith.constant 1.000000e+00 : f32
      %sub3A_1140 = vector.broadcast %sub3A_1139 : f32 to vector<8x512xf32>
      %sub3A_1141 = arith.subf %bitcast_convert_type3A_1138, %sub3A_1140 : vector<8x512xf32>
      %sub3A_1142 = arith.constant 1.000000e+00 : f32
      %sub3A_1143 = arith.constant 1.17549435E-38 : f32
      %sub3A_1144 = arith.subf %sub3A_1142, %sub3A_1143 : f32
      %mul3A_1145 = vector.broadcast %sub3A_1144 : f32 to vector<8x512xf32>
      %mul3A_1146 = arith.mulf %sub3A_1141, %mul3A_1145 : vector<8x512xf32>
      %add3A_1147 = arith.constant 1.17549435E-38 : f32
      %add3A_1148 = vector.broadcast %add3A_1147 : f32 to vector<8x512xf32>
      %add3A_1149 = arith.addf %mul3A_1146, %add3A_1148 : vector<8x512xf32>
      %max3A_1150 = arith.constant 1.17549435E-38 : f32
      %max3A_1151 = vector.broadcast %max3A_1150 : f32 to vector<8x512xf32>
      %max3A_1152 = arith.maximumf %max3A_1151, %add3A_1149 : vector<8x512xf32>
      %log3A_1153 = math.log %max3A_1152 : vector<8x512xf32>
      %log3A_1154 = arith.constant 2.000000e+00 : f32
      %log3A_1155 = math.log %log3A_1154 : f32
      %div3A_1156 = vector.broadcast %log3A_1155 : f32 to vector<8x512xf32>
      %div3A_1157 = arith.divf %log3A_1153, %div3A_1156 : vector<8x512xf32>
      %neg3A_1158 = arith.constant 0.000000e+00 : f32
      %neg3A_1159 = vector.broadcast %neg3A_1158 : f32 to vector<8x512xf32>
      %neg3A_1160 = arith.subf %neg3A_1159, %div3A_1157 : vector<8x512xf32>
      %add3A_1161 = arith.constant 0 : i32
      %add3A_1162 = arith.addi %mul3A_75, %add3A_1161 : i32
      %sub3A_1163 = vector.broadcast %max3A : vector<8x1xf32> to vector<8x512xf32>
      %sub3A_1164 = arith.subf %get3A_82, %sub3A_1163 : vector<8x512xf32>
      %exp3A_1165 = math.exp %sub3A_1164 : vector<8x512xf32>
      %mul3A_1166 = arith.constant 512 : i32
      %mul3A_1167 = arith.muli %add3A_1162, %mul3A_1166 : i32
      %swap3A_1168 = arith.constant 0 : index
      %swap3A_1169 = arith.index_cast %mul3A_1167 : i32 to index
      %swap3A_1170 = vector.load %arg2[%swap3A_1168, %swap3A_1169] : memref<8x100000xf32, #tpu.memory_space<vmem>>, vector<8x512xf32>
      tpu.vector_store %arg2[%swap3A_1168, %swap3A_1169], %exp3A_1165 {strides = array<i32>} : memref<8x100000xf32, #tpu.memory_space<vmem>>, vector<8x512xf32>,
      %add3A_1171 = arith.addf %scan3A_71, %exp3A_1165 : vector<8x512xf32>
      %div3A_1172 = arith.divf %neg3A_362, %exp3A_1165 : vector<8x512xf32>
      %lt3A = arith.cmpf olt, %div3A_1172, %scan3A_72 : vector<8x512xf32>
      %select_n3A = arith.select %lt3A, %div3A_1172, %scan3A_72 : vector<8x512xi1>, vector<8x512xf32>
      %mul3A_1173 = arith.constant 512 : i32
      %mul3A_1174 = arith.muli %add3A_1162, %mul3A_1173 : i32
      %add3A_1175 = vector.broadcast %mul3A_1174 : i32 to vector<8x512xi32>
      %add3A_1176 = arith.addi %add3A_1175, %iota3A_7 : vector<8x512xi32>
      %select_n3A_1177 = arith.select %lt3A, %add3A_1176, %scan3A_73 : vector<8x512xi1>, vector<8x512xi32>
      %add3A_1178 = arith.constant 1 : i32
      %add3A_1179 = arith.addi %mul3A_75, %add3A_1178 : i32
      %sub3A_1180 = vector.broadcast %max3A : vector<8x1xf32> to vector<8x512xf32>
      %sub3A_1181 = arith.subf %get3A_89, %sub3A_1180 : vector<8x512xf32>
      %exp3A_1182 = math.exp %sub3A_1181 : vector<8x512xf32>
      %mul3A_1183 = arith.constant 512 : i32
      %mul3A_1184 = arith.muli %add3A_1179, %mul3A_1183 : i32
      %swap3A_1185 = arith.constant 0 : index
      %swap3A_1186 = arith.index_cast %mul3A_1184 : i32 to index
      %swap3A_1187 = vector.load %arg2[%swap3A_1185, %swap3A_1186] : memref<8x100000xf32, #tpu.memory_space<vmem>>, vector<8x512xf32>
      tpu.vector_store %arg2[%swap3A_1185, %swap3A_1186], %exp3A_1182 {strides = array<i32>} : memref<8x100000xf32, #tpu.memory_space<vmem>>, vector<8x512xf32>,
      %add3A_1188 = arith.addf %add3A_1171, %exp3A_1182 : vector<8x512xf32>
      %div3A_1189 = arith.divf %neg3A_628, %exp3A_1182 : vector<8x512xf32>
      %lt3A_1190 = arith.cmpf olt, %div3A_1189, %select_n3A : vector<8x512xf32>
      %select_n3A_1191 = arith.select %lt3A_1190, %div3A_1189, %select_n3A : vector<8x512xi1>, vector<8x512xf32>
      %mul3A_1192 = arith.constant 512 : i32
      %mul3A_1193 = arith.muli %add3A_1179, %mul3A_1192 : i32
      %add3A_1194 = vector.broadcast %mul3A_1193 : i32 to vector<8x512xi32>
      %add3A_1195 = arith.addi %add3A_1194, %iota3A_7 : vector<8x512xi32>
      %select_n3A_1196 = arith.select %lt3A_1190, %add3A_1195, %select_n3A_1177 : vector<8x512xi1>, vector<8x512xi32>
      %add3A_1197 = arith.constant 2 : i32
      %add3A_1198 = arith.addi %mul3A_75, %add3A_1197 : i32
      %sub3A_1199 = vector.broadcast %max3A : vector<8x1xf32> to vector<8x512xf32>
      %sub3A_1200 = arith.subf %get3A_96, %sub3A_1199 : vector<8x512xf32>
      %exp3A_1201 = math.exp %sub3A_1200 : vector<8x512xf32>
      %mul3A_1202 = arith.constant 512 : i32
      %mul3A_1203 = arith.muli %add3A_1198, %mul3A_1202 : i32
      %swap3A_1204 = arith.constant 0 : index
      %swap3A_1205 = arith.index_cast %mul3A_1203 : i32 to index
      %swap3A_1206 = vector.load %arg2[%swap3A_1204, %swap3A_1205] : memref<8x100000xf32, #tpu.memory_space<vmem>>, vector<8x512xf32>
      tpu.vector_store %arg2[%swap3A_1204, %swap3A_1205], %exp3A_1201 {strides = array<i32>} : memref<8x100000xf32, #tpu.memory_space<vmem>>, vector<8x512xf32>,
      %add3A_1207 = arith.addf %add3A_1188, %exp3A_1201 : vector<8x512xf32>
      %div3A_1208 = arith.divf %neg3A_894, %exp3A_1201 : vector<8x512xf32>
      %lt3A_1209 = arith.cmpf olt, %div3A_1208, %select_n3A_1191 : vector<8x512xf32>
      %select_n3A_1210 = arith.select %lt3A_1209, %div3A_1208, %select_n3A_1191 : vector<8x512xi1>, vector<8x512xf32>
      %mul3A_1211 = arith.constant 512 : i32
      %mul3A_1212 = arith.muli %add3A_1198, %mul3A_1211 : i32
      %add3A_1213 = vector.broadcast %mul3A_1212 : i32 to vector<8x512xi32>
      %add3A_1214 = arith.addi %add3A_1213, %iota3A_7 : vector<8x512xi32>
      %select_n3A_1215 = arith.select %lt3A_1209, %add3A_1214, %select_n3A_1196 : vector<8x512xi1>, vector<8x512xi32>
      %add3A_1216 = arith.constant 3 : i32
      %add3A_1217 = arith.addi %mul3A_75, %add3A_1216 : i32
      %sub3A_1218 = vector.broadcast %max3A : vector<8x1xf32> to vector<8x512xf32>
      %sub3A_1219 = arith.subf %get3A_103, %sub3A_1218 : vector<8x512xf32>
      %exp3A_1220 = math.exp %sub3A_1219 : vector<8x512xf32>
      %mul3A_1221 = arith.constant 512 : i32
      %mul3A_1222 = arith.muli %add3A_1217, %mul3A_1221 : i32
      %swap3A_1223 = arith.constant 0 : index
      %swap3A_1224 = arith.index_cast %mul3A_1222 : i32 to index
      %swap3A_1225 = vector.load %arg2[%swap3A_1223, %swap3A_1224] : memref<8x100000xf32, #tpu.memory_space<vmem>>, vector<8x512xf32>
      tpu.vector_store %arg2[%swap3A_1223, %swap3A_1224], %exp3A_1220 {strides = array<i32>} : memref<8x100000xf32, #tpu.memory_space<vmem>>, vector<8x512xf32>,
      %add3A_1226 = arith.addf %add3A_1207, %exp3A_1220 : vector<8x512xf32>
      %div3A_1227 = arith.divf %neg3A_1160, %exp3A_1220 : vector<8x512xf32>
      %lt3A_1228 = arith.cmpf olt, %div3A_1227, %select_n3A_1210 : vector<8x512xf32>
      %select_n3A_1229 = arith.select %lt3A_1228, %div3A_1227, %select_n3A_1210 : vector<8x512xi1>, vector<8x512xf32>
      %mul3A_1230 = arith.constant 512 : i32
      %mul3A_1231 = arith.muli %add3A_1217, %mul3A_1230 : i32
      %add3A_1232 = vector.broadcast %mul3A_1231 : i32 to vector<8x512xi32>
      %add3A_1233 = arith.addi %add3A_1232, %iota3A_7 : vector<8x512xi32>
      %select_n3A_1234 = arith.select %lt3A_1228, %add3A_1233, %select_n3A_1215 : vector<8x512xi1>, vector<8x512xi32>
      scf.yield %add3A_1226, %select_n3A_1229, %select_n3A_1234 : vector<8x512xf32>, vector<8x512xf32>, vector<8x512xi32>
    }
    %scan3A_32 = arith.constant 32 : i32
    %broadcast_in_dim3A_33 = vector.shape_cast %scan3A_31#1 : vector<8x512xf32> to vector<1x8x512xf32>
    %swap3A = arith.constant 0 : index
    %swap3A_34 = arith.constant 0 : index
    %swap3A_35 = arith.constant 0 : index
    %swap3A_36 = vector.load %arg4[%swap3A, %swap3A_34, %swap3A_35] : memref<1x8x512xf32, #tpu.memory_space<vmem>>, vector<1x8x512xf32>
    tpu.vector_store %arg4[%swap3A, %swap3A_34, %swap3A_35], %broadcast_in_dim3A_33 {strides = array<i32>} : memref<1x8x512xf32, #tpu.memory_space<vmem>>, vector<1x8x512xf32>,
    %broadcast_in_dim3A_37 = vector.shape_cast %scan3A_31#2 : vector<8x512xi32> to vector<1x8x512xi32>
    %swap3A_38 = arith.constant 0 : index
    %swap3A_39 = arith.constant 0 : index
    %swap3A_40 = arith.constant 0 : index
    %swap3A_41 = vector.load %arg5[%swap3A_38, %swap3A_39, %swap3A_40] : memref<1x8x512xi32, #tpu.memory_space<vmem>>, vector<1x8x512xi32>
    tpu.vector_store %arg5[%swap3A_38, %swap3A_39, %swap3A_40], %broadcast_in_dim3A_37 {strides = array<i32>} : memref<1x8x512xi32, #tpu.memory_space<vmem>>, vector<1x8x512xi32>,
    %scan3A_42 = arith.constant 0 : i32
    %scan3A_43 = arith.constant 67 : i32
    %scan3A_44 = arith.addi %scan3A_42, %scan3A_43 : i32
    %scan3A_45 = arith.constant 1 : i32
    %scan3A_46 = scf.for %scan3A_70 = %scan3A_42 to %scan3A_44 step %scan3A_45 iter_args(%scan3A_71 = %scan3A_31#0) -> (vector<8x512xf32>)  : i32 {
      %add3A_72 = arith.constant 128 : i32
      %add3A_73 = arith.addi %add3A_72, %scan3A_70 : i32
      %mul3A_74 = arith.constant 512 : i32
      %mul3A_75 = arith.muli %add3A_73, %mul3A_74 : i32
      %get3A_76 = arith.constant 0 : index
      %get3A_77 = arith.index_cast %mul3A_75 : i32 to index
      %get3A_78 = vector.load %arg1[%get3A_76, %get3A_77] : memref<8x100000xf32, #tpu.memory_space<vmem>>, vector<8x512xf32>
      %sub3A_79 = vector.broadcast %max3A : vector<8x1xf32> to vector<8x512xf32>
      %sub3A_80 = arith.subf %get3A_78, %sub3A_79 : vector<8x512xf32>
      %exp3A_81 = math.exp %sub3A_80 : vector<8x512xf32>
      %add3A_82 = arith.constant 128 : i32
      %add3A_83 = arith.addi %add3A_82, %scan3A_70 : i32
      %mul3A_84 = arith.constant 512 : i32
      %mul3A_85 = arith.muli %add3A_83, %mul3A_84 : i32
      %swap3A_86 = arith.constant 0 : index
      %swap3A_87 = arith.index_cast %mul3A_85 : i32 to index
      %swap3A_88 = vector.load %arg2[%swap3A_86, %swap3A_87] : memref<8x100000xf32, #tpu.memory_space<vmem>>, vector<8x512xf32>
      tpu.vector_store %arg2[%swap3A_86, %swap3A_87], %exp3A_81 {strides = array<i32>} : memref<8x100000xf32, #tpu.memory_space<vmem>>, vector<8x512xf32>,
      %mul3A_89 = arith.constant 512 : i32
      %mul3A_90 = arith.muli %scan3A_70, %mul3A_89 : i32
      %swap3A_91 = arith.constant 0 : index
      %swap3A_92 = arith.index_cast %mul3A_90 : i32 to index
      %swap3A_93 = vector.load %arg3[%swap3A_91, %swap3A_92] : memref<8x34464xf32, #tpu.memory_space<vmem>>, vector<8x512xf32>
      tpu.vector_store %arg3[%swap3A_91, %swap3A_92], %exp3A_81 {strides = array<i32>} : memref<8x34464xf32, #tpu.memory_space<vmem>>, vector<8x512xf32>,
      %add3A_94 = arith.addf %scan3A_71, %exp3A_81 : vector<8x512xf32>
      scf.yield %add3A_94 : vector<8x512xf32>
    }
    %scan3A_47 = arith.constant 67 : i32
    %sub3A = vector.broadcast %max3A : vector<8x1xf32> to vector<8x160xf32>
    %sub3A_48 = arith.subf %get3A_15, %sub3A : vector<8x160xf32>
    %exp3A = math.exp %sub3A_48 : vector<8x160xf32>
    %reduce_sum3A = arith.constant dense<0.000000e+00> : vector<8xf32>
    %reduce_sum3A_49 = vector.multi_reduction <add>, %exp3A, %reduce_sum3A [1] : vector<8x160xf32> to vector<8xf32>
    %broadcast_in_dim3A_50 = vector.shape_cast %reduce_sum3A_49 : vector<8xf32> to vector<8x1xf32>
    %swap3A_51 = arith.constant 0 : index
    %swap3A_52 = arith.constant 34304 : index
    %swap3A_53 = vector.load %arg3[%swap3A_51, %swap3A_52] : memref<8x34464xf32, #tpu.memory_space<vmem>>, vector<8x160xf32>
    tpu.vector_store %arg3[%swap3A_51, %swap3A_52], %exp3A {strides = array<i32>} : memref<8x34464xf32, #tpu.memory_space<vmem>>, vector<8x160xf32>,
    %reduce_sum3A_54 = arith.constant dense<0.000000e+00> : vector<8xf32>
    %reduce_sum3A_55 = vector.multi_reduction <add>, %scan3A_46, %reduce_sum3A_54 [1] : vector<8x512xf32> to vector<8xf32>
    %broadcast_in_dim3A_56 = vector.shape_cast %reduce_sum3A_55 : vector<8xf32> to vector<8x1xf32>
    %add3A_57 = arith.addf %broadcast_in_dim3A_56, %broadcast_in_dim3A_50 : vector<8x1xf32>
    %div3A = arith.constant 1.000000e+00 : f32
    %div3A_58 = vector.broadcast %div3A : f32 to vector<8x1xf32>
    %div3A_59 = arith.divf %div3A_58, %add3A_57 : vector<8x1xf32>
    %scan3A_60 = arith.constant 0 : i32
    %scan3A_61 = arith.constant 39 : i32
    %scan3A_62 = arith.addi %scan3A_60, %scan3A_61 : i32
    %scan3A_63 = arith.constant 1 : i32
    scf.for %scan3A_70 = %scan3A_60 to %scan3A_62 step %scan3A_63  : i32 {
      %mul3A_71 = arith.constant 5 : i32
      %mul3A_72 = arith.muli %scan3A_70, %mul3A_71 : i32
      %add3A_73 = arith.constant 0 : i32
      %add3A_74 = arith.addi %mul3A_72, %add3A_73 : i32
      %mul3A_75 = arith.constant 512 : i32
      %mul3A_76 = arith.muli %add3A_74, %mul3A_75 : i32
      %get3A_77 = arith.constant 0 : index
      %get3A_78 = arith.index_cast %mul3A_76 : i32 to index
      %get3A_79 = vector.load %arg2[%get3A_77, %get3A_78] : memref<8x100000xf32, #tpu.memory_space<vmem>>, vector<8x512xf32>
      %mul3A_80 = vector.broadcast %div3A_59 : vector<8x1xf32> to vector<8x512xf32>
      %mul3A_81 = arith.mulf %get3A_79, %mul3A_80 : vector<8x512xf32>
      %swap3A_82 = arith.constant 0 : index
      %swap3A_83 = arith.index_cast %mul3A_76 : i32 to index
      %swap3A_84 = vector.load %arg2[%swap3A_82, %swap3A_83] : memref<8x100000xf32, #tpu.memory_space<vmem>>, vector<8x512xf32>
      tpu.vector_store %arg2[%swap3A_82, %swap3A_83], %mul3A_81 {strides = array<i32>} : memref<8x100000xf32, #tpu.memory_space<vmem>>, vector<8x512xf32>,
      %add3A_85 = arith.constant 1 : i32
      %add3A_86 = arith.addi %mul3A_72, %add3A_85 : i32
      %mul3A_87 = arith.constant 512 : i32
      %mul3A_88 = arith.muli %add3A_86, %mul3A_87 : i32
      %get3A_89 = arith.constant 0 : index
      %get3A_90 = arith.index_cast %mul3A_88 : i32 to index
      %get3A_91 = vector.load %arg2[%get3A_89, %get3A_90] : memref<8x100000xf32, #tpu.memory_space<vmem>>, vector<8x512xf32>
      %mul3A_92 = vector.broadcast %div3A_59 : vector<8x1xf32> to vector<8x512xf32>
      %mul3A_93 = arith.mulf %get3A_91, %mul3A_92 : vector<8x512xf32>
      %swap3A_94 = arith.constant 0 : index
      %swap3A_95 = arith.index_cast %mul3A_88 : i32 to index
      %swap3A_96 = vector.load %arg2[%swap3A_94, %swap3A_95] : memref<8x100000xf32, #tpu.memory_space<vmem>>, vector<8x512xf32>
      tpu.vector_store %arg2[%swap3A_94, %swap3A_95], %mul3A_93 {strides = array<i32>} : memref<8x100000xf32, #tpu.memory_space<vmem>>, vector<8x512xf32>,
      %add3A_97 = arith.constant 2 : i32
      %add3A_98 = arith.addi %mul3A_72, %add3A_97 : i32
      %mul3A_99 = arith.constant 512 : i32
      %mul3A_100 = arith.muli %add3A_98, %mul3A_99 : i32
      %get3A_101 = arith.constant 0 : index
      %get3A_102 = arith.index_cast %mul3A_100 : i32 to index
      %get3A_103 = vector.load %arg2[%get3A_101, %get3A_102] : memref<8x100000xf32, #tpu.memory_space<vmem>>, vector<8x512xf32>
      %mul3A_104 = vector.broadcast %div3A_59 : vector<8x1xf32> to vector<8x512xf32>
      %mul3A_105 = arith.mulf %get3A_103, %mul3A_104 : vector<8x512xf32>
      %swap3A_106 = arith.constant 0 : index
      %swap3A_107 = arith.index_cast %mul3A_100 : i32 to index
      %swap3A_108 = vector.load %arg2[%swap3A_106, %swap3A_107] : memref<8x100000xf32, #tpu.memory_space<vmem>>, vector<8x512xf32>
      tpu.vector_store %arg2[%swap3A_106, %swap3A_107], %mul3A_105 {strides = array<i32>} : memref<8x100000xf32, #tpu.memory_space<vmem>>, vector<8x512xf32>,
      %add3A_109 = arith.constant 3 : i32
      %add3A_110 = arith.addi %mul3A_72, %add3A_109 : i32
      %mul3A_111 = arith.constant 512 : i32
      %mul3A_112 = arith.muli %add3A_110, %mul3A_111 : i32
      %get3A_113 = arith.constant 0 : index
      %get3A_114 = arith.index_cast %mul3A_112 : i32 to index
      %get3A_115 = vector.load %arg2[%get3A_113, %get3A_114] : memref<8x100000xf32, #tpu.memory_space<vmem>>, vector<8x512xf32>
      %mul3A_116 = vector.broadcast %div3A_59 : vector<8x1xf32> to vector<8x512xf32>
      %mul3A_117 = arith.mulf %get3A_115, %mul3A_116 : vector<8x512xf32>
      %swap3A_118 = arith.constant 0 : index
      %swap3A_119 = arith.index_cast %mul3A_112 : i32 to index
      %swap3A_120 = vector.load %arg2[%swap3A_118, %swap3A_119] : memref<8x100000xf32, #tpu.memory_space<vmem>>, vector<8x512xf32>
      tpu.vector_store %arg2[%swap3A_118, %swap3A_119], %mul3A_117 {strides = array<i32>} : memref<8x100000xf32, #tpu.memory_space<vmem>>, vector<8x512xf32>,
      %add3A_121 = arith.constant 4 : i32
      %add3A_122 = arith.addi %mul3A_72, %add3A_121 : i32
      %mul3A_123 = arith.constant 512 : i32
      %mul3A_124 = arith.muli %add3A_122, %mul3A_123 : i32
      %get3A_125 = arith.constant 0 : index
      %get3A_126 = arith.index_cast %mul3A_124 : i32 to index
      %get3A_127 = vector.load %arg2[%get3A_125, %get3A_126] : memref<8x100000xf32, #tpu.memory_space<vmem>>, vector<8x512xf32>
      %mul3A_128 = vector.broadcast %div3A_59 : vector<8x1xf32> to vector<8x512xf32>
      %mul3A_129 = arith.mulf %get3A_127, %mul3A_128 : vector<8x512xf32>
      %swap3A_130 = arith.constant 0 : index
      %swap3A_131 = arith.index_cast %mul3A_124 : i32 to index
      %swap3A_132 = vector.load %arg2[%swap3A_130, %swap3A_131] : memref<8x100000xf32, #tpu.memory_space<vmem>>, vector<8x512xf32>
      tpu.vector_store %arg2[%swap3A_130, %swap3A_131], %mul3A_129 {strides = array<i32>} : memref<8x100000xf32, #tpu.memory_space<vmem>>, vector<8x512xf32>,
    }
    %scan3A_64 = arith.constant 39 : i32
    %mul3A_65 = vector.broadcast %div3A_59 : vector<8x1xf32> to vector<8x160xf32>
    %mul3A_66 = arith.mulf %exp3A, %mul3A_65 : vector<8x160xf32>
    %swap3A_67 = arith.constant 0 : index
    %swap3A_68 = arith.constant 99840 : index
    %swap3A_69 = vector.load %arg2[%swap3A_67, %swap3A_68] : memref<8x100000xf32, #tpu.memory_space<vmem>>, vector<8x160xf32>
    tpu.vector_store %arg2[%swap3A_67, %swap3A_68], %mul3A_66 {strides = array<i32>} : memref<8x100000xf32, #tpu.memory_space<vmem>>, vector<8x160xf32>,
    return
  }
  func.func @transform_0(%arg0: i32) -> (i32, i32) {
    %c0_i32 = arith.constant 0 : i32
    %c0_i32_0 = arith.constant 0 : i32
    return %arg0, %c0_i32 : i32, i32
  }
  func.func @transform_1(%arg0: i32) -> (i32, i32) {
    %c0_i32 = arith.constant 0 : i32
    %c0_i32_0 = arith.constant 0 : i32
    return %arg0, %c0_i32 : i32, i32
  }
  func.func @transform_2(%arg0: i32) -> (i32, i32) {
    %c0_i32 = arith.constant 0 : i32
    %c0_i32_0 = arith.constant 0 : i32
    return %arg0, %c0_i32 : i32, i32
  }
  func.func @transform_3(%arg0: i32) -> (i32, i32, i32) {
    %c0_i32 = arith.constant 0 : i32
    %c0_i32_0 = arith.constant 0 : i32
    %c0_i32_1 = arith.constant 0 : i32
    return %arg0, %c0_i32, %c0_i32_0 : i32, i32, i32
  }
  func.func @transform_4(%arg0: i32) -> (i32, i32, i32) {
    %c0_i32 = arith.constant 0 : i32
    %c0_i32_0 = arith.constant 0 : i32
    %c0_i32_1 = arith.constant 0 : i32
    return %arg0, %c0_i32, %c0_i32_0 : i32, i32, i32
  }
}

</mosaic_0001>

<sc_bundles>
// kernel: kernel.5.cloned.1.call-start
scs
__scs_entry_jumppad:
0x0: {  	(pc) =	sbr.rel $0x88, $3  }
0x1: {  	(tag) =	ssettag $0x0;
	lr =	simm.s32 $0x1  }
0x2: {  	[smem:$0x3FA0] =	sst lr;
	_ =	strace $0xD0000000  }
0x3: {  	_ = 	snop  }
0x4: {  	_ = 	snop  }
0x5: {  	_ = 	snop  }
0x6: {  	_ = 	snop  }
0x7: {  	_ = 	snop  }
__scs_overlays_trampoline_lowered:
0x8: {  	[smem:$0x3FAF] =	sst s0  }
0x9: {  	[smem:$0x3FB0] =	sst s1  }
0xa: {  	[smem:$0x3FB1] =	sst s2  }
0xb: {  	[smem:$0x3FB2] =	sst s3  }
0xc: {  	[smem:$0x3FB3] =	sst s4  }
0xd: {  	[smem:$0x3FB4] =	sst s5  }
0xe: {  	[smem:$0x3FB5] =	sst s6  }
0xf: {  	[smem:$0x3FB6] =	sst s7  }
0x10: {  	[smem:$0x3FB7] =	sst s8  }
0x11: {  	[smem:$0x3FB8] =	sst s9;
	s0 =	simm.s32 @!p0 $0x0  }
0x12: {  	s1 =	sld [smem:$0x3F9E];
	s0 =	simm.s32 @p0 $0x1  }
0x13: {  	[smem:$0x3FB9] =	sst s0;
	s0 =	simm.s32 @!p1 $0x0  }
0x14: {  	s2 =	sld [smem:$0x3F9D];
	s0 =	simm.s32 @p1 $0x1  }
0x15: {  	[smem:$0x3FBA] =	sst s0;
	s0 =	simm.s32 @!p2 $0x0  }
0x16: {  	s3 =	sld [smem:$0x3FDB];
	s0 =	simm.s32 @p2 $0x1  }
0x17: {  	s4 =	simm.s32 $0x1BF5;
	[smem:$0x3FBC] =	sst s0  }
0x18: {  	s0 =	sld [smem:$0x3F9F];
	_ =	swait.ge [sflag:s4], $0x0  }
0x19: {  	s7 =	sld [smem:$0x3FA0]  }
0x1a: {  	s8 =	sadd.s32 $0xFFFFE003, lr  }
0x1b: {  	s9 =	sadd.s32 $0xFFFFFEF7, lr;
	s5 =	simm.s32 $0xFFFFFFFF;
	p2 =	slt.u32 s8, $0xFFFFF086  }
0x1c: {  	p1 =	slt.u32 s9, $0xF7A;
	s5 =	simm.s32 @!p2 $0x0  }
0x1d: {  	s5 =	simm.s32 @p1 $0x1;
	p0 =	seq.s32 s7, s2  }
0x1e: {  	s7 =	smul.u32 @!p0 $0xF7A, s2;
	p2 =	seq.s32 @!p0 s5, $0x0  }
0x1f: {  	s9 =	smul.u32 $0xF7A, s1;
	s8 =	simm.s32 @!p0 $0x1BF5;
	p2 =	por !p2, p0  }
0x20: {  	[sflag:s8] =	ssyncset.s32 @!p0 $0xFFFFF086;
	s6 =	sadd.s32 @!p0 s3, s7;
	s7 =	simm.s32 @!p0 $0x108  }
0x21: {  	s3 =	sadd.s32 s3, s9;
	s6 =	sadd.s32 @!p0 $0x88, s6;
	s7 =	simm.s32 @p2 $0x1082  }
0x22: {  	[simem:s7], [sflag:s8] =	dma.local @!p0 [hbm:s6], $0xF7A  }
0x23: {  	s9 =	sor.u32 $0xD0000000, s2;
	s6 =	simm.s32 $0x108;
	_ =	swait.ge @!p0 [sflag:s8], $0x0  }
0x24: {  	s3 =	sadd.s32 $0x88, s3;
	s6 =	simm.s32 @!p1 $0x1082;
	[sflag:s4] =	ssyncset.s32 $0xFFFFF086  }
0x25: {  	[simem:s6], [sflag:s4] =	dma.local [hbm:s3], $0xF7A  }
0x26: {  	[smem:$0x3FA0] =	sst s1;
	(tag) =	ssettag s2;
	_ =	strace s9  }
0x27: {  	s1 =	sld [smem:$0x3FB0]  }
0x28: {  	s2 =	sld [smem:$0x3FB1]  }
0x29: {  	s4 =	sld [smem:$0x3FB3]  }
0x2a: {  	p0 =	seq.s32 s5, $0x0;
	s5 =	sld [smem:$0x3FB4]  }
0x2b: {  	s6 =	sld [smem:$0x3FB5]  }
0x2c: {  	s7 =	sld [smem:$0x3FB6]  }
0x2d: {  	s3 =	simm.s32 $0x108;
	s8 =	sld [smem:$0x3FB7]  }
0x2e: {  	s3 =	simm.s32 @!p0 $0x1082;
	s9 =	sld [smem:$0x3FB8]  }
0x2f: {  	lr =	sadd.s32 s0, s3;
	s0 =	sld [smem:$0x3FAF]  }
0x30: {  	s3 =	sld [smem:$0x3FB2]  }
0x31: {  	[smem:$0x3FBB] =	sst s10  }
0x32: {  	s10 =	sld [smem:$0x3FB9];
	_ =	sdelay $0x3  }
0x33: {  	p0 =	seq.s32 s10, $0x1;
	s10 =	sld [smem:$0x3FBB];
	_ =	sdelay $0x3  }
0x34: {  	[smem:$0x3FBB] =	sst s10  }
0x35: {  	s10 =	sld [smem:$0x3FBA];
	_ =	sdelay $0x3  }
0x36: {  	p1 =	seq.s32 s10, $0x1;
	s10 =	sld [smem:$0x3FBB];
	_ =	sdelay $0x3  }
0x37: {  	[smem:$0x3FBB] =	sst s10  }
0x38: {  	s10 =	sld [smem:$0x3FBC]  }
0x39: {  	_ = 	snop;
	(pc) =	sbr.ind lr, $3  }
0x3a: {  	_ = 	snop  }
0x3b: {  	_ = 	snop  }
0x3c: {  	p2 =	seq.s32 s10, $0x1;
	s10 =	sld [smem:$0x3FBB]  }
0x3d: {  	_ =	shalt  }
0x3e: {  	_ =	shalt  }
0x3f: {  	_ =	shalt  }
0x40: {  	_ =	shalt  }
0x41: {  	_ =	shalt  }
0x42: {  	_ =	shalt  }
0x43: {  	_ =	shalt  }
0x44: {  	_ =	shalt  }
0x45: {  	_ =	shalt  }
0x46: {  	_ =	shalt  }
0x47: {  	_ =	shalt  }
0x48: {  	_ =	shalt  }
0x49: {  	_ =	shalt  }
0x4a: {  	_ =	shalt  }
0x4b: {  	_ =	shalt  }
0x4c: {  	_ =	shalt  }
0x4d: {  	_ =	shalt  }
0x4e: {  	_ =	shalt  }
0x4f: {  	_ =	shalt  }
0x50: {  	_ =	shalt  }
0x51: {  	_ =	shalt  }
0x52: {  	_ =	shalt  }
0x53: {  	_ =	shalt  }
0x54: {  	_ =	shalt  }
0x55: {  	_ =	shalt  }
0x56: {  	_ =	shalt  }
0x57: {  	_ =	shalt  }
0x58: {  	_ =	shalt  }
0x59: {  	_ =	shalt  }
0x5a: {  	_ =	shalt  }
0x5b: {  	_ =	shalt  }
0x5c: {  	_ =	shalt  }
0x5d: {  	_ =	shalt  }
0x5e: {  	_ =	shalt  }
0x5f: {  	_ =	shalt  }
0x60: {  	_ =	shalt  }
0x61: {  	_ =	shalt  }
0x62: {  	_ =	shalt  }
0x63: {  	_ =	shalt  }
0x64: {  	_ =	shalt  }
0x65: {  	_ =	shalt  }
0x66: {  	_ =	shalt  }
0x67: {  	_ =	shalt  }
0x68: {  	_ =	shalt  }
0x69: {  	_ =	shalt  }
0x6a: {  	_ =	shalt  }
0x6b: {  	_ =	shalt  }
0x6c: {  	_ =	shalt  }
0x6d: {  	_ =	shalt  }
0x6e: {  	_ =	shalt  }
0x6f: {  	_ =	shalt  }
0x70: {  	_ =	shalt  }
0x71: {  	_ =	shalt  }
0x72: {  	_ =	shalt  }
0x73: {  	_ =	shalt  }
0x74: {  	_ =	shalt  }
0x75: {  	_ =	shalt  }
0x76: {  	_ =	shalt  }
0x77: {  	_ =	shalt  }
0x78: {  	_ =	shalt  }
0x79: {  	_ =	shalt  }
0x7a: {  	_ =	shalt  }
0x7b: {  	_ =	shalt  }
0x7c: {  	_ =	shalt  }
0x7d: {  	_ =	shalt  }
0x7e: {  	_ =	shalt  }
0x7f: {  	_ =	shalt  }
0x80: {  	_ =	shalt  }
0x81: {  	_ =	shalt  }
0x82: {  	_ =	shalt  }
0x83: {  	_ =	shalt  }
0x84: {  	_ =	shalt  }
0x85: {  	_ =	shalt  }
0x86: {  	_ =	shalt  }
0x87: {  	_ =	shalt  }
.Lfunc_end0:
.L_simem_size_0:
called_computation_lowered:
.L_overlay_start_0:
0x88: {  	s2 =	sld [smem:$0x3FD9]  }
0x89: {  	s3 =	sld [smem:$0x3FFE];
	_ =	sdelay $0x1  }
0x8a: {  	s1 =	srdreg.scid  }
0x8b: {  	s0 =	sand.u32 $0x1, s1  }
0x8c: {  	s16 =	sshll.u32 s0, $0xA;
	s2 =	sadd.s32 s3, s2  }
0x8d: {  	s2 =	sadd.s32 s2, s16  }
0x8e: {  	[smem:$0x3FC7] =	sst s2  }
0x8f: {  	_ = 	snop  }
0x90: {  	(tm) =	ssettm $0x1  }
0x91: {  	s17 =	sld [smem:$0x3FFB];
	_ =	sdelay $0x3  }
0x92: {  	_ =	strace s17  }
0x93: {  	s2 =	sld [smem:$0x3FFC];
	_ =	sdelay $0x3  }
0x94: {  	_ =	strace s2  }
0x95: {  	s2 =	sld [smem:$0x3FFD];
	_ =	sdelay $0x3  }
0x96: {  	_ =	strace s2  }
0x97: {  	_ =	strace $0x8FFFFFFF  }
0x98: {  	s18 =	sld [smem:$0x3FDB];
	_ =	sdelay $0x1  }
0x99: {  	s19 =	simm.s32 $_scs_section_size  }
0x9a: {  	s4 =	simm.s32 $_size__tile_overlayer_lowered;
	s5 =	simm.s32 $_tile_overlayer_lowered  }
0x9b: {  	s22 =	simm.s32 $0x1BFF;
	s21 =	sshll.u32 s5, $0x1;
	s2 =	sadd.s32 s19, s18  }
0x9c: {  	s6 =	simm.s32 $0x0;
	s20 =	sshll.u32 s4, $0x1;
	s4 =	sadd.s32 s21, s2  }
0x9d: {  	[timem:s6], [sflag:s22] =	dma.local [hbm:s4], s20  }
0x9e: {  	_ =	swait.ge [sflag:s22], s20  }
0x9f: {  	s3 =	ssub.s32 $0x0, s20;
	[sflag:s22] =	ssyncset.done $0x0  }
0xa0: {  	[sflag:s22] =	ssyncadd.s32 s3;
	_ =	sdelay $0x1  }
0xa1: {  	s23 =	simm.s32 $0x1B8B  }
0xa2: {  	_ =	swait.ge [sflag:s23], $0x1  }
0xa3: {  	[sflag:s23] =	ssyncset.done $0x0  }
0xa4: {  	s25 =	simm.s32 $0x1B8E;
	s24 =	sld [smem:$0x3FFE];
	[sflag:s23] =	ssyncadd.s32 $0xFFFFFFFF  }
0xa5: {  	s26 =	simm.s32 $execute0_lowered;
	[smem:$0x3FD2] =	sst s25  }
0xa6: {  	s4 =	sshll.u32 s26, $0x1;
	_ =	strace $0x80000046;
	[dreg:$0x1] =	wrdreg $0xFFFFFFFF  }
0xa7: {  	s28 =	simm.s32 $_size_execute0_lowered;
	s2 =	sadd.s32 s2, s4;
	[dreg:$0x0] =	wrdreg $0x0  }
0xa8: {  	s4 =	sshll.u32 s28, $0x1;
	[dreg:$0x2] =	wrdreg s2  }
0xa9: {  	[dreg:$0x3] =	wrdreg s4  }
0xaa: {  	[dreg:$0x4] =	wrdreg $0xC0  }
0xab: {  	_ =	task [dreg:s6], $0x5FFFF  }
0xac: {  	[dreg:$0x1] =	wrdreg $0xFFFFFFFF  }
0xad: {  	[dreg:$0x0] =	wrdreg $0x60  }
0xae: {  	[dreg:$0x2] =	wrdreg s24  }
0xaf: {  	[dreg:$0x3] =	wrdreg $0x9  }
0xb0: {  	_ =	task.clear_ibuf [dreg:s6], $0x4FFFF;
	_ =	strace $0x90000046  }
0xb1: {  	s29 =	simm.s32 $0x9;
	_ =	strace $0x80000048  }
0xb2: {  	_ =	swait.ge [sflag:s29], $0x1  }
0xb3: {  	[sflag:s29] =	ssyncadd.s32 $0xFFFFFFFF  }
0xb4: {  	_ =	strace $0x90000048  }
0xb5: {  	_ =	sfence  }
0xb6: {  	s30 =	sld [smem:$0x0];
	_ =	sdelay $0x2  }
0xb7: {  	s31 =	sshll.u32 s1, $0xD;
	s1 =	sshrl.u32 s1, $0x2  }
0xb8: {  	s3 =	sand.u32 $0x4000, s31;
	s1 =	sadd.s32 s1, s30  }
0xb9: {  	s0 =	sor.u32 s3, s0;
	s1 =	sshll.u32 s1, $0x11  }
0xba: {  	s0 =	sor.u32 s1, s0  }
0xbb: {  	s0 =	sadd.s32 $0x8F2B, s0  }
0xbc: {  	[sflag:s0] =	ssyncadd.remote.s32 $0x1  }
0xbd: {  	_ =	sfence.sel $0xFFFF  }
0xbe: {  	[dreg:$0x0] =	wrdreg $0xFFFFFFFF;
	(pc) =	sbr.abs _section_cstart, $3  }
0xbf: {  	[dreg:$0x1] =	wrdreg $0xFFFFFFFF  }
0xc0: {  	_ =	task.clear_ibuf [dreg:s6], $0x2FFFF;
	_ =	strace $0x9FFFFFFF  }
0xc1: {  	(tm) =	ssettm $0x7FFFFFFF  }
tec
execute0_lowered:
.L_overlay_start_1:
0x0: {  	(tag) =	ssettag $0x1  }
0x1: {  	s3 =	rddreg [dreg:$0x0]  }
0x2: {  	s0 =	rddreg [dreg:$0x1];
	s1 =	simm.s32 $0x0  }
0x3: {  	s2 =	srdreg.scid;
	s11 =	simm.s32 $0x0;
	[smem:$0x7FF] =	sst s1  }
0x4: {  	s4 =	sand.u32 $0x1, s2;
	s2 =	stileid.u32;
	s3 =	sadd.s32 $0x600, s3  }
0x5: {  	_ =	strace $0x80000047;
	s5 =	ssub.s32 $0x2, s4;
	s7 =	smul.u32 $0xC3500, s2  }
0x6: {  	s8 =	sshll.u32 s2, $0x3;
	s9 =	sshll.u32 s4, $0x2;
	s10 =	smul.u32 $0x61A80, s4  }
0x7: {  	s6 =	sshrl.u32 s5, $0x1;
	s4 =	sor.u32 s9, s8;
	s8 =	simm.s32 $0x80  }
0x8: {  	v0 =	vlaneseq.u32;
	s9 =	simm.s32 $0x400;
	s6 =	ssub.s32 s5, s6;
	s5 =	smul.u32 $0x43800, s2  }
0x9: {  	v0 =	vadd.s32 $0x2A, v0;
	s7 =	sadd.s32 s10, s7;
	s10 =	simm.s32 $0x1;
	s6 =	smax.u32 s6, $0x1  }
.LBB2_1:
0xa: {  	s12 =	smov.u32 s7;
	s13 =	simm.s32 $0x0  }
.LBB2_2:
0xb: {  	s14 =	sadd.s32 $0x0, s12  }
0xc: {  	s15 =	sadd.s32 $0x10000, s14;
	s16 =	sadd.s32 $0x10050, s14  }
0xd: {  	s30 =	sadd.s32 $0x10010, s14;
	v1 =	vadd.s32 s15, v0;
	v2 =	vadd.s32 s16, v0  }
0xe: {  	s31 =	sadd.s32 $0x10020, s14;
	s17 =	sadd.s32 $0x10030, s14;
	v3 =	vadd.s32 s30, v0;
	v4 =	vshrl.u32 v2, $0x13;
	v5 =	vshll.u32 v2, $0xD  }
0xf: {  	s14 =	sadd.s32 $0x10040, s14;
	v6 =	vadd.s32 s31, v0;
	v7 =	vadd.s32 s17, v0;
	v4 =	vor.u32 v4, v5  }
0x10: {  	v8 =	vadd.s32 s14, v0;
	v9 =	vshll.u32 v1, $0xD;
	v4 =	vxor.u32 v2, v4  }
0x11: {  	v12 =	vshrl.u32 v3, $0x13;
	v10 =	vshrl.u32 v4, $0x11;
	v11 =	vshll.u32 v4, $0xF  }
0x12: {  	v13 =	vshll.u32 v6, $0xD;
	v2 =	vadd.s32 v2, v4;
	v4 =	vor.u32 v10, v11  }
0x13: {  	v16 =	vshrl.u32 v7, $0x13;
	v28 =	vshll.u32 v7, $0xD;
	v4 =	vxor.u32 v2, v4  }
0x14: {  	v29 =	vshrl.u32 v8, $0x13;
	v14 =	vshrl.u32 v4, $0x6;
	v15 =	vshll.u32 v4, $0x1A  }
0x15: {  	v17 =	vshll.u32 v8, $0xD;
	v2 =	vadd.s32 v2, v4;
	v4 =	vor.u32 v14, v15  }
0x16: {  	v5 =	vshrl.u32 v1, $0x13;
	v30 =	vor.u32 v29, v17;
	v4 =	vxor.u32 v2, v4  }
0x17: {  	v5 =	vor.u32 v5, v9;
	v18 =	vshrl.u32 v4, $0x1A;
	v19 =	vshll.u32 v4, $0x6  }
0x18: {  	v5 =	vxor.u32 v1, v5;
	v2 =	vadd.s32 v2, v4;
	v4 =	vor.u32 v18, v19  }
0x19: {  	v10 =	vshll.u32 v3, $0xD;
	v11 =	vshrl.u32 v6, $0x13;
	v4 =	vxor.u32 v2, v4  }
0x1a: {  	v34 =	vshrl.u32 v5, $0x11;
	v35 =	vshll.u32 v5, $0xF;
	v4 =	vadd.s32 $0x1BD11BF1, v4  }
0x1b: {  	v2 =	vadd.s32 v4, v2;
	v31 =	vshrl.u32 v4, $0xF;
	v4 =	vshll.u32 v4, $0x11  }
0x1c: {  	v1 =	vadd.s32 v1, v5;
	v2 =	vadd.s32 $0x2A, v2;
	v4 =	vor.u32 v31, v4  }
0x1d: {  	v9 =	vor.u32 v12, v10;
	v10 =	vor.u32 v11, v13;
	v4 =	vxor.u32 v2, v4  }
0x1e: {  	v11 =	vor.u32 v16, v28;
	v32 =	vshrl.u32 v4, $0x3;
	v33 =	vshll.u32 v4, $0x1D  }
0x1f: {  	v12 =	vxor.u32 v8, v30;
	v2 =	vadd.s32 v2, v4;
	v4 =	vor.u32 v32, v33  }
0x20: {  	v13 =	vor.u32 v34, v35;
	v9 =	vxor.u32 v3, v9;
	v4 =	vxor.u32 v2, v4  }
0x21: {  	v10 =	vxor.u32 v6, v10;
	v37 =	vshrl.u32 v4, $0x10;
	v38 =	vshll.u32 v4, $0x10  }
0x22: {  	v11 =	vxor.u32 v7, v11;
	v2 =	vadd.s32 v2, v4;
	v4 =	vor.u32 v37, v38  }
0x23: {  	v43 =	vshrl.u32 v12, $0x11;
	v44 =	vshll.u32 v12, $0xF;
	v4 =	vxor.u32 v2, v4  }
0x24: {  	v36 =	vshrl.u32 v9, $0x11;
	v20 =	vshrl.u32 v4, $0x8;
	v21 =	vshll.u32 v4, $0x18  }
0x25: {  	v39 =	vshll.u32 v9, $0xF;
	v2 =	vadd.s32 v2, v4;
	v4 =	vor.u32 v20, v21  }
0x26: {  	v40 =	vshrl.u32 v10, $0x11;
	v41 =	vshll.u32 v10, $0xF;
	v4 =	vxor.u32 v2, v4  }
0x27: {  	v42 =	vshrl.u32 v11, $0x11;
	v22 =	vshll.u32 v11, $0xF;
	v4 =	vadd.s32 $0x2, v4  }
0x28: {  	v2 =	vadd.s32 v4, v2;
	v46 =	vshrl.u32 v4, $0x13;
	v4 =	vshll.u32 v4, $0xD  }
0x29: {  	v48 =	vor.u32 v43, v44;
	v2 =	vadd.s32 $0x1BD11BF0, v2;
	v4 =	vor.u32 v46, v4  }
0x2a: {  	v3 =	vadd.s32 v3, v9;
	v45 =	vor.u32 v36, v39;
	v4 =	vxor.u32 v2, v4  }
0x2b: {  	v16 =	vor.u32 v40, v41;
	v5 =	vshrl.u32 v4, $0x11;
	v49 =	vshll.u32 v4, $0xF  }
0x2c: {  	v47 =	vor.u32 v42, v22;
	v2 =	vadd.s32 v2, v4;
	v4 =	vor.u32 v5, v49  }
0x2d: {  	v5 =	vadd.s32 v6, v10;
	v6 =	vadd.s32 v7, v11;
	v7 =	vadd.s32 v8, v12  }
0x2e: {  	v10 =	vxor.u32 v1, v13;
	v4 =	vxor.u32 v2, v4;
	v11 =	vxor.u32 v6, v47  }
0x2f: {  	v52 =	vxor.u32 v7, v48;
	v53 =	vshrl.u32 v10, $0x6;
	v54 =	vshll.u32 v10, $0x1A  }
0x30: {  	v10 =	vadd.s32 v1, v10;
	v8 =	vshrl.u32 v4, $0x6;
	v9 =	vshll.u32 v4, $0x1A  }
0x31: {  	v2 =	vadd.s32 v2, v4;
	v61 =	vshrl.u32 v11, $0x6;
	v62 =	vshll.u32 v11, $0x1A  }
0x32: {  	v63 =	vshrl.u32 v52, $0x6;
	v24 =	vshll.u32 v52, $0x1A;
	v12 =	vor.u32 v53, v54  }
0x33: {  	v6 =	vadd.s32 v6, v11;
	v7 =	vadd.s32 v7, v52;
	v4 =	vor.u32 v8, v9  }
0x34: {  	v8 =	vxor.u32 v3, v45;
	v9 =	vxor.u32 v5, v16;
	v18 =	vor.u32 v61, v62  }
0x35: {  	v1 =	vor.u32 v63, v24;
	v4 =	vxor.u32 v2, v4;
	v55 =	vshrl.u32 v8, $0x6  }
0x36: {  	v56 =	vshll.u32 v8, $0x1A;
	v57 =	vshrl.u32 v9, $0x6;
	v60 =	vshll.u32 v9, $0x1A  }
0x37: {  	v3 =	vadd.s32 v3, v8;
	v5 =	vadd.s32 v5, v9;
	v35 =	vxor.u32 v7, v1  }
0x38: {  	v50 =	vshrl.u32 v4, $0x1A;
	v51 =	vshll.u32 v4, $0x6;
	v2 =	vadd.s32 v2, v4  }
0x39: {  	v29 =	vor.u32 v55, v56;
	v30 =	vor.u32 v57, v60;
	v47 =	vshrl.u32 v35, $0x1A  }
0x3a: {  	v7 =	vadd.s32 v7, v35;
	v4 =	vor.u32 v50, v51;
	v9 =	vxor.u32 v3, v29  }
0x3b: {  	v34 =	vxor.u32 v5, v30;
	v50 =	vshll.u32 v35, $0x6;
	v4 =	vxor.u32 v2, v4  }
0x3c: {  	v39 =	vshrl.u32 v9, $0x1A;
	v40 =	vshll.u32 v9, $0x6;
	v4 =	vadd.s32 $0x2D, v4  }
0x3d: {  	v41 =	vshrl.u32 v34, $0x1A;
	v58 =	vshrl.u32 v4, $0xF;
	v59 =	vshll.u32 v4, $0x11  }
0x3e: {  	v44 =	vshll.u32 v34, $0x6;
	v2 =	vadd.s32 v2, v4;
	v4 =	vor.u32 v58, v59  }
0x3f: {  	v3 =	vadd.s32 v3, v9;
	v5 =	vadd.s32 v5, v34;
	v4 =	vxor.u32 v2, v4  }
0x40: {  	v51 =	vor.u32 v41, v44;
	v28 =	vshrl.u32 v4, $0x3;
	v23 =	vshll.u32 v4, $0x1D  }
0x41: {  	v9 =	vxor.u32 v5, v51;
	v2 =	vadd.s32 v2, v4;
	v4 =	vor.u32 v28, v23  }
0x42: {  	v53 =	vor.u32 v47, v50;
	v9 =	vadd.s32 $0x1BD11BF1, v9;
	v4 =	vxor.u32 v2, v4  }
0x43: {  	v5 =	vadd.s32 v9, v5;
	v31 =	vshrl.u32 v4, $0x10;
	v32 =	vshll.u32 v4, $0x10  }
0x44: {  	v56 =	vshrl.u32 v9, $0xF;
	v2 =	vadd.s32 v2, v4;
	v4 =	vor.u32 v31, v32  }
0x45: {  	v9 =	vshll.u32 v9, $0x11;
	v5 =	vadd.s32 $0x2A, v5;
	v4 =	vxor.u32 v2, v4  }
0x46: {  	v9 =	vor.u32 v56, v9;
	v8 =	vshrl.u32 v4, $0x8;
	v33 =	vshll.u32 v4, $0x18  }
0x47: {  	v9 =	vxor.u32 v5, v9;
	v2 =	vadd.s32 v2, v4;
	v4 =	vor.u32 v8, v33  }
0x48: {  	v63 =	vshrl.u32 v9, $0x3;
	v24 =	vshll.u32 v9, $0x1D;
	v4 =	vxor.u32 v2, v4  }
0x49: {  	v14 =	vor.u32 v39, v40;
	v30 =	vor.u32 v63, v24;
	v4 =	vadd.s32 $0x1BD11BF4, v4  }
0x4a: {  	v2 =	vadd.s32 v4, v2;
	v11 =	vshrl.u32 v4, $0x13;
	v4 =	vshll.u32 v4, $0xD  }
0x4b: {  	v8 =	vxor.u32 v10, v12;
	v2 =	vadd.s32 $0x2A, v2;
	v4 =	vor.u32 v11, v4  }
0x4c: {  	v38 =	vshll.u32 v8, $0x6;
	v11 =	vxor.u32 v6, v18;
	v1 =	vxor.u32 v2, v4  }
0x4d: {  	v4 =	vshrl.u32 v8, $0x1A;
	v45 =	vshrl.u32 v11, $0x1A;
	v46 =	vshll.u32 v11, $0x6  }
0x4e: {  	v6 =	vadd.s32 v6, v11;
	v36 =	vshrl.u32 v1, $0x11;
	v37 =	vshll.u32 v1, $0xF  }
0x4f: {  	v11 =	vxor.u32 v7, v53;
	v1 =	vadd.s32 v2, v1;
	v2 =	vor.u32 v36, v37  }
0x50: {  	v4 =	vor.u32 v4, v38;
	v11 =	vadd.s32 $0x1BD11BF1, v11;
	v2 =	vxor.u32 v1, v2  }
0x51: {  	v7 =	vadd.s32 v11, v7;
	v42 =	vshrl.u32 v2, $0x6;
	v43 =	vshll.u32 v2, $0x1A  }
0x52: {  	v58 =	vshrl.u32 v11, $0xF;
	v1 =	vadd.s32 v1, v2;
	v2 =	vor.u32 v42, v43  }
0x53: {  	v11 =	vshll.u32 v11, $0x11;
	v7 =	vadd.s32 $0x2A, v7;
	v2 =	vxor.u32 v1, v2  }
0x54: {  	v11 =	vor.u32 v58, v11;
	v48 =	vshrl.u32 v2, $0x1A;
	v49 =	vshll.u32 v2, $0x6  }
0x55: {  	v11 =	vxor.u32 v7, v11;
	v1 =	vadd.s32 v1, v2;
	v2 =	vor.u32 v48, v49  }
0x56: {  	v52 =	vor.u32 v45, v46;
	v27 =	vshrl.u32 v11, $0x3;
	v2 =	vxor.u32 v1, v2  }
0x57: {  	v29 =	vshll.u32 v11, $0x1D;
	v1 =	vadd.s32 $0x1BD11BF0, v1;
	v2 =	vadd.s32 $0x5, v2  }
0x58: {  	v7 =	vadd.s32 v7, v11;
	v1 =	vxor.u32 v1, v2;
	v2 =	vadd.s32 v10, v8  }
0x59: {  	v8 =	vxor.u32 v3, v14;
	v10 =	vxor.u32 v6, v52;
	v14 =	vor.u32 v27, v29  }
0x5a: {  	v4 =	vxor.u32 v2, v4;
	v8 =	vadd.s32 $0x1BD11BF1, v8;
	v10 =	vadd.s32 $0x1BD11BF1, v10  }
0x5b: {  	v32 =	vxor.u32 v7, v14;
	v4 =	vadd.s32 $0x1BD11BF1, v4;
	v3 =	vadd.s32 v8, v3  }
0x5c: {  	v55 =	vshrl.u32 v8, $0xF;
	v8 =	vshll.u32 v8, $0x11;
	v6 =	vadd.s32 v10, v6  }
0x5d: {  	v57 =	vshrl.u32 v10, $0xF;
	v10 =	vshll.u32 v10, $0x11;
	v39 =	vshrl.u32 v32, $0x10  }
0x5e: {  	v40 =	vshll.u32 v32, $0x10;
	v7 =	vadd.s32 v7, v32;
	v2 =	vadd.s32 v4, v2  }
0x5f: {  	v54 =	vshrl.u32 v4, $0xF;
	v4 =	vshll.u32 v4, $0x11;
	v3 =	vadd.s32 $0x2A, v3  }
0x60: {  	v8 =	vor.u32 v55, v8;
	v6 =	vadd.s32 $0x2A, v6;
	v10 =	vor.u32 v57, v10  }
0x61: {  	v2 =	vadd.s32 $0x2A, v2;
	v4 =	vor.u32 v54, v4;
	v8 =	vxor.u32 v3, v8  }
0x62: {  	v10 =	vxor.u32 v6, v10;
	v4 =	vxor.u32 v2, v4;
	v61 =	vshrl.u32 v8, $0x3  }
0x63: {  	v62 =	vshll.u32 v8, $0x1D;
	v25 =	vshrl.u32 v10, $0x3;
	v26 =	vshll.u32 v10, $0x1D  }
0x64: {  	v3 =	vadd.s32 v3, v8;
	v6 =	vadd.s32 v6, v10;
	v59 =	vshrl.u32 v4, $0x3  }
0x65: {  	v60 =	vshll.u32 v4, $0x1D;
	v28 =	vor.u32 v61, v62;
	v31 =	vor.u32 v25, v26  }
0x66: {  	v2 =	vadd.s32 v2, v4;
	v4 =	vadd.s32 v5, v9;
	v12 =	vor.u32 v59, v60  }
0x67: {  	v8 =	vxor.u32 v3, v28;
	v9 =	vxor.u32 v4, v30;
	v10 =	vxor.u32 v6, v31  }
0x68: {  	v5 =	vxor.u32 v2, v12;
	v33 =	vshrl.u32 v8, $0x10;
	v34 =	vshll.u32 v8, $0x10  }
0x69: {  	v35 =	vshrl.u32 v9, $0x10;
	v36 =	vshll.u32 v9, $0x10;
	v37 =	vshrl.u32 v10, $0x10  }
0x6a: {  	v38 =	vshll.u32 v10, $0x10;
	v3 =	vadd.s32 v3, v8;
	v4 =	vadd.s32 v4, v9  }
0x6b: {  	v6 =	vadd.s32 v6, v10;
	v11 =	vshrl.u32 v5, $0x10;
	v12 =	vshll.u32 v5, $0x10  }
0x6c: {  	v14 =	vor.u32 v33, v34;
	v41 =	vor.u32 v35, v36;
	v42 =	vor.u32 v37, v38  }
0x6d: {  	v2 =	vadd.s32 v2, v5;
	v5 =	vor.u32 v39, v40;
	v11 =	vor.u32 v11, v12  }
0x6e: {  	v9 =	vxor.u32 v3, v14;
	v10 =	vxor.u32 v4, v41;
	v43 =	vxor.u32 v6, v42  }
0x6f: {  	v5 =	vxor.u32 v7, v5;
	v8 =	vxor.u32 v2, v11;
	v14 =	vshrl.u32 v9, $0x8  }
0x70: {  	v45 =	vshll.u32 v9, $0x18;
	v46 =	vshrl.u32 v10, $0x8;
	v47 =	vshll.u32 v10, $0x18  }
0x71: {  	v48 =	vshrl.u32 v43, $0x8;
	v49 =	vshll.u32 v43, $0x18;
	v50 =	vshrl.u32 v5, $0x8  }
0x72: {  	v51 =	vshll.u32 v5, $0x18;
	v3 =	vadd.s32 v3, v9;
	v4 =	vadd.s32 v4, v10  }
0x73: {  	v6 =	vadd.s32 v6, v43;
	v5 =	vadd.s32 v7, v5;
	v11 =	vshrl.u32 v8, $0x8  }
0x74: {  	v44 =	vshll.u32 v8, $0x18;
	v52 =	vor.u32 v14, v45;
	v53 =	vor.u32 v46, v47  }
0x75: {  	v2 =	vadd.s32 v2, v8;
	v8 =	vor.u32 v48, v49;
	v54 =	vor.u32 v50, v51  }
0x76: {  	v11 =	vor.u32 v11, v44;
	v10 =	vxor.u32 v3, v52;
	v7 =	vxor.u32 v4, v53  }
0x77: {  	v8 =	vxor.u32 v6, v8;
	v9 =	vxor.u32 v2, v11;
	v11 =	vxor.u32 v5, v54  }
0x78: {  	v10 =	vadd.s32 $0x2, v10;
	v7 =	vadd.s32 $0x2, v7;
	v8 =	vadd.s32 $0x2, v8  }
0x79: {  	v9 =	vadd.s32 $0x2, v9;
	v11 =	vadd.s32 $0x2, v11;
	v3 =	vadd.s32 v10, v3  }
0x7a: {  	v56 =	vshrl.u32 v10, $0x13;
	v10 =	vshll.u32 v10, $0xD;
	v4 =	vadd.s32 v7, v4  }
0x7b: {  	v57 =	vshrl.u32 v7, $0x13;
	v7 =	vshll.u32 v7, $0xD;
	v6 =	vadd.s32 v8, v6  }
0x7c: {  	v58 =	vshrl.u32 v8, $0x13;
	v8 =	vshll.u32 v8, $0xD;
	v2 =	vadd.s32 v9, v2  }
0x7d: {  	v55 =	vshrl.u32 v9, $0x13;
	v9 =	vshll.u32 v9, $0xD;
	v5 =	vadd.s32 v11, v5  }
0x7e: {  	v59 =	vshrl.u32 v11, $0x13;
	v11 =	vshll.u32 v11, $0xD;
	v3 =	vadd.s32 $0x1BD11BF0, v3  }
0x7f: {  	v10 =	vor.u32 v56, v10;
	v4 =	vadd.s32 $0x1BD11BF0, v4;
	v7 =	vor.u32 v57, v7  }
0x80: {  	v6 =	vadd.s32 $0x1BD11BF0, v6;
	v8 =	vor.u32 v58, v8;
	v2 =	vadd.s32 $0x1BD11BF0, v2  }
0x81: {  	v9 =	vor.u32 v55, v9;
	v5 =	vadd.s32 $0x1BD11BF0, v5;
	v11 =	vor.u32 v59, v11  }
0x82: {  	v10 =	vxor.u32 v3, v10;
	v7 =	vxor.u32 v4, v7;
	v8 =	vxor.u32 v6, v8  }
0x83: {  	v9 =	vxor.u32 v2, v9;
	v11 =	vxor.u32 v5, v11;
	v62 =	vshrl.u32 v10, $0x11  }
0x84: {  	v63 =	vshll.u32 v10, $0xF;
	v24 =	vshrl.u32 v7, $0x11;
	v25 =	vshll.u32 v7, $0xF  }
0x85: {  	v26 =	vshrl.u32 v8, $0x11;
	v27 =	vshll.u32 v8, $0xF;
	v3 =	vadd.s32 v3, v10  }
0x86: {  	v4 =	vadd.s32 v4, v7;
	v6 =	vadd.s32 v6, v8;
	v60 =	vshrl.u32 v9, $0x11  }
0x87: {  	v61 =	vshll.u32 v9, $0xF;
	v28 =	vshrl.u32 v11, $0x11;
	v29 =	vshll.u32 v11, $0xF  }
0x88: {  	v30 =	vor.u32 v62, v63;
	v31 =	vor.u32 v24, v25;
	v2 =	vadd.s32 v2, v9  }
0x89: {  	v9 =	vor.u32 v26, v27;
	v5 =	vadd.s32 v5, v11;
	v12 =	vor.u32 v60, v61  }
0x8a: {  	v32 =	vor.u32 v28, v29;
	v8 =	vxor.u32 v3, v30;
	v10 =	vxor.u32 v4, v31  }
0x8b: {  	v9 =	vxor.u32 v6, v9;
	v7 =	vxor.u32 v2, v12;
	v11 =	vxor.u32 v5, v32  }
0x8c: {  	v34 =	vshrl.u32 v8, $0x6;
	v35 =	vshll.u32 v8, $0x1A;
	v36 =	vshrl.u32 v10, $0x6  }
0x8d: {  	v37 =	vshll.u32 v10, $0x1A;
	v38 =	vshrl.u32 v9, $0x6;
	v39 =	vshll.u32 v9, $0x1A  }
0x8e: {  	v3 =	vadd.s32 v3, v8;
	v4 =	vadd.s32 v4, v10;
	v6 =	vadd.s32 v6, v9  }
0x8f: {  	v12 =	vshrl.u32 v7, $0x6;
	v33 =	vshll.u32 v7, $0x1A;
	v40 =	vshrl.u32 v11, $0x6  }
0x90: {  	v41 =	vor.u32 v34, v35;
	v42 =	vshll.u32 v11, $0x1A;
	v43 =	vor.u32 v36, v37  }
0x91: {  	v44 =	vor.u32 v38, v39;
	v2 =	vadd.s32 v2, v7;
	v5 =	vadd.s32 v5, v11  }
0x92: {  	v12 =	vor.u32 v12, v33;
	v14 =	vor.u32 v40, v42;
	v8 =	vxor.u32 v3, v41  }
0x93: {  	v9 =	vxor.u32 v4, v43;
	v10 =	vxor.u32 v6, v44;
	v7 =	vxor.u32 v2, v12  }
0x94: {  	v45 =	vxor.u32 v5, v14;
	v46 =	vshrl.u32 v8, $0x1A;
	v47 =	vshll.u32 v8, $0x6  }
0x95: {  	v48 =	vshrl.u32 v9, $0x1A;
	v49 =	vshll.u32 v9, $0x6;
	v50 =	vshrl.u32 v10, $0x1A  }
0x96: {  	v51 =	vshll.u32 v10, $0x6;
	v3 =	vadd.s32 v3, v8;
	v4 =	vadd.s32 v4, v9  }
0x97: {  	v6 =	vadd.s32 v6, v10;
	v11 =	vshrl.u32 v7, $0x1A;
	v12 =	vshll.u32 v7, $0x6  }
0x98: {  	v52 =	vshrl.u32 v45, $0x1A;
	v53 =	vshll.u32 v45, $0x6;
	v14 =	vor.u32 v46, v47  }
0x99: {  	v54 =	vor.u32 v48, v49;
	v55 =	vor.u32 v50, v51;
	v2 =	vadd.s32 v2, v7  }
0x9a: {  	v5 =	vadd.s32 v5, v45;
	v11 =	vor.u32 v11, v12;
	v7 =	vor.u32 v52, v53  }
0x9b: {  	v9 =	vxor.u32 v3, v14;
	v10 =	vxor.u32 v4, v54;
	v8 =	vxor.u32 v2, v11  }
0x9c: {  	v11 =	vxor.u32 v6, v55;
	v7 =	vxor.u32 v5, v7;
	v9 =	vadd.s32 $0x2D, v9  }
0x9d: {  	v10 =	vadd.s32 $0x2D, v10;
	v8 =	vadd.s32 $0x2D, v8;
	v11 =	vadd.s32 $0x2D, v11  }
0x9e: {  	v7 =	vadd.s32 $0x2D, v7;
	v58 =	vshrl.u32 v9, $0xF;
	v59 =	vshll.u32 v9, $0x11  }
0x9f: {  	v60 =	vshrl.u32 v10, $0xF;
	v61 =	vshll.u32 v10, $0x11;
	v3 =	vadd.s32 v3, v9  }
0xa0: {  	v4 =	vadd.s32 v4, v10;
	v56 =	vshrl.u32 v8, $0xF;
	v57 =	vshll.u32 v8, $0x11  }
0xa1: {  	v62 =	vshrl.u32 v11, $0xF;
	v63 =	vshll.u32 v11, $0x11;
	v24 =	vshrl.u32 v7, $0xF  }
0xa2: {  	v25 =	vshll.u32 v7, $0x11;
	v14 =	vor.u32 v58, v59;
	v26 =	vor.u32 v60, v61  }
0xa3: {  	v2 =	vadd.s32 v2, v8;
	v6 =	vadd.s32 v6, v11;
	v5 =	vadd.s32 v5, v7  }
0xa4: {  	v12 =	vor.u32 v56, v57;
	v27 =	vor.u32 v62, v63;
	v8 =	vor.u32 v24, v25  }
0xa5: {  	v9 =	vxor.u32 v3, v14;
	v10 =	vxor.u32 v4, v26;
	v7 =	vxor.u32 v2, v12  }
0xa6: {  	v28 =	vxor.u32 v6, v27;
	v8 =	vxor.u32 v5, v8;
	v14 =	vshrl.u32 v9, $0x3  }
0xa7: {  	v30 =	vshll.u32 v9, $0x1D;
	v31 =	vshrl.u32 v10, $0x3;
	v32 =	vshll.u32 v10, $0x1D  }
0xa8: {  	v3 =	vadd.s32 v3, v9;
	v4 =	vadd.s32 v4, v10;
	v11 =	vshrl.u32 v7, $0x3  }
0xa9: {  	v29 =	vshll.u32 v7, $0x1D;
	v33 =	vshrl.u32 v28, $0x3;
	v34 =	vshll.u32 v28, $0x1D  }
0xaa: {  	v35 =	vshrl.u32 v8, $0x3;
	v36 =	vshll.u32 v8, $0x1D;
	v37 =	vor.u32 v14, v30  }
0xab: {  	v38 =	vor.u32 v31, v32;
	v2 =	vadd.s32 v2, v7;
	v6 =	vadd.s32 v6, v28  }
0xac: {  	v5 =	vadd.s32 v5, v8;
	v11 =	vor.u32 v11, v29;
	v7 =	vor.u32 v33, v34  }
0xad: {  	v39 =	vor.u32 v35, v36;
	v10 =	vxor.u32 v3, v37;
	v8 =	vxor.u32 v4, v38  }
0xae: {  	v9 =	vxor.u32 v2, v11;
	v7 =	vxor.u32 v6, v7;
	v11 =	vxor.u32 v5, v39  }
0xaf: {  	v42 =	vshrl.u32 v10, $0x10;
	v43 =	vshll.u32 v10, $0x10;
	v44 =	vshrl.u32 v8, $0x10  }
0xb0: {  	v45 =	vshll.u32 v8, $0x10;
	v3 =	vadd.s32 v3, v10;
	v4 =	vadd.s32 v4, v8  }
0xb1: {  	v40 =	vshrl.u32 v9, $0x10;
	v41 =	vshll.u32 v9, $0x10;
	v46 =	vshrl.u32 v7, $0x10  }
0xb2: {  	v47 =	vshll.u32 v7, $0x10;
	v48 =	vshrl.u32 v11, $0x10;
	v49 =	vor.u32 v42, v43  }
0xb3: {  	v50 =	vshll.u32 v11, $0x10;
	v51 =	vor.u32 v44, v45;
	v2 =	vadd.s32 v2, v9  }
0xb4: {  	v6 =	vadd.s32 v6, v7;
	v5 =	vadd.s32 v5, v11;
	v12 =	vor.u32 v40, v41  }
0xb5: {  	v52 =	vor.u32 v46, v47;
	v14 =	vor.u32 v48, v50;
	v7 =	vxor.u32 v3, v49  }
0xb6: {  	v9 =	vxor.u32 v4, v51;
	v8 =	vxor.u32 v2, v12;
	v10 =	vxor.u32 v6, v52  }
0xb7: {  	v53 =	vxor.u32 v5, v14;
	v54 =	vshrl.u32 v7, $0x8;
	v55 =	vshll.u32 v7, $0x18  }
0xb8: {  	v56 =	vshrl.u32 v9, $0x8;
	v57 =	vshll.u32 v9, $0x18;
	v3 =	vadd.s32 v3, v7  }
0xb9: {  	v4 =	vadd.s32 v4, v9;
	v11 =	vshrl.u32 v8, $0x8;
	v12 =	vshll.u32 v8, $0x18  }
0xba: {  	v58 =	vshrl.u32 v10, $0x8;
	v59 =	vshll.u32 v10, $0x18;
	v60 =	vshrl.u32 v53, $0x8  }
0xbb: {  	v61 =	vshll.u32 v53, $0x18;
	v14 =	vor.u32 v54, v55;
	v62 =	vor.u32 v56, v57  }
0xbc: {  	v2 =	vadd.s32 v2, v8;
	v6 =	vadd.s32 v6, v10;
	v5 =	vadd.s32 v5, v53  }
0xbd: {  	v11 =	vor.u32 v11, v12;
	v63 =	vor.u32 v58, v59;
	v7 =	vor.u32 v60, v61  }
0xbe: {  	v9 =	vxor.u32 v3, v14;
	v10 =	vxor.u32 v4, v62;
	v8 =	vxor.u32 v2, v11  }
0xbf: {  	v11 =	vxor.u32 v6, v63;
	v7 =	vxor.u32 v5, v7;
	v9 =	vadd.s32 $0x1BD11BF4, v9  }
0xc0: {  	v10 =	vadd.s32 $0x1BD11BF4, v10;
	v8 =	vadd.s32 $0x1BD11BF4, v8;
	v11 =	vadd.s32 $0x1BD11BF4, v11  }
0xc1: {  	v7 =	vadd.s32 $0x1BD11BF4, v7;
	v3 =	vadd.s32 v9, v3;
	v22 =	vshrl.u32 v9, $0x13  }
0xc2: {  	v9 =	vshll.u32 v9, $0xD;
	v4 =	vadd.s32 v10, v4;
	v23 =	vshrl.u32 v10, $0x13  }
0xc3: {  	v10 =	vshll.u32 v10, $0xD;
	v2 =	vadd.s32 v8, v2;
	v21 =	vshrl.u32 v8, $0x13  }
0xc4: {  	v8 =	vshll.u32 v8, $0xD;
	v6 =	vadd.s32 v11, v6;
	v24 =	vshrl.u32 v11, $0x13  }
0xc5: {  	v11 =	vshll.u32 v11, $0xD;
	v5 =	vadd.s32 v7, v5;
	v25 =	vshrl.u32 v7, $0x13  }
0xc6: {  	v7 =	vshll.u32 v7, $0xD;
	v3 =	vadd.s32 $0x2A, v3;
	v9 =	vor.u32 v22, v9  }
0xc7: {  	v4 =	vadd.s32 $0x2A, v4;
	v10 =	vor.u32 v23, v10;
	v2 =	vadd.s32 $0x2A, v2  }
0xc8: {  	v8 =	vor.u32 v21, v8;
	v6 =	vadd.s32 $0x2A, v6;
	v11 =	vor.u32 v24, v11  }
0xc9: {  	v5 =	vadd.s32 $0x2A, v5;
	v7 =	vor.u32 v25, v7;
	v9 =	vxor.u32 v3, v9  }
0xca: {  	v10 =	vxor.u32 v4, v10;
	v8 =	vxor.u32 v2, v8;
	v11 =	vxor.u32 v6, v11  }
0xcb: {  	v7 =	vxor.u32 v5, v7;
	v28 =	vshrl.u32 v9, $0x11;
	v29 =	vshll.u32 v9, $0xF  }
0xcc: {  	v30 =	vshrl.u32 v10, $0x11;
	v31 =	vshll.u32 v10, $0xF;
	v3 =	vadd.s32 v3, v9  }
0xcd: {  	v4 =	vadd.s32 v4, v10;
	v26 =	vshrl.u32 v8, $0x11;
	v27 =	vshll.u32 v8, $0xF  }
0xce: {  	v32 =	vshrl.u32 v11, $0x11;
	v33 =	vshll.u32 v11, $0xF;
	v34 =	vshrl.u32 v7, $0x11  }
0xcf: {  	v35 =	vshll.u32 v7, $0xF;
	v14 =	vor.u32 v28, v29;
	v36 =	vor.u32 v30, v31  }
0xd0: {  	v2 =	vadd.s32 v2, v8;
	v6 =	vadd.s32 v6, v11;
	v5 =	vadd.s32 v5, v7  }
0xd1: {  	v12 =	vor.u32 v26, v27;
	v37 =	vor.u32 v32, v33;
	v8 =	vor.u32 v34, v35  }
0xd2: {  	v9 =	vxor.u32 v3, v14;
	v10 =	vxor.u32 v4, v36;
	v7 =	vxor.u32 v2, v12  }
0xd3: {  	v38 =	vxor.u32 v6, v37;
	v8 =	vxor.u32 v5, v8;
	v14 =	vshrl.u32 v9, $0x6  }
0xd4: {  	v40 =	vshll.u32 v9, $0x1A;
	v41 =	vshrl.u32 v10, $0x6;
	v42 =	vshll.u32 v10, $0x1A  }
0xd5: {  	v3 =	vadd.s32 v3, v9;
	v4 =	vadd.s32 v4, v10;
	v11 =	vshrl.u32 v7, $0x6  }
0xd6: {  	v39 =	vshll.u32 v7, $0x1A;
	v43 =	vshrl.u32 v38, $0x6;
	v44 =	vshll.u32 v38, $0x1A  }
0xd7: {  	v45 =	vshrl.u32 v8, $0x6;
	v46 =	vshll.u32 v8, $0x1A;
	v47 =	vor.u32 v14, v40  }
0xd8: {  	v48 =	vor.u32 v41, v42;
	v2 =	vadd.s32 v2, v7;
	v6 =	vadd.s32 v6, v38  }
0xd9: {  	v5 =	vadd.s32 v5, v8;
	v11 =	vor.u32 v11, v39;
	v7 =	vor.u32 v43, v44  }
0xda: {  	v49 =	vor.u32 v45, v46;
	v10 =	vxor.u32 v3, v47;
	v8 =	vxor.u32 v4, v48  }
0xdb: {  	v9 =	vxor.u32 v2, v11;
	v7 =	vxor.u32 v6, v7;
	v11 =	vxor.u32 v5, v49  }
0xdc: {  	v52 =	vshrl.u32 v10, $0x1A;
	v53 =	vshll.u32 v10, $0x6;
	v54 =	vshrl.u32 v8, $0x1A  }
0xdd: {  	v55 =	vshll.u32 v8, $0x6;
	v10 =	vadd.s32 v3, v10;
	v8 =	vadd.s32 v4, v8  }
0xde: {  	v50 =	vshrl.u32 v9, $0x1A;
	v51 =	vshll.u32 v9, $0x6;
	v56 =	vshrl.u32 v7, $0x1A  }
0xdf: {  	v57 =	vshll.u32 v7, $0x6;
	v58 =	vshrl.u32 v11, $0x1A;
	v59 =	vor.u32 v52, v53  }
0xe0: {  	v60 =	vshll.u32 v11, $0x6;
	v61 =	vor.u32 v54, v55;
	v9 =	vadd.s32 v2, v9  }
0xe1: {  	v7 =	vadd.s32 v6, v7;
	v11 =	vadd.s32 v5, v11;
	v12 =	vor.u32 v50, v51  }
0xe2: {  	v62 =	vor.u32 v56, v57;
	v14 =	vor.u32 v58, v60;
	v3 =	vxor.u32 v10, v59  }
0xe3: {  	v4 =	vxor.u32 v8, v61;
	v8 =	vadd.s32 $0x1BD11BF0, v8;
	v2 =	vxor.u32 v9, v12  }
0xe4: {  	v5 =	vxor.u32 v7, v62;
	v63 =	vxor.u32 v11, v14;
	v9 =	vadd.s32 $0x1BD11BF0, v9  }
0xe5: {  	v12 =	vadd.s32 $0x5, v2;
	v2 =	vadd.s32 $0x5, v3;
	v3 =	vadd.s32 $0x5, v4  }
0xe6: {  	s15 =	simm.s32 $0x30;
	v6 =	vadd.s32 $0x5, v5;
	v4 =	vadd.s32 $0x5, v63;
	v5 =	vadd.s32 $0x1BD11BF0, v10  }
0xe7: {  	s14 =	sadd.s32 s4, s13;
	s17 =	sadd.s32 $0x60, s12;
	s16 =	simm.s32 $0xC0;
	[tilespmem:s15+$0x20] =	vst v1;
	v1 =	vxor.u32 v9, v12;
	v9 =	vadd.s32 $0x1BD11BF0, v7;
	v7 =	vadd.s32 $0x1BD11BF0, v11  }
.LBB2_3:
0xe8: {  	p0 =	sne.s32 s16, $0x8640;
	s18 =	sadd.s32 $0x10000, s17;
	s19 =	sadd.s32 $0x10050, s17;
	[tilespmem:s15+$0xFFFFFFD0] =	vst v1;
	v1 =	vxor.u32 v5, v2;
	v2 =	vxor.u32 v8, v3;
	v3 =	vxor.u32 v9, v6  }
0xe9: {  	s20 =	sadd.s32 $0x10020, s17;
	s21 =	sadd.s32 $0x10030, s17;
	v5 =	vadd.s32 s18, v0;
	s18 =	sadd.s32 $0x10010, s17;
	v6 =	vadd.s32 s19, v0;
	[tilespmem:s15+$0xFFFFFFE0] =	vst v1;
	v1 =	vxor.u32 v7, v4  }
0xea: {  	s17 =	sadd.s32 $0x10040, s17;
	v4 =	vadd.s32 s18, v0;
	v7 =	vshrl.u32 v6, $0x13;
	v8 =	vshll.u32 v6, $0xD;
	[tilespmem:s15+$0xFFFFFFF0] =	vst v2  }
0xeb: {  	v9 =	vadd.s32 s21, v0;
	v2 =	vadd.s32 s20, v0;
	v7 =	vor.u32 v7, v8;
	[tilespmem:s15+$0x0] =	vst v3  }
0xec: {  	v3 =	vshrl.u32 v5, $0x13;
	v8 =	vadd.s32 s17, v0;
	v7 =	vxor.u32 v6, v7;
	[tilespmem:s15+$0x10] =	vst v1  }
0xed: {  	v1 =	vshll.u32 v5, $0xD;
	v10 =	vshrl.u32 v7, $0x11;
	v11 =	vshll.u32 v7, $0xF  }
0xee: {  	v12 =	vshrl.u32 v4, $0x13;
	v6 =	vadd.s32 v6, v7;
	v7 =	vor.u32 v10, v11  }
0xef: {  	v10 =	vshll.u32 v4, $0xD;
	v11 =	vshrl.u32 v2, $0x13;
	v7 =	vxor.u32 v6, v7  }
0xf0: {  	v13 =	vshll.u32 v2, $0xD;
	v14 =	vshrl.u32 v7, $0x6;
	v15 =	vshll.u32 v7, $0x1A  }
0xf1: {  	v16 =	vshrl.u32 v9, $0x13;
	v6 =	vadd.s32 v6, v7;
	v7 =	vor.u32 v14, v15  }
0xf2: {  	v14 =	vshll.u32 v9, $0xD;
	v15 =	vshrl.u32 v8, $0x13;
	v7 =	vxor.u32 v6, v7  }
0xf3: {  	v17 =	vshll.u32 v8, $0xD;
	v18 =	vshrl.u32 v7, $0x1A;
	v19 =	vshll.u32 v7, $0x6  }
0xf4: {  	v1 =	vor.u32 v3, v1;
	v3 =	vadd.s32 v6, v7;
	v6 =	vor.u32 v18, v19  }
0xf5: {  	v7 =	vor.u32 v12, v10;
	v10 =	vor.u32 v11, v13;
	v6 =	vxor.u32 v3, v6  }
0xf6: {  	v11 =	vor.u32 v16, v14;
	v12 =	vor.u32 v15, v17;
	v6 =	vadd.s32 $0x1BD11BF1, v6  }
0xf7: {  	v3 =	vadd.s32 v6, v3;
	v13 =	vshrl.u32 v6, $0xF;
	v6 =	vshll.u32 v6, $0x11  }
0xf8: {  	v1 =	vxor.u32 v5, v1;
	v3 =	vadd.s32 $0x2A, v3;
	v6 =	vor.u32 v13, v6  }
0xf9: {  	v7 =	vxor.u32 v4, v7;
	v10 =	vxor.u32 v2, v10;
	v6 =	vxor.u32 v3, v6  }
0xfa: {  	v11 =	vxor.u32 v9, v11;
	v13 =	vshrl.u32 v6, $0x3;
	v14 =	vshll.u32 v6, $0x1D  }
0xfb: {  	v12 =	vxor.u32 v8, v12;
	v3 =	vadd.s32 v3, v6;
	v6 =	vor.u32 v13, v14  }
0xfc: {  	v13 =	vshrl.u32 v1, $0x11;
	v14 =	vshll.u32 v1, $0xF;
	v6 =	vxor.u32 v3, v6  }
0xfd: {  	v15 =	vshrl.u32 v7, $0x11;
	v16 =	vshrl.u32 v6, $0x10;
	v17 =	vshll.u32 v6, $0x10  }
0xfe: {  	v18 =	vshll.u32 v7, $0xF;
	v3 =	vadd.s32 v3, v6;
	v6 =	vor.u32 v16, v17  }
0xff: {  	v16 =	vshrl.u32 v10, $0x11;
	v17 =	vshll.u32 v10, $0xF;
	v6 =	vxor.u32 v3, v6  }
0x100: {  	v19 =	vshrl.u32 v11, $0x11;
	v20 =	vshrl.u32 v6, $0x8;
	v21 =	vshll.u32 v6, $0x18  }
0x101: {  	v22 =	vshll.u32 v11, $0xF;
	v3 =	vadd.s32 v3, v6;
	v6 =	vor.u32 v20, v21  }
0x102: {  	v20 =	vshrl.u32 v12, $0x11;
	v21 =	vshll.u32 v12, $0xF;
	v6 =	vxor.u32 v3, v6  }
0x103: {  	v13 =	vor.u32 v13, v14;
	v14 =	vor.u32 v15, v18;
	v6 =	vadd.s32 $0x2, v6  }
0x104: {  	v3 =	vadd.s32 v6, v3;
	v15 =	vshrl.u32 v6, $0x13;
	v6 =	vshll.u32 v6, $0xD  }
0x105: {  	v16 =	vor.u32 v16, v17;
	v3 =	vadd.s32 $0x1BD11BF0, v3;
	v6 =	vor.u32 v15, v6  }
0x106: {  	v17 =	vor.u32 v20, v21;
	v15 =	vor.u32 v19, v22;
	v6 =	vxor.u32 v3, v6  }
0x107: {  	v1 =	vadd.s32 v5, v1;
	v5 =	vshrl.u32 v6, $0x11;
	v18 =	vshll.u32 v6, $0xF  }
0x108: {  	v4 =	vadd.s32 v4, v7;
	v3 =	vadd.s32 v3, v6;
	v5 =	vor.u32 v5, v18  }
0x109: {  	v2 =	vadd.s32 v2, v10;
	v6 =	vadd.s32 v9, v11;
	v5 =	vxor.u32 v3, v5  }
0x10a: {  	v7 =	vadd.s32 v8, v12;
	v8 =	vshrl.u32 v5, $0x6;
	v9 =	vshll.u32 v5, $0x1A  }
0x10b: {  	v10 =	vxor.u32 v1, v13;
	v3 =	vadd.s32 v3, v5;
	v5 =	vor.u32 v8, v9  }
0x10c: {  	v8 =	vxor.u32 v4, v14;
	v9 =	vxor.u32 v2, v16;
	v5 =	vxor.u32 v3, v5  }
0x10d: {  	v11 =	vxor.u32 v6, v15;
	v12 =	vshrl.u32 v5, $0x1A;
	v13 =	vshll.u32 v5, $0x6  }
0x10e: {  	v14 =	vxor.u32 v7, v17;
	v3 =	vadd.s32 v3, v5;
	v5 =	vor.u32 v12, v13  }
0x10f: {  	v12 =	vshrl.u32 v10, $0x6;
	v13 =	vshll.u32 v10, $0x1A;
	v5 =	vxor.u32 v3, v5  }
0x110: {  	v15 =	vshrl.u32 v8, $0x6;
	v16 =	vshll.u32 v8, $0x1A;
	v5 =	vadd.s32 $0x2D, v5  }
0x111: {  	v17 =	vshrl.u32 v9, $0x6;
	v18 =	vshrl.u32 v5, $0xF;
	v19 =	vshll.u32 v5, $0x11  }
0x112: {  	v20 =	vshll.u32 v9, $0x1A;
	v3 =	vadd.s32 v3, v5;
	v5 =	vor.u32 v18, v19  }
0x113: {  	v18 =	vshrl.u32 v11, $0x6;
	v19 =	vshll.u32 v11, $0x1A;
	v5 =	vxor.u32 v3, v5  }
0x114: {  	v21 =	vshrl.u32 v14, $0x6;
	v22 =	vshrl.u32 v5, $0x3;
	v23 =	vshll.u32 v5, $0x1D  }
0x115: {  	v24 =	vshll.u32 v14, $0x1A;
	v3 =	vadd.s32 v3, v5;
	v5 =	vor.u32 v22, v23  }
0x116: {  	v12 =	vor.u32 v12, v13;
	v13 =	vor.u32 v15, v16;
	v5 =	vxor.u32 v3, v5  }
0x117: {  	v15 =	vor.u32 v17, v20;
	v16 =	vshrl.u32 v5, $0x10;
	v17 =	vshll.u32 v5, $0x10  }
0x118: {  	v18 =	vor.u32 v18, v19;
	v3 =	vadd.s32 v3, v5;
	v5 =	vor.u32 v16, v17  }
0x119: {  	v1 =	vadd.s32 v1, v10;
	v10 =	vor.u32 v21, v24;
	v5 =	vxor.u32 v3, v5  }
0x11a: {  	v4 =	vadd.s32 v4, v8;
	v8 =	vshrl.u32 v5, $0x8;
	v16 =	vshll.u32 v5, $0x18  }
0x11b: {  	v2 =	vadd.s32 v2, v9;
	v3 =	vadd.s32 v3, v5;
	v5 =	vor.u32 v8, v16  }
0x11c: {  	v6 =	vadd.s32 v6, v11;
	v7 =	vadd.s32 v7, v14;
	v5 =	vxor.u32 v3, v5  }
0x11d: {  	v9 =	vxor.u32 v4, v13;
	v8 =	vxor.u32 v1, v12;
	v5 =	vadd.s32 $0x1BD11BF4, v5  }
0x11e: {  	v3 =	vadd.s32 v5, v3;
	v11 =	vshrl.u32 v5, $0x13;
	v5 =	vshll.u32 v5, $0xD  }
0x11f: {  	v12 =	vxor.u32 v2, v15;
	v3 =	vadd.s32 $0x2A, v3;
	v5 =	vor.u32 v11, v5  }
0x120: {  	v10 =	vxor.u32 v7, v10;
	v11 =	vxor.u32 v6, v18;
	v5 =	vxor.u32 v3, v5  }
0x121: {  	v13 =	vshrl.u32 v8, $0x1A;
	v14 =	vshrl.u32 v5, $0x11;
	v15 =	vshll.u32 v5, $0xF  }
0x122: {  	v16 =	vshll.u32 v8, $0x6;
	v3 =	vadd.s32 v3, v5;
	v5 =	vor.u32 v14, v15  }
0x123: {  	v14 =	vshrl.u32 v9, $0x1A;
	v15 =	vshll.u32 v9, $0x6;
	v5 =	vxor.u32 v3, v5  }
0x124: {  	v17 =	vshrl.u32 v12, $0x1A;
	v18 =	vshrl.u32 v5, $0x6;
	v19 =	vshll.u32 v5, $0x1A  }
0x125: {  	v20 =	vshll.u32 v12, $0x6;
	v3 =	vadd.s32 v3, v5;
	v5 =	vor.u32 v18, v19  }
0x126: {  	v18 =	vshrl.u32 v11, $0x1A;
	v19 =	vshll.u32 v11, $0x6;
	v5 =	vxor.u32 v3, v5  }
0x127: {  	v21 =	vshrl.u32 v10, $0x1A;
	v22 =	vshrl.u32 v5, $0x1A;
	v23 =	vshll.u32 v5, $0x6  }
0x128: {  	v24 =	vshll.u32 v10, $0x6;
	v3 =	vadd.s32 v3, v5;
	v5 =	vor.u32 v22, v23  }
0x129: {  	v13 =	vor.u32 v13, v16;
	v14 =	vor.u32 v14, v15;
	v5 =	vxor.u32 v3, v5  }
0x12a: {  	v15 =	vor.u32 v17, v20;
	v3 =	vadd.s32 $0x1BD11BF0, v3;
	v5 =	vadd.s32 $0x5, v5  }
0x12b: {  	s15 =	sadd.s32 $0x60, s15;
	v17 =	vor.u32 v21, v24;
	v16 =	vor.u32 v18, v19;
	v3 =	vxor.u32 v3, v5  }
0x12c: {  	v4 =	vadd.s32 v4, v9;
	v1 =	vadd.s32 v1, v8;
	v2 =	vadd.s32 v2, v12;
	[tilespmem:s15+$0x20] =	vst v3  }
0x12d: {  	v5 =	vadd.s32 v6, v11;
	v6 =	vadd.s32 v7, v10;
	v3 =	vxor.u32 v1, v13  }
0x12e: {  	v8 =	vxor.u32 v2, v15;
	v7 =	vxor.u32 v4, v14;
	v9 =	vxor.u32 v5, v16  }
0x12f: {  	v7 =	vadd.s32 $0x1BD11BF1, v7;
	v10 =	vxor.u32 v6, v17;
	v3 =	vadd.s32 $0x1BD11BF1, v3  }
0x130: {  	v8 =	vadd.s32 $0x1BD11BF1, v8;
	v9 =	vadd.s32 $0x1BD11BF1, v9;
	v10 =	vadd.s32 $0x1BD11BF1, v10  }
0x131: {  	v1 =	vadd.s32 v3, v1;
	v11 =	vshrl.u32 v3, $0xF;
	v3 =	vshll.u32 v3, $0x11  }
0x132: {  	v4 =	vadd.s32 v7, v4;
	v12 =	vshrl.u32 v7, $0xF;
	v7 =	vshll.u32 v7, $0x11  }
0x133: {  	v2 =	vadd.s32 v8, v2;
	v13 =	vshrl.u32 v8, $0xF;
	v8 =	vshll.u32 v8, $0x11  }
0x134: {  	v5 =	vadd.s32 v9, v5;
	v14 =	vshrl.u32 v9, $0xF;
	v9 =	vshll.u32 v9, $0x11  }
0x135: {  	v6 =	vadd.s32 v10, v6;
	v15 =	vshrl.u32 v10, $0xF;
	v10 =	vshll.u32 v10, $0x11  }
0x136: {  	v4 =	vadd.s32 $0x2A, v4;
	v1 =	vadd.s32 $0x2A, v1;
	v3 =	vor.u32 v11, v3  }
0x137: {  	v2 =	vadd.s32 $0x2A, v2;
	v8 =	vor.u32 v13, v8;
	v7 =	vor.u32 v12, v7  }
0x138: {  	v5 =	vadd.s32 $0x2A, v5;
	v9 =	vor.u32 v14, v9;
	v6 =	vadd.s32 $0x2A, v6  }
0x139: {  	v7 =	vxor.u32 v4, v7;
	v10 =	vor.u32 v15, v10;
	v3 =	vxor.u32 v1, v3  }
0x13a: {  	v8 =	vxor.u32 v2, v8;
	v9 =	vxor.u32 v5, v9;
	v10 =	vxor.u32 v6, v10  }
0x13b: {  	v13 =	vshrl.u32 v7, $0x3;
	v11 =	vshrl.u32 v3, $0x3;
	v12 =	vshll.u32 v3, $0x1D  }
0x13c: {  	v15 =	vshrl.u32 v8, $0x3;
	v16 =	vshll.u32 v8, $0x1D;
	v14 =	vshll.u32 v7, $0x1D  }
0x13d: {  	v17 =	vshrl.u32 v9, $0x3;
	v18 =	vshll.u32 v9, $0x1D;
	v19 =	vshrl.u32 v10, $0x3  }
0x13e: {  	v11 =	vor.u32 v11, v12;
	v12 =	vor.u32 v13, v14;
	v13 =	vshll.u32 v10, $0x1D  }
0x13f: {  	v14 =	vor.u32 v15, v16;
	v15 =	vor.u32 v17, v18;
	v13 =	vor.u32 v19, v13  }
0x140: {  	v2 =	vadd.s32 v2, v8;
	v1 =	vadd.s32 v1, v3;
	v3 =	vadd.s32 v4, v7  }
0x141: {  	v5 =	vadd.s32 v5, v9;
	v6 =	vadd.s32 v6, v10;
	v4 =	vxor.u32 v1, v11  }
0x142: {  	v7 =	vxor.u32 v3, v12;
	v8 =	vxor.u32 v2, v14;
	v9 =	vxor.u32 v5, v15  }
0x143: {  	v10 =	vshrl.u32 v4, $0x10;
	v11 =	vshll.u32 v4, $0x10;
	v12 =	vxor.u32 v6, v13  }
0x144: {  	v13 =	vshrl.u32 v7, $0x10;
	v14 =	vshll.u32 v7, $0x10;
	v15 =	vshrl.u32 v8, $0x10  }
0x145: {  	v16 =	vshll.u32 v8, $0x10;
	v17 =	vshrl.u32 v9, $0x10;
	v18 =	vshll.u32 v9, $0x10  }
0x146: {  	v10 =	vor.u32 v10, v11;
	v11 =	vshrl.u32 v12, $0x10;
	v19 =	vshll.u32 v12, $0x10  }
0x147: {  	v13 =	vor.u32 v13, v14;
	v14 =	vor.u32 v15, v16;
	v15 =	vor.u32 v17, v18  }
0x148: {  	v1 =	vadd.s32 v1, v4;
	v3 =	vadd.s32 v3, v7;
	v4 =	vor.u32 v11, v19  }
0x149: {  	v2 =	vadd.s32 v2, v8;
	v5 =	vadd.s32 v5, v9;
	v6 =	vadd.s32 v6, v12  }
0x14a: {  	v7 =	vxor.u32 v1, v10;
	v8 =	vxor.u32 v3, v13;
	v9 =	vxor.u32 v2, v14  }
0x14b: {  	v11 =	vxor.u32 v5, v15;
	v10 =	vshrl.u32 v7, $0x8;
	v4 =	vxor.u32 v6, v4  }
0x14c: {  	v12 =	vshll.u32 v7, $0x18;
	v13 =	vshrl.u32 v8, $0x8;
	v14 =	vshll.u32 v8, $0x18  }
0x14d: {  	v15 =	vshrl.u32 v9, $0x8;
	v16 =	vshll.u32 v9, $0x18;
	v17 =	vshrl.u32 v11, $0x8  }
0x14e: {  	v18 =	vshll.u32 v11, $0x18;
	v19 =	vshrl.u32 v4, $0x8;
	v20 =	vshll.u32 v4, $0x18  }
0x14f: {  	v10 =	vor.u32 v10, v12;
	v12 =	vor.u32 v13, v14;
	v13 =	vor.u32 v15, v16  }
0x150: {  	v1 =	vadd.s32 v1, v7;
	v7 =	vor.u32 v17, v18;
	v14 =	vor.u32 v19, v20  }
0x151: {  	v3 =	vadd.s32 v3, v8;
	v2 =	vadd.s32 v2, v9;
	v5 =	vadd.s32 v5, v11  }
0x152: {  	v4 =	vadd.s32 v6, v4;
	v8 =	vxor.u32 v1, v10;
	v9 =	vxor.u32 v3, v12  }
0x153: {  	v6 =	vxor.u32 v2, v13;
	v7 =	vxor.u32 v5, v7;
	v10 =	vxor.u32 v4, v14  }
0x154: {  	v8 =	vadd.s32 $0x2, v8;
	v9 =	vadd.s32 $0x2, v9;
	v6 =	vadd.s32 $0x2, v6  }
0x155: {  	v7 =	vadd.s32 $0x2, v7;
	v1 =	vadd.s32 v8, v1;
	v10 =	vadd.s32 $0x2, v10  }
0x156: {  	v11 =	vshrl.u32 v8, $0x13;
	v8 =	vshll.u32 v8, $0xD;
	v3 =	vadd.s32 v9, v3  }
0x157: {  	v12 =	vshrl.u32 v9, $0x13;
	v9 =	vshll.u32 v9, $0xD;
	v2 =	vadd.s32 v6, v2  }
0x158: {  	v13 =	vshrl.u32 v6, $0x13;
	v6 =	vshll.u32 v6, $0xD;
	v5 =	vadd.s32 v7, v5  }
0x159: {  	v14 =	vshrl.u32 v7, $0x13;
	v7 =	vshll.u32 v7, $0xD;
	v4 =	vadd.s32 v10, v4  }
0x15a: {  	v1 =	vadd.s32 $0x1BD11BF0, v1;
	v15 =	vshrl.u32 v10, $0x13;
	v10 =	vshll.u32 v10, $0xD  }
0x15b: {  	v8 =	vor.u32 v11, v8;
	v3 =	vadd.s32 $0x1BD11BF0, v3;
	v9 =	vor.u32 v12, v9  }
0x15c: {  	v2 =	vadd.s32 $0x1BD11BF0, v2;
	v6 =	vor.u32 v13, v6;
	v5 =	vadd.s32 $0x1BD11BF0, v5  }
0x15d: {  	v7 =	vor.u32 v14, v7;
	v4 =	vadd.s32 $0x1BD11BF0, v4;
	v10 =	vor.u32 v15, v10  }
0x15e: {  	v8 =	vxor.u32 v1, v8;
	v9 =	vxor.u32 v3, v9;
	v6 =	vxor.u32 v2, v6  }
0x15f: {  	v7 =	vxor.u32 v5, v7;
	v11 =	vshrl.u32 v8, $0x11;
	v10 =	vxor.u32 v4, v10  }
0x160: {  	v12 =	vshll.u32 v8, $0xF;
	v13 =	vshrl.u32 v9, $0x11;
	v14 =	vshll.u32 v9, $0xF  }
0x161: {  	v15 =	vshrl.u32 v6, $0x11;
	v16 =	vshll.u32 v6, $0xF;
	v17 =	vshrl.u32 v7, $0x11  }
0x162: {  	v18 =	vshll.u32 v7, $0xF;
	v19 =	vshrl.u32 v10, $0x11;
	v20 =	vshll.u32 v10, $0xF  }
0x163: {  	v11 =	vor.u32 v11, v12;
	v12 =	vor.u32 v13, v14;
	v13 =	vor.u32 v15, v16  }
0x164: {  	v1 =	vadd.s32 v1, v8;
	v8 =	vor.u32 v17, v18;
	v14 =	vor.u32 v19, v20  }
0x165: {  	v3 =	vadd.s32 v3, v9;
	v2 =	vadd.s32 v2, v6;
	v5 =	vadd.s32 v5, v7  }
0x166: {  	v4 =	vadd.s32 v4, v10;
	v6 =	vxor.u32 v1, v11;
	v7 =	vxor.u32 v3, v12  }
0x167: {  	v9 =	vxor.u32 v2, v13;
	v8 =	vxor.u32 v5, v8;
	v10 =	vxor.u32 v4, v14  }
0x168: {  	v11 =	vshrl.u32 v6, $0x6;
	v12 =	vshll.u32 v6, $0x1A;
	v13 =	vshrl.u32 v7, $0x6  }
0x169: {  	v14 =	vshll.u32 v7, $0x1A;
	v15 =	vshrl.u32 v9, $0x6;
	v16 =	vshll.u32 v9, $0x1A  }
0x16a: {  	v17 =	vshrl.u32 v8, $0x6;
	v18 =	vshll.u32 v8, $0x1A;
	v19 =	vshrl.u32 v10, $0x6  }
0x16b: {  	v11 =	vor.u32 v11, v12;
	v12 =	vor.u32 v13, v14;
	v13 =	vshll.u32 v10, $0x1A  }
0x16c: {  	v14 =	vor.u32 v15, v16;
	v15 =	vor.u32 v17, v18;
	v13 =	vor.u32 v19, v13  }
0x16d: {  	v1 =	vadd.s32 v1, v6;
	v3 =	vadd.s32 v3, v7;
	v2 =	vadd.s32 v2, v9  }
0x16e: {  	v5 =	vadd.s32 v5, v8;
	v4 =	vadd.s32 v4, v10;
	v6 =	vxor.u32 v1, v11  }
0x16f: {  	v7 =	vxor.u32 v3, v12;
	v8 =	vxor.u32 v2, v14;
	v9 =	vxor.u32 v5, v15  }
0x170: {  	v10 =	vshrl.u32 v6, $0x1A;
	v11 =	vshll.u32 v6, $0x6;
	v12 =	vxor.u32 v4, v13  }
0x171: {  	v13 =	vshrl.u32 v7, $0x1A;
	v14 =	vshll.u32 v7, $0x6;
	v15 =	vshrl.u32 v8, $0x1A  }
0x172: {  	v16 =	vshll.u32 v8, $0x6;
	v17 =	vshrl.u32 v9, $0x1A;
	v18 =	vshll.u32 v9, $0x6  }
0x173: {  	v10 =	vor.u32 v10, v11;
	v11 =	vshrl.u32 v12, $0x1A;
	v19 =	vshll.u32 v12, $0x6  }
0x174: {  	v13 =	vor.u32 v13, v14;
	v14 =	vor.u32 v15, v16;
	v15 =	vor.u32 v17, v18  }
0x175: {  	v1 =	vadd.s32 v1, v6;
	v3 =	vadd.s32 v3, v7;
	v6 =	vor.u32 v11, v19  }
0x176: {  	v2 =	vadd.s32 v2, v8;
	v5 =	vadd.s32 v5, v9;
	v4 =	vadd.s32 v4, v12  }
0x177: {  	v7 =	vxor.u32 v1, v10;
	v8 =	vxor.u32 v3, v13;
	v9 =	vxor.u32 v2, v14  }
0x178: {  	v10 =	vxor.u32 v5, v15;
	v7 =	vadd.s32 $0x2D, v7;
	v6 =	vxor.u32 v4, v6  }
0x179: {  	v8 =	vadd.s32 $0x2D, v8;
	v9 =	vadd.s32 $0x2D, v9;
	v10 =	vadd.s32 $0x2D, v10  }
0x17a: {  	v11 =	vshrl.u32 v7, $0xF;
	v12 =	vshll.u32 v7, $0x11;
	v6 =	vadd.s32 $0x2D, v6  }
0x17b: {  	v13 =	vshrl.u32 v8, $0xF;
	v14 =	vshll.u32 v8, $0x11;
	v15 =	vshrl.u32 v9, $0xF  }
0x17c: {  	v16 =	vshll.u32 v9, $0x11;
	v17 =	vshrl.u32 v10, $0xF;
	v18 =	vshll.u32 v10, $0x11  }
0x17d: {  	v11 =	vor.u32 v11, v12;
	v12 =	vshrl.u32 v6, $0xF;
	v19 =	vshll.u32 v6, $0x11  }
0x17e: {  	v13 =	vor.u32 v13, v14;
	v14 =	vor.u32 v15, v16;
	v15 =	vor.u32 v17, v18  }
0x17f: {  	v1 =	vadd.s32 v1, v7;
	v3 =	vadd.s32 v3, v8;
	v7 =	vor.u32 v12, v19  }
0x180: {  	v2 =	vadd.s32 v2, v9;
	v5 =	vadd.s32 v5, v10;
	v4 =	vadd.s32 v4, v6  }
0x181: {  	v6 =	vxor.u32 v1, v11;
	v8 =	vxor.u32 v3, v13;
	v9 =	vxor.u32 v2, v14  }
0x182: {  	v11 =	vxor.u32 v5, v15;
	v10 =	vshrl.u32 v6, $0x3;
	v7 =	vxor.u32 v4, v7  }
0x183: {  	v12 =	vshll.u32 v6, $0x1D;
	v13 =	vshrl.u32 v8, $0x3;
	v14 =	vshll.u32 v8, $0x1D  }
0x184: {  	v15 =	vshrl.u32 v9, $0x3;
	v16 =	vshll.u32 v9, $0x1D;
	v17 =	vshrl.u32 v11, $0x3  }
0x185: {  	v18 =	vshll.u32 v11, $0x1D;
	v19 =	vshrl.u32 v7, $0x3;
	v20 =	vshll.u32 v7, $0x1D  }
0x186: {  	v10 =	vor.u32 v10, v12;
	v12 =	vor.u32 v13, v14;
	v13 =	vor.u32 v15, v16  }
0x187: {  	v1 =	vadd.s32 v1, v6;
	v6 =	vor.u32 v17, v18;
	v14 =	vor.u32 v19, v20  }
0x188: {  	v3 =	vadd.s32 v3, v8;
	v2 =	vadd.s32 v2, v9;
	v5 =	vadd.s32 v5, v11  }
0x189: {  	v4 =	vadd.s32 v4, v7;
	v8 =	vxor.u32 v1, v10;
	v9 =	vxor.u32 v3, v12  }
0x18a: {  	v7 =	vxor.u32 v2, v13;
	v6 =	vxor.u32 v5, v6;
	v10 =	vxor.u32 v4, v14  }
0x18b: {  	v11 =	vshrl.u32 v8, $0x10;
	v12 =	vshll.u32 v8, $0x10;
	v13 =	vshrl.u32 v9, $0x10  }
0x18c: {  	v14 =	vshll.u32 v9, $0x10;
	v15 =	vshrl.u32 v7, $0x10;
	v16 =	vshll.u32 v7, $0x10  }
0x18d: {  	v17 =	vshrl.u32 v6, $0x10;
	v18 =	vshll.u32 v6, $0x10;
	v19 =	vshrl.u32 v10, $0x10  }
0x18e: {  	v11 =	vor.u32 v11, v12;
	v12 =	vor.u32 v13, v14;
	v13 =	vshll.u32 v10, $0x10  }
0x18f: {  	v14 =	vor.u32 v15, v16;
	v15 =	vor.u32 v17, v18;
	v13 =	vor.u32 v19, v13  }
0x190: {  	v1 =	vadd.s32 v1, v8;
	v3 =	vadd.s32 v3, v9;
	v2 =	vadd.s32 v2, v7  }
0x191: {  	v5 =	vadd.s32 v5, v6;
	v4 =	vadd.s32 v4, v10;
	v7 =	vxor.u32 v1, v11  }
0x192: {  	v6 =	vxor.u32 v3, v12;
	v8 =	vxor.u32 v2, v14;
	v9 =	vxor.u32 v5, v15  }
0x193: {  	v10 =	vshrl.u32 v7, $0x8;
	v11 =	vshll.u32 v7, $0x18;
	v12 =	vxor.u32 v4, v13  }
0x194: {  	v13 =	vshrl.u32 v6, $0x8;
	v14 =	vshll.u32 v6, $0x18;
	v15 =	vshrl.u32 v8, $0x8  }
0x195: {  	v16 =	vshll.u32 v8, $0x18;
	v17 =	vshrl.u32 v9, $0x8;
	v18 =	vshll.u32 v9, $0x18  }
0x196: {  	v10 =	vor.u32 v10, v11;
	v11 =	vshrl.u32 v12, $0x8;
	v19 =	vshll.u32 v12, $0x18  }
0x197: {  	v13 =	vor.u32 v13, v14;
	v14 =	vor.u32 v15, v16;
	v15 =	vor.u32 v17, v18  }
0x198: {  	v1 =	vadd.s32 v1, v7;
	v3 =	vadd.s32 v3, v6;
	v6 =	vor.u32 v11, v19  }
0x199: {  	v2 =	vadd.s32 v2, v8;
	v5 =	vadd.s32 v5, v9;
	v4 =	vadd.s32 v4, v12  }
0x19a: {  	v7 =	vxor.u32 v1, v10;
	v8 =	vxor.u32 v3, v13;
	v9 =	vxor.u32 v2, v14  }
0x19b: {  	v10 =	vxor.u32 v5, v15;
	v7 =	vadd.s32 $0x1BD11BF4, v7;
	v6 =	vxor.u32 v4, v6  }
0x19c: {  	v8 =	vadd.s32 $0x1BD11BF4, v8;
	v9 =	vadd.s32 $0x1BD11BF4, v9;
	v10 =	vadd.s32 $0x1BD11BF4, v10  }
0x19d: {  	v1 =	vadd.s32 v7, v1;
	v11 =	vshrl.u32 v7, $0x13;
	v6 =	vadd.s32 $0x1BD11BF4, v6  }
0x19e: {  	v7 =	vshll.u32 v7, $0xD;
	v3 =	vadd.s32 v8, v3;
	v12 =	vshrl.u32 v8, $0x13  }
0x19f: {  	v8 =	vshll.u32 v8, $0xD;
	v2 =	vadd.s32 v9, v2;
	v13 =	vshrl.u32 v9, $0x13  }
0x1a0: {  	v9 =	vshll.u32 v9, $0xD;
	v5 =	vadd.s32 v10, v5;
	v14 =	vshrl.u32 v10, $0x13  }
0x1a1: {  	v10 =	vshll.u32 v10, $0xD;
	v4 =	vadd.s32 v6, v4;
	v15 =	vshrl.u32 v6, $0x13  }
0x1a2: {  	v1 =	vadd.s32 $0x2A, v1;
	v7 =	vor.u32 v11, v7;
	v6 =	vshll.u32 v6, $0xD  }
0x1a3: {  	v3 =	vadd.s32 $0x2A, v3;
	v8 =	vor.u32 v12, v8;
	v2 =	vadd.s32 $0x2A, v2  }
0x1a4: {  	v9 =	vor.u32 v13, v9;
	v5 =	vadd.s32 $0x2A, v5;
	v10 =	vor.u32 v14, v10  }
0x1a5: {  	v7 =	vxor.u32 v1, v7;
	v4 =	vadd.s32 $0x2A, v4;
	v6 =	vor.u32 v15, v6  }
0x1a6: {  	v8 =	vxor.u32 v3, v8;
	v9 =	vxor.u32 v2, v9;
	v10 =	vxor.u32 v5, v10  }
0x1a7: {  	v11 =	vshrl.u32 v7, $0x11;
	v12 =	vshll.u32 v7, $0xF;
	v6 =	vxor.u32 v4, v6  }
0x1a8: {  	v13 =	vshrl.u32 v8, $0x11;
	v14 =	vshll.u32 v8, $0xF;
	v15 =	vshrl.u32 v9, $0x11  }
0x1a9: {  	v16 =	vshll.u32 v9, $0xF;
	v17 =	vshrl.u32 v10, $0x11;
	v18 =	vshll.u32 v10, $0xF  }
0x1aa: {  	v11 =	vor.u32 v11, v12;
	v12 =	vshrl.u32 v6, $0x11;
	v19 =	vshll.u32 v6, $0xF  }
0x1ab: {  	v13 =	vor.u32 v13, v14;
	v14 =	vor.u32 v15, v16;
	v15 =	vor.u32 v17, v18  }
0x1ac: {  	v1 =	vadd.s32 v1, v7;
	v3 =	vadd.s32 v3, v8;
	v7 =	vor.u32 v12, v19  }
0x1ad: {  	v2 =	vadd.s32 v2, v9;
	v5 =	vadd.s32 v5, v10;
	v4 =	vadd.s32 v4, v6  }
0x1ae: {  	v6 =	vxor.u32 v1, v11;
	v8 =	vxor.u32 v3, v13;
	v9 =	vxor.u32 v2, v14  }
0x1af: {  	v11 =	vxor.u32 v5, v15;
	v10 =	vshrl.u32 v6, $0x6;
	v7 =	vxor.u32 v4, v7  }
0x1b0: {  	v12 =	vshll.u32 v6, $0x1A;
	v13 =	vshrl.u32 v8, $0x6;
	v14 =	vshll.u32 v8, $0x1A  }
0x1b1: {  	v15 =	vshrl.u32 v9, $0x6;
	v16 =	vshll.u32 v9, $0x1A;
	v17 =	vshrl.u32 v11, $0x6  }
0x1b2: {  	v18 =	vshll.u32 v11, $0x1A;
	v19 =	vshrl.u32 v7, $0x6;
	v20 =	vshll.u32 v7, $0x1A  }
0x1b3: {  	v10 =	vor.u32 v10, v12;
	v12 =	vor.u32 v13, v14;
	v13 =	vor.u32 v15, v16  }
0x1b4: {  	v1 =	vadd.s32 v1, v6;
	v6 =	vor.u32 v17, v18;
	v14 =	vor.u32 v19, v20  }
0x1b5: {  	v3 =	vadd.s32 v3, v8;
	v2 =	vadd.s32 v2, v9;
	v5 =	vadd.s32 v5, v11  }
0x1b6: {  	v4 =	vadd.s32 v4, v7;
	v8 =	vxor.u32 v1, v10;
	v9 =	vxor.u32 v3, v12  }
0x1b7: {  	v7 =	vxor.u32 v2, v13;
	v6 =	vxor.u32 v5, v6;
	v10 =	vxor.u32 v4, v14  }
0x1b8: {  	v11 =	vshrl.u32 v8, $0x1A;
	v12 =	vshll.u32 v8, $0x6;
	v13 =	vshrl.u32 v9, $0x1A  }
0x1b9: {  	v14 =	vshll.u32 v9, $0x6;
	v15 =	vshrl.u32 v7, $0x1A;
	v16 =	vshll.u32 v7, $0x6  }
0x1ba: {  	v17 =	vshrl.u32 v6, $0x1A;
	v18 =	vshll.u32 v6, $0x6;
	v19 =	vshrl.u32 v10, $0x1A  }
0x1bb: {  	v11 =	vor.u32 v11, v12;
	v12 =	vor.u32 v13, v14;
	v13 =	vshll.u32 v10, $0x6  }
0x1bc: {  	v14 =	vor.u32 v15, v16;
	v15 =	vor.u32 v17, v18;
	v13 =	vor.u32 v19, v13  }
0x1bd: {  	v1 =	vadd.s32 v1, v8;
	v8 =	vadd.s32 v3, v9;
	v7 =	vadd.s32 v2, v7  }
0x1be: {  	v9 =	vadd.s32 v5, v6;
	v10 =	vadd.s32 v4, v10;
	v2 =	vxor.u32 v1, v11  }
.Ltmp0:
0x1bf: {  	v3 =	vxor.u32 v8, v12;
	v4 =	vxor.u32 v7, v14;
	v5 =	vxor.u32 v9, v15;
	(pc) =	sbr.rel @p0 .LBB2_3-.Ltmp0, $4  }
0x1c0: {  	v11 =	vadd.s32 $0x5, v2;
	v2 =	vadd.s32 $0x5, v3;
	v12 =	vxor.u32 v10, v13  }
0x1c1: {  	v3 =	vadd.s32 $0x5, v4;
	v6 =	vadd.s32 $0x5, v5;
	v4 =	vadd.s32 $0x5, v12  }
0x1c2: {  	v1 =	vadd.s32 $0x1BD11BF0, v1;
	v5 =	vadd.s32 $0x1BD11BF0, v8;
	v8 =	vadd.s32 $0x1BD11BF0, v7  }
0x1c3: {  	s17 =	sadd.s32 s16, s12;
	s16 =	sadd.s32 $0x60, s16;
	v9 =	vadd.s32 $0x1BD11BF0, v9;
	v7 =	vadd.s32 $0x1BD11BF0, v10;
	v1 =	vxor.u32 v1, v11  }
0x1c4: {  	s16 =	sadd.s32 $0x10050, s17;
	v5 =	vxor.u32 v5, v2;
	v3 =	vxor.u32 v8, v3;
	s28 =	sadd.s32 $0x10000, s17;
	v2 =	vxor.u32 v9, v6  }
0x1c5: {  	s29 =	sadd.s32 $0x10010, s17;
	s18 =	sadd.s32 $0x10020, s17;
	v4 =	vxor.u32 v7, v4;
	s19 =	sadd.s32 $0x10030, s17;
	v48 =	vadd.s32 s16, v0;
	v10 =	vadd.s32 s28, v0  }
0x1c6: {  	s30 =	sadd.s32 $0x10040, s17;
	v51 =	vadd.s32 s29, v0;
	v52 =	vadd.s32 s18, v0;
	v11 =	vadd.s32 s19, v0  }
0x1c7: {  	v54 =	vadd.s32 s30, v0;
	v49 =	vshrl.u32 v48, $0x13;
	v50 =	vshll.u32 v48, $0xD  }
0x1c8: {  	v14 =	vshrl.u32 v10, $0x13;
	v55 =	vshll.u32 v10, $0xD;
	v15 =	vshrl.u32 v51, $0x13  }
0x1c9: {  	v18 =	vshll.u32 v51, $0xD;
	v57 =	vshrl.u32 v52, $0x13;
	v58 =	vshll.u32 v52, $0xD  }
0x1ca: {  	v19 =	vshrl.u32 v11, $0x13;
	v22 =	vshll.u32 v11, $0xD;
	v60 =	vshrl.u32 v54, $0x13  }
0x1cb: {  	v61 =	vshll.u32 v54, $0xD;
	v6 =	vor.u32 v49, v50;
	v62 =	vor.u32 v15, v18  }
0x1cc: {  	v23 =	vor.u32 v19, v22;
	v24 =	vor.u32 v60, v61;
	v6 =	vxor.u32 v48, v6  }
0x1cd: {  	v15 =	vxor.u32 v11, v23;
	v12 =	vshrl.u32 v6, $0x11;
	v13 =	vshll.u32 v6, $0xF  }
0x1ce: {  	v6 =	vadd.s32 v48, v6;
	v38 =	vshrl.u32 v15, $0x11;
	v40 =	vshll.u32 v15, $0xF  }
0x1cf: {  	v11 =	vadd.s32 v11, v15;
	v53 =	vor.u32 v12, v13;
	v13 =	vor.u32 v14, v55  }
0x1d0: {  	v14 =	vxor.u32 v51, v62;
	v8 =	vxor.u32 v6, v53;
	v13 =	vxor.u32 v10, v13  }
0x1d1: {  	v33 =	vshrl.u32 v14, $0x11;
	v34 =	vshll.u32 v14, $0xF;
	v7 =	vadd.s32 v51, v14  }
0x1d2: {  	v16 =	vshrl.u32 v8, $0x6;
	v17 =	vshll.u32 v8, $0x1A;
	v6 =	vadd.s32 v6, v8  }
0x1d3: {  	v30 =	vshrl.u32 v13, $0x11;
	v32 =	vshll.u32 v13, $0xF;
	v19 =	vor.u32 v33, v34  }
0x1d4: {  	v10 =	vadd.s32 v10, v13;
	v56 =	vor.u32 v16, v17;
	v16 =	vor.u32 v57, v58  }
0x1d5: {  	v17 =	vxor.u32 v54, v24;
	v18 =	vor.u32 v30, v32;
	v8 =	vxor.u32 v6, v56  }
0x1d6: {  	v16 =	vxor.u32 v52, v16;
	v20 =	vshrl.u32 v8, $0x1A;
	v21 =	vshll.u32 v8, $0x6  }
0x1d7: {  	v41 =	vshrl.u32 v17, $0x11;
	v6 =	vadd.s32 v6, v8;
	v59 =	vor.u32 v20, v21  }
0x1d8: {  	v44 =	vshll.u32 v17, $0xF;
	v12 =	vadd.s32 v54, v17;
	v8 =	vxor.u32 v6, v59  }
0x1d9: {  	v49 =	vxor.u32 v10, v18;
	v24 =	vshrl.u32 v16, $0x11;
	v8 =	vadd.s32 $0x1BD11BF1, v8  }
0x1da: {  	v6 =	vadd.s32 v8, v6;
	v63 =	vshrl.u32 v8, $0xF;
	v8 =	vshll.u32 v8, $0x11  }
0x1db: {  	v37 =	vshll.u32 v16, $0xF;
	v6 =	vadd.s32 $0x2A, v6;
	v8 =	vor.u32 v63, v8  }
0x1dc: {  	v9 =	vadd.s32 v52, v16;
	v52 =	vxor.u32 v7, v19;
	v8 =	vxor.u32 v6, v8  }
0x1dd: {  	v18 =	vshrl.u32 v49, $0x6;
	v25 =	vshrl.u32 v8, $0x3;
	v26 =	vshll.u32 v8, $0x1D  }
0x1de: {  	v56 =	vshll.u32 v49, $0x1A;
	v6 =	vadd.s32 v6, v8;
	v27 =	vor.u32 v25, v26  }
0x1df: {  	v10 =	vadd.s32 v10, v49;
	v22 =	vor.u32 v24, v37;
	v8 =	vxor.u32 v6, v27  }
0x1e0: {  	v21 =	vor.u32 v38, v40;
	v28 =	vshrl.u32 v8, $0x10;
	v29 =	vshll.u32 v8, $0x10  }
0x1e1: {  	v61 =	vshll.u32 v52, $0x1A;
	v6 =	vadd.s32 v6, v8;
	v31 =	vor.u32 v28, v29  }
0x1e2: {  	v18 =	vor.u32 v18, v56;
	v7 =	vadd.s32 v7, v52;
	v8 =	vxor.u32 v6, v31  }
0x1e3: {  	v54 =	vxor.u32 v9, v22;
	v35 =	vshrl.u32 v8, $0x8;
	v23 =	vshll.u32 v8, $0x18  }
0x1e4: {  	v55 =	vxor.u32 v11, v21;
	v6 =	vadd.s32 v6, v8;
	v36 =	vor.u32 v35, v23  }
0x1e5: {  	v59 =	vshrl.u32 v52, $0x6;
	v62 =	vshrl.u32 v54, $0x6;
	v8 =	vxor.u32 v6, v36  }
0x1e6: {  	v30 =	vshrl.u32 v55, $0x6;
	v34 =	vshll.u32 v55, $0x1A;
	v8 =	vadd.s32 $0x2, v8  }
0x1e7: {  	v6 =	vadd.s32 v8, v6;
	v39 =	vshrl.u32 v8, $0x13;
	v8 =	vshll.u32 v8, $0xD  }
0x1e8: {  	v9 =	vadd.s32 v9, v54;
	v6 =	vadd.s32 $0x1BD11BF0, v6;
	v8 =	vor.u32 v39, v8  }
0x1e9: {  	v11 =	vadd.s32 v11, v55;
	v20 =	vor.u32 v30, v34;
	v8 =	vxor.u32 v6, v8  }
0x1ea: {  	v29 =	vshll.u32 v54, $0x1A;
	v31 =	vor.u32 v59, v61;
	v42 =	vshrl.u32 v8, $0x11  }
0x1eb: {  	v43 =	vshll.u32 v8, $0xF;
	v6 =	vadd.s32 v6, v8;
	v8 =	vor.u32 v41, v44  }
0x1ec: {  	v23 =	vor.u32 v42, v43;
	v8 =	vxor.u32 v12, v8;
	v42 =	vxor.u32 v10, v18  }
0x1ed: {  	v43 =	vxor.u32 v7, v31;
	v45 =	vxor.u32 v6, v23;
	v35 =	vshrl.u32 v8, $0x6  }
0x1ee: {  	v38 =	vshll.u32 v8, $0x1A;
	v8 =	vadd.s32 v12, v8;
	v49 =	vshrl.u32 v42, $0x1A  }
0x1ef: {  	v55 =	vshll.u32 v43, $0x6;
	v46 =	vshrl.u32 v45, $0x6;
	v47 =	vshll.u32 v45, $0x1A  }
0x1f0: {  	v10 =	vadd.s32 v10, v42;
	v6 =	vadd.s32 v6, v45;
	v48 =	vor.u32 v46, v47  }
0x1f1: {  	v7 =	vadd.s32 v7, v43;
	v39 =	vor.u32 v35, v38;
	v13 =	vxor.u32 v6, v48  }
0x1f2: {  	v46 =	vxor.u32 v11, v20;
	v50 =	vshrl.u32 v13, $0x1A;
	v51 =	vshll.u32 v13, $0x6  }
0x1f3: {  	v48 =	vxor.u32 v8, v39;
	v6 =	vadd.s32 v6, v13;
	v53 =	vor.u32 v50, v51  }
0x1f4: {  	v61 =	vshll.u32 v46, $0x6;
	v11 =	vadd.s32 v11, v46;
	v13 =	vxor.u32 v6, v53  }
0x1f5: {  	v8 =	vadd.s32 v8, v48;
	v50 =	vshll.u32 v42, $0x6;
	v13 =	vadd.s32 $0x2D, v13  }
0x1f6: {  	v53 =	vshrl.u32 v43, $0x1A;
	v57 =	vshrl.u32 v13, $0xF;
	v58 =	vshll.u32 v13, $0x11  }
0x1f7: {  	v17 =	vor.u32 v49, v50;
	v6 =	vadd.s32 v6, v13;
	v60 =	vor.u32 v57, v58  }
0x1f8: {  	v20 =	vor.u32 v53, v55;
	v13 =	vxor.u32 v6, v60;
	v60 =	vshrl.u32 v46, $0x1A  }
0x1f9: {  	v63 =	vshrl.u32 v13, $0x3;
	v28 =	vshll.u32 v13, $0x1D;
	v6 =	vadd.s32 v6, v13  }
0x1fa: {  	v13 =	vor.u32 v62, v29;
	v62 =	vshrl.u32 v48, $0x1A;
	v19 =	vor.u32 v60, v61  }
0x1fb: {  	v23 =	vor.u32 v63, v28;
	v13 =	vxor.u32 v9, v13;
	v63 =	vshll.u32 v48, $0x6  }
0x1fc: {  	v24 =	vxor.u32 v11, v19;
	v32 =	vxor.u32 v6, v23;
	v56 =	vshrl.u32 v13, $0x1A  }
0x1fd: {  	v59 =	vshll.u32 v13, $0x6;
	v21 =	vor.u32 v62, v63;
	v9 =	vadd.s32 v9, v13  }
0x1fe: {  	v15 =	vadd.s32 $0x1BD11BF1, v24;
	v33 =	vshrl.u32 v32, $0x10;
	v23 =	vshll.u32 v32, $0x10  }
0x1ff: {  	v6 =	vadd.s32 v6, v32;
	v16 =	vxor.u32 v8, v21;
	v11 =	vadd.s32 v15, v11  }
0x200: {  	v28 =	vshrl.u32 v15, $0xF;
	v15 =	vshll.u32 v15, $0x11;
	v22 =	vor.u32 v33, v23  }
0x201: {  	v16 =	vadd.s32 $0x1BD11BF1, v16;
	v11 =	vadd.s32 $0x2A, v11;
	v15 =	vor.u32 v28, v15  }
0x202: {  	v36 =	vxor.u32 v6, v22;
	v8 =	vadd.s32 v16, v8;
	v29 =	vshrl.u32 v16, $0xF  }
0x203: {  	v16 =	vshll.u32 v16, $0x11;
	v15 =	vxor.u32 v11, v15;
	v37 =	vshrl.u32 v36, $0x8  }
0x204: {  	v22 =	vshll.u32 v36, $0x18;
	v6 =	vadd.s32 v6, v36;
	v8 =	vadd.s32 $0x2A, v8  }
0x205: {  	v16 =	vor.u32 v29, v16;
	v36 =	vshrl.u32 v15, $0x3;
	v11 =	vadd.s32 v11, v15  }
0x206: {  	v14 =	vor.u32 v37, v22;
	v22 =	vxor.u32 v10, v17;
	v16 =	vxor.u32 v8, v16  }
0x207: {  	v37 =	vshll.u32 v15, $0x1D;
	v14 =	vxor.u32 v6, v14;
	v13 =	vadd.s32 $0x1BD11BF1, v22  }
0x208: {  	v38 =	vshrl.u32 v16, $0x3;
	v39 =	vshll.u32 v16, $0x1D;
	v8 =	vadd.s32 v8, v16  }
0x209: {  	v14 =	vadd.s32 $0x1BD11BF4, v14;
	v10 =	vadd.s32 v13, v10;
	v25 =	vshrl.u32 v13, $0xF  }
0x20a: {  	v13 =	vshll.u32 v13, $0x11;
	v18 =	vor.u32 v38, v39;
	v6 =	vadd.s32 v14, v6  }
0x20b: {  	v40 =	vshrl.u32 v14, $0x13;
	v14 =	vshll.u32 v14, $0xD;
	v10 =	vadd.s32 $0x2A, v10  }
0x20c: {  	v13 =	vor.u32 v25, v13;
	v18 =	vxor.u32 v8, v18;
	v6 =	vadd.s32 $0x2A, v6  }
0x20d: {  	v41 =	vor.u32 v40, v14;
	v13 =	vxor.u32 v10, v13;
	v40 =	vor.u32 v36, v37  }
0x20e: {  	v49 =	vshrl.u32 v18, $0x10;
	v50 =	vshll.u32 v18, $0x10;
	v8 =	vadd.s32 v8, v18  }
0x20f: {  	v12 =	vxor.u32 v6, v41;
	v30 =	vshrl.u32 v13, $0x3;
	v31 =	vshll.u32 v13, $0x1D  }
0x210: {  	v10 =	vadd.s32 v10, v13;
	v15 =	vxor.u32 v11, v40;
	v44 =	vshrl.u32 v12, $0x11  }
0x211: {  	v45 =	vshll.u32 v12, $0xF;
	v6 =	vadd.s32 v6, v12;
	v17 =	vor.u32 v30, v31  }
0x212: {  	v48 =	vshll.u32 v15, $0x10;
	v47 =	vor.u32 v44, v45;
	v41 =	vxor.u32 v10, v17  }
0x213: {  	v11 =	vadd.s32 v11, v15;
	v12 =	vxor.u32 v6, v47;
	v44 =	vshrl.u32 v41, $0x10  }
0x214: {  	v17 =	vshll.u32 v41, $0x10;
	v47 =	vshrl.u32 v15, $0x10;
	v10 =	vadd.s32 v10, v41  }
0x215: {  	v51 =	vshrl.u32 v12, $0x6;
	v52 =	vshll.u32 v12, $0x1A;
	v6 =	vadd.s32 v6, v12  }
0x216: {  	v16 =	vor.u32 v44, v17;
	v54 =	vor.u32 v51, v52;
	v51 =	vor.u32 v47, v48  }
0x217: {  	v52 =	vor.u32 v49, v50;
	v53 =	vxor.u32 v10, v16;
	v12 =	vxor.u32 v6, v54  }
0x218: {  	v16 =	vshrl.u32 v53, $0x8;
	v10 =	vadd.s32 v10, v53;
	v57 =	vshrl.u32 v12, $0x1A  }
0x219: {  	v58 =	vshll.u32 v12, $0x6;
	v6 =	vadd.s32 v6, v12;
	v12 =	vor.u32 v56, v59  }
0x21a: {  	v56 =	vxor.u32 v11, v51;
	v23 =	vor.u32 v57, v58;
	v12 =	vxor.u32 v9, v12  }
0x21b: {  	v57 =	vshll.u32 v53, $0x18;
	v60 =	vshrl.u32 v56, $0x8;
	v61 =	vshll.u32 v56, $0x18  }
0x21c: {  	v11 =	vadd.s32 v11, v56;
	v23 =	vxor.u32 v6, v23;
	v6 =	vadd.s32 $0x1BD11BF0, v6  }
0x21d: {  	v12 =	vadd.s32 $0x1BD11BF1, v12;
	v16 =	vor.u32 v16, v57;
	v25 =	vor.u32 v60, v61  }
0x21e: {  	v23 =	vadd.s32 $0x5, v23;
	v9 =	vadd.s32 v12, v9;
	v27 =	vshrl.u32 v12, $0xF  }
0x21f: {  	v12 =	vshll.u32 v12, $0x11;
	v13 =	vxor.u32 v11, v25;
	v6 =	vxor.u32 v6, v23  }
0x220: {  	v23 =	vxor.u32 v7, v20;
	v9 =	vadd.s32 $0x2A, v9;
	v12 =	vor.u32 v27, v12  }
0x221: {  	v13 =	vadd.s32 $0x2, v13;
	v14 =	vadd.s32 $0x1BD11BF1, v23;
	v12 =	vxor.u32 v9, v12  }
0x222: {  	v11 =	vadd.s32 v13, v11;
	v7 =	vadd.s32 v14, v7;
	v26 =	vshrl.u32 v14, $0xF  }
0x223: {  	v14 =	vshll.u32 v14, $0x11;
	v34 =	vshrl.u32 v12, $0x3;
	v35 =	vshll.u32 v12, $0x1D  }
0x224: {  	v9 =	vadd.s32 v9, v12;
	v12 =	vxor.u32 v8, v52;
	v11 =	vadd.s32 $0x1BD11BF0, v11  }
0x225: {  	v7 =	vadd.s32 $0x2A, v7;
	v14 =	vor.u32 v26, v14;
	v21 =	vor.u32 v34, v35  }
0x226: {  	v62 =	vshrl.u32 v12, $0x8;
	v63 =	vshll.u32 v12, $0x18;
	v26 =	vxor.u32 v10, v16  }
0x227: {  	v8 =	vadd.s32 v8, v12;
	v14 =	vxor.u32 v7, v14;
	v43 =	vxor.u32 v9, v21  }
0x228: {  	v18 =	vor.u32 v62, v63;
	v32 =	vshrl.u32 v14, $0x3;
	v33 =	vshll.u32 v14, $0x1D  }
0x229: {  	v7 =	vadd.s32 v7, v14;
	v21 =	vshrl.u32 v43, $0x10;
	v46 =	vshll.u32 v43, $0x10  }
0x22a: {  	v9 =	vadd.s32 v9, v43;
	v29 =	vxor.u32 v8, v18;
	v14 =	vadd.s32 $0x2, v26  }
0x22b: {  	v19 =	vor.u32 v32, v33;
	v21 =	vor.u32 v21, v46;
	v10 =	vadd.s32 v14, v10  }
0x22c: {  	v16 =	vadd.s32 $0x2, v29;
	v30 =	vshrl.u32 v14, $0x13;
	v14 =	vshll.u32 v14, $0xD  }
0x22d: {  	v33 =	vshrl.u32 v13, $0x13;
	v13 =	vshll.u32 v13, $0xD;
	v42 =	vxor.u32 v7, v19  }
0x22e: {  	v55 =	vxor.u32 v9, v21;
	v8 =	vadd.s32 v16, v8;
	v10 =	vadd.s32 $0x1BD11BF0, v10  }
0x22f: {  	v34 =	vshrl.u32 v16, $0x13;
	v16 =	vshll.u32 v16, $0xD;
	v14 =	vor.u32 v30, v14  }
0x230: {  	v13 =	vor.u32 v33, v13;
	v19 =	vshrl.u32 v42, $0x10;
	v45 =	vshll.u32 v42, $0x10  }
0x231: {  	v7 =	vadd.s32 v7, v42;
	v21 =	vshrl.u32 v55, $0x8;
	v59 =	vshll.u32 v55, $0x18  }
0x232: {  	v9 =	vadd.s32 v9, v55;
	v8 =	vadd.s32 $0x1BD11BF0, v8;
	v16 =	vor.u32 v34, v16  }
0x233: {  	v14 =	vxor.u32 v10, v14;
	v13 =	vxor.u32 v11, v13;
	v19 =	vor.u32 v19, v45  }
0x234: {  	v21 =	vor.u32 v21, v59;
	v35 =	vshrl.u32 v14, $0x11;
	v16 =	vxor.u32 v8, v16  }
0x235: {  	v36 =	vshll.u32 v14, $0xF;
	v41 =	vshrl.u32 v13, $0x11;
	v42 =	vshll.u32 v13, $0xF  }
0x236: {  	v10 =	vadd.s32 v10, v14;
	v11 =	vadd.s32 v11, v13;
	v54 =	vxor.u32 v7, v19  }
0x237: {  	v28 =	vxor.u32 v9, v21;
	v17 =	vor.u32 v35, v36;
	v43 =	vshrl.u32 v16, $0x11  }
0x238: {  	v44 =	vshll.u32 v16, $0xF;
	v45 =	vor.u32 v41, v42;
	v8 =	vadd.s32 v8, v16  }
0x239: {  	v19 =	vshrl.u32 v54, $0x8;
	v58 =	vshll.u32 v54, $0x18;
	v7 =	vadd.s32 v7, v54  }
0x23a: {  	v12 =	vadd.s32 $0x2, v28;
	v18 =	vor.u32 v43, v44;
	v46 =	vxor.u32 v10, v17  }
0x23b: {  	v14 =	vxor.u32 v11, v45;
	v19 =	vor.u32 v19, v58;
	v9 =	vadd.s32 v12, v9  }
0x23c: {  	v32 =	vshrl.u32 v12, $0x13;
	v12 =	vshll.u32 v12, $0xD;
	v16 =	vxor.u32 v8, v18  }
0x23d: {  	v17 =	vshrl.u32 v46, $0x6;
	v49 =	vshll.u32 v46, $0x1A;
	v52 =	vshrl.u32 v14, $0x6  }
0x23e: {  	v53 =	vshll.u32 v14, $0x1A;
	v10 =	vadd.s32 v10, v46;
	v11 =	vadd.s32 v11, v14  }
0x23f: {  	v27 =	vxor.u32 v7, v19;
	v9 =	vadd.s32 $0x1BD11BF0, v9;
	v12 =	vor.u32 v32, v12  }
0x240: {  	v17 =	vor.u32 v17, v49;
	v54 =	vshrl.u32 v16, $0x6;
	v55 =	vshll.u32 v16, $0x1A  }
0x241: {  	v56 =	vor.u32 v52, v53;
	v8 =	vadd.s32 v8, v16;
	v15 =	vadd.s32 $0x2, v27  }
0x242: {  	v12 =	vxor.u32 v9, v12;
	v18 =	vor.u32 v54, v55;
	v58 =	vxor.u32 v11, v56  }
0x243: {  	v7 =	vadd.s32 v15, v7;
	v31 =	vshrl.u32 v15, $0x13;
	v15 =	vshll.u32 v15, $0xD  }
0x244: {  	v39 =	vshrl.u32 v12, $0x11;
	v40 =	vshll.u32 v12, $0xF;
	v9 =	vadd.s32 v9, v12  }
0x245: {  	v12 =	vxor.u32 v10, v17;
	v18 =	vxor.u32 v8, v18;
	v62 =	vshrl.u32 v58, $0x1A  }
0x246: {  	v63 =	vshll.u32 v58, $0x6;
	v11 =	vadd.s32 v11, v58;
	v7 =	vadd.s32 $0x1BD11BF0, v7  }
0x247: {  	v15 =	vor.u32 v31, v15;
	v21 =	vor.u32 v39, v40;
	v59 =	vshrl.u32 v12, $0x1A  }
0x248: {  	v17 =	vshll.u32 v12, $0x6;
	v27 =	vshrl.u32 v18, $0x1A;
	v28 =	vshll.u32 v18, $0x6  }
0x249: {  	v29 =	vor.u32 v62, v63;
	v10 =	vadd.s32 v10, v12;
	v8 =	vadd.s32 v8, v18  }
0x24a: {  	v15 =	vxor.u32 v7, v15;
	v48 =	vxor.u32 v9, v21;
	v16 =	vor.u32 v59, v17  }
0x24b: {  	v30 =	vor.u32 v27, v28;
	v34 =	vxor.u32 v11, v29;
	v37 =	vshrl.u32 v15, $0x11  }
0x24c: {  	v38 =	vshll.u32 v15, $0xF;
	v7 =	vadd.s32 v7, v15;
	v21 =	vshrl.u32 v48, $0x6  }
0x24d: {  	v51 =	vshll.u32 v48, $0x1A;
	v9 =	vadd.s32 v9, v48;
	v31 =	vxor.u32 v10, v16  }
0x24e: {  	v12 =	vxor.u32 v8, v30;
	v16 =	vadd.s32 $0x2D, v34;
	v19 =	vor.u32 v37, v38  }
0x24f: {  	v21 =	vor.u32 v21, v51;
	v12 =	vadd.s32 $0x2D, v12;
	v41 =	vshrl.u32 v16, $0xF  }
0x250: {  	v42 =	vshll.u32 v16, $0x11;
	v11 =	vadd.s32 v11, v16;
	v47 =	vxor.u32 v7, v19  }
0x251: {  	v57 =	vxor.u32 v9, v21;
	v43 =	vshrl.u32 v12, $0xF;
	v44 =	vshll.u32 v12, $0x11  }
0x252: {  	v45 =	vor.u32 v41, v42;
	v8 =	vadd.s32 v8, v12;
	v19 =	vshrl.u32 v47, $0x6  }
0x253: {  	v50 =	vshll.u32 v47, $0x1A;
	v7 =	vadd.s32 v7, v47;
	v21 =	vshrl.u32 v57, $0x1A  }
0x254: {  	v61 =	vshll.u32 v57, $0x6;
	v9 =	vadd.s32 v9, v57;
	v46 =	vor.u32 v43, v44  }
0x255: {  	v49 =	vxor.u32 v11, v45;
	v19 =	vor.u32 v19, v50;
	v21 =	vor.u32 v21, v61  }
0x256: {  	v53 =	vshrl.u32 v49, $0x3;
	v54 =	vshll.u32 v49, $0x1D;
	v11 =	vadd.s32 v11, v49  }
0x257: {  	v13 =	vxor.u32 v7, v19;
	v33 =	vxor.u32 v9, v21;
	v57 =	vor.u32 v53, v54  }
0x258: {  	v19 =	vshrl.u32 v13, $0x1A;
	v60 =	vshll.u32 v13, $0x6;
	v7 =	vadd.s32 v7, v13  }
0x259: {  	v13 =	vadd.s32 $0x2D, v31;
	v15 =	vadd.s32 $0x2D, v33;
	v12 =	vxor.u32 v11, v57  }
0x25a: {  	v19 =	vor.u32 v19, v60;
	v35 =	vshrl.u32 v13, $0xF;
	v36 =	vshll.u32 v13, $0x11  }
0x25b: {  	v39 =	vshrl.u32 v15, $0xF;
	v40 =	vshll.u32 v15, $0x11;
	v10 =	vadd.s32 v10, v13  }
0x25c: {  	v9 =	vadd.s32 v9, v15;
	v13 =	vxor.u32 v8, v46;
	v30 =	vshrl.u32 v12, $0x10  }
0x25d: {  	v31 =	vshll.u32 v12, $0x10;
	v11 =	vadd.s32 v11, v12;
	v32 =	vxor.u32 v7, v19  }
0x25e: {  	v17 =	vor.u32 v35, v36;
	v21 =	vor.u32 v39, v40;
	v55 =	vshrl.u32 v13, $0x3  }
0x25f: {  	v56 =	vshll.u32 v13, $0x1D;
	v8 =	vadd.s32 v8, v13;
	v34 =	vor.u32 v30, v31  }
0x260: {  	v14 =	vadd.s32 $0x2D, v32;
	v47 =	vxor.u32 v10, v17;
	v15 =	vxor.u32 v9, v21  }
0x261: {  	v18 =	vor.u32 v55, v56;
	v37 =	vshrl.u32 v14, $0xF;
	v38 =	vshll.u32 v14, $0x11  }
0x262: {  	v7 =	vadd.s32 v7, v14;
	v48 =	vshrl.u32 v47, $0x3;
	v50 =	vshll.u32 v47, $0x1D  }
0x263: {  	v21 =	vshrl.u32 v15, $0x3;
	v52 =	vshll.u32 v15, $0x1D;
	v10 =	vadd.s32 v10, v47  }
0x264: {  	v9 =	vadd.s32 v9, v15;
	v61 =	vxor.u32 v8, v18;
	v19 =	vor.u32 v37, v38  }
0x265: {  	v16 =	vor.u32 v48, v50;
	v21 =	vor.u32 v21, v52;
	v32 =	vshrl.u32 v61, $0x10  }
0x266: {  	v33 =	vshll.u32 v61, $0x10;
	v8 =	vadd.s32 v8, v61;
	v38 =	vxor.u32 v11, v34  }
0x267: {  	v14 =	vxor.u32 v7, v19;
	v58 =	vxor.u32 v10, v16;
	v60 =	vxor.u32 v9, v21  }
0x268: {  	v18 =	vor.u32 v32, v33;
	v42 =	vshrl.u32 v38, $0x8;
	v43 =	vshll.u32 v38, $0x18  }
0x269: {  	v11 =	vadd.s32 v11, v38;
	v19 =	vshrl.u32 v14, $0x3;
	v51 =	vshll.u32 v14, $0x1D  }
0x26a: {  	v7 =	vadd.s32 v7, v14;
	v62 =	vshrl.u32 v58, $0x10;
	v63 =	vshll.u32 v58, $0x10  }
0x26b: {  	v21 =	vshrl.u32 v60, $0x10;
	v29 =	vshll.u32 v60, $0x10;
	v10 =	vadd.s32 v10, v58  }
0x26c: {  	v9 =	vadd.s32 v9, v60;
	v18 =	vxor.u32 v8, v18;
	v46 =	vor.u32 v42, v43  }
0x26d: {  	v19 =	vor.u32 v19, v51;
	v17 =	vor.u32 v62, v63;
	v21 =	vor.u32 v21, v29  }
0x26e: {  	v44 =	vshrl.u32 v18, $0x8;
	v45 =	vshll.u32 v18, $0x18;
	v8 =	vadd.s32 v8, v18  }
0x26f: {  	v50 =	vxor.u32 v11, v46;
	v59 =	vxor.u32 v7, v19;
	v35 =	vxor.u32 v10, v17  }
0x270: {  	v37 =	vxor.u32 v9, v21;
	v47 =	vor.u32 v44, v45;
	v19 =	vshrl.u32 v59, $0x10  }
0x271: {  	v28 =	vshll.u32 v59, $0x10;
	v7 =	vadd.s32 v7, v59;
	v39 =	vshrl.u32 v35, $0x8  }
0x272: {  	v17 =	vshll.u32 v35, $0x18;
	v21 =	vshrl.u32 v37, $0x8;
	v41 =	vshll.u32 v37, $0x18  }
0x273: {  	v10 =	vadd.s32 v10, v35;
	v9 =	vadd.s32 v9, v37;
	v12 =	vxor.u32 v8, v47  }
0x274: {  	v19 =	vor.u32 v19, v28;
	v16 =	vor.u32 v39, v17;
	v21 =	vor.u32 v21, v41  }
0x275: {  	v12 =	vadd.s32 $0x1BD11BF4, v12;
	v36 =	vxor.u32 v7, v19;
	v13 =	vxor.u32 v10, v16  }
0x276: {  	v49 =	vxor.u32 v9, v21;
	v16 =	vadd.s32 $0x1BD11BF4, v50;
	v8 =	vadd.s32 v12, v8  }
0x277: {  	v55 =	vshrl.u32 v12, $0x13;
	v12 =	vshll.u32 v12, $0xD;
	v19 =	vshrl.u32 v36, $0x8  }
0x278: {  	v40 =	vshll.u32 v36, $0x18;
	v7 =	vadd.s32 v7, v36;
	v13 =	vadd.s32 $0x1BD11BF4, v13  }
0x279: {  	v15 =	vadd.s32 $0x1BD11BF4, v49;
	v11 =	vadd.s32 v16, v11;
	v54 =	vshrl.u32 v16, $0x13  }
0x27a: {  	v16 =	vshll.u32 v16, $0xD;
	v8 =	vadd.s32 $0x2A, v8;
	v12 =	vor.u32 v55, v12  }
0x27b: {  	v19 =	vor.u32 v19, v40;
	v10 =	vadd.s32 v13, v10;
	v51 =	vshrl.u32 v13, $0x13  }
0x27c: {  	v13 =	vshll.u32 v13, $0xD;
	v9 =	vadd.s32 v15, v9;
	v53 =	vshrl.u32 v15, $0x13  }
0x27d: {  	v15 =	vshll.u32 v15, $0xD;
	v11 =	vadd.s32 $0x2A, v11;
	v16 =	vor.u32 v54, v16  }
0x27e: {  	v12 =	vxor.u32 v8, v12;
	v48 =	vxor.u32 v7, v19;
	v10 =	vadd.s32 $0x2A, v10  }
0x27f: {  	v13 =	vor.u32 v51, v13;
	v9 =	vadd.s32 $0x2A, v9;
	v15 =	vor.u32 v53, v15  }
0x280: {  	v16 =	vxor.u32 v11, v16;
	v28 =	vshrl.u32 v12, $0x11;
	v29 =	vshll.u32 v12, $0xF  }
0x281: {  	v8 =	vadd.s32 v8, v12;
	v14 =	vadd.s32 $0x1BD11BF4, v48;
	v13 =	vxor.u32 v10, v13  }
0x282: {  	v15 =	vxor.u32 v9, v15;
	v62 =	vshrl.u32 v16, $0x11;
	v63 =	vshll.u32 v16, $0xF  }
0x283: {  	v31 =	vor.u32 v28, v29;
	v11 =	vadd.s32 v11, v16;
	v7 =	vadd.s32 v14, v7  }
0x284: {  	v52 =	vshrl.u32 v14, $0x13;
	v14 =	vshll.u32 v14, $0xD;
	v56 =	vshrl.u32 v13, $0x11  }
0x285: {  	v57 =	vshll.u32 v13, $0xF;
	v60 =	vshrl.u32 v15, $0x11;
	v61 =	vshll.u32 v15, $0xF  }
0x286: {  	v30 =	vor.u32 v62, v63;
	v10 =	vadd.s32 v10, v13;
	v9 =	vadd.s32 v9, v15  }
0x287: {  	v13 =	vxor.u32 v8, v31;
	v7 =	vadd.s32 $0x2A, v7;
	v14 =	vor.u32 v52, v14  }
0x288: {  	v17 =	vor.u32 v56, v57;
	v21 =	vor.u32 v60, v61;
	v34 =	vxor.u32 v11, v30  }
0x289: {  	v40 =	vshrl.u32 v13, $0x6;
	v41 =	vshll.u32 v13, $0x1A;
	v8 =	vadd.s32 v8, v13  }
0x28a: {  	v14 =	vxor.u32 v7, v14;
	v32 =	vxor.u32 v10, v17;
	v15 =	vxor.u32 v9, v21  }
0x28b: {  	v38 =	vshrl.u32 v34, $0x6;
	v39 =	vshll.u32 v34, $0x1A;
	v18 =	vor.u32 v40, v41  }
0x28c: {  	v11 =	vadd.s32 v11, v34;
	v58 =	vshrl.u32 v14, $0x11;
	v59 =	vshll.u32 v14, $0xF  }
0x28d: {  	v7 =	vadd.s32 v7, v14;
	v33 =	vshrl.u32 v32, $0x6;
	v35 =	vshll.u32 v32, $0x1A  }
0x28e: {  	v21 =	vshrl.u32 v15, $0x6;
	v37 =	vshll.u32 v15, $0x1A;
	v10 =	vadd.s32 v10, v32  }
0x28f: {  	v42 =	vor.u32 v38, v39;
	v9 =	vadd.s32 v9, v15;
	v46 =	vxor.u32 v8, v18  }
0x290: {  	v19 =	vor.u32 v58, v59;
	v16 =	vor.u32 v33, v35;
	v21 =	vor.u32 v21, v37  }
0x291: {  	v12 =	vxor.u32 v11, v42;
	v53 =	vshrl.u32 v46, $0x1A;
	v54 =	vshll.u32 v46, $0x6  }
0x292: {  	v8 =	vadd.s32 v8, v46;
	v14 =	vxor.u32 v7, v19;
	v43 =	vxor.u32 v10, v16  }
0x293: {  	v45 =	vxor.u32 v9, v21;
	v51 =	vshrl.u32 v12, $0x1A;
	v52 =	vshll.u32 v12, $0x6  }
0x294: {  	v18 =	vor.u32 v53, v54;
	v57 =	vadd.s32 v11, v12;
	v19 =	vshrl.u32 v14, $0x6  }
0x295: {  	v36 =	vshll.u32 v14, $0x1A;
	v7 =	vadd.s32 v7, v14;
	v47 =	vshrl.u32 v43, $0x1A  }
0x296: {  	v48 =	vshll.u32 v43, $0x6;
	v21 =	vshrl.u32 v45, $0x1A;
	v50 =	vshll.u32 v45, $0x6  }
0x297: {  	v55 =	vor.u32 v51, v52;
	v56 =	vadd.s32 v10, v43;
	v9 =	vadd.s32 v9, v45  }
0x298: {  	[tilespmem:s15+$0xFFFFFFD0] =	vst v1;
	v59 =	vxor.u32 v8, v18;
	v19 =	vor.u32 v19, v36;
	v17 =	vor.u32 v47, v48  }
0x299: {  	[tilespmem:s15+$0xFFFFFFE0] =	vst v5;
	v1 =	vor.u32 v21, v50;
	v11 =	vxor.u32 v57, v55;
	v58 =	vadd.s32 $0x1BD11BF0, v56  }
0x29a: {  	[tilespmem:s15+$0xFFFFFFF0] =	vst v3;
	v61 =	vadd.s32 $0x1BD11BF0, v9;
	v44 =	vxor.u32 v7, v19;
	v3 =	vxor.u32 v56, v17  }
0x29b: {  	[tilespmem:s15+$0x0] =	vst v2;
	v1 =	vxor.u32 v9, v1;
	v19 =	vshrl.u32 v44, $0x1A;
	v49 =	vshll.u32 v44, $0x6  }
0x29c: {  	s31 =	sadd.s32 $0x60, s15;
	[tilespmem:s15+$0x10] =	vst v4;
	v7 =	vadd.s32 v7, v44;
	v3 =	vadd.s32 $0x5, v3;
	v19 =	vor.u32 v19, v49  }
0x29d: {  	[tilespmem:s31+$0x20] =	vst v6;
	v1 =	vadd.s32 $0x5, v1;
	v3 =	vxor.u32 v58, v3;
	v2 =	vxor.u32 v7, v19  }
0x29e: {  	s14 =	sshll.u32 s14, $0x7;
	v60 =	vadd.s32 $0x1BD11BF0, v7;
	v1 =	vxor.u32 v61, v1;
	[tilespmem:s31+$0xFFFFFFD0] =	vst v3;
	v2 =	vadd.s32 $0x5, v2  }
0x29f: {  	s14 =	sand.u32 $0x380, s14;
	v62 =	vadd.s32 $0x1BD11BF0, v57;
	v3 =	vadd.s32 $0x5, v11;
	[tilespmem:s31+$0xFFFFFFF0] =	vst v1;
	v2 =	vxor.u32 v60, v2  }
0x2a0: {  	s13 =	sadd.s32 $0x1, s13;
	s14 =	sor.u32 s5, s14;
	v63 =	vadd.s32 $0x1BD11BF0, v8;
	v3 =	vxor.u32 v62, v3;
	[tilespmem:s31+$0xFFFFFFE0] =	vst v2;
	v2 =	vadd.s32 $0x5, v59  }
0x2a1: {  	p0 =	sne.s32 s13, $0x4;
	s14 =	sshrl.u32 s14, $0x3;
	[tilespmem:s31+$0x0] =	vst v3;
	v1 =	vxor.u32 v63, v2  }
.Ltmp1:
0x2a2: {  	s14 =	sadd.s32 s3, s14;
	[tilespmem:s31+$0x10] =	vst v1;
	(pc) =	sbr.rel @p0 .LBB2_2-.Ltmp1, $4  }
0x2a3: {  	[hbm4b:s14+s8] =	stream.strided.scatter [tilespmem:s1], [sflag:$0x1], $0x8700, s9, s8, $0x38;
	[tilespmem:$0x8700] =	vst v63  }
0x2a4: {  	_ =	swait.ge [sflag:s10], $0x8700  }
0x2a5: {  	[sflag:s10] =	ssyncset.done $0x0  }
0x2a6: {  	s12 =	sadd.s32 $0x186A0, s12;
	[sflag:s10] =	ssyncadd.s32 $0xFFFF7900  }
0x2a7: {  	s11 =	sadd.s32 $0x1, s11  }
0x2a8: {  	p0 =	sne.s32 s11, s6  }
.Ltmp2:
0x2a9: {  	_ = 	snop;
	(pc) =	sbr.rel @p0 .LBB2_1-.Ltmp2, $1  }
0x2aa: {  	_ =	sdelay $0x3  }
0x2ab: {  	_ =	sfence.sel $0x180000  }
0x2ac: {  	[bflag:$0x0] =	sbarrier.arrive $0xFFFF  }
0x2ad: {  	p0 =	sne.s32 s2, $0x0;
	_ =	strace $0x90000047  }
0x2ae: {  	s0 =	sadd.s32 @!p0 $0x100000, s0;
	[bflag:$0x2] =	sbarrier.arrive $0xFFFF  }
0x2af: {  	[sflag:s0] =	ssyncadd.tile.s32 @!p0 $0x1;
	_ =	shalt  }
.Lfunc_end2:
_tile_overlayer_lowered:
.L_overlay_start_2:
0x2b0: {  	(tag) =	ssettag $0x2  }
0x2b1: {  	s0 =	rddreg [dreg:$0x0];
	s2 =	stileid.u32  }
0x2b2: {  	s1 =	rddreg [dreg:$0x1];
	p0 =	sne.s32 s2, $0x0  }
0x2b3: {  	s3 =	rddreg [dreg:$0x2];
	[bflag:$0x3] =	sbarrier.arrive $0xFFFF;
	s2 =	simm.s32 @!p0 $0x1C01  }
0x2b4: {  	[timem:s3], [sflag:s2] =	dma.local @!p0 [hbm:s0], s1  }
0x2b5: {  	s0 =	simm.s32 @!p0 $0x1  }
0x2b6: {  	_ =	swait.ge @!p0 [sflag:s0], s1  }
0x2b7: {  	s1 =	ssub.s32 @!p0 $0x0, s1;
	[sflag:s0] =	ssyncset.done @!p0 $0x0  }
0x2b8: {  	[sflag:s0] =	ssyncadd.s32 @!p0 s1  }
0x2b9: {  	[bflag:$0x3] =	sbarrier.arrive $0xFFFF  }
0x2ba: {  	_ =	shalt  }

</sc_bundles>
